<compile_context>
chip_gen: v7x
topology: tpu7x:2x2x1
jax: 0.10.2.dev20260603
libtpu: 0.0.44.dev20260713+nightly
codegen_flags: <defaults>
</compile_context>

<pallas_src>
import functools
import numpy as np
import jax
import jax.numpy as jnp
from jax import lax
from jax.experimental import pallas as pl
from jax.experimental.pallas import tpu as pltpu
from jax.experimental.pallas import tpu_sc as plsc

N = 10000
E = 320000
S = 100
NSP = 4
NPS = 4
NMAX = 4
LMAX = 3
NLM = 16
RC = 5.0
PSDIM = 1024
HID = 256

ER, EC = 3200, 100
EB = 128
BN = 200

NW = 32
EW = E // NW
ET = E // 16
NCH = ET // EC
ECS = 128
ERS = E // ECS
TROWS = N * NSP // 16
WROWS = N * NSP // 10
ZROWS = 100

def _mesh():
    return plsc.VectorSubcoreMesh(core_axis_name="c", subcore_axis_name="s",
                                  num_cores=2, num_subcores=16)


_PERM = np.array([a * 64 + b * 4 + l
                  for l in range(4) for a in range(16) for b in range(16)])

_B0 = np.zeros((NSP, NPS, 128, 256), np.float32)
_B1 = np.zeros((NSP, NPS, 128, 256), np.float32)
for _s in range(NSP):
    for _p in range(NPS):
        for _m in range(16):
            for _rn in (0, 1):
                _B0[_s, _p, _s * 32 + _rn * 16 + _m,
                    _m * 16 + (_p * 4 + _rn)] = 1.0
            for _rn in (2, 3):
                _B1[_s, _p, _s * 32 + (_rn - 2) * 16 + _m,
                    _m * 16 + (_p * 4 + _rn)] = 1.0
_RREP = np.zeros((16, 256), np.float32)
_RTIL = np.zeros((16, 256), np.float32)
for _a in range(16):
    for _b in range(16):
        _RREP[_a, _a * 16 + _b] = 1.0
        _RTIL[_b, _a * 16 + _b] = 1.0


CH = 80
NCHA = EW // CH


def _gather_body(px_hbm, py_hbm, pz_hbm, num_hbm, src3_hbm, dst3_hbm,
                 rx_hbm, ry_hbm, rz_hbm, key_hbm,
                 src_v, dst_v, sx_v, sy_v, sz_v, dx_v, dy_v, dz_v, nd_v, sem):
    wid = lax.axis_index("s") * 2 + lax.axis_index("c")
    pltpu.sync_copy(src3_hbm.at[wid], src_v)
    pltpu.sync_copy(dst3_hbm.at[wid], dst_v)

    def fire(j):
        iv_s = src_v.at[j]
        iv_d = dst_v.at[j]
        sl = pl.ds(j * CH, CH)
        pltpu.async_copy(px_hbm.at[iv_s], sx_v.at[sl], sem)
        pltpu.async_copy(py_hbm.at[iv_s], sy_v.at[sl], sem)
        pltpu.async_copy(pz_hbm.at[iv_s], sz_v.at[sl], sem)
        pltpu.async_copy(px_hbm.at[iv_d], dx_v.at[sl], sem)
        pltpu.async_copy(py_hbm.at[iv_d], dy_v.at[sl], sem)
        pltpu.async_copy(pz_hbm.at[iv_d], dz_v.at[sl], sem)
        pltpu.async_copy(num_hbm.at[iv_d], nd_v.at[sl], sem)

    def drain(j):
        sl = pl.ds(j * CH, CH)
        pltpu.make_async_copy(px_hbm.at[src_v.at[j]], sx_v.at[sl], sem).wait()
        pltpu.make_async_copy(py_hbm.at[src_v.at[j]], sy_v.at[sl], sem).wait()
        pltpu.make_async_copy(pz_hbm.at[src_v.at[j]], sz_v.at[sl], sem).wait()
        pltpu.make_async_copy(px_hbm.at[dst_v.at[j]], dx_v.at[sl], sem).wait()
        pltpu.make_async_copy(py_hbm.at[dst_v.at[j]], dy_v.at[sl], sem).wait()
        pltpu.make_async_copy(pz_hbm.at[dst_v.at[j]], dz_v.at[sl], sem).wait()
        pltpu.make_async_copy(num_hbm.at[dst_v.at[j]], nd_v.at[sl], sem).wait()

    fire(0)

    def chunk(j, _):
        @pl.when(j < NCHA - 1)
        def _():
            fire(j + 1)

        drain(j)
        return 0

    lax.fori_loop(0, NCHA, chunk, 0)

    def comp(i, _):
        r = i // 5
        c = i % 5
        sl = pl.ds(i * 16, 16)
        dx_v[sl] = dx_v[sl] - sx_v[sl]
        dy_v[sl] = dy_v[sl] - sy_v[sl]
        dz_v[sl] = dz_v[sl] - sz_v[sl]
        kv = src_v[r, pl.ds(c * 16, 16)] * 4 + nd_v[sl]
        nd_v[sl] = jnp.minimum(jnp.maximum(kv, 0), N * NSP - 1)
        return 0

    lax.fori_loop(0, EW // 16, comp, 0)
    out_sl = pl.ds(wid * EW, EW)
    pltpu.sync_copy(dx_v, rx_hbm.at[out_sl])
    pltpu.sync_copy(dy_v, ry_hbm.at[out_sl])
    pltpu.sync_copy(dz_v, rz_hbm.at[out_sl])
    pltpu.sync_copy(nd_v, key_hbm.at[out_sl])


def _gather_stage(px, py, pz, num, src3, dst3):
    f = pl.kernel(
        _gather_body,
        out_type=[jax.ShapeDtypeStruct((E,), jnp.float32),
                  jax.ShapeDtypeStruct((E,), jnp.float32),
                  jax.ShapeDtypeStruct((E,), jnp.float32),
                  jax.ShapeDtypeStruct((E,), jnp.int32)],
        mesh=_mesh(),
        scratch_types=[
            pltpu.VMEM((NCHA, CH), jnp.int32),
            pltpu.VMEM((NCHA, CH), jnp.int32),
            pltpu.VMEM((EW,), jnp.float32),
            pltpu.VMEM((EW,), jnp.float32),
            pltpu.VMEM((EW,), jnp.float32),
            pltpu.VMEM((EW,), jnp.float32),
            pltpu.VMEM((EW,), jnp.float32),
            pltpu.VMEM((EW,), jnp.float32),
            pltpu.VMEM((EW,), jnp.int32),
            pltpu.SemaphoreType.DMA,
        ],
    )
    return f(px, py, pz, num, src3, dst3)


def _edge_kernel(rx_ref, ry_ref, rz_ref, rw_ref, out0_ref, out1_ref):
    rx = rx_ref[...]
    ry = ry_ref[...]
    rz = rz_ref[...]
    d2 = rx * rx + ry * ry + rz * rz
    d = jnp.sqrt(d2 + 1e-12)
    inv = 1.0 / d
    x = rx * inv
    y = ry * inv
    z = rz * inv
    th = (np.pi / RC) * d
    s1 = jnp.sin(th)
    c1 = jnp.cos(th)
    s2 = 2.0 * s1 * c1
    c2 = 1.0 - 2.0 * s1 * s1
    s3 = s1 * c2 + c1 * s2
    s4 = 2.0 * s2 * c2
    fc = jnp.where(d < RC, 0.5 * (c1 + 1.0), 0.0)
    g = fc * inv
    Rr = [s1 * g, s2 * g, s3 * g, s4 * g]
    R = [Rr[0] * rw_ref[0, j] + Rr[1] * rw_ref[1, j]
         + Rr[2] * rw_ref[2, j] + Rr[3] * rw_ref[3, j] for j in range(4)]
    x2 = x * x
    y2 = y * y
    z2 = z * z
    Y = [0.28209479 + 0.0 * x,
         0.48860251 * y, 0.48860251 * z, 0.48860251 * x,
         1.09254843 * x * y, 1.09254843 * y * z, 0.31539157 * (3.0 * z2 - 1.0),
         1.09254843 * x * z, 0.54627422 * (x2 - y2),
         0.59004359 * (3.0 * x2 - y2) * y, 2.89061144 * x * y * z,
         0.45704579 * y * (5.0 * z2 - 1.0), 0.37317633 * z * (5.0 * z2 - 3.0),
         0.45704579 * x * (5.0 * z2 - 1.0), 1.44530572 * (x2 - y2) * z,
         0.59004359 * (x2 - 3.0 * y2) * x]
    for rn in range(4):
        for m in range(16):
            k = rn * 16 + m
            if k < 32:
                out0_ref[k] = R[rn] * Y[m]
            else:
                out1_ref[k - 32] = R[rn] * Y[m]


def _edge_stage(rx, ry, rz, radial_W):
    return pl.pallas_call(
        _edge_kernel,
        grid=(ER // EB,),
        in_specs=[
            pl.BlockSpec((EB, EC), lambda i: (i, 0)),
            pl.BlockSpec((EB, EC), lambda i: (i, 0)),
            pl.BlockSpec((EB, EC), lambda i: (i, 0)),
            pl.BlockSpec(memory_space=pltpu.SMEM),
        ],
        out_specs=[
            pl.BlockSpec((32, EB, EC), lambda i: (0, i, 0)),
            pl.BlockSpec((32, EB, EC), lambda i: (0, i, 0)),
        ],
        out_shape=[jax.ShapeDtypeStruct((32, ER, EC), jnp.float32),
                   jax.ShapeDtypeStruct((32, ER, EC), jnp.float32)],
    )(rx, ry, rz, radial_W)


def _scatter_body(ry0_hbm, ry1_hbm, key3_hbm, g0_hbm, g1_hbm,
                  table, key_v, buf):
    cid = lax.axis_index("c")
    sid = lax.axis_index("s")

    def zfill(r, _):
        buf[r, pl.ds(0, 16)] = jnp.zeros((16,), jnp.float32)
        buf[r, pl.ds(16, 16)] = jnp.zeros((16,), jnp.float32)
        return 0

    lax.fori_loop(0, ECS, zfill, 0)

    def zcopy(k, _):
        pltpu.sync_copy(buf.at[pl.ds(0, 100)],
                        table.at[pl.ds(sid * TROWS + k * 100, 100)])
        return 0

    lax.fori_loop(0, TROWS // 100, zcopy, 0)
    base = 156 * sid + jnp.maximum(sid - 12, 0)
    nrows = 156 + (sid >= 12).astype(jnp.int32)
    pltpu.sync_copy(key3_hbm.at[pl.ds(base, 157)], key_v)
    plsc.subcore_barrier()

    def chunk(j, _):
        row = base + j

        @pl.when(cid == 0)
        def _():
            pltpu.sync_copy(ry0_hbm.at[row], buf)

        @pl.when(cid == 1)
        def _():
            pltpu.sync_copy(ry1_hbm.at[row], buf)

        pltpu.sync_copy(buf, table.at[key_v.at[j, 0]], add=True)
        return 0

    lax.fori_loop(0, nrows, chunk, 0)
    plsc.subcore_barrier()

    def wout(r0, nrows):
        bsl = pl.ds(0, nrows)
        hsl = pl.ds(r0, nrows)
        pltpu.sync_copy(table.at[hsl], buf.at[bsl])

        @pl.when(cid == 0)
        def _():
            pltpu.sync_copy(buf.at[bsl], g0_hbm.at[hsl])

        @pl.when(cid == 1)
        def _():
            pltpu.sync_copy(buf.at[bsl], g1_hbm.at[hsl])

    def wchunk(k, _):
        wout(sid * 2496 + k * 96, 96)
        return 0

    lax.fori_loop(0, 26, wchunk, 0)

    @pl.when(sid == 0)
    def _():
        wout(16 * 2496, 64)


def _scatter_stage(ry0, ry1, key3):
    f = pl.kernel(
        _scatter_body,
        out_type=[jax.ShapeDtypeStruct((N * NSP, 32), jnp.float32),
                  jax.ShapeDtypeStruct((N * NSP, 32), jnp.float32)],
        mesh=_mesh(),
        scratch_types=[
            pltpu.VMEM_SHARED((N * NSP, 32), jnp.float32),
            pltpu.VMEM((157, 1, ECS), jnp.int32),
            pltpu.VMEM((ECS, 32), jnp.float32),
        ],
    )
    return f(ry0, ry1, key3)


def _node_kernel(G0_ref, G1_ref, num_ref, bat_ref, g_ref, b_ref,
                 M0_ref, M1_ref, RREP_ref, RTIL_ref,
                 W1_ref, W2_ref, W3_ref, out_ref):
    i = pl.program_id(0)

    @pl.when(i == 0)
    def _():
        out_ref[...] = jnp.zeros_like(out_ref)

    G0 = G0_ref[...]
    G1 = G1_ref[...]
    dot = functools.partial(jnp.dot, preferred_element_type=jnp.float32)
    Xt = dot(G0, M0_ref[...]) + dot(G1, M1_ref[...])
    slabs = []
    off = 0
    for l in range(4):
        w = 2 * l + 1
        acc = None
        for m in range(w):
            q = off + m
            xq = Xt[:, q * 16:(q + 1) * 16]
            prod = dot(xq, RREP_ref[...]) * dot(xq, RTIL_ref[...])
            acc = prod if acc is None else acc + prod
        slabs.append(acc * (1.0 / np.sqrt(float(w))))
        off += w
    ps = jnp.concatenate(slabs, axis=1)

    mu = jnp.mean(ps, axis=1, keepdims=True)
    xc = ps - mu
    var = jnp.mean(xc * xc, axis=1, keepdims=True)
    psn = xc * jax.lax.rsqrt(var + 1e-5) * g_ref[...] + b_ref[...]

    nums = num_ref[...]
    e = jnp.zeros((BN, 1), dtype=jnp.float32)
    for s in range(4):
        h = psn @ W1_ref[s]
        h = h * jax.nn.sigmoid(h)
        h = h @ W2_ref[s]
        h = h * jax.nn.sigmoid(h)
        ev = jnp.sum(h * W3_ref[s], axis=1, keepdims=True)
        mask = (nums == s).astype(jnp.float32)
        e = e + mask * ev

    bat = bat_ref[...]
    onehot = (jax.lax.broadcasted_iota(jnp.int32, (BN, 128), 1)
              == bat).astype(jnp.float32)
    part = jnp.sum(onehot * e, axis=0, keepdims=True)
    out_ref[...] += 0.5 * part


def _node_stage(G0r, G1r, numbers2, batch2, gp, bp, M0, M1, W1p, W2, W3t):
    rrep = jnp.asarray(_RREP)
    rtil = jnp.asarray(_RTIL)
    return pl.pallas_call(
        _node_kernel,
        grid=(N // BN,),
        in_specs=[
            pl.BlockSpec((BN, 128), lambda i: (i, 0)),
            pl.BlockSpec((BN, 128), lambda i: (i, 0)),
            pl.BlockSpec((BN, 1), lambda i: (i, 0)),
            pl.BlockSpec((BN, 1), lambda i: (i, 0)),
            pl.BlockSpec((1, PSDIM), lambda i: (0, 0)),
            pl.BlockSpec((1, PSDIM), lambda i: (0, 0)),
            pl.BlockSpec((128, 256), lambda i: (0, 0)),
            pl.BlockSpec((128, 256), lambda i: (0, 0)),
            pl.BlockSpec((16, 256), lambda i: (0, 0)),
            pl.BlockSpec((16, 256), lambda i: (0, 0)),
            pl.BlockSpec((NSP, PSDIM, HID), lambda i: (0, 0, 0)),
            pl.BlockSpec((NSP, HID, HID), lambda i: (0, 0, 0)),
            pl.BlockSpec((NSP, 1, HID), lambda i: (0, 0, 0)),
        ],
        out_specs=pl.BlockSpec((1, 128), lambda i: (0, 0)),
        out_shape=jax.ShapeDtypeStruct((1, 128), jnp.float32),
    )(G0r, G1r, numbers2, batch2, gp, bp, M0, M1, rrep, rtil, W1p, W2, W3t)


def kernel(positions, cells, numbers, edge_indices, edge_offsets, batch,
           species_embed, radial_W, ln_gamma, ln_beta, W1, W2, W3):
    numbers = numbers.astype(jnp.int32)
    edge_indices = edge_indices.astype(jnp.int32)

    px = positions[:, 0]
    py = positions[:, 1]
    pz = positions[:, 2]
    src3 = edge_indices[0].reshape(NW, NCHA, CH)
    dst3 = edge_indices[1].reshape(NW, NCHA, CH)
    rx, ry, rz, key = _gather_stage(px, py, pz, numbers, src3, dst3)

    ryt0, ryt1 = _edge_stage(rx.reshape(ER, EC), ry.reshape(ER, EC),
                             rz.reshape(ER, EC), radial_W)
    ry0 = ryt0.reshape(32, E).T.reshape(ERS, ECS, 32)
    ry1 = ryt1.reshape(32, E).T.reshape(ERS, ECS, 32)
    key3 = key.reshape(ERS, 1, ECS)

    kf = key3.reshape(E)
    G0 = jax.ops.segment_sum(ry0.reshape(E, 32), kf, num_segments=N * NSP)
    G1 = jax.ops.segment_sum(ry1.reshape(E, 32), kf, num_segments=N * NSP)
    G0r = G0.reshape(N, 128)
    G1r = G1.reshape(N, 128)

    numbers2 = numbers.reshape(N, 1)
    batch2 = batch.reshape(N, 1).astype(jnp.int32)
    W1p = W1[:, _PERM, :]
    gp = ln_gamma[_PERM].reshape(1, PSDIM)
    bp = ln_beta[_PERM].reshape(1, PSDIM)
    W3t = jnp.transpose(W3, (0, 2, 1))
    M0 = jnp.einsum('sp,spij->ij', species_embed, jnp.asarray(_B0))
    M1 = jnp.einsum('sp,spij->ij', species_embed, jnp.asarray(_B1))

    out = _node_stage(G0r, G1r, numbers2, batch2, gp, bp, M0, M1,
                      W1p, W2, W3t)
    return out[0, :S].reshape(S, 1)

# --- scband reference (transcript-rebuilt; emitter-appended) ---
"""Pipeline reference for scband-alchemical-model-26869315403917 (READ-ONLY COPY).

The authoritative reference and input builder live on the scoring server;
editing this copy changes nothing except your own understanding.
"""

import jax, jax.numpy as jnp
import numpy as np

N = 10000
E = 320000
S = 100
NSP = 4       # number of unique species
NPS = 4       # num_pseudo_species
NMAX = 4      # radial basis size
LMAX = 3
NLM = (LMAX + 1) ** 2  # 16
RC = 5.0
PSDIM = NPS * NPS * NMAX * NMAX * (LMAX + 1)  # 1024
HID = 256


def _sph(u):
    x = u[:, 0]; y = u[:, 1]; z = u[:, 2]
    x2 = x * x; y2 = y * y; z2 = z * z
    ys = [
        0.28209479 * jnp.ones_like(x),
        0.48860251 * y, 0.48860251 * z, 0.48860251 * x,
        1.09254843 * x * y, 1.09254843 * y * z, 0.31539157 * (3.0 * z2 - 1.0),
        1.09254843 * x * z, 0.54627422 * (x2 - y2),
        0.59004359 * (3.0 * x2 - y2) * y, 2.89061144 * x * y * z,
        0.45704579 * y * (5.0 * z2 - 1.0), 0.37317633 * z * (5.0 * z2 - 3.0),
        0.45704579 * x * (5.0 * z2 - 1.0), 1.44530572 * (x2 - y2) * z,
        0.59004359 * (x2 - 3.0 * y2) * x,
    ]
    return jnp.stack(ys, axis=1)


def setup_inputs(seed: int = 0) -> dict:
    key = jax.random.key(seed)
    ks = jax.random.split(key, 12)
    positions = jax.random.normal(ks[0], (N, 3), dtype=jnp.float32)
    cells = jax.random.normal(ks[1], (S, 3, 3), dtype=jnp.float32)
    numbers = jax.random.randint(ks[2], (N,), 0, NSP)
    edge_indices = jax.random.randint(ks[3], (2, E), 0, N)
    edge_offsets = jnp.zeros((E, 3), dtype=jnp.float32)
    batch = jnp.sort(jax.random.randint(ks[4], (N,), 0, S))
    species_embed = jax.random.normal(ks[5], (NSP, NPS), dtype=jnp.float32) * 0.5
    radial_W = jax.random.normal(ks[6], (NMAX, NMAX), dtype=jnp.float32) * 0.5
    ln_gamma = jnp.ones((PSDIM,), dtype=jnp.float32)
    ln_beta = jnp.zeros((PSDIM,), dtype=jnp.float32)
    W1 = jax.random.normal(ks[7], (NSP, PSDIM, HID), dtype=jnp.float32) / np.sqrt(PSDIM)
    W2 = jax.random.normal(ks[8], (NSP, HID, HID), dtype=jnp.float32) / np.sqrt(HID)
    W3 = jax.random.normal(ks[9], (NSP, HID, 1), dtype=jnp.float32) / np.sqrt(HID)
    return {
        'positions': positions, 'cells': cells, 'numbers': numbers,
        'edge_indices': edge_indices, 'edge_offsets': edge_offsets, 'batch': batch,
        'species_embed': species_embed, 'radial_W': radial_W,
        'ln_gamma': ln_gamma, 'ln_beta': ln_beta, 'W1': W1, 'W2': W2, 'W3': W3,
    }


def reference(positions, cells, numbers, edge_indices, edge_offsets, batch,
              species_embed, radial_W, ln_gamma, ln_beta, W1, W2, W3):
    src = edge_indices[0]
    dst = edge_indices[1]
    # periodic shift (offsets are fractional shifts times the structure cell)
    cell_e = cells[batch[src]]
    shift = jnp.einsum('ek,ekl->el', edge_offsets, cell_e)
    r = positions[dst] - positions[src] + shift
    d2 = jnp.sum(r * r, axis=1)
    d = jnp.sqrt(d2 + 1e-12)
    u = r / d[:, None]
    fc = jnp.where(d < RC, 0.5 * (jnp.cos(np.pi * d / RC) + 1.0), 0.0)
    # Laplacian-eigenstate style radial basis with trainable combination matrix
    n_arr = jnp.arange(1, NMAX + 1, dtype=jnp.float32)
    Rraw = jnp.sin(n_arr[None, :] * np.pi * d[:, None] / RC) / d[:, None]
    R = (Rraw @ radial_W) * fc[:, None]
    Y = _sph(u)  # [E, 16]
    # alchemical contraction of neighbor species
    c = species_embed[numbers[dst]]  # [E, NPS]
    F = jnp.einsum('ep,en,em->epnm', c, R, Y)  # [E, NPS, NMAX, NLM]
    # spherical expansion: scatter-add over center atoms
    A = jax.ops.segment_sum(F, src, num_segments=N)  # [N, NPS, NMAX, NLM]
    Af = A.reshape(N, NPS * NMAX, NLM)
    blocks = []
    off = 0
    for l in range(LMAX + 1):
        w = 2 * l + 1
        B = Af[:, :, off:off + w]
        blocks.append(jnp.einsum('nam,nbm->nab', B, B) / np.sqrt(float(w)))
        off += w
    ps = jnp.stack(blocks, axis=-1).reshape(N, PSDIM)
    # layer norm
    mu = jnp.mean(ps, axis=-1, keepdims=True)
    var = jnp.var(ps, axis=-1, keepdims=True)
    psn = (ps - mu) / jnp.sqrt(var + 1e-5) * ln_gamma + ln_beta
    # per-center-species MLP heads (LinearMap keyed on a_i)
    e_at = jnp.zeros((N, 1), dtype=jnp.float32)
    for s in range(NSP):
        mask = (numbers == s).astype(jnp.float32)[:, None]
        h = jax.nn.silu(psn @ W1[s])
        h = jax.nn.silu(h @ W2[s])
        e_at = e_at + mask * (h @ W3[s])
    # sum over atoms within each structure
    energies = jax.ops.segment_sum(e_at, batch, num_segments=S)
    energies = energies / (1.0 * jnp.sqrt(jnp.asarray(float(NPS), dtype=jnp.float32)))
    return energies

if __name__ == "__main__":
    import jax
    _d = setup_inputs()
    print(jax.jit(kernel)(*tuple(_d.values())))

</pallas_src>

<mosaic_0001>
#map = affine_map<(d0, d1) -> (0)>
#map1 = affine_map<(d0, d1) -> (0, 0, 0)>
module attributes {stable_mosaic.version = 14 : i64} {
  func.func @_gather_body(%arg0: i32, %arg1: i32, %arg2: memref<10000xf32, #tpu.memory_space<hbm>>, %arg3: memref<10000xf32, #tpu.memory_space<hbm>>, %arg4: memref<10000xf32, #tpu.memory_space<hbm>>, %arg5: memref<10000xi32, #tpu.memory_space<hbm>>, %arg6: memref<32x125x80xi32, #tpu.memory_space<hbm>>, %arg7: memref<32x125x80xi32, #tpu.memory_space<hbm>>, %arg8: memref<320000xf32, #tpu.memory_space<hbm>>, %arg9: memref<320000xf32, #tpu.memory_space<hbm>>, %arg10: memref<320000xf32, #tpu.memory_space<hbm>>, %arg11: memref<320000xi32, #tpu.memory_space<hbm>>, %arg12: memref<125x80xi32, #tpu.memory_space<vmem>>, %arg13: memref<125x80xi32, #tpu.memory_space<vmem>>, %arg14: memref<10000xf32, #tpu.memory_space<vmem>>, %arg15: memref<10000xf32, #tpu.memory_space<vmem>>, %arg16: memref<10000xf32, #tpu.memory_space<vmem>>, %arg17: memref<10000xf32, #tpu.memory_space<vmem>>, %arg18: memref<10000xf32, #tpu.memory_space<vmem>>, %arg19: memref<10000xf32, #tpu.memory_space<vmem>>, %arg20: memref<10000xi32, #tpu.memory_space<vmem>>, %arg21: memref<!tpu.dma_semaphore, #tpu.memory_space<semaphore_mem>>) attributes {dimension_semantics = [#tpu.dimension_semantics<core_parallel>, #tpu.dimension_semantics<subcore_parallel>], iteration_bounds = array<i64: 2, 16>, scalar_prefetch = 0 : i64, scratch_operands = 10 : i64, tpu.core_type = #tpu.core_type<sc_vector_subcore>, window_params = [{transform_indices = #map}, {transform_indices = #map}, {transform_indices = #map}, {transform_indices = #map}, {transform_indices = #map1}, {transform_indices = #map1}, {transform_indices = #map}, {transform_indices = #map}, {transform_indices = #map}, {transform_indices = #map}]} {
    %mul3A = arith.constant 2 : i32
    %mul3A_0 = arith.muli %arg1, %mul3A : i32
    %add3A = arith.addi %mul3A_0, %arg0 : i32
    "tpu.region"() ({
      %run_scoped3A = tpu.sem_alloc : memref<!tpu.dma_semaphore, #tpu.memory_space<semaphore_mem>>
      %dma_start3A_71 = arith.constant 0 : i32
      %dma_start3A_72 = arith.constant 0 : i32
      %dma_start3A_73 = tpu.memref_slice %arg6[%add3A, %dma_start3A_71, %dma_start3A_72] : memref<32x125x80xi32, #tpu.memory_space<hbm>> -> memref<1x125x80xi32, #tpu.memory_space<hbm>>
      %dma_start3A_74 = tpu.memref_squeeze %dma_start3A_73 : memref<1x125x80xi32, #tpu.memory_space<hbm>> -> memref<125x80xi32, #tpu.memory_space<hbm>>
      %dma_start3A_75 = arith.constant 0 : i32
      %dma_start3A_76 = arith.constant 0 : i32
      %dma_start3A_77 = tpu.memref_slice %arg6[%add3A, %dma_start3A_75, %dma_start3A_76] : memref<32x125x80xi32, #tpu.memory_space<hbm>> -> memref<1x125x80xi32, #tpu.memory_space<hbm>>
      %dma_start3A_78 = tpu.memref_squeeze %dma_start3A_77 : memref<1x125x80xi32, #tpu.memory_space<hbm>> -> memref<125x80xi32, #tpu.memory_space<hbm>>
      tpu.enqueue_dma source(%dma_start3A_78 : memref<125x80xi32, #tpu.memory_space<hbm>>) target(%arg12 : memref<125x80xi32, #tpu.memory_space<vmem>>) target_semaphore(%run_scoped3A : memref<!tpu.dma_semaphore, #tpu.memory_space<semaphore_mem>>)
      %dma_wait3A = arith.constant 0 : i32
      %dma_wait3A_79 = arith.constant 0 : i32
      %dma_wait3A_80 = tpu.memref_slice %arg6[%add3A, %dma_wait3A, %dma_wait3A_79] : memref<32x125x80xi32, #tpu.memory_space<hbm>> -> memref<1x125x80xi32, #tpu.memory_space<hbm>>
      %dma_wait3A_81 = tpu.memref_squeeze %dma_wait3A_80 : memref<1x125x80xi32, #tpu.memory_space<hbm>> -> memref<125x80xi32, #tpu.memory_space<hbm>>
      %dma_wait3A_82 = arith.constant 0 : i32
      %dma_wait3A_83 = arith.constant 0 : i32
      %dma_wait3A_84 = tpu.memref_slice %arg6[%add3A, %dma_wait3A_82, %dma_wait3A_83] : memref<32x125x80xi32, #tpu.memory_space<hbm>> -> memref<1x125x80xi32, #tpu.memory_space<hbm>>
      %dma_wait3A_85 = tpu.memref_squeeze %dma_wait3A_84 : memref<1x125x80xi32, #tpu.memory_space<hbm>> -> memref<125x80xi32, #tpu.memory_space<hbm>>
      tpu.wait_dma2 semaphore(%run_scoped3A : memref<!tpu.dma_semaphore, #tpu.memory_space<semaphore_mem>>) src(%dma_wait3A_85 : memref<125x80xi32, #tpu.memory_space<hbm>>) dst(%arg12 : memref<125x80xi32, #tpu.memory_space<vmem>>)
      tpu.yield
    }) : () -> ()
    "tpu.region"() ({
      %run_scoped3A = tpu.sem_alloc : memref<!tpu.dma_semaphore, #tpu.memory_space<semaphore_mem>>
      %dma_start3A_71 = arith.constant 0 : i32
      %dma_start3A_72 = arith.constant 0 : i32
      %dma_start3A_73 = tpu.memref_slice %arg7[%add3A, %dma_start3A_71, %dma_start3A_72] : memref<32x125x80xi32, #tpu.memory_space<hbm>> -> memref<1x125x80xi32, #tpu.memory_space<hbm>>
      %dma_start3A_74 = tpu.memref_squeeze %dma_start3A_73 : memref<1x125x80xi32, #tpu.memory_space<hbm>> -> memref<125x80xi32, #tpu.memory_space<hbm>>
      %dma_start3A_75 = arith.constant 0 : i32
      %dma_start3A_76 = arith.constant 0 : i32
      %dma_start3A_77 = tpu.memref_slice %arg7[%add3A, %dma_start3A_75, %dma_start3A_76] : memref<32x125x80xi32, #tpu.memory_space<hbm>> -> memref<1x125x80xi32, #tpu.memory_space<hbm>>
      %dma_start3A_78 = tpu.memref_squeeze %dma_start3A_77 : memref<1x125x80xi32, #tpu.memory_space<hbm>> -> memref<125x80xi32, #tpu.memory_space<hbm>>
      tpu.enqueue_dma source(%dma_start3A_78 : memref<125x80xi32, #tpu.memory_space<hbm>>) target(%arg13 : memref<125x80xi32, #tpu.memory_space<vmem>>) target_semaphore(%run_scoped3A : memref<!tpu.dma_semaphore, #tpu.memory_space<semaphore_mem>>)
      %dma_wait3A = arith.constant 0 : i32
      %dma_wait3A_79 = arith.constant 0 : i32
      %dma_wait3A_80 = tpu.memref_slice %arg7[%add3A, %dma_wait3A, %dma_wait3A_79] : memref<32x125x80xi32, #tpu.memory_space<hbm>> -> memref<1x125x80xi32, #tpu.memory_space<hbm>>
      %dma_wait3A_81 = tpu.memref_squeeze %dma_wait3A_80 : memref<1x125x80xi32, #tpu.memory_space<hbm>> -> memref<125x80xi32, #tpu.memory_space<hbm>>
      %dma_wait3A_82 = arith.constant 0 : i32
      %dma_wait3A_83 = arith.constant 0 : i32
      %dma_wait3A_84 = tpu.memref_slice %arg7[%add3A, %dma_wait3A_82, %dma_wait3A_83] : memref<32x125x80xi32, #tpu.memory_space<hbm>> -> memref<1x125x80xi32, #tpu.memory_space<hbm>>
      %dma_wait3A_85 = tpu.memref_squeeze %dma_wait3A_84 : memref<1x125x80xi32, #tpu.memory_space<hbm>> -> memref<125x80xi32, #tpu.memory_space<hbm>>
      tpu.wait_dma2 semaphore(%run_scoped3A : memref<!tpu.dma_semaphore, #tpu.memory_space<semaphore_mem>>) src(%dma_wait3A_85 : memref<125x80xi32, #tpu.memory_space<hbm>>) dst(%arg13 : memref<125x80xi32, #tpu.memory_space<vmem>>)
      tpu.yield
    }) : () -> ()
    %dma_start3A = arith.constant 0 : i32
    %dma_start3A_1 = arith.constant 0 : i32
    %dma_start3A_2 = tpu.memref_slice %arg14[%dma_start3A_1] : memref<10000xf32, #tpu.memory_space<vmem>> -> memref<80xf32, #tpu.memory_space<vmem>>
    %dma_start3A_3 = arith.constant 0 : i32
    %dma_start3A_4 = tpu.memref_slice %arg12[%dma_start3A, %dma_start3A_3] : memref<125x80xi32, #tpu.memory_space<vmem>> -> memref<1x80xi32, #tpu.memory_space<vmem>>
    %dma_start3A_5 = tpu.memref_squeeze %dma_start3A_4 : memref<1x80xi32, #tpu.memory_space<vmem>> -> memref<80xi32, #tpu.memory_space<vmem>>
    %dma_start3A_6 = arith.constant 0 : i32
    %dma_start3A_7 = tpu.memref_slice %arg2[%dma_start3A_6] : memref<10000xf32, #tpu.memory_space<hbm>> -> memref<10000xf32, #tpu.memory_space<hbm>>
    tpu.enqueue_indirect_dma source(%dma_start3A_7 : memref<10000xf32, #tpu.memory_space<hbm>>) target(%dma_start3A_2 : memref<80xf32, #tpu.memory_space<vmem>>) offsets(%dma_start3A_5 : memref<80xi32, #tpu.memory_space<vmem>>) semaphore(%arg21 : memref<!tpu.dma_semaphore, #tpu.memory_space<semaphore_mem>>)
    %dma_start3A_8 = arith.constant 0 : i32
    %dma_start3A_9 = arith.constant 0 : i32
    %dma_start3A_10 = tpu.memref_slice %arg15[%dma_start3A_9] : memref<10000xf32, #tpu.memory_space<vmem>> -> memref<80xf32, #tpu.memory_space<vmem>>
    %dma_start3A_11 = arith.constant 0 : i32
    %dma_start3A_12 = tpu.memref_slice %arg12[%dma_start3A_8, %dma_start3A_11] : memref<125x80xi32, #tpu.memory_space<vmem>> -> memref<1x80xi32, #tpu.memory_space<vmem>>
    %dma_start3A_13 = tpu.memref_squeeze %dma_start3A_12 : memref<1x80xi32, #tpu.memory_space<vmem>> -> memref<80xi32, #tpu.memory_space<vmem>>
    %dma_start3A_14 = arith.constant 0 : i32
    %dma_start3A_15 = tpu.memref_slice %arg3[%dma_start3A_14] : memref<10000xf32, #tpu.memory_space<hbm>> -> memref<10000xf32, #tpu.memory_space<hbm>>
    tpu.enqueue_indirect_dma source(%dma_start3A_15 : memref<10000xf32, #tpu.memory_space<hbm>>) target(%dma_start3A_10 : memref<80xf32, #tpu.memory_space<vmem>>) offsets(%dma_start3A_13 : memref<80xi32, #tpu.memory_space<vmem>>) semaphore(%arg21 : memref<!tpu.dma_semaphore, #tpu.memory_space<semaphore_mem>>)
    %dma_start3A_16 = arith.constant 0 : i32
    %dma_start3A_17 = arith.constant 0 : i32
    %dma_start3A_18 = tpu.memref_slice %arg16[%dma_start3A_17] : memref<10000xf32, #tpu.memory_space<vmem>> -> memref<80xf32, #tpu.memory_space<vmem>>
    %dma_start3A_19 = arith.constant 0 : i32
    %dma_start3A_20 = tpu.memref_slice %arg12[%dma_start3A_16, %dma_start3A_19] : memref<125x80xi32, #tpu.memory_space<vmem>> -> memref<1x80xi32, #tpu.memory_space<vmem>>
    %dma_start3A_21 = tpu.memref_squeeze %dma_start3A_20 : memref<1x80xi32, #tpu.memory_space<vmem>> -> memref<80xi32, #tpu.memory_space<vmem>>
    %dma_start3A_22 = arith.constant 0 : i32
    %dma_start3A_23 = tpu.memref_slice %arg4[%dma_start3A_22] : memref<10000xf32, #tpu.memory_space<hbm>> -> memref<10000xf32, #tpu.memory_space<hbm>>
    tpu.enqueue_indirect_dma source(%dma_start3A_23 : memref<10000xf32, #tpu.memory_space<hbm>>) target(%dma_start3A_18 : memref<80xf32, #tpu.memory_space<vmem>>) offsets(%dma_start3A_21 : memref<80xi32, #tpu.memory_space<vmem>>) semaphore(%arg21 : memref<!tpu.dma_semaphore, #tpu.memory_space<semaphore_mem>>)
    %dma_start3A_24 = arith.constant 0 : i32
    %dma_start3A_25 = arith.constant 0 : i32
    %dma_start3A_26 = tpu.memref_slice %arg17[%dma_start3A_25] : memref<10000xf32, #tpu.memory_space<vmem>> -> memref<80xf32, #tpu.memory_space<vmem>>
    %dma_start3A_27 = arith.constant 0 : i32
    %dma_start3A_28 = tpu.memref_slice %arg13[%dma_start3A_24, %dma_start3A_27] : memref<125x80xi32, #tpu.memory_space<vmem>> -> memref<1x80xi32, #tpu.memory_space<vmem>>
    %dma_start3A_29 = tpu.memref_squeeze %dma_start3A_28 : memref<1x80xi32, #tpu.memory_space<vmem>> -> memref<80xi32, #tpu.memory_space<vmem>>
    %dma_start3A_30 = arith.constant 0 : i32
    %dma_start3A_31 = tpu.memref_slice %arg2[%dma_start3A_30] : memref<10000xf32, #tpu.memory_space<hbm>> -> memref<10000xf32, #tpu.memory_space<hbm>>
    tpu.enqueue_indirect_dma source(%dma_start3A_31 : memref<10000xf32, #tpu.memory_space<hbm>>) target(%dma_start3A_26 : memref<80xf32, #tpu.memory_space<vmem>>) offsets(%dma_start3A_29 : memref<80xi32, #tpu.memory_space<vmem>>) semaphore(%arg21 : memref<!tpu.dma_semaphore, #tpu.memory_space<semaphore_mem>>)
    %dma_start3A_32 = arith.constant 0 : i32
    %dma_start3A_33 = arith.constant 0 : i32
    %dma_start3A_34 = tpu.memref_slice %arg18[%dma_start3A_33] : memref<10000xf32, #tpu.memory_space<vmem>> -> memref<80xf32, #tpu.memory_space<vmem>>
    %dma_start3A_35 = arith.constant 0 : i32
    %dma_start3A_36 = tpu.memref_slice %arg13[%dma_start3A_32, %dma_start3A_35] : memref<125x80xi32, #tpu.memory_space<vmem>> -> memref<1x80xi32, #tpu.memory_space<vmem>>
    %dma_start3A_37 = tpu.memref_squeeze %dma_start3A_36 : memref<1x80xi32, #tpu.memory_space<vmem>> -> memref<80xi32, #tpu.memory_space<vmem>>
    %dma_start3A_38 = arith.constant 0 : i32
    %dma_start3A_39 = tpu.memref_slice %arg3[%dma_start3A_38] : memref<10000xf32, #tpu.memory_space<hbm>> -> memref<10000xf32, #tpu.memory_space<hbm>>
    tpu.enqueue_indirect_dma source(%dma_start3A_39 : memref<10000xf32, #tpu.memory_space<hbm>>) target(%dma_start3A_34 : memref<80xf32, #tpu.memory_space<vmem>>) offsets(%dma_start3A_37 : memref<80xi32, #tpu.memory_space<vmem>>) semaphore(%arg21 : memref<!tpu.dma_semaphore, #tpu.memory_space<semaphore_mem>>)
    %dma_start3A_40 = arith.constant 0 : i32
    %dma_start3A_41 = arith.constant 0 : i32
    %dma_start3A_42 = tpu.memref_slice %arg19[%dma_start3A_41] : memref<10000xf32, #tpu.memory_space<vmem>> -> memref<80xf32, #tpu.memory_space<vmem>>
    %dma_start3A_43 = arith.constant 0 : i32
    %dma_start3A_44 = tpu.memref_slice %arg13[%dma_start3A_40, %dma_start3A_43] : memref<125x80xi32, #tpu.memory_space<vmem>> -> memref<1x80xi32, #tpu.memory_space<vmem>>
    %dma_start3A_45 = tpu.memref_squeeze %dma_start3A_44 : memref<1x80xi32, #tpu.memory_space<vmem>> -> memref<80xi32, #tpu.memory_space<vmem>>
    %dma_start3A_46 = arith.constant 0 : i32
    %dma_start3A_47 = tpu.memref_slice %arg4[%dma_start3A_46] : memref<10000xf32, #tpu.memory_space<hbm>> -> memref<10000xf32, #tpu.memory_space<hbm>>
    tpu.enqueue_indirect_dma source(%dma_start3A_47 : memref<10000xf32, #tpu.memory_space<hbm>>) target(%dma_start3A_42 : memref<80xf32, #tpu.memory_space<vmem>>) offsets(%dma_start3A_45 : memref<80xi32, #tpu.memory_space<vmem>>) semaphore(%arg21 : memref<!tpu.dma_semaphore, #tpu.memory_space<semaphore_mem>>)
    %dma_start3A_48 = arith.constant 0 : i32
    %dma_start3A_49 = arith.constant 0 : i32
    %dma_start3A_50 = tpu.memref_slice %arg20[%dma_start3A_49] : memref<10000xi32, #tpu.memory_space<vmem>> -> memref<80xi32, #tpu.memory_space<vmem>>
    %dma_start3A_51 = arith.constant 0 : i32
    %dma_start3A_52 = tpu.memref_slice %arg13[%dma_start3A_48, %dma_start3A_51] : memref<125x80xi32, #tpu.memory_space<vmem>> -> memref<1x80xi32, #tpu.memory_space<vmem>>
    %dma_start3A_53 = tpu.memref_squeeze %dma_start3A_52 : memref<1x80xi32, #tpu.memory_space<vmem>> -> memref<80xi32, #tpu.memory_space<vmem>>
    %dma_start3A_54 = arith.constant 0 : i32
    %dma_start3A_55 = tpu.memref_slice %arg5[%dma_start3A_54] : memref<10000xi32, #tpu.memory_space<hbm>> -> memref<10000xi32, #tpu.memory_space<hbm>>
    tpu.enqueue_indirect_dma source(%dma_start3A_55 : memref<10000xi32, #tpu.memory_space<hbm>>) target(%dma_start3A_50 : memref<80xi32, #tpu.memory_space<vmem>>) offsets(%dma_start3A_53 : memref<80xi32, #tpu.memory_space<vmem>>) semaphore(%arg21 : memref<!tpu.dma_semaphore, #tpu.memory_space<semaphore_mem>>)
    %scan3A = arith.constant 0 : i32
    %scan3A_56 = arith.constant 0 : i32
    %scan3A_57 = arith.constant 125 : i32
    %scan3A_58 = arith.addi %scan3A_56, %scan3A_57 : i32
    %scan3A_59 = arith.constant 1 : i32
    %scan3A_60 = scf.for %scan3A_71 = %scan3A_56 to %scan3A_58 step %scan3A_59 iter_args(%scan3A_72 = %scan3A) -> (i32)  : i32 {
      %lt3A = arith.constant 124 : i32
      %lt3A_73 = arith.cmpi slt, %scan3A_71, %lt3A : i32
      %convert_element_type3A = arith.extui %lt3A_73 : i1 to i32
      %cond3A = arith.constant 0 : i32
      %cond3A_74 = arith.cmpi ne, %convert_element_type3A, %cond3A : i32
      scf.if %cond3A_74 {
        %add3A_119 = arith.constant 1 : i32
        %add3A_120 = arith.addi %scan3A_71, %add3A_119 : i32
        %mul3A_121 = arith.constant 80 : i32
        %mul3A_122 = arith.muli %add3A_120, %mul3A_121 : i32
        %dma_start3A_123 = tpu.memref_slice %arg14[%mul3A_122] : memref<10000xf32, #tpu.memory_space<vmem>> -> memref<80xf32, #tpu.memory_space<vmem>>
        %dma_start3A_124 = arith.constant 0 : i32
        %dma_start3A_125 = tpu.memref_slice %arg12[%add3A_120, %dma_start3A_124] : memref<125x80xi32, #tpu.memory_space<vmem>> -> memref<1x80xi32, #tpu.memory_space<vmem>>
        %dma_start3A_126 = tpu.memref_squeeze %dma_start3A_125 : memref<1x80xi32, #tpu.memory_space<vmem>> -> memref<80xi32, #tpu.memory_space<vmem>>
        %dma_start3A_127 = arith.constant 0 : i32
        %dma_start3A_128 = tpu.memref_slice %arg2[%dma_start3A_127] : memref<10000xf32, #tpu.memory_space<hbm>> -> memref<10000xf32, #tpu.memory_space<hbm>>
        tpu.enqueue_indirect_dma source(%dma_start3A_128 : memref<10000xf32, #tpu.memory_space<hbm>>) target(%dma_start3A_123 : memref<80xf32, #tpu.memory_space<vmem>>) offsets(%dma_start3A_126 : memref<80xi32, #tpu.memory_space<vmem>>) semaphore(%arg21 : memref<!tpu.dma_semaphore, #tpu.memory_space<semaphore_mem>>)
        %dma_start3A_129 = tpu.memref_slice %arg15[%mul3A_122] : memref<10000xf32, #tpu.memory_space<vmem>> -> memref<80xf32, #tpu.memory_space<vmem>>
        %dma_start3A_130 = arith.constant 0 : i32
        %dma_start3A_131 = tpu.memref_slice %arg12[%add3A_120, %dma_start3A_130] : memref<125x80xi32, #tpu.memory_space<vmem>> -> memref<1x80xi32, #tpu.memory_space<vmem>>
        %dma_start3A_132 = tpu.memref_squeeze %dma_start3A_131 : memref<1x80xi32, #tpu.memory_space<vmem>> -> memref<80xi32, #tpu.memory_space<vmem>>
        %dma_start3A_133 = arith.constant 0 : i32
        %dma_start3A_134 = tpu.memref_slice %arg3[%dma_start3A_133] : memref<10000xf32, #tpu.memory_space<hbm>> -> memref<10000xf32, #tpu.memory_space<hbm>>
        tpu.enqueue_indirect_dma source(%dma_start3A_134 : memref<10000xf32, #tpu.memory_space<hbm>>) target(%dma_start3A_129 : memref<80xf32, #tpu.memory_space<vmem>>) offsets(%dma_start3A_132 : memref<80xi32, #tpu.memory_space<vmem>>) semaphore(%arg21 : memref<!tpu.dma_semaphore, #tpu.memory_space<semaphore_mem>>)
        %dma_start3A_135 = tpu.memref_slice %arg16[%mul3A_122] : memref<10000xf32, #tpu.memory_space<vmem>> -> memref<80xf32, #tpu.memory_space<vmem>>
        %dma_start3A_136 = arith.constant 0 : i32
        %dma_start3A_137 = tpu.memref_slice %arg12[%add3A_120, %dma_start3A_136] : memref<125x80xi32, #tpu.memory_space<vmem>> -> memref<1x80xi32, #tpu.memory_space<vmem>>
        %dma_start3A_138 = tpu.memref_squeeze %dma_start3A_137 : memref<1x80xi32, #tpu.memory_space<vmem>> -> memref<80xi32, #tpu.memory_space<vmem>>
        %dma_start3A_139 = arith.constant 0 : i32
        %dma_start3A_140 = tpu.memref_slice %arg4[%dma_start3A_139] : memref<10000xf32, #tpu.memory_space<hbm>> -> memref<10000xf32, #tpu.memory_space<hbm>>
        tpu.enqueue_indirect_dma source(%dma_start3A_140 : memref<10000xf32, #tpu.memory_space<hbm>>) target(%dma_start3A_135 : memref<80xf32, #tpu.memory_space<vmem>>) offsets(%dma_start3A_138 : memref<80xi32, #tpu.memory_space<vmem>>) semaphore(%arg21 : memref<!tpu.dma_semaphore, #tpu.memory_space<semaphore_mem>>)
        %dma_start3A_141 = tpu.memref_slice %arg17[%mul3A_122] : memref<10000xf32, #tpu.memory_space<vmem>> -> memref<80xf32, #tpu.memory_space<vmem>>
        %dma_start3A_142 = arith.constant 0 : i32
        %dma_start3A_143 = tpu.memref_slice %arg13[%add3A_120, %dma_start3A_142] : memref<125x80xi32, #tpu.memory_space<vmem>> -> memref<1x80xi32, #tpu.memory_space<vmem>>
        %dma_start3A_144 = tpu.memref_squeeze %dma_start3A_143 : memref<1x80xi32, #tpu.memory_space<vmem>> -> memref<80xi32, #tpu.memory_space<vmem>>
        %dma_start3A_145 = arith.constant 0 : i32
        %dma_start3A_146 = tpu.memref_slice %arg2[%dma_start3A_145] : memref<10000xf32, #tpu.memory_space<hbm>> -> memref<10000xf32, #tpu.memory_space<hbm>>
        tpu.enqueue_indirect_dma source(%dma_start3A_146 : memref<10000xf32, #tpu.memory_space<hbm>>) target(%dma_start3A_141 : memref<80xf32, #tpu.memory_space<vmem>>) offsets(%dma_start3A_144 : memref<80xi32, #tpu.memory_space<vmem>>) semaphore(%arg21 : memref<!tpu.dma_semaphore, #tpu.memory_space<semaphore_mem>>)
        %dma_start3A_147 = tpu.memref_slice %arg18[%mul3A_122] : memref<10000xf32, #tpu.memory_space<vmem>> -> memref<80xf32, #tpu.memory_space<vmem>>
        %dma_start3A_148 = arith.constant 0 : i32
        %dma_start3A_149 = tpu.memref_slice %arg13[%add3A_120, %dma_start3A_148] : memref<125x80xi32, #tpu.memory_space<vmem>> -> memref<1x80xi32, #tpu.memory_space<vmem>>
        %dma_start3A_150 = tpu.memref_squeeze %dma_start3A_149 : memref<1x80xi32, #tpu.memory_space<vmem>> -> memref<80xi32, #tpu.memory_space<vmem>>
        %dma_start3A_151 = arith.constant 0 : i32
        %dma_start3A_152 = tpu.memref_slice %arg3[%dma_start3A_151] : memref<10000xf32, #tpu.memory_space<hbm>> -> memref<10000xf32, #tpu.memory_space<hbm>>
        tpu.enqueue_indirect_dma source(%dma_start3A_152 : memref<10000xf32, #tpu.memory_space<hbm>>) target(%dma_start3A_147 : memref<80xf32, #tpu.memory_space<vmem>>) offsets(%dma_start3A_150 : memref<80xi32, #tpu.memory_space<vmem>>) semaphore(%arg21 : memref<!tpu.dma_semaphore, #tpu.memory_space<semaphore_mem>>)
        %dma_start3A_153 = tpu.memref_slice %arg19[%mul3A_122] : memref<10000xf32, #tpu.memory_space<vmem>> -> memref<80xf32, #tpu.memory_space<vmem>>
        %dma_start3A_154 = arith.constant 0 : i32
        %dma_start3A_155 = tpu.memref_slice %arg13[%add3A_120, %dma_start3A_154] : memref<125x80xi32, #tpu.memory_space<vmem>> -> memref<1x80xi32, #tpu.memory_space<vmem>>
        %dma_start3A_156 = tpu.memref_squeeze %dma_start3A_155 : memref<1x80xi32, #tpu.memory_space<vmem>> -> memref<80xi32, #tpu.memory_space<vmem>>
        %dma_start3A_157 = arith.constant 0 : i32
        %dma_start3A_158 = tpu.memref_slice %arg4[%dma_start3A_157] : memref<10000xf32, #tpu.memory_space<hbm>> -> memref<10000xf32, #tpu.memory_space<hbm>>
        tpu.enqueue_indirect_dma source(%dma_start3A_158 : memref<10000xf32, #tpu.memory_space<hbm>>) target(%dma_start3A_153 : memref<80xf32, #tpu.memory_space<vmem>>) offsets(%dma_start3A_156 : memref<80xi32, #tpu.memory_space<vmem>>) semaphore(%arg21 : memref<!tpu.dma_semaphore, #tpu.memory_space<semaphore_mem>>)
        %dma_start3A_159 = tpu.memref_slice %arg20[%mul3A_122] : memref<10000xi32, #tpu.memory_space<vmem>> -> memref<80xi32, #tpu.memory_space<vmem>>
        %dma_start3A_160 = arith.constant 0 : i32
        %dma_start3A_161 = tpu.memref_slice %arg13[%add3A_120, %dma_start3A_160] : memref<125x80xi32, #tpu.memory_space<vmem>> -> memref<1x80xi32, #tpu.memory_space<vmem>>
        %dma_start3A_162 = tpu.memref_squeeze %dma_start3A_161 : memref<1x80xi32, #tpu.memory_space<vmem>> -> memref<80xi32, #tpu.memory_space<vmem>>
        %dma_start3A_163 = arith.constant 0 : i32
        %dma_start3A_164 = tpu.memref_slice %arg5[%dma_start3A_163] : memref<10000xi32, #tpu.memory_space<hbm>> -> memref<10000xi32, #tpu.memory_space<hbm>>
        tpu.enqueue_indirect_dma source(%dma_start3A_164 : memref<10000xi32, #tpu.memory_space<hbm>>) target(%dma_start3A_159 : memref<80xi32, #tpu.memory_space<vmem>>) offsets(%dma_start3A_162 : memref<80xi32, #tpu.memory_space<vmem>>) semaphore(%arg21 : memref<!tpu.dma_semaphore, #tpu.memory_space<semaphore_mem>>)
      } else {
      }
      %mul3A_75 = arith.constant 80 : i32
      %mul3A_76 = arith.muli %scan3A_71, %mul3A_75 : i32
      %dma_wait3A = tpu.memref_slice %arg14[%mul3A_76] : memref<10000xf32, #tpu.memory_space<vmem>> -> memref<80xf32, #tpu.memory_space<vmem>>
      %dma_wait3A_77 = arith.constant 0 : i32
      %dma_wait3A_78 = tpu.memref_slice %arg12[%scan3A_71, %dma_wait3A_77] : memref<125x80xi32, #tpu.memory_space<vmem>> -> memref<1x80xi32, #tpu.memory_space<vmem>>
      %dma_wait3A_79 = tpu.memref_squeeze %dma_wait3A_78 : memref<1x80xi32, #tpu.memory_space<vmem>> -> memref<80xi32, #tpu.memory_space<vmem>>
      %dma_wait3A_80 = arith.constant 0 : i32
      %dma_wait3A_81 = tpu.memref_slice %arg2[%dma_wait3A_80] : memref<10000xf32, #tpu.memory_space<hbm>> -> memref<10000xf32, #tpu.memory_space<hbm>>
      tpu.wait_indirect_dma semaphore(%arg21 : memref<!tpu.dma_semaphore, #tpu.memory_space<semaphore_mem>>) src(%dma_wait3A_81 : memref<10000xf32, #tpu.memory_space<hbm>>) dst(%dma_wait3A : memref<80xf32, #tpu.memory_space<vmem>>)
      %dma_wait3A_82 = tpu.memref_slice %arg15[%mul3A_76] : memref<10000xf32, #tpu.memory_space<vmem>> -> memref<80xf32, #tpu.memory_space<vmem>>
      %dma_wait3A_83 = arith.constant 0 : i32
      %dma_wait3A_84 = tpu.memref_slice %arg12[%scan3A_71, %dma_wait3A_83] : memref<125x80xi32, #tpu.memory_space<vmem>> -> memref<1x80xi32, #tpu.memory_space<vmem>>
      %dma_wait3A_85 = tpu.memref_squeeze %dma_wait3A_84 : memref<1x80xi32, #tpu.memory_space<vmem>> -> memref<80xi32, #tpu.memory_space<vmem>>
      %dma_wait3A_86 = arith.constant 0 : i32
      %dma_wait3A_87 = tpu.memref_slice %arg3[%dma_wait3A_86] : memref<10000xf32, #tpu.memory_space<hbm>> -> memref<10000xf32, #tpu.memory_space<hbm>>
      tpu.wait_indirect_dma semaphore(%arg21 : memref<!tpu.dma_semaphore, #tpu.memory_space<semaphore_mem>>) src(%dma_wait3A_87 : memref<10000xf32, #tpu.memory_space<hbm>>) dst(%dma_wait3A_82 : memref<80xf32, #tpu.memory_space<vmem>>)
      %dma_wait3A_88 = tpu.memref_slice %arg16[%mul3A_76] : memref<10000xf32, #tpu.memory_space<vmem>> -> memref<80xf32, #tpu.memory_space<vmem>>
      %dma_wait3A_89 = arith.constant 0 : i32
      %dma_wait3A_90 = tpu.memref_slice %arg12[%scan3A_71, %dma_wait3A_89] : memref<125x80xi32, #tpu.memory_space<vmem>> -> memref<1x80xi32, #tpu.memory_space<vmem>>
      %dma_wait3A_91 = tpu.memref_squeeze %dma_wait3A_90 : memref<1x80xi32, #tpu.memory_space<vmem>> -> memref<80xi32, #tpu.memory_space<vmem>>
      %dma_wait3A_92 = arith.constant 0 : i32
      %dma_wait3A_93 = tpu.memref_slice %arg4[%dma_wait3A_92] : memref<10000xf32, #tpu.memory_space<hbm>> -> memref<10000xf32, #tpu.memory_space<hbm>>
      tpu.wait_indirect_dma semaphore(%arg21 : memref<!tpu.dma_semaphore, #tpu.memory_space<semaphore_mem>>) src(%dma_wait3A_93 : memref<10000xf32, #tpu.memory_space<hbm>>) dst(%dma_wait3A_88 : memref<80xf32, #tpu.memory_space<vmem>>)
      %dma_wait3A_94 = tpu.memref_slice %arg17[%mul3A_76] : memref<10000xf32, #tpu.memory_space<vmem>> -> memref<80xf32, #tpu.memory_space<vmem>>
      %dma_wait3A_95 = arith.constant 0 : i32
      %dma_wait3A_96 = tpu.memref_slice %arg13[%scan3A_71, %dma_wait3A_95] : memref<125x80xi32, #tpu.memory_space<vmem>> -> memref<1x80xi32, #tpu.memory_space<vmem>>
      %dma_wait3A_97 = tpu.memref_squeeze %dma_wait3A_96 : memref<1x80xi32, #tpu.memory_space<vmem>> -> memref<80xi32, #tpu.memory_space<vmem>>
      %dma_wait3A_98 = arith.constant 0 : i32
      %dma_wait3A_99 = tpu.memref_slice %arg2[%dma_wait3A_98] : memref<10000xf32, #tpu.memory_space<hbm>> -> memref<10000xf32, #tpu.memory_space<hbm>>
      tpu.wait_indirect_dma semaphore(%arg21 : memref<!tpu.dma_semaphore, #tpu.memory_space<semaphore_mem>>) src(%dma_wait3A_99 : memref<10000xf32, #tpu.memory_space<hbm>>) dst(%dma_wait3A_94 : memref<80xf32, #tpu.memory_space<vmem>>)
      %dma_wait3A_100 = tpu.memref_slice %arg18[%mul3A_76] : memref<10000xf32, #tpu.memory_space<vmem>> -> memref<80xf32, #tpu.memory_space<vmem>>
      %dma_wait3A_101 = arith.constant 0 : i32
      %dma_wait3A_102 = tpu.memref_slice %arg13[%scan3A_71, %dma_wait3A_101] : memref<125x80xi32, #tpu.memory_space<vmem>> -> memref<1x80xi32, #tpu.memory_space<vmem>>
      %dma_wait3A_103 = tpu.memref_squeeze %dma_wait3A_102 : memref<1x80xi32, #tpu.memory_space<vmem>> -> memref<80xi32, #tpu.memory_space<vmem>>
      %dma_wait3A_104 = arith.constant 0 : i32
      %dma_wait3A_105 = tpu.memref_slice %arg3[%dma_wait3A_104] : memref<10000xf32, #tpu.memory_space<hbm>> -> memref<10000xf32, #tpu.memory_space<hbm>>
      tpu.wait_indirect_dma semaphore(%arg21 : memref<!tpu.dma_semaphore, #tpu.memory_space<semaphore_mem>>) src(%dma_wait3A_105 : memref<10000xf32, #tpu.memory_space<hbm>>) dst(%dma_wait3A_100 : memref<80xf32, #tpu.memory_space<vmem>>)
      %dma_wait3A_106 = tpu.memref_slice %arg19[%mul3A_76] : memref<10000xf32, #tpu.memory_space<vmem>> -> memref<80xf32, #tpu.memory_space<vmem>>
      %dma_wait3A_107 = arith.constant 0 : i32
      %dma_wait3A_108 = tpu.memref_slice %arg13[%scan3A_71, %dma_wait3A_107] : memref<125x80xi32, #tpu.memory_space<vmem>> -> memref<1x80xi32, #tpu.memory_space<vmem>>
      %dma_wait3A_109 = tpu.memref_squeeze %dma_wait3A_108 : memref<1x80xi32, #tpu.memory_space<vmem>> -> memref<80xi32, #tpu.memory_space<vmem>>
      %dma_wait3A_110 = arith.constant 0 : i32
      %dma_wait3A_111 = tpu.memref_slice %arg4[%dma_wait3A_110] : memref<10000xf32, #tpu.memory_space<hbm>> -> memref<10000xf32, #tpu.memory_space<hbm>>
      tpu.wait_indirect_dma semaphore(%arg21 : memref<!tpu.dma_semaphore, #tpu.memory_space<semaphore_mem>>) src(%dma_wait3A_111 : memref<10000xf32, #tpu.memory_space<hbm>>) dst(%dma_wait3A_106 : memref<80xf32, #tpu.memory_space<vmem>>)
      %dma_wait3A_112 = tpu.memref_slice %arg20[%mul3A_76] : memref<10000xi32, #tpu.memory_space<vmem>> -> memref<80xi32, #tpu.memory_space<vmem>>
      %dma_wait3A_113 = arith.constant 0 : i32
      %dma_wait3A_114 = tpu.memref_slice %arg13[%scan3A_71, %dma_wait3A_113] : memref<125x80xi32, #tpu.memory_space<vmem>> -> memref<1x80xi32, #tpu.memory_space<vmem>>
      %dma_wait3A_115 = tpu.memref_squeeze %dma_wait3A_114 : memref<1x80xi32, #tpu.memory_space<vmem>> -> memref<80xi32, #tpu.memory_space<vmem>>
      %dma_wait3A_116 = arith.constant 0 : i32
      %dma_wait3A_117 = tpu.memref_slice %arg5[%dma_wait3A_116] : memref<10000xi32, #tpu.memory_space<hbm>> -> memref<10000xi32, #tpu.memory_space<hbm>>
      tpu.wait_indirect_dma semaphore(%arg21 : memref<!tpu.dma_semaphore, #tpu.memory_space<semaphore_mem>>) src(%dma_wait3A_117 : memref<10000xi32, #tpu.memory_space<hbm>>) dst(%dma_wait3A_112 : memref<80xi32, #tpu.memory_space<vmem>>)
      %scan3A_118 = arith.constant 0 : i32
      scf.yield %scan3A_118 : i32
    }
    %scan3A_61 = arith.constant 125 : i32
    %scan3A_62 = arith.constant 0 : i32
    %scan3A_63 = arith.constant 0 : i32
    %scan3A_64 = arith.constant 625 : i32
    %scan3A_65 = arith.addi %scan3A_63, %scan3A_64 : i32
    %scan3A_66 = arith.constant 1 : i32
    %scan3A_67 = scf.for %scan3A_71 = %scan3A_63 to %scan3A_65 step %scan3A_66 iter_args(%scan3A_72 = %scan3A_62) -> (i32)  : i32 {
      %jit3A = arith.constant 5 : i32
      %div3A = arith.divsi %scan3A_71, %jit3A : i32
      %sign3A = arith.constant 0 : i32
      %sign3A_73 = arith.cmpi sgt, %scan3A_71, %sign3A : i32
      %sign3A_74 = arith.extui %sign3A_73 : i1 to i32
      %sign3A_75 = arith.constant 0 : i32
      %sign3A_76 = arith.cmpi slt, %scan3A_71, %sign3A_75 : i32
      %sign3A_77 = arith.extui %sign3A_76 : i1 to i32
      %sign3A_78 = arith.subi %sign3A_74, %sign3A_77 : i32
      %sign3A_79 = arith.constant 0 : i32
      %sign3A_80 = arith.cmpi sgt, %jit3A, %sign3A_79 : i32
      %sign3A_81 = arith.extui %sign3A_80 : i1 to i32
      %sign3A_82 = arith.constant 0 : i32
      %sign3A_83 = arith.cmpi slt, %jit3A, %sign3A_82 : i32
      %sign3A_84 = arith.extui %sign3A_83 : i1 to i32
      %sign3A_85 = arith.subi %sign3A_81, %sign3A_84 : i32
      %ne3A = arith.cmpi ne, %sign3A_78, %sign3A_85 : i32
      %rem3A = arith.remsi %scan3A_71, %jit3A : i32
      %ne3A_86 = arith.constant 0 : i32
      %ne3A_87 = arith.cmpi ne, %rem3A, %ne3A_86 : i32
      %and3A = arith.andi %ne3A, %ne3A_87 : i1
      %sub3A = arith.constant 1 : i32
      %sub3A_88 = arith.subi %div3A, %sub3A : i32
      %select_n3A = arith.select %and3A, %sub3A_88, %div3A : i32
      %jit3A_89 = arith.constant 5 : i32
      %eq3A = arith.constant 0 : i32
      %eq3A_90 = arith.cmpi eq, %jit3A_89, %eq3A : i32
      %jit3A_91 = arith.constant 1 : i32
      %select_n3A_92 = arith.select %eq3A_90, %jit3A_91, %jit3A_89 : i32
      %rem3A_93 = arith.remsi %scan3A_71, %select_n3A_92 : i32
      %ne3A_94 = arith.constant 0 : i32
      %ne3A_95 = arith.cmpi ne, %rem3A_93, %ne3A_94 : i32
      %lt3A = arith.constant 0 : i32
      %lt3A_96 = arith.cmpi slt, %rem3A_93, %lt3A : i32
      %lt3A_97 = arith.constant 0 : i32
      %lt3A_98 = arith.cmpi slt, %select_n3A_92, %lt3A_97 : i32
      %ne3A_99 = arith.xori %lt3A_96, %lt3A_98 : i1
      %and3A_100 = arith.andi %ne3A_99, %ne3A_95 : i1
      %add3A_101 = arith.addi %rem3A_93, %select_n3A_92 : i32
      %select_n3A_102 = arith.select %and3A_100, %add3A_101, %rem3A_93 : i32
      %mul3A_103 = arith.constant 16 : i32
      %mul3A_104 = arith.muli %scan3A_71, %mul3A_103 : i32
      %get3A = arith.index_cast %mul3A_104 : i32 to index
      %get3A_105 = tpu.vector_load %arg17[%get3A] {strides = array<i32>} : memref<10000xf32, #tpu.memory_space<vmem>>, vector<16xf32>,
      %get3A_106 = vector.shape_cast %get3A_105 : vector<16xf32> to vector<16xf32>
      %get3A_107 = arith.index_cast %mul3A_104 : i32 to index
      %get3A_108 = tpu.vector_load %arg14[%get3A_107] {strides = array<i32>} : memref<10000xf32, #tpu.memory_space<vmem>>, vector<16xf32>,
      %get3A_109 = vector.shape_cast %get3A_108 : vector<16xf32> to vector<16xf32>
      %sub3A_110 = arith.subf %get3A_106, %get3A_109 : vector<16xf32>
      %swap3A = arith.index_cast %mul3A_104 : i32 to index
      %swap3A_111 = tpu.vector_load %arg17[%swap3A] {strides = array<i32>} : memref<10000xf32, #tpu.memory_space<vmem>>, vector<16xf32>,
      %swap3A_112 = vector.shape_cast %swap3A_111 : vector<16xf32> to vector<16xf32>
      %swap3A_113 = vector.shape_cast %sub3A_110 : vector<16xf32> to vector<16xf32>
      tpu.vector_store %arg17[%swap3A], %swap3A_113 {strides = array<i32>} : memref<10000xf32, #tpu.memory_space<vmem>>, vector<16xf32>,
      %get3A_114 = arith.index_cast %mul3A_104 : i32 to index
      %get3A_115 = tpu.vector_load %arg18[%get3A_114] {strides = array<i32>} : memref<10000xf32, #tpu.memory_space<vmem>>, vector<16xf32>,
      %get3A_116 = vector.shape_cast %get3A_115 : vector<16xf32> to vector<16xf32>
      %get3A_117 = arith.index_cast %mul3A_104 : i32 to index
      %get3A_118 = tpu.vector_load %arg15[%get3A_117] {strides = array<i32>} : memref<10000xf32, #tpu.memory_space<vmem>>, vector<16xf32>,
      %get3A_119 = vector.shape_cast %get3A_118 : vector<16xf32> to vector<16xf32>
      %sub3A_120 = arith.subf %get3A_116, %get3A_119 : vector<16xf32>
      %swap3A_121 = arith.index_cast %mul3A_104 : i32 to index
      %swap3A_122 = tpu.vector_load %arg18[%swap3A_121] {strides = array<i32>} : memref<10000xf32, #tpu.memory_space<vmem>>, vector<16xf32>,
      %swap3A_123 = vector.shape_cast %swap3A_122 : vector<16xf32> to vector<16xf32>
      %swap3A_124 = vector.shape_cast %sub3A_120 : vector<16xf32> to vector<16xf32>
      tpu.vector_store %arg18[%swap3A_121], %swap3A_124 {strides = array<i32>} : memref<10000xf32, #tpu.memory_space<vmem>>, vector<16xf32>,
      %get3A_125 = arith.index_cast %mul3A_104 : i32 to index
      %get3A_126 = tpu.vector_load %arg19[%get3A_125] {strides = array<i32>} : memref<10000xf32, #tpu.memory_space<vmem>>, vector<16xf32>,
      %get3A_127 = vector.shape_cast %get3A_126 : vector<16xf32> to vector<16xf32>
      %get3A_128 = arith.index_cast %mul3A_104 : i32 to index
      %get3A_129 = tpu.vector_load %arg16[%get3A_128] {strides = array<i32>} : memref<10000xf32, #tpu.memory_space<vmem>>, vector<16xf32>,
      %get3A_130 = vector.shape_cast %get3A_129 : vector<16xf32> to vector<16xf32>
      %sub3A_131 = arith.subf %get3A_127, %get3A_130 : vector<16xf32>
      %swap3A_132 = arith.index_cast %mul3A_104 : i32 to index
      %swap3A_133 = tpu.vector_load %arg19[%swap3A_132] {strides = array<i32>} : memref<10000xf32, #tpu.memory_space<vmem>>, vector<16xf32>,
      %swap3A_134 = vector.shape_cast %swap3A_133 : vector<16xf32> to vector<16xf32>
      %swap3A_135 = vector.shape_cast %sub3A_131 : vector<16xf32> to vector<16xf32>
      tpu.vector_store %arg19[%swap3A_132], %swap3A_135 {strides = array<i32>} : memref<10000xf32, #tpu.memory_space<vmem>>, vector<16xf32>,
      %mul3A_136 = arith.constant 16 : i32
      %mul3A_137 = arith.muli %select_n3A_102, %mul3A_136 : i32
      %get3A_138 = arith.index_cast %select_n3A : i32 to index
      %get3A_139 = arith.index_cast %mul3A_137 : i32 to index
      %get3A_140 = tpu.vector_load %arg12[%get3A_138, %get3A_139] {strides = array<i32>} : memref<125x80xi32, #tpu.memory_space<vmem>>, vector<1x16xi32>,
      %get3A_141 = vector.shape_cast %get3A_140 : vector<1x16xi32> to vector<16xi32>
      %mul3A_142 = arith.constant 4 : i32
      %mul3A_143 = vector.broadcast %mul3A_142 : i32 to vector<16xi32>
      %mul3A_144 = arith.muli %get3A_141, %mul3A_143 : vector<16xi32>
      %get3A_145 = arith.index_cast %mul3A_104 : i32 to index
      %get3A_146 = tpu.vector_load %arg20[%get3A_145] {strides = array<i32>} : memref<10000xi32, #tpu.memory_space<vmem>>, vector<16xi32>,
      %get3A_147 = vector.shape_cast %get3A_146 : vector<16xi32> to vector<16xi32>
      %add3A_148 = arith.addi %mul3A_144, %get3A_147 : vector<16xi32>
      %max3A = arith.constant 0 : i32
      %max3A_149 = vector.broadcast %max3A : i32 to vector<16xi32>
      %max3A_150 = arith.maxsi %add3A_148, %max3A_149 : vector<16xi32>
      %min3A = arith.constant 39999 : i32
      %min3A_151 = vector.broadcast %min3A : i32 to vector<16xi32>
      %min3A_152 = arith.minsi %max3A_150, %min3A_151 : vector<16xi32>
      %swap3A_153 = arith.index_cast %mul3A_104 : i32 to index
      %swap3A_154 = tpu.vector_load %arg20[%swap3A_153] {strides = array<i32>} : memref<10000xi32, #tpu.memory_space<vmem>>, vector<16xi32>,
      %swap3A_155 = vector.shape_cast %swap3A_154 : vector<16xi32> to vector<16xi32>
      %swap3A_156 = vector.shape_cast %min3A_152 : vector<16xi32> to vector<16xi32>
      tpu.vector_store %arg20[%swap3A_153], %swap3A_156 {strides = array<i32>} : memref<10000xi32, #tpu.memory_space<vmem>>, vector<16xi32>,
      %scan3A_157 = arith.constant 0 : i32
      scf.yield %scan3A_157 : i32
    }
    %scan3A_68 = arith.constant 625 : i32
    %mul3A_69 = arith.constant 10000 : i32
    %mul3A_70 = arith.muli %add3A, %mul3A_69 : i32
    "tpu.region"() ({
      %run_scoped3A = tpu.sem_alloc : memref<!tpu.dma_semaphore, #tpu.memory_space<semaphore_mem>>
      %dma_start3A_71 = tpu.memref_slice %arg8[%mul3A_70] : memref<320000xf32, #tpu.memory_space<hbm>> -> memref<10000xf32, #tpu.memory_space<hbm>>
      %dma_start3A_72 = tpu.memref_slice %arg8[%mul3A_70] : memref<320000xf32, #tpu.memory_space<hbm>> -> memref<10000xf32, #tpu.memory_space<hbm>>
      tpu.enqueue_dma source(%arg17 : memref<10000xf32, #tpu.memory_space<vmem>>) target(%dma_start3A_72 : memref<10000xf32, #tpu.memory_space<hbm>>) target_semaphore(%run_scoped3A : memref<!tpu.dma_semaphore, #tpu.memory_space<semaphore_mem>>)
      %dma_wait3A = tpu.memref_slice %arg8[%mul3A_70] : memref<320000xf32, #tpu.memory_space<hbm>> -> memref<10000xf32, #tpu.memory_space<hbm>>
      %dma_wait3A_73 = tpu.memref_slice %arg8[%mul3A_70] : memref<320000xf32, #tpu.memory_space<hbm>> -> memref<10000xf32, #tpu.memory_space<hbm>>
      tpu.wait_dma2 semaphore(%run_scoped3A : memref<!tpu.dma_semaphore, #tpu.memory_space<semaphore_mem>>) src(%arg17 : memref<10000xf32, #tpu.memory_space<vmem>>) dst(%dma_wait3A_73 : memref<10000xf32, #tpu.memory_space<hbm>>)
      tpu.yield
    }) : () -> ()
    "tpu.region"() ({
      %run_scoped3A = tpu.sem_alloc : memref<!tpu.dma_semaphore, #tpu.memory_space<semaphore_mem>>
      %dma_start3A_71 = tpu.memref_slice %arg9[%mul3A_70] : memref<320000xf32, #tpu.memory_space<hbm>> -> memref<10000xf32, #tpu.memory_space<hbm>>
      %dma_start3A_72 = tpu.memref_slice %arg9[%mul3A_70] : memref<320000xf32, #tpu.memory_space<hbm>> -> memref<10000xf32, #tpu.memory_space<hbm>>
      tpu.enqueue_dma source(%arg18 : memref<10000xf32, #tpu.memory_space<vmem>>) target(%dma_start3A_72 : memref<10000xf32, #tpu.memory_space<hbm>>) target_semaphore(%run_scoped3A : memref<!tpu.dma_semaphore, #tpu.memory_space<semaphore_mem>>)
      %dma_wait3A = tpu.memref_slice %arg9[%mul3A_70] : memref<320000xf32, #tpu.memory_space<hbm>> -> memref<10000xf32, #tpu.memory_space<hbm>>
      %dma_wait3A_73 = tpu.memref_slice %arg9[%mul3A_70] : memref<320000xf32, #tpu.memory_space<hbm>> -> memref<10000xf32, #tpu.memory_space<hbm>>
      tpu.wait_dma2 semaphore(%run_scoped3A : memref<!tpu.dma_semaphore, #tpu.memory_space<semaphore_mem>>) src(%arg18 : memref<10000xf32, #tpu.memory_space<vmem>>) dst(%dma_wait3A_73 : memref<10000xf32, #tpu.memory_space<hbm>>)
      tpu.yield
    }) : () -> ()
    "tpu.region"() ({
      %run_scoped3A = tpu.sem_alloc : memref<!tpu.dma_semaphore, #tpu.memory_space<semaphore_mem>>
      %dma_start3A_71 = tpu.memref_slice %arg10[%mul3A_70] : memref<320000xf32, #tpu.memory_space<hbm>> -> memref<10000xf32, #tpu.memory_space<hbm>>
      %dma_start3A_72 = tpu.memref_slice %arg10[%mul3A_70] : memref<320000xf32, #tpu.memory_space<hbm>> -> memref<10000xf32, #tpu.memory_space<hbm>>
      tpu.enqueue_dma source(%arg19 : memref<10000xf32, #tpu.memory_space<vmem>>) target(%dma_start3A_72 : memref<10000xf32, #tpu.memory_space<hbm>>) target_semaphore(%run_scoped3A : memref<!tpu.dma_semaphore, #tpu.memory_space<semaphore_mem>>)
      %dma_wait3A = tpu.memref_slice %arg10[%mul3A_70] : memref<320000xf32, #tpu.memory_space<hbm>> -> memref<10000xf32, #tpu.memory_space<hbm>>
      %dma_wait3A_73 = tpu.memref_slice %arg10[%mul3A_70] : memref<320000xf32, #tpu.memory_space<hbm>> -> memref<10000xf32, #tpu.memory_space<hbm>>
      tpu.wait_dma2 semaphore(%run_scoped3A : memref<!tpu.dma_semaphore, #tpu.memory_space<semaphore_mem>>) src(%arg19 : memref<10000xf32, #tpu.memory_space<vmem>>) dst(%dma_wait3A_73 : memref<10000xf32, #tpu.memory_space<hbm>>)
      tpu.yield
    }) : () -> ()
    "tpu.region"() ({
      %run_scoped3A = tpu.sem_alloc : memref<!tpu.dma_semaphore, #tpu.memory_space<semaphore_mem>>
      %dma_start3A_71 = tpu.memref_slice %arg11[%mul3A_70] : memref<320000xi32, #tpu.memory_space<hbm>> -> memref<10000xi32, #tpu.memory_space<hbm>>
      %dma_start3A_72 = tpu.memref_slice %arg11[%mul3A_70] : memref<320000xi32, #tpu.memory_space<hbm>> -> memref<10000xi32, #tpu.memory_space<hbm>>
      tpu.enqueue_dma source(%arg20 : memref<10000xi32, #tpu.memory_space<vmem>>) target(%dma_start3A_72 : memref<10000xi32, #tpu.memory_space<hbm>>) target_semaphore(%run_scoped3A : memref<!tpu.dma_semaphore, #tpu.memory_space<semaphore_mem>>)
      %dma_wait3A = tpu.memref_slice %arg11[%mul3A_70] : memref<320000xi32, #tpu.memory_space<hbm>> -> memref<10000xi32, #tpu.memory_space<hbm>>
      %dma_wait3A_73 = tpu.memref_slice %arg11[%mul3A_70] : memref<320000xi32, #tpu.memory_space<hbm>> -> memref<10000xi32, #tpu.memory_space<hbm>>
      tpu.wait_dma2 semaphore(%run_scoped3A : memref<!tpu.dma_semaphore, #tpu.memory_space<semaphore_mem>>) src(%arg20 : memref<10000xi32, #tpu.memory_space<vmem>>) dst(%dma_wait3A_73 : memref<10000xi32, #tpu.memory_space<hbm>>)
      tpu.yield
    }) : () -> ()
    return
  }
}

module attributes {stable_mosaic.version = 14 : i64} {
  func.func @_edge_kernel(%arg0: i32, %arg1: memref<128x100xf32, #tpu.memory_space<vmem>>, %arg2: memref<128x100xf32, #tpu.memory_space<vmem>>, %arg3: memref<128x100xf32, #tpu.memory_space<vmem>>, %arg4: memref<4x4xf32, #tpu.memory_space<smem>>, %arg5: memref<32x128x100xf32, #tpu.memory_space<vmem>>, %arg6: memref<32x128x100xf32, #tpu.memory_space<vmem>>) attributes {dimension_semantics = [#tpu.dimension_semantics<arbitrary>], iteration_bounds = array<i64: 25>, scalar_prefetch = 0 : i64, scratch_operands = 0 : i64, tpu.core_type = #tpu.core_type<tc>, window_params = [{transform_indices = @transform_0, window_bounds = array<i64: 128, 100>}, {transform_indices = @transform_1, window_bounds = array<i64: 128, 100>}, {transform_indices = @transform_2, window_bounds = array<i64: 128, 100>}, {transform_indices = @transform_3, window_bounds = array<i64: 4, 4>}, {transform_indices = @transform_4, window_bounds = array<i64: 32, 128, 100>}, {transform_indices = @transform_5, window_bounds = array<i64: 32, 128, 100>}]} {
    %get3A = arith.constant 0 : index
    %get3A_0 = arith.constant 0 : index
    %get3A_1 = vector.load %arg1[%get3A, %get3A_0] : memref<128x100xf32, #tpu.memory_space<vmem>>, vector<128x100xf32>
    %get3A_2 = arith.constant 0 : index
    %get3A_3 = arith.constant 0 : index
    %get3A_4 = vector.load %arg2[%get3A_2, %get3A_3] : memref<128x100xf32, #tpu.memory_space<vmem>>, vector<128x100xf32>
    %get3A_5 = arith.constant 0 : index
    %get3A_6 = arith.constant 0 : index
    %get3A_7 = vector.load %arg3[%get3A_5, %get3A_6] : memref<128x100xf32, #tpu.memory_space<vmem>>, vector<128x100xf32>
    %mul3A = arith.mulf %get3A_1, %get3A_1 : vector<128x100xf32>
    %mul3A_8 = arith.mulf %get3A_4, %get3A_4 : vector<128x100xf32>
    %add3A = arith.addf %mul3A, %mul3A_8 : vector<128x100xf32>
    %mul3A_9 = arith.mulf %get3A_7, %get3A_7 : vector<128x100xf32>
    %add3A_10 = arith.addf %add3A, %mul3A_9 : vector<128x100xf32>
    %add3A_11 = arith.constant 9.99999996E-13 : f32
    %add3A_12 = vector.broadcast %add3A_11 : f32 to vector<128x100xf32>
    %add3A_13 = arith.addf %add3A_10, %add3A_12 : vector<128x100xf32>
    %sqrt3A = math.sqrt %add3A_13 : vector<128x100xf32>
    %div3A = arith.constant 1.000000e+00 : f32
    %div3A_14 = vector.broadcast %div3A : f32 to vector<128x100xf32>
    %div3A_15 = arith.divf %div3A_14, %sqrt3A : vector<128x100xf32>
    %mul3A_16 = arith.mulf %get3A_1, %div3A_15 : vector<128x100xf32>
    %mul3A_17 = arith.mulf %get3A_4, %div3A_15 : vector<128x100xf32>
    %mul3A_18 = arith.mulf %get3A_7, %div3A_15 : vector<128x100xf32>
    %mul3A_19 = arith.constant 0.628318548 : f32
    %mul3A_20 = vector.broadcast %mul3A_19 : f32 to vector<128x100xf32>
    %mul3A_21 = arith.mulf %mul3A_20, %sqrt3A : vector<128x100xf32>
    %sin3A = math.sin %mul3A_21 : vector<128x100xf32>
    %cos3A = math.cos %mul3A_21 : vector<128x100xf32>
    %mul3A_22 = arith.constant 2.000000e+00 : f32
    %mul3A_23 = vector.broadcast %mul3A_22 : f32 to vector<128x100xf32>
    %mul3A_24 = arith.mulf %mul3A_23, %sin3A : vector<128x100xf32>
    %mul3A_25 = arith.mulf %mul3A_24, %cos3A : vector<128x100xf32>
    %mul3A_26 = arith.constant 2.000000e+00 : f32
    %mul3A_27 = vector.broadcast %mul3A_26 : f32 to vector<128x100xf32>
    %mul3A_28 = arith.mulf %mul3A_27, %sin3A : vector<128x100xf32>
    %mul3A_29 = arith.mulf %mul3A_28, %sin3A : vector<128x100xf32>
    %sub3A = arith.constant 1.000000e+00 : f32
    %sub3A_30 = vector.broadcast %sub3A : f32 to vector<128x100xf32>
    %sub3A_31 = arith.subf %sub3A_30, %mul3A_29 : vector<128x100xf32>
    %mul3A_32 = arith.mulf %sin3A, %sub3A_31 : vector<128x100xf32>
    %mul3A_33 = arith.mulf %cos3A, %mul3A_25 : vector<128x100xf32>
    %add3A_34 = arith.addf %mul3A_32, %mul3A_33 : vector<128x100xf32>
    %mul3A_35 = arith.constant 2.000000e+00 : f32
    %mul3A_36 = vector.broadcast %mul3A_35 : f32 to vector<128x100xf32>
    %mul3A_37 = arith.mulf %mul3A_36, %mul3A_25 : vector<128x100xf32>
    %mul3A_38 = arith.mulf %mul3A_37, %sub3A_31 : vector<128x100xf32>
    %lt3A = arith.constant 5.000000e+00 : f32
    %lt3A_39 = vector.broadcast %lt3A : f32 to vector<128x100xf32>
    %lt3A_40 = arith.cmpf olt, %sqrt3A, %lt3A_39 : vector<128x100xf32>
    %add3A_41 = arith.constant 1.000000e+00 : f32
    %add3A_42 = vector.broadcast %add3A_41 : f32 to vector<128x100xf32>
    %add3A_43 = arith.addf %cos3A, %add3A_42 : vector<128x100xf32>
    %mul3A_44 = arith.constant 5.000000e-01 : f32
    %mul3A_45 = vector.broadcast %mul3A_44 : f32 to vector<128x100xf32>
    %mul3A_46 = arith.mulf %mul3A_45, %add3A_43 : vector<128x100xf32>
    %jit3A = arith.constant 0.000000e+00 : f32
    %broadcast_in_dim3A = vector.broadcast %jit3A : f32 to vector<128x100xf32>
    %select_n3A = arith.select %lt3A_40, %mul3A_46, %broadcast_in_dim3A : vector<128x100xi1>, vector<128x100xf32>
    %mul3A_47 = arith.mulf %select_n3A, %div3A_15 : vector<128x100xf32>
    %mul3A_48 = arith.mulf %sin3A, %mul3A_47 : vector<128x100xf32>
    %mul3A_49 = arith.mulf %mul3A_25, %mul3A_47 : vector<128x100xf32>
    %mul3A_50 = arith.mulf %add3A_34, %mul3A_47 : vector<128x100xf32>
    %mul3A_51 = arith.mulf %mul3A_38, %mul3A_47 : vector<128x100xf32>
    %get3A_52 = arith.constant 0 : index
    %get3A_53 = arith.constant 0 : index
    %get3A_54 = memref.load %arg4[%get3A_52, %get3A_53] : memref<4x4xf32, #tpu.memory_space<smem>>
    %mul3A_55 = vector.broadcast %get3A_54 : f32 to vector<128x100xf32>
    %mul3A_56 = arith.mulf %mul3A_48, %mul3A_55 : vector<128x100xf32>
    %get3A_57 = arith.constant 1 : index
    %get3A_58 = arith.constant 0 : index
    %get3A_59 = memref.load %arg4[%get3A_57, %get3A_58] : memref<4x4xf32, #tpu.memory_space<smem>>
    %mul3A_60 = vector.broadcast %get3A_59 : f32 to vector<128x100xf32>
    %mul3A_61 = arith.mulf %mul3A_49, %mul3A_60 : vector<128x100xf32>
    %add3A_62 = arith.addf %mul3A_56, %mul3A_61 : vector<128x100xf32>
    %get3A_63 = arith.constant 2 : index
    %get3A_64 = arith.constant 0 : index
    %get3A_65 = memref.load %arg4[%get3A_63, %get3A_64] : memref<4x4xf32, #tpu.memory_space<smem>>
    %mul3A_66 = vector.broadcast %get3A_65 : f32 to vector<128x100xf32>
    %mul3A_67 = arith.mulf %mul3A_50, %mul3A_66 : vector<128x100xf32>
    %add3A_68 = arith.addf %add3A_62, %mul3A_67 : vector<128x100xf32>
    %get3A_69 = arith.constant 3 : index
    %get3A_70 = arith.constant 0 : index
    %get3A_71 = memref.load %arg4[%get3A_69, %get3A_70] : memref<4x4xf32, #tpu.memory_space<smem>>
    %mul3A_72 = vector.broadcast %get3A_71 : f32 to vector<128x100xf32>
    %mul3A_73 = arith.mulf %mul3A_51, %mul3A_72 : vector<128x100xf32>
    %add3A_74 = arith.addf %add3A_68, %mul3A_73 : vector<128x100xf32>
    %get3A_75 = arith.constant 0 : index
    %get3A_76 = arith.constant 1 : index
    %get3A_77 = memref.load %arg4[%get3A_75, %get3A_76] : memref<4x4xf32, #tpu.memory_space<smem>>
    %mul3A_78 = vector.broadcast %get3A_77 : f32 to vector<128x100xf32>
    %mul3A_79 = arith.mulf %mul3A_48, %mul3A_78 : vector<128x100xf32>
    %get3A_80 = arith.constant 1 : index
    %get3A_81 = arith.constant 1 : index
    %get3A_82 = memref.load %arg4[%get3A_80, %get3A_81] : memref<4x4xf32, #tpu.memory_space<smem>>
    %mul3A_83 = vector.broadcast %get3A_82 : f32 to vector<128x100xf32>
    %mul3A_84 = arith.mulf %mul3A_49, %mul3A_83 : vector<128x100xf32>
    %add3A_85 = arith.addf %mul3A_79, %mul3A_84 : vector<128x100xf32>
    %get3A_86 = arith.constant 2 : index
    %get3A_87 = arith.constant 1 : index
    %get3A_88 = memref.load %arg4[%get3A_86, %get3A_87] : memref<4x4xf32, #tpu.memory_space<smem>>
    %mul3A_89 = vector.broadcast %get3A_88 : f32 to vector<128x100xf32>
    %mul3A_90 = arith.mulf %mul3A_50, %mul3A_89 : vector<128x100xf32>
    %add3A_91 = arith.addf %add3A_85, %mul3A_90 : vector<128x100xf32>
    %get3A_92 = arith.constant 3 : index
    %get3A_93 = arith.constant 1 : index
    %get3A_94 = memref.load %arg4[%get3A_92, %get3A_93] : memref<4x4xf32, #tpu.memory_space<smem>>
    %mul3A_95 = vector.broadcast %get3A_94 : f32 to vector<128x100xf32>
    %mul3A_96 = arith.mulf %mul3A_51, %mul3A_95 : vector<128x100xf32>
    %add3A_97 = arith.addf %add3A_91, %mul3A_96 : vector<128x100xf32>
    %get3A_98 = arith.constant 0 : index
    %get3A_99 = arith.constant 2 : index
    %get3A_100 = memref.load %arg4[%get3A_98, %get3A_99] : memref<4x4xf32, #tpu.memory_space<smem>>
    %mul3A_101 = vector.broadcast %get3A_100 : f32 to vector<128x100xf32>
    %mul3A_102 = arith.mulf %mul3A_48, %mul3A_101 : vector<128x100xf32>
    %get3A_103 = arith.constant 1 : index
    %get3A_104 = arith.constant 2 : index
    %get3A_105 = memref.load %arg4[%get3A_103, %get3A_104] : memref<4x4xf32, #tpu.memory_space<smem>>
    %mul3A_106 = vector.broadcast %get3A_105 : f32 to vector<128x100xf32>
    %mul3A_107 = arith.mulf %mul3A_49, %mul3A_106 : vector<128x100xf32>
    %add3A_108 = arith.addf %mul3A_102, %mul3A_107 : vector<128x100xf32>
    %get3A_109 = arith.constant 2 : index
    %get3A_110 = arith.constant 2 : index
    %get3A_111 = memref.load %arg4[%get3A_109, %get3A_110] : memref<4x4xf32, #tpu.memory_space<smem>>
    %mul3A_112 = vector.broadcast %get3A_111 : f32 to vector<128x100xf32>
    %mul3A_113 = arith.mulf %mul3A_50, %mul3A_112 : vector<128x100xf32>
    %add3A_114 = arith.addf %add3A_108, %mul3A_113 : vector<128x100xf32>
    %get3A_115 = arith.constant 3 : index
    %get3A_116 = arith.constant 2 : index
    %get3A_117 = memref.load %arg4[%get3A_115, %get3A_116] : memref<4x4xf32, #tpu.memory_space<smem>>
    %mul3A_118 = vector.broadcast %get3A_117 : f32 to vector<128x100xf32>
    %mul3A_119 = arith.mulf %mul3A_51, %mul3A_118 : vector<128x100xf32>
    %add3A_120 = arith.addf %add3A_114, %mul3A_119 : vector<128x100xf32>
    %get3A_121 = arith.constant 0 : index
    %get3A_122 = arith.constant 3 : index
    %get3A_123 = memref.load %arg4[%get3A_121, %get3A_122] : memref<4x4xf32, #tpu.memory_space<smem>>
    %mul3A_124 = vector.broadcast %get3A_123 : f32 to vector<128x100xf32>
    %mul3A_125 = arith.mulf %mul3A_48, %mul3A_124 : vector<128x100xf32>
    %get3A_126 = arith.constant 1 : index
    %get3A_127 = arith.constant 3 : index
    %get3A_128 = memref.load %arg4[%get3A_126, %get3A_127] : memref<4x4xf32, #tpu.memory_space<smem>>
    %mul3A_129 = vector.broadcast %get3A_128 : f32 to vector<128x100xf32>
    %mul3A_130 = arith.mulf %mul3A_49, %mul3A_129 : vector<128x100xf32>
    %add3A_131 = arith.addf %mul3A_125, %mul3A_130 : vector<128x100xf32>
    %get3A_132 = arith.constant 2 : index
    %get3A_133 = arith.constant 3 : index
    %get3A_134 = memref.load %arg4[%get3A_132, %get3A_133] : memref<4x4xf32, #tpu.memory_space<smem>>
    %mul3A_135 = vector.broadcast %get3A_134 : f32 to vector<128x100xf32>
    %mul3A_136 = arith.mulf %mul3A_50, %mul3A_135 : vector<128x100xf32>
    %add3A_137 = arith.addf %add3A_131, %mul3A_136 : vector<128x100xf32>
    %get3A_138 = arith.constant 3 : index
    %get3A_139 = arith.constant 3 : index
    %get3A_140 = memref.load %arg4[%get3A_138, %get3A_139] : memref<4x4xf32, #tpu.memory_space<smem>>
    %mul3A_141 = vector.broadcast %get3A_140 : f32 to vector<128x100xf32>
    %mul3A_142 = arith.mulf %mul3A_51, %mul3A_141 : vector<128x100xf32>
    %add3A_143 = arith.addf %add3A_137, %mul3A_142 : vector<128x100xf32>
    %mul3A_144 = arith.mulf %mul3A_16, %mul3A_16 : vector<128x100xf32>
    %mul3A_145 = arith.mulf %mul3A_17, %mul3A_17 : vector<128x100xf32>
    %mul3A_146 = arith.mulf %mul3A_18, %mul3A_18 : vector<128x100xf32>
    %mul3A_147 = arith.constant 0.000000e+00 : f32
    %mul3A_148 = vector.broadcast %mul3A_147 : f32 to vector<128x100xf32>
    %mul3A_149 = arith.mulf %mul3A_148, %mul3A_16 : vector<128x100xf32>
    %add3A_150 = arith.constant 0.282094777 : f32
    %add3A_151 = vector.broadcast %add3A_150 : f32 to vector<128x100xf32>
    %add3A_152 = arith.addf %add3A_151, %mul3A_149 : vector<128x100xf32>
    %mul3A_153 = arith.constant 0.488602519 : f32
    %mul3A_154 = vector.broadcast %mul3A_153 : f32 to vector<128x100xf32>
    %mul3A_155 = arith.mulf %mul3A_154, %mul3A_17 : vector<128x100xf32>
    %mul3A_156 = arith.constant 0.488602519 : f32
    %mul3A_157 = vector.broadcast %mul3A_156 : f32 to vector<128x100xf32>
    %mul3A_158 = arith.mulf %mul3A_157, %mul3A_18 : vector<128x100xf32>
    %mul3A_159 = arith.constant 0.488602519 : f32
    %mul3A_160 = vector.broadcast %mul3A_159 : f32 to vector<128x100xf32>
    %mul3A_161 = arith.mulf %mul3A_160, %mul3A_16 : vector<128x100xf32>
    %mul3A_162 = arith.constant 1.09254849 : f32
    %mul3A_163 = vector.broadcast %mul3A_162 : f32 to vector<128x100xf32>
    %mul3A_164 = arith.mulf %mul3A_163, %mul3A_16 : vector<128x100xf32>
    %mul3A_165 = arith.mulf %mul3A_164, %mul3A_17 : vector<128x100xf32>
    %mul3A_166 = arith.constant 1.09254849 : f32
    %mul3A_167 = vector.broadcast %mul3A_166 : f32 to vector<128x100xf32>
    %mul3A_168 = arith.mulf %mul3A_167, %mul3A_17 : vector<128x100xf32>
    %mul3A_169 = arith.mulf %mul3A_168, %mul3A_18 : vector<128x100xf32>
    %mul3A_170 = arith.constant 3.000000e+00 : f32
    %mul3A_171 = vector.broadcast %mul3A_170 : f32 to vector<128x100xf32>
    %mul3A_172 = arith.mulf %mul3A_171, %mul3A_146 : vector<128x100xf32>
    %sub3A_173 = arith.constant 1.000000e+00 : f32
    %sub3A_174 = vector.broadcast %sub3A_173 : f32 to vector<128x100xf32>
    %sub3A_175 = arith.subf %mul3A_172, %sub3A_174 : vector<128x100xf32>
    %mul3A_176 = arith.constant 0.31539157 : f32
    %mul3A_177 = vector.broadcast %mul3A_176 : f32 to vector<128x100xf32>
    %mul3A_178 = arith.mulf %mul3A_177, %sub3A_175 : vector<128x100xf32>
    %mul3A_179 = arith.constant 1.09254849 : f32
    %mul3A_180 = vector.broadcast %mul3A_179 : f32 to vector<128x100xf32>
    %mul3A_181 = arith.mulf %mul3A_180, %mul3A_16 : vector<128x100xf32>
    %mul3A_182 = arith.mulf %mul3A_181, %mul3A_18 : vector<128x100xf32>
    %sub3A_183 = arith.subf %mul3A_144, %mul3A_145 : vector<128x100xf32>
    %mul3A_184 = arith.constant 0.546274245 : f32
    %mul3A_185 = vector.broadcast %mul3A_184 : f32 to vector<128x100xf32>
    %mul3A_186 = arith.mulf %mul3A_185, %sub3A_183 : vector<128x100xf32>
    %mul3A_187 = arith.constant 3.000000e+00 : f32
    %mul3A_188 = vector.broadcast %mul3A_187 : f32 to vector<128x100xf32>
    %mul3A_189 = arith.mulf %mul3A_188, %mul3A_144 : vector<128x100xf32>
    %sub3A_190 = arith.subf %mul3A_189, %mul3A_145 : vector<128x100xf32>
    %mul3A_191 = arith.constant 0.590043604 : f32
    %mul3A_192 = vector.broadcast %mul3A_191 : f32 to vector<128x100xf32>
    %mul3A_193 = arith.mulf %mul3A_192, %sub3A_190 : vector<128x100xf32>
    %mul3A_194 = arith.mulf %mul3A_193, %mul3A_17 : vector<128x100xf32>
    %mul3A_195 = arith.constant 2.89061141 : f32
    %mul3A_196 = vector.broadcast %mul3A_195 : f32 to vector<128x100xf32>
    %mul3A_197 = arith.mulf %mul3A_196, %mul3A_16 : vector<128x100xf32>
    %mul3A_198 = arith.mulf %mul3A_197, %mul3A_17 : vector<128x100xf32>
    %mul3A_199 = arith.mulf %mul3A_198, %mul3A_18 : vector<128x100xf32>
    %mul3A_200 = arith.constant 0.457045794 : f32
    %mul3A_201 = vector.broadcast %mul3A_200 : f32 to vector<128x100xf32>
    %mul3A_202 = arith.mulf %mul3A_201, %mul3A_17 : vector<128x100xf32>
    %mul3A_203 = arith.constant 5.000000e+00 : f32
    %mul3A_204 = vector.broadcast %mul3A_203 : f32 to vector<128x100xf32>
    %mul3A_205 = arith.mulf %mul3A_204, %mul3A_146 : vector<128x100xf32>
    %sub3A_206 = arith.constant 1.000000e+00 : f32
    %sub3A_207 = vector.broadcast %sub3A_206 : f32 to vector<128x100xf32>
    %sub3A_208 = arith.subf %mul3A_205, %sub3A_207 : vector<128x100xf32>
    %mul3A_209 = arith.mulf %mul3A_202, %sub3A_208 : vector<128x100xf32>
    %mul3A_210 = arith.constant 0.373176336 : f32
    %mul3A_211 = vector.broadcast %mul3A_210 : f32 to vector<128x100xf32>
    %mul3A_212 = arith.mulf %mul3A_211, %mul3A_18 : vector<128x100xf32>
    %mul3A_213 = arith.constant 5.000000e+00 : f32
    %mul3A_214 = vector.broadcast %mul3A_213 : f32 to vector<128x100xf32>
    %mul3A_215 = arith.mulf %mul3A_214, %mul3A_146 : vector<128x100xf32>
    %sub3A_216 = arith.constant 3.000000e+00 : f32
    %sub3A_217 = vector.broadcast %sub3A_216 : f32 to vector<128x100xf32>
    %sub3A_218 = arith.subf %mul3A_215, %sub3A_217 : vector<128x100xf32>
    %mul3A_219 = arith.mulf %mul3A_212, %sub3A_218 : vector<128x100xf32>
    %mul3A_220 = arith.constant 0.457045794 : f32
    %mul3A_221 = vector.broadcast %mul3A_220 : f32 to vector<128x100xf32>
    %mul3A_222 = arith.mulf %mul3A_221, %mul3A_16 : vector<128x100xf32>
    %mul3A_223 = arith.constant 5.000000e+00 : f32
    %mul3A_224 = vector.broadcast %mul3A_223 : f32 to vector<128x100xf32>
    %mul3A_225 = arith.mulf %mul3A_224, %mul3A_146 : vector<128x100xf32>
    %sub3A_226 = arith.constant 1.000000e+00 : f32
    %sub3A_227 = vector.broadcast %sub3A_226 : f32 to vector<128x100xf32>
    %sub3A_228 = arith.subf %mul3A_225, %sub3A_227 : vector<128x100xf32>
    %mul3A_229 = arith.mulf %mul3A_222, %sub3A_228 : vector<128x100xf32>
    %sub3A_230 = arith.subf %mul3A_144, %mul3A_145 : vector<128x100xf32>
    %mul3A_231 = arith.constant 1.44530571 : f32
    %mul3A_232 = vector.broadcast %mul3A_231 : f32 to vector<128x100xf32>
    %mul3A_233 = arith.mulf %mul3A_232, %sub3A_230 : vector<128x100xf32>
    %mul3A_234 = arith.mulf %mul3A_233, %mul3A_18 : vector<128x100xf32>
    %mul3A_235 = arith.constant 3.000000e+00 : f32
    %mul3A_236 = vector.broadcast %mul3A_235 : f32 to vector<128x100xf32>
    %mul3A_237 = arith.mulf %mul3A_236, %mul3A_145 : vector<128x100xf32>
    %sub3A_238 = arith.subf %mul3A_144, %mul3A_237 : vector<128x100xf32>
    %mul3A_239 = arith.constant 0.590043604 : f32
    %mul3A_240 = vector.broadcast %mul3A_239 : f32 to vector<128x100xf32>
    %mul3A_241 = arith.mulf %mul3A_240, %sub3A_238 : vector<128x100xf32>
    %mul3A_242 = arith.mulf %mul3A_241, %mul3A_16 : vector<128x100xf32>
    %mul3A_243 = arith.mulf %add3A_74, %add3A_152 : vector<128x100xf32>
    %swap3A = arith.constant 0 : index
    %swap3A_244 = arith.constant 0 : index
    %swap3A_245 = arith.constant 0 : index
    %swap3A_246 = vector.load %arg5[%swap3A, %swap3A_244, %swap3A_245] : memref<32x128x100xf32, #tpu.memory_space<vmem>>, vector<1x128x100xf32>
    %swap3A_247 = vector.shape_cast %swap3A_246 : vector<1x128x100xf32> to vector<128x100xf32>
    %swap3A_248 = vector.shape_cast %mul3A_243 : vector<128x100xf32> to vector<1x128x100xf32>
    tpu.vector_store %arg5[%swap3A, %swap3A_244, %swap3A_245], %swap3A_248 {strides = array<i32>} : memref<32x128x100xf32, #tpu.memory_space<vmem>>, vector<1x128x100xf32>,
    %mul3A_249 = arith.mulf %add3A_74, %mul3A_155 : vector<128x100xf32>
    %swap3A_250 = arith.constant 1 : index
    %swap3A_251 = arith.constant 0 : index
    %swap3A_252 = arith.constant 0 : index
    %swap3A_253 = vector.load %arg5[%swap3A_250, %swap3A_251, %swap3A_252] : memref<32x128x100xf32, #tpu.memory_space<vmem>>, vector<1x128x100xf32>
    %swap3A_254 = vector.shape_cast %swap3A_253 : vector<1x128x100xf32> to vector<128x100xf32>
    %swap3A_255 = vector.shape_cast %mul3A_249 : vector<128x100xf32> to vector<1x128x100xf32>
    tpu.vector_store %arg5[%swap3A_250, %swap3A_251, %swap3A_252], %swap3A_255 {strides = array<i32>} : memref<32x128x100xf32, #tpu.memory_space<vmem>>, vector<1x128x100xf32>,
    %mul3A_256 = arith.mulf %add3A_74, %mul3A_158 : vector<128x100xf32>
    %swap3A_257 = arith.constant 2 : index
    %swap3A_258 = arith.constant 0 : index
    %swap3A_259 = arith.constant 0 : index
    %swap3A_260 = vector.load %arg5[%swap3A_257, %swap3A_258, %swap3A_259] : memref<32x128x100xf32, #tpu.memory_space<vmem>>, vector<1x128x100xf32>
    %swap3A_261 = vector.shape_cast %swap3A_260 : vector<1x128x100xf32> to vector<128x100xf32>
    %swap3A_262 = vector.shape_cast %mul3A_256 : vector<128x100xf32> to vector<1x128x100xf32>
    tpu.vector_store %arg5[%swap3A_257, %swap3A_258, %swap3A_259], %swap3A_262 {strides = array<i32>} : memref<32x128x100xf32, #tpu.memory_space<vmem>>, vector<1x128x100xf32>,
    %mul3A_263 = arith.mulf %add3A_74, %mul3A_161 : vector<128x100xf32>
    %swap3A_264 = arith.constant 3 : index
    %swap3A_265 = arith.constant 0 : index
    %swap3A_266 = arith.constant 0 : index
    %swap3A_267 = vector.load %arg5[%swap3A_264, %swap3A_265, %swap3A_266] : memref<32x128x100xf32, #tpu.memory_space<vmem>>, vector<1x128x100xf32>
    %swap3A_268 = vector.shape_cast %swap3A_267 : vector<1x128x100xf32> to vector<128x100xf32>
    %swap3A_269 = vector.shape_cast %mul3A_263 : vector<128x100xf32> to vector<1x128x100xf32>
    tpu.vector_store %arg5[%swap3A_264, %swap3A_265, %swap3A_266], %swap3A_269 {strides = array<i32>} : memref<32x128x100xf32, #tpu.memory_space<vmem>>, vector<1x128x100xf32>,
    %mul3A_270 = arith.mulf %add3A_74, %mul3A_165 : vector<128x100xf32>
    %swap3A_271 = arith.constant 4 : index
    %swap3A_272 = arith.constant 0 : index
    %swap3A_273 = arith.constant 0 : index
    %swap3A_274 = vector.load %arg5[%swap3A_271, %swap3A_272, %swap3A_273] : memref<32x128x100xf32, #tpu.memory_space<vmem>>, vector<1x128x100xf32>
    %swap3A_275 = vector.shape_cast %swap3A_274 : vector<1x128x100xf32> to vector<128x100xf32>
    %swap3A_276 = vector.shape_cast %mul3A_270 : vector<128x100xf32> to vector<1x128x100xf32>
    tpu.vector_store %arg5[%swap3A_271, %swap3A_272, %swap3A_273], %swap3A_276 {strides = array<i32>} : memref<32x128x100xf32, #tpu.memory_space<vmem>>, vector<1x128x100xf32>,
    %mul3A_277 = arith.mulf %add3A_74, %mul3A_169 : vector<128x100xf32>
    %swap3A_278 = arith.constant 5 : index
    %swap3A_279 = arith.constant 0 : index
    %swap3A_280 = arith.constant 0 : index
    %swap3A_281 = vector.load %arg5[%swap3A_278, %swap3A_279, %swap3A_280] : memref<32x128x100xf32, #tpu.memory_space<vmem>>, vector<1x128x100xf32>
    %swap3A_282 = vector.shape_cast %swap3A_281 : vector<1x128x100xf32> to vector<128x100xf32>
    %swap3A_283 = vector.shape_cast %mul3A_277 : vector<128x100xf32> to vector<1x128x100xf32>
    tpu.vector_store %arg5[%swap3A_278, %swap3A_279, %swap3A_280], %swap3A_283 {strides = array<i32>} : memref<32x128x100xf32, #tpu.memory_space<vmem>>, vector<1x128x100xf32>,
    %mul3A_284 = arith.mulf %add3A_74, %mul3A_178 : vector<128x100xf32>
    %swap3A_285 = arith.constant 6 : index
    %swap3A_286 = arith.constant 0 : index
    %swap3A_287 = arith.constant 0 : index
    %swap3A_288 = vector.load %arg5[%swap3A_285, %swap3A_286, %swap3A_287] : memref<32x128x100xf32, #tpu.memory_space<vmem>>, vector<1x128x100xf32>
    %swap3A_289 = vector.shape_cast %swap3A_288 : vector<1x128x100xf32> to vector<128x100xf32>
    %swap3A_290 = vector.shape_cast %mul3A_284 : vector<128x100xf32> to vector<1x128x100xf32>
    tpu.vector_store %arg5[%swap3A_285, %swap3A_286, %swap3A_287], %swap3A_290 {strides = array<i32>} : memref<32x128x100xf32, #tpu.memory_space<vmem>>, vector<1x128x100xf32>,
    %mul3A_291 = arith.mulf %add3A_74, %mul3A_182 : vector<128x100xf32>
    %swap3A_292 = arith.constant 7 : index
    %swap3A_293 = arith.constant 0 : index
    %swap3A_294 = arith.constant 0 : index
    %swap3A_295 = vector.load %arg5[%swap3A_292, %swap3A_293, %swap3A_294] : memref<32x128x100xf32, #tpu.memory_space<vmem>>, vector<1x128x100xf32>
    %swap3A_296 = vector.shape_cast %swap3A_295 : vector<1x128x100xf32> to vector<128x100xf32>
    %swap3A_297 = vector.shape_cast %mul3A_291 : vector<128x100xf32> to vector<1x128x100xf32>
    tpu.vector_store %arg5[%swap3A_292, %swap3A_293, %swap3A_294], %swap3A_297 {strides = array<i32>} : memref<32x128x100xf32, #tpu.memory_space<vmem>>, vector<1x128x100xf32>,
    %mul3A_298 = arith.mulf %add3A_74, %mul3A_186 : vector<128x100xf32>
    %swap3A_299 = arith.constant 8 : index
    %swap3A_300 = arith.constant 0 : index
    %swap3A_301 = arith.constant 0 : index
    %swap3A_302 = vector.load %arg5[%swap3A_299, %swap3A_300, %swap3A_301] : memref<32x128x100xf32, #tpu.memory_space<vmem>>, vector<1x128x100xf32>
    %swap3A_303 = vector.shape_cast %swap3A_302 : vector<1x128x100xf32> to vector<128x100xf32>
    %swap3A_304 = vector.shape_cast %mul3A_298 : vector<128x100xf32> to vector<1x128x100xf32>
    tpu.vector_store %arg5[%swap3A_299, %swap3A_300, %swap3A_301], %swap3A_304 {strides = array<i32>} : memref<32x128x100xf32, #tpu.memory_space<vmem>>, vector<1x128x100xf32>,
    %mul3A_305 = arith.mulf %add3A_74, %mul3A_194 : vector<128x100xf32>
    %swap3A_306 = arith.constant 9 : index
    %swap3A_307 = arith.constant 0 : index
    %swap3A_308 = arith.constant 0 : index
    %swap3A_309 = vector.load %arg5[%swap3A_306, %swap3A_307, %swap3A_308] : memref<32x128x100xf32, #tpu.memory_space<vmem>>, vector<1x128x100xf32>
    %swap3A_310 = vector.shape_cast %swap3A_309 : vector<1x128x100xf32> to vector<128x100xf32>
    %swap3A_311 = vector.shape_cast %mul3A_305 : vector<128x100xf32> to vector<1x128x100xf32>
    tpu.vector_store %arg5[%swap3A_306, %swap3A_307, %swap3A_308], %swap3A_311 {strides = array<i32>} : memref<32x128x100xf32, #tpu.memory_space<vmem>>, vector<1x128x100xf32>,
    %mul3A_312 = arith.mulf %add3A_74, %mul3A_199 : vector<128x100xf32>
    %swap3A_313 = arith.constant 10 : index
    %swap3A_314 = arith.constant 0 : index
    %swap3A_315 = arith.constant 0 : index
    %swap3A_316 = vector.load %arg5[%swap3A_313, %swap3A_314, %swap3A_315] : memref<32x128x100xf32, #tpu.memory_space<vmem>>, vector<1x128x100xf32>
    %swap3A_317 = vector.shape_cast %swap3A_316 : vector<1x128x100xf32> to vector<128x100xf32>
    %swap3A_318 = vector.shape_cast %mul3A_312 : vector<128x100xf32> to vector<1x128x100xf32>
    tpu.vector_store %arg5[%swap3A_313, %swap3A_314, %swap3A_315], %swap3A_318 {strides = array<i32>} : memref<32x128x100xf32, #tpu.memory_space<vmem>>, vector<1x128x100xf32>,
    %mul3A_319 = arith.mulf %add3A_74, %mul3A_209 : vector<128x100xf32>
    %swap3A_320 = arith.constant 11 : index
    %swap3A_321 = arith.constant 0 : index
    %swap3A_322 = arith.constant 0 : index
    %swap3A_323 = vector.load %arg5[%swap3A_320, %swap3A_321, %swap3A_322] : memref<32x128x100xf32, #tpu.memory_space<vmem>>, vector<1x128x100xf32>
    %swap3A_324 = vector.shape_cast %swap3A_323 : vector<1x128x100xf32> to vector<128x100xf32>
    %swap3A_325 = vector.shape_cast %mul3A_319 : vector<128x100xf32> to vector<1x128x100xf32>
    tpu.vector_store %arg5[%swap3A_320, %swap3A_321, %swap3A_322], %swap3A_325 {strides = array<i32>} : memref<32x128x100xf32, #tpu.memory_space<vmem>>, vector<1x128x100xf32>,
    %mul3A_326 = arith.mulf %add3A_74, %mul3A_219 : vector<128x100xf32>
    %swap3A_327 = arith.constant 12 : index
    %swap3A_328 = arith.constant 0 : index
    %swap3A_329 = arith.constant 0 : index
    %swap3A_330 = vector.load %arg5[%swap3A_327, %swap3A_328, %swap3A_329] : memref<32x128x100xf32, #tpu.memory_space<vmem>>, vector<1x128x100xf32>
    %swap3A_331 = vector.shape_cast %swap3A_330 : vector<1x128x100xf32> to vector<128x100xf32>
    %swap3A_332 = vector.shape_cast %mul3A_326 : vector<128x100xf32> to vector<1x128x100xf32>
    tpu.vector_store %arg5[%swap3A_327, %swap3A_328, %swap3A_329], %swap3A_332 {strides = array<i32>} : memref<32x128x100xf32, #tpu.memory_space<vmem>>, vector<1x128x100xf32>,
    %mul3A_333 = arith.mulf %add3A_74, %mul3A_229 : vector<128x100xf32>
    %swap3A_334 = arith.constant 13 : index
    %swap3A_335 = arith.constant 0 : index
    %swap3A_336 = arith.constant 0 : index
    %swap3A_337 = vector.load %arg5[%swap3A_334, %swap3A_335, %swap3A_336] : memref<32x128x100xf32, #tpu.memory_space<vmem>>, vector<1x128x100xf32>
    %swap3A_338 = vector.shape_cast %swap3A_337 : vector<1x128x100xf32> to vector<128x100xf32>
    %swap3A_339 = vector.shape_cast %mul3A_333 : vector<128x100xf32> to vector<1x128x100xf32>
    tpu.vector_store %arg5[%swap3A_334, %swap3A_335, %swap3A_336], %swap3A_339 {strides = array<i32>} : memref<32x128x100xf32, #tpu.memory_space<vmem>>, vector<1x128x100xf32>,
    %mul3A_340 = arith.mulf %add3A_74, %mul3A_234 : vector<128x100xf32>
    %swap3A_341 = arith.constant 14 : index
    %swap3A_342 = arith.constant 0 : index
    %swap3A_343 = arith.constant 0 : index
    %swap3A_344 = vector.load %arg5[%swap3A_341, %swap3A_342, %swap3A_343] : memref<32x128x100xf32, #tpu.memory_space<vmem>>, vector<1x128x100xf32>
    %swap3A_345 = vector.shape_cast %swap3A_344 : vector<1x128x100xf32> to vector<128x100xf32>
    %swap3A_346 = vector.shape_cast %mul3A_340 : vector<128x100xf32> to vector<1x128x100xf32>
    tpu.vector_store %arg5[%swap3A_341, %swap3A_342, %swap3A_343], %swap3A_346 {strides = array<i32>} : memref<32x128x100xf32, #tpu.memory_space<vmem>>, vector<1x128x100xf32>,
    %mul3A_347 = arith.mulf %add3A_74, %mul3A_242 : vector<128x100xf32>
    %swap3A_348 = arith.constant 15 : index
    %swap3A_349 = arith.constant 0 : index
    %swap3A_350 = arith.constant 0 : index
    %swap3A_351 = vector.load %arg5[%swap3A_348, %swap3A_349, %swap3A_350] : memref<32x128x100xf32, #tpu.memory_space<vmem>>, vector<1x128x100xf32>
    %swap3A_352 = vector.shape_cast %swap3A_351 : vector<1x128x100xf32> to vector<128x100xf32>
    %swap3A_353 = vector.shape_cast %mul3A_347 : vector<128x100xf32> to vector<1x128x100xf32>
    tpu.vector_store %arg5[%swap3A_348, %swap3A_349, %swap3A_350], %swap3A_353 {strides = array<i32>} : memref<32x128x100xf32, #tpu.memory_space<vmem>>, vector<1x128x100xf32>,
    %mul3A_354 = arith.mulf %add3A_97, %add3A_152 : vector<128x100xf32>
    %swap3A_355 = arith.constant 16 : index
    %swap3A_356 = arith.constant 0 : index
    %swap3A_357 = arith.constant 0 : index
    %swap3A_358 = vector.load %arg5[%swap3A_355, %swap3A_356, %swap3A_357] : memref<32x128x100xf32, #tpu.memory_space<vmem>>, vector<1x128x100xf32>
    %swap3A_359 = vector.shape_cast %swap3A_358 : vector<1x128x100xf32> to vector<128x100xf32>
    %swap3A_360 = vector.shape_cast %mul3A_354 : vector<128x100xf32> to vector<1x128x100xf32>
    tpu.vector_store %arg5[%swap3A_355, %swap3A_356, %swap3A_357], %swap3A_360 {strides = array<i32>} : memref<32x128x100xf32, #tpu.memory_space<vmem>>, vector<1x128x100xf32>,
    %mul3A_361 = arith.mulf %add3A_97, %mul3A_155 : vector<128x100xf32>
    %swap3A_362 = arith.constant 17 : index
    %swap3A_363 = arith.constant 0 : index
    %swap3A_364 = arith.constant 0 : index
    %swap3A_365 = vector.load %arg5[%swap3A_362, %swap3A_363, %swap3A_364] : memref<32x128x100xf32, #tpu.memory_space<vmem>>, vector<1x128x100xf32>
    %swap3A_366 = vector.shape_cast %swap3A_365 : vector<1x128x100xf32> to vector<128x100xf32>
    %swap3A_367 = vector.shape_cast %mul3A_361 : vector<128x100xf32> to vector<1x128x100xf32>
    tpu.vector_store %arg5[%swap3A_362, %swap3A_363, %swap3A_364], %swap3A_367 {strides = array<i32>} : memref<32x128x100xf32, #tpu.memory_space<vmem>>, vector<1x128x100xf32>,
    %mul3A_368 = arith.mulf %add3A_97, %mul3A_158 : vector<128x100xf32>
    %swap3A_369 = arith.constant 18 : index
    %swap3A_370 = arith.constant 0 : index
    %swap3A_371 = arith.constant 0 : index
    %swap3A_372 = vector.load %arg5[%swap3A_369, %swap3A_370, %swap3A_371] : memref<32x128x100xf32, #tpu.memory_space<vmem>>, vector<1x128x100xf32>
    %swap3A_373 = vector.shape_cast %swap3A_372 : vector<1x128x100xf32> to vector<128x100xf32>
    %swap3A_374 = vector.shape_cast %mul3A_368 : vector<128x100xf32> to vector<1x128x100xf32>
    tpu.vector_store %arg5[%swap3A_369, %swap3A_370, %swap3A_371], %swap3A_374 {strides = array<i32>} : memref<32x128x100xf32, #tpu.memory_space<vmem>>, vector<1x128x100xf32>,
    %mul3A_375 = arith.mulf %add3A_97, %mul3A_161 : vector<128x100xf32>
    %swap3A_376 = arith.constant 19 : index
    %swap3A_377 = arith.constant 0 : index
    %swap3A_378 = arith.constant 0 : index
    %swap3A_379 = vector.load %arg5[%swap3A_376, %swap3A_377, %swap3A_378] : memref<32x128x100xf32, #tpu.memory_space<vmem>>, vector<1x128x100xf32>
    %swap3A_380 = vector.shape_cast %swap3A_379 : vector<1x128x100xf32> to vector<128x100xf32>
    %swap3A_381 = vector.shape_cast %mul3A_375 : vector<128x100xf32> to vector<1x128x100xf32>
    tpu.vector_store %arg5[%swap3A_376, %swap3A_377, %swap3A_378], %swap3A_381 {strides = array<i32>} : memref<32x128x100xf32, #tpu.memory_space<vmem>>, vector<1x128x100xf32>,
    %mul3A_382 = arith.mulf %add3A_97, %mul3A_165 : vector<128x100xf32>
    %swap3A_383 = arith.constant 20 : index
    %swap3A_384 = arith.constant 0 : index
    %swap3A_385 = arith.constant 0 : index
    %swap3A_386 = vector.load %arg5[%swap3A_383, %swap3A_384, %swap3A_385] : memref<32x128x100xf32, #tpu.memory_space<vmem>>, vector<1x128x100xf32>
    %swap3A_387 = vector.shape_cast %swap3A_386 : vector<1x128x100xf32> to vector<128x100xf32>
    %swap3A_388 = vector.shape_cast %mul3A_382 : vector<128x100xf32> to vector<1x128x100xf32>
    tpu.vector_store %arg5[%swap3A_383, %swap3A_384, %swap3A_385], %swap3A_388 {strides = array<i32>} : memref<32x128x100xf32, #tpu.memory_space<vmem>>, vector<1x128x100xf32>,
    %mul3A_389 = arith.mulf %add3A_97, %mul3A_169 : vector<128x100xf32>
    %swap3A_390 = arith.constant 21 : index
    %swap3A_391 = arith.constant 0 : index
    %swap3A_392 = arith.constant 0 : index
    %swap3A_393 = vector.load %arg5[%swap3A_390, %swap3A_391, %swap3A_392] : memref<32x128x100xf32, #tpu.memory_space<vmem>>, vector<1x128x100xf32>
    %swap3A_394 = vector.shape_cast %swap3A_393 : vector<1x128x100xf32> to vector<128x100xf32>
    %swap3A_395 = vector.shape_cast %mul3A_389 : vector<128x100xf32> to vector<1x128x100xf32>
    tpu.vector_store %arg5[%swap3A_390, %swap3A_391, %swap3A_392], %swap3A_395 {strides = array<i32>} : memref<32x128x100xf32, #tpu.memory_space<vmem>>, vector<1x128x100xf32>,
    %mul3A_396 = arith.mulf %add3A_97, %mul3A_178 : vector<128x100xf32>
    %swap3A_397 = arith.constant 22 : index
    %swap3A_398 = arith.constant 0 : index
    %swap3A_399 = arith.constant 0 : index
    %swap3A_400 = vector.load %arg5[%swap3A_397, %swap3A_398, %swap3A_399] : memref<32x128x100xf32, #tpu.memory_space<vmem>>, vector<1x128x100xf32>
    %swap3A_401 = vector.shape_cast %swap3A_400 : vector<1x128x100xf32> to vector<128x100xf32>
    %swap3A_402 = vector.shape_cast %mul3A_396 : vector<128x100xf32> to vector<1x128x100xf32>
    tpu.vector_store %arg5[%swap3A_397, %swap3A_398, %swap3A_399], %swap3A_402 {strides = array<i32>} : memref<32x128x100xf32, #tpu.memory_space<vmem>>, vector<1x128x100xf32>,
    %mul3A_403 = arith.mulf %add3A_97, %mul3A_182 : vector<128x100xf32>
    %swap3A_404 = arith.constant 23 : index
    %swap3A_405 = arith.constant 0 : index
    %swap3A_406 = arith.constant 0 : index
    %swap3A_407 = vector.load %arg5[%swap3A_404, %swap3A_405, %swap3A_406] : memref<32x128x100xf32, #tpu.memory_space<vmem>>, vector<1x128x100xf32>
    %swap3A_408 = vector.shape_cast %swap3A_407 : vector<1x128x100xf32> to vector<128x100xf32>
    %swap3A_409 = vector.shape_cast %mul3A_403 : vector<128x100xf32> to vector<1x128x100xf32>
    tpu.vector_store %arg5[%swap3A_404, %swap3A_405, %swap3A_406], %swap3A_409 {strides = array<i32>} : memref<32x128x100xf32, #tpu.memory_space<vmem>>, vector<1x128x100xf32>,
    %mul3A_410 = arith.mulf %add3A_97, %mul3A_186 : vector<128x100xf32>
    %swap3A_411 = arith.constant 24 : index
    %swap3A_412 = arith.constant 0 : index
    %swap3A_413 = arith.constant 0 : index
    %swap3A_414 = vector.load %arg5[%swap3A_411, %swap3A_412, %swap3A_413] : memref<32x128x100xf32, #tpu.memory_space<vmem>>, vector<1x128x100xf32>
    %swap3A_415 = vector.shape_cast %swap3A_414 : vector<1x128x100xf32> to vector<128x100xf32>
    %swap3A_416 = vector.shape_cast %mul3A_410 : vector<128x100xf32> to vector<1x128x100xf32>
    tpu.vector_store %arg5[%swap3A_411, %swap3A_412, %swap3A_413], %swap3A_416 {strides = array<i32>} : memref<32x128x100xf32, #tpu.memory_space<vmem>>, vector<1x128x100xf32>,
    %mul3A_417 = arith.mulf %add3A_97, %mul3A_194 : vector<128x100xf32>
    %swap3A_418 = arith.constant 25 : index
    %swap3A_419 = arith.constant 0 : index
    %swap3A_420 = arith.constant 0 : index
    %swap3A_421 = vector.load %arg5[%swap3A_418, %swap3A_419, %swap3A_420] : memref<32x128x100xf32, #tpu.memory_space<vmem>>, vector<1x128x100xf32>
    %swap3A_422 = vector.shape_cast %swap3A_421 : vector<1x128x100xf32> to vector<128x100xf32>
    %swap3A_423 = vector.shape_cast %mul3A_417 : vector<128x100xf32> to vector<1x128x100xf32>
    tpu.vector_store %arg5[%swap3A_418, %swap3A_419, %swap3A_420], %swap3A_423 {strides = array<i32>} : memref<32x128x100xf32, #tpu.memory_space<vmem>>, vector<1x128x100xf32>,
    %mul3A_424 = arith.mulf %add3A_97, %mul3A_199 : vector<128x100xf32>
    %swap3A_425 = arith.constant 26 : index
    %swap3A_426 = arith.constant 0 : index
    %swap3A_427 = arith.constant 0 : index
    %swap3A_428 = vector.load %arg5[%swap3A_425, %swap3A_426, %swap3A_427] : memref<32x128x100xf32, #tpu.memory_space<vmem>>, vector<1x128x100xf32>
    %swap3A_429 = vector.shape_cast %swap3A_428 : vector<1x128x100xf32> to vector<128x100xf32>
    %swap3A_430 = vector.shape_cast %mul3A_424 : vector<128x100xf32> to vector<1x128x100xf32>
    tpu.vector_store %arg5[%swap3A_425, %swap3A_426, %swap3A_427], %swap3A_430 {strides = array<i32>} : memref<32x128x100xf32, #tpu.memory_space<vmem>>, vector<1x128x100xf32>,
    %mul3A_431 = arith.mulf %add3A_97, %mul3A_209 : vector<128x100xf32>
    %swap3A_432 = arith.constant 27 : index
    %swap3A_433 = arith.constant 0 : index
    %swap3A_434 = arith.constant 0 : index
    %swap3A_435 = vector.load %arg5[%swap3A_432, %swap3A_433, %swap3A_434] : memref<32x128x100xf32, #tpu.memory_space<vmem>>, vector<1x128x100xf32>
    %swap3A_436 = vector.shape_cast %swap3A_435 : vector<1x128x100xf32> to vector<128x100xf32>
    %swap3A_437 = vector.shape_cast %mul3A_431 : vector<128x100xf32> to vector<1x128x100xf32>
    tpu.vector_store %arg5[%swap3A_432, %swap3A_433, %swap3A_434], %swap3A_437 {strides = array<i32>} : memref<32x128x100xf32, #tpu.memory_space<vmem>>, vector<1x128x100xf32>,
    %mul3A_438 = arith.mulf %add3A_97, %mul3A_219 : vector<128x100xf32>
    %swap3A_439 = arith.constant 28 : index
    %swap3A_440 = arith.constant 0 : index
    %swap3A_441 = arith.constant 0 : index
    %swap3A_442 = vector.load %arg5[%swap3A_439, %swap3A_440, %swap3A_441] : memref<32x128x100xf32, #tpu.memory_space<vmem>>, vector<1x128x100xf32>
    %swap3A_443 = vector.shape_cast %swap3A_442 : vector<1x128x100xf32> to vector<128x100xf32>
    %swap3A_444 = vector.shape_cast %mul3A_438 : vector<128x100xf32> to vector<1x128x100xf32>
    tpu.vector_store %arg5[%swap3A_439, %swap3A_440, %swap3A_441], %swap3A_444 {strides = array<i32>} : memref<32x128x100xf32, #tpu.memory_space<vmem>>, vector<1x128x100xf32>,
    %mul3A_445 = arith.mulf %add3A_97, %mul3A_229 : vector<128x100xf32>
    %swap3A_446 = arith.constant 29 : index
    %swap3A_447 = arith.constant 0 : index
    %swap3A_448 = arith.constant 0 : index
    %swap3A_449 = vector.load %arg5[%swap3A_446, %swap3A_447, %swap3A_448] : memref<32x128x100xf32, #tpu.memory_space<vmem>>, vector<1x128x100xf32>
    %swap3A_450 = vector.shape_cast %swap3A_449 : vector<1x128x100xf32> to vector<128x100xf32>
    %swap3A_451 = vector.shape_cast %mul3A_445 : vector<128x100xf32> to vector<1x128x100xf32>
    tpu.vector_store %arg5[%swap3A_446, %swap3A_447, %swap3A_448], %swap3A_451 {strides = array<i32>} : memref<32x128x100xf32, #tpu.memory_space<vmem>>, vector<1x128x100xf32>,
    %mul3A_452 = arith.mulf %add3A_97, %mul3A_234 : vector<128x100xf32>
    %swap3A_453 = arith.constant 30 : index
    %swap3A_454 = arith.constant 0 : index
    %swap3A_455 = arith.constant 0 : index
    %swap3A_456 = vector.load %arg5[%swap3A_453, %swap3A_454, %swap3A_455] : memref<32x128x100xf32, #tpu.memory_space<vmem>>, vector<1x128x100xf32>
    %swap3A_457 = vector.shape_cast %swap3A_456 : vector<1x128x100xf32> to vector<128x100xf32>
    %swap3A_458 = vector.shape_cast %mul3A_452 : vector<128x100xf32> to vector<1x128x100xf32>
    tpu.vector_store %arg5[%swap3A_453, %swap3A_454, %swap3A_455], %swap3A_458 {strides = array<i32>} : memref<32x128x100xf32, #tpu.memory_space<vmem>>, vector<1x128x100xf32>,
    %mul3A_459 = arith.mulf %add3A_97, %mul3A_242 : vector<128x100xf32>
    %swap3A_460 = arith.constant 31 : index
    %swap3A_461 = arith.constant 0 : index
    %swap3A_462 = arith.constant 0 : index
    %swap3A_463 = vector.load %arg5[%swap3A_460, %swap3A_461, %swap3A_462] : memref<32x128x100xf32, #tpu.memory_space<vmem>>, vector<1x128x100xf32>
    %swap3A_464 = vector.shape_cast %swap3A_463 : vector<1x128x100xf32> to vector<128x100xf32>
    %swap3A_465 = vector.shape_cast %mul3A_459 : vector<128x100xf32> to vector<1x128x100xf32>
    tpu.vector_store %arg5[%swap3A_460, %swap3A_461, %swap3A_462], %swap3A_465 {strides = array<i32>} : memref<32x128x100xf32, #tpu.memory_space<vmem>>, vector<1x128x100xf32>,
    %mul3A_466 = arith.mulf %add3A_120, %add3A_152 : vector<128x100xf32>
    %swap3A_467 = arith.constant 0 : index
    %swap3A_468 = arith.constant 0 : index
    %swap3A_469 = arith.constant 0 : index
    %swap3A_470 = vector.load %arg6[%swap3A_467, %swap3A_468, %swap3A_469] : memref<32x128x100xf32, #tpu.memory_space<vmem>>, vector<1x128x100xf32>
    %swap3A_471 = vector.shape_cast %swap3A_470 : vector<1x128x100xf32> to vector<128x100xf32>
    %swap3A_472 = vector.shape_cast %mul3A_466 : vector<128x100xf32> to vector<1x128x100xf32>
    tpu.vector_store %arg6[%swap3A_467, %swap3A_468, %swap3A_469], %swap3A_472 {strides = array<i32>} : memref<32x128x100xf32, #tpu.memory_space<vmem>>, vector<1x128x100xf32>,
    %mul3A_473 = arith.mulf %add3A_120, %mul3A_155 : vector<128x100xf32>
    %swap3A_474 = arith.constant 1 : index
    %swap3A_475 = arith.constant 0 : index
    %swap3A_476 = arith.constant 0 : index
    %swap3A_477 = vector.load %arg6[%swap3A_474, %swap3A_475, %swap3A_476] : memref<32x128x100xf32, #tpu.memory_space<vmem>>, vector<1x128x100xf32>
    %swap3A_478 = vector.shape_cast %swap3A_477 : vector<1x128x100xf32> to vector<128x100xf32>
    %swap3A_479 = vector.shape_cast %mul3A_473 : vector<128x100xf32> to vector<1x128x100xf32>
    tpu.vector_store %arg6[%swap3A_474, %swap3A_475, %swap3A_476], %swap3A_479 {strides = array<i32>} : memref<32x128x100xf32, #tpu.memory_space<vmem>>, vector<1x128x100xf32>,
    %mul3A_480 = arith.mulf %add3A_120, %mul3A_158 : vector<128x100xf32>
    %swap3A_481 = arith.constant 2 : index
    %swap3A_482 = arith.constant 0 : index
    %swap3A_483 = arith.constant 0 : index
    %swap3A_484 = vector.load %arg6[%swap3A_481, %swap3A_482, %swap3A_483] : memref<32x128x100xf32, #tpu.memory_space<vmem>>, vector<1x128x100xf32>
    %swap3A_485 = vector.shape_cast %swap3A_484 : vector<1x128x100xf32> to vector<128x100xf32>
    %swap3A_486 = vector.shape_cast %mul3A_480 : vector<128x100xf32> to vector<1x128x100xf32>
    tpu.vector_store %arg6[%swap3A_481, %swap3A_482, %swap3A_483], %swap3A_486 {strides = array<i32>} : memref<32x128x100xf32, #tpu.memory_space<vmem>>, vector<1x128x100xf32>,
    %mul3A_487 = arith.mulf %add3A_120, %mul3A_161 : vector<128x100xf32>
    %swap3A_488 = arith.constant 3 : index
    %swap3A_489 = arith.constant 0 : index
    %swap3A_490 = arith.constant 0 : index
    %swap3A_491 = vector.load %arg6[%swap3A_488, %swap3A_489, %swap3A_490] : memref<32x128x100xf32, #tpu.memory_space<vmem>>, vector<1x128x100xf32>
    %swap3A_492 = vector.shape_cast %swap3A_491 : vector<1x128x100xf32> to vector<128x100xf32>
    %swap3A_493 = vector.shape_cast %mul3A_487 : vector<128x100xf32> to vector<1x128x100xf32>
    tpu.vector_store %arg6[%swap3A_488, %swap3A_489, %swap3A_490], %swap3A_493 {strides = array<i32>} : memref<32x128x100xf32, #tpu.memory_space<vmem>>, vector<1x128x100xf32>,
    %mul3A_494 = arith.mulf %add3A_120, %mul3A_165 : vector<128x100xf32>
    %swap3A_495 = arith.constant 4 : index
    %swap3A_496 = arith.constant 0 : index
    %swap3A_497 = arith.constant 0 : index
    %swap3A_498 = vector.load %arg6[%swap3A_495, %swap3A_496, %swap3A_497] : memref<32x128x100xf32, #tpu.memory_space<vmem>>, vector<1x128x100xf32>
    %swap3A_499 = vector.shape_cast %swap3A_498 : vector<1x128x100xf32> to vector<128x100xf32>
    %swap3A_500 = vector.shape_cast %mul3A_494 : vector<128x100xf32> to vector<1x128x100xf32>
    tpu.vector_store %arg6[%swap3A_495, %swap3A_496, %swap3A_497], %swap3A_500 {strides = array<i32>} : memref<32x128x100xf32, #tpu.memory_space<vmem>>, vector<1x128x100xf32>,
    %mul3A_501 = arith.mulf %add3A_120, %mul3A_169 : vector<128x100xf32>
    %swap3A_502 = arith.constant 5 : index
    %swap3A_503 = arith.constant 0 : index
    %swap3A_504 = arith.constant 0 : index
    %swap3A_505 = vector.load %arg6[%swap3A_502, %swap3A_503, %swap3A_504] : memref<32x128x100xf32, #tpu.memory_space<vmem>>, vector<1x128x100xf32>
    %swap3A_506 = vector.shape_cast %swap3A_505 : vector<1x128x100xf32> to vector<128x100xf32>
    %swap3A_507 = vector.shape_cast %mul3A_501 : vector<128x100xf32> to vector<1x128x100xf32>
    tpu.vector_store %arg6[%swap3A_502, %swap3A_503, %swap3A_504], %swap3A_507 {strides = array<i32>} : memref<32x128x100xf32, #tpu.memory_space<vmem>>, vector<1x128x100xf32>,
    %mul3A_508 = arith.mulf %add3A_120, %mul3A_178 : vector<128x100xf32>
    %swap3A_509 = arith.constant 6 : index
    %swap3A_510 = arith.constant 0 : index
    %swap3A_511 = arith.constant 0 : index
    %swap3A_512 = vector.load %arg6[%swap3A_509, %swap3A_510, %swap3A_511] : memref<32x128x100xf32, #tpu.memory_space<vmem>>, vector<1x128x100xf32>
    %swap3A_513 = vector.shape_cast %swap3A_512 : vector<1x128x100xf32> to vector<128x100xf32>
    %swap3A_514 = vector.shape_cast %mul3A_508 : vector<128x100xf32> to vector<1x128x100xf32>
    tpu.vector_store %arg6[%swap3A_509, %swap3A_510, %swap3A_511], %swap3A_514 {strides = array<i32>} : memref<32x128x100xf32, #tpu.memory_space<vmem>>, vector<1x128x100xf32>,
    %mul3A_515 = arith.mulf %add3A_120, %mul3A_182 : vector<128x100xf32>
    %swap3A_516 = arith.constant 7 : index
    %swap3A_517 = arith.constant 0 : index
    %swap3A_518 = arith.constant 0 : index
    %swap3A_519 = vector.load %arg6[%swap3A_516, %swap3A_517, %swap3A_518] : memref<32x128x100xf32, #tpu.memory_space<vmem>>, vector<1x128x100xf32>
    %swap3A_520 = vector.shape_cast %swap3A_519 : vector<1x128x100xf32> to vector<128x100xf32>
    %swap3A_521 = vector.shape_cast %mul3A_515 : vector<128x100xf32> to vector<1x128x100xf32>
    tpu.vector_store %arg6[%swap3A_516, %swap3A_517, %swap3A_518], %swap3A_521 {strides = array<i32>} : memref<32x128x100xf32, #tpu.memory_space<vmem>>, vector<1x128x100xf32>,
    %mul3A_522 = arith.mulf %add3A_120, %mul3A_186 : vector<128x100xf32>
    %swap3A_523 = arith.constant 8 : index
    %swap3A_524 = arith.constant 0 : index
    %swap3A_525 = arith.constant 0 : index
    %swap3A_526 = vector.load %arg6[%swap3A_523, %swap3A_524, %swap3A_525] : memref<32x128x100xf32, #tpu.memory_space<vmem>>, vector<1x128x100xf32>
    %swap3A_527 = vector.shape_cast %swap3A_526 : vector<1x128x100xf32> to vector<128x100xf32>
    %swap3A_528 = vector.shape_cast %mul3A_522 : vector<128x100xf32> to vector<1x128x100xf32>
    tpu.vector_store %arg6[%swap3A_523, %swap3A_524, %swap3A_525], %swap3A_528 {strides = array<i32>} : memref<32x128x100xf32, #tpu.memory_space<vmem>>, vector<1x128x100xf32>,
    %mul3A_529 = arith.mulf %add3A_120, %mul3A_194 : vector<128x100xf32>
    %swap3A_530 = arith.constant 9 : index
    %swap3A_531 = arith.constant 0 : index
    %swap3A_532 = arith.constant 0 : index
    %swap3A_533 = vector.load %arg6[%swap3A_530, %swap3A_531, %swap3A_532] : memref<32x128x100xf32, #tpu.memory_space<vmem>>, vector<1x128x100xf32>
    %swap3A_534 = vector.shape_cast %swap3A_533 : vector<1x128x100xf32> to vector<128x100xf32>
    %swap3A_535 = vector.shape_cast %mul3A_529 : vector<128x100xf32> to vector<1x128x100xf32>
    tpu.vector_store %arg6[%swap3A_530, %swap3A_531, %swap3A_532], %swap3A_535 {strides = array<i32>} : memref<32x128x100xf32, #tpu.memory_space<vmem>>, vector<1x128x100xf32>,
    %mul3A_536 = arith.mulf %add3A_120, %mul3A_199 : vector<128x100xf32>
    %swap3A_537 = arith.constant 10 : index
    %swap3A_538 = arith.constant 0 : index
    %swap3A_539 = arith.constant 0 : index
    %swap3A_540 = vector.load %arg6[%swap3A_537, %swap3A_538, %swap3A_539] : memref<32x128x100xf32, #tpu.memory_space<vmem>>, vector<1x128x100xf32>
    %swap3A_541 = vector.shape_cast %swap3A_540 : vector<1x128x100xf32> to vector<128x100xf32>
    %swap3A_542 = vector.shape_cast %mul3A_536 : vector<128x100xf32> to vector<1x128x100xf32>
    tpu.vector_store %arg6[%swap3A_537, %swap3A_538, %swap3A_539], %swap3A_542 {strides = array<i32>} : memref<32x128x100xf32, #tpu.memory_space<vmem>>, vector<1x128x100xf32>,
    %mul3A_543 = arith.mulf %add3A_120, %mul3A_209 : vector<128x100xf32>
    %swap3A_544 = arith.constant 11 : index
    %swap3A_545 = arith.constant 0 : index
    %swap3A_546 = arith.constant 0 : index
    %swap3A_547 = vector.load %arg6[%swap3A_544, %swap3A_545, %swap3A_546] : memref<32x128x100xf32, #tpu.memory_space<vmem>>, vector<1x128x100xf32>
    %swap3A_548 = vector.shape_cast %swap3A_547 : vector<1x128x100xf32> to vector<128x100xf32>
    %swap3A_549 = vector.shape_cast %mul3A_543 : vector<128x100xf32> to vector<1x128x100xf32>
    tpu.vector_store %arg6[%swap3A_544, %swap3A_545, %swap3A_546], %swap3A_549 {strides = array<i32>} : memref<32x128x100xf32, #tpu.memory_space<vmem>>, vector<1x128x100xf32>,
    %mul3A_550 = arith.mulf %add3A_120, %mul3A_219 : vector<128x100xf32>
    %swap3A_551 = arith.constant 12 : index
    %swap3A_552 = arith.constant 0 : index
    %swap3A_553 = arith.constant 0 : index
    %swap3A_554 = vector.load %arg6[%swap3A_551, %swap3A_552, %swap3A_553] : memref<32x128x100xf32, #tpu.memory_space<vmem>>, vector<1x128x100xf32>
    %swap3A_555 = vector.shape_cast %swap3A_554 : vector<1x128x100xf32> to vector<128x100xf32>
    %swap3A_556 = vector.shape_cast %mul3A_550 : vector<128x100xf32> to vector<1x128x100xf32>
    tpu.vector_store %arg6[%swap3A_551, %swap3A_552, %swap3A_553], %swap3A_556 {strides = array<i32>} : memref<32x128x100xf32, #tpu.memory_space<vmem>>, vector<1x128x100xf32>,
    %mul3A_557 = arith.mulf %add3A_120, %mul3A_229 : vector<128x100xf32>
    %swap3A_558 = arith.constant 13 : index
    %swap3A_559 = arith.constant 0 : index
    %swap3A_560 = arith.constant 0 : index
    %swap3A_561 = vector.load %arg6[%swap3A_558, %swap3A_559, %swap3A_560] : memref<32x128x100xf32, #tpu.memory_space<vmem>>, vector<1x128x100xf32>
    %swap3A_562 = vector.shape_cast %swap3A_561 : vector<1x128x100xf32> to vector<128x100xf32>
    %swap3A_563 = vector.shape_cast %mul3A_557 : vector<128x100xf32> to vector<1x128x100xf32>
    tpu.vector_store %arg6[%swap3A_558, %swap3A_559, %swap3A_560], %swap3A_563 {strides = array<i32>} : memref<32x128x100xf32, #tpu.memory_space<vmem>>, vector<1x128x100xf32>,
    %mul3A_564 = arith.mulf %add3A_120, %mul3A_234 : vector<128x100xf32>
    %swap3A_565 = arith.constant 14 : index
    %swap3A_566 = arith.constant 0 : index
    %swap3A_567 = arith.constant 0 : index
    %swap3A_568 = vector.load %arg6[%swap3A_565, %swap3A_566, %swap3A_567] : memref<32x128x100xf32, #tpu.memory_space<vmem>>, vector<1x128x100xf32>
    %swap3A_569 = vector.shape_cast %swap3A_568 : vector<1x128x100xf32> to vector<128x100xf32>
    %swap3A_570 = vector.shape_cast %mul3A_564 : vector<128x100xf32> to vector<1x128x100xf32>
    tpu.vector_store %arg6[%swap3A_565, %swap3A_566, %swap3A_567], %swap3A_570 {strides = array<i32>} : memref<32x128x100xf32, #tpu.memory_space<vmem>>, vector<1x128x100xf32>,
    %mul3A_571 = arith.mulf %add3A_120, %mul3A_242 : vector<128x100xf32>
    %swap3A_572 = arith.constant 15 : index
    %swap3A_573 = arith.constant 0 : index
    %swap3A_574 = arith.constant 0 : index
    %swap3A_575 = vector.load %arg6[%swap3A_572, %swap3A_573, %swap3A_574] : memref<32x128x100xf32, #tpu.memory_space<vmem>>, vector<1x128x100xf32>
    %swap3A_576 = vector.shape_cast %swap3A_575 : vector<1x128x100xf32> to vector<128x100xf32>
    %swap3A_577 = vector.shape_cast %mul3A_571 : vector<128x100xf32> to vector<1x128x100xf32>
    tpu.vector_store %arg6[%swap3A_572, %swap3A_573, %swap3A_574], %swap3A_577 {strides = array<i32>} : memref<32x128x100xf32, #tpu.memory_space<vmem>>, vector<1x128x100xf32>,
    %mul3A_578 = arith.mulf %add3A_143, %add3A_152 : vector<128x100xf32>
    %swap3A_579 = arith.constant 16 : index
    %swap3A_580 = arith.constant 0 : index
    %swap3A_581 = arith.constant 0 : index
    %swap3A_582 = vector.load %arg6[%swap3A_579, %swap3A_580, %swap3A_581] : memref<32x128x100xf32, #tpu.memory_space<vmem>>, vector<1x128x100xf32>
    %swap3A_583 = vector.shape_cast %swap3A_582 : vector<1x128x100xf32> to vector<128x100xf32>
    %swap3A_584 = vector.shape_cast %mul3A_578 : vector<128x100xf32> to vector<1x128x100xf32>
    tpu.vector_store %arg6[%swap3A_579, %swap3A_580, %swap3A_581], %swap3A_584 {strides = array<i32>} : memref<32x128x100xf32, #tpu.memory_space<vmem>>, vector<1x128x100xf32>,
    %mul3A_585 = arith.mulf %add3A_143, %mul3A_155 : vector<128x100xf32>
    %swap3A_586 = arith.constant 17 : index
    %swap3A_587 = arith.constant 0 : index
    %swap3A_588 = arith.constant 0 : index
    %swap3A_589 = vector.load %arg6[%swap3A_586, %swap3A_587, %swap3A_588] : memref<32x128x100xf32, #tpu.memory_space<vmem>>, vector<1x128x100xf32>
    %swap3A_590 = vector.shape_cast %swap3A_589 : vector<1x128x100xf32> to vector<128x100xf32>
    %swap3A_591 = vector.shape_cast %mul3A_585 : vector<128x100xf32> to vector<1x128x100xf32>
    tpu.vector_store %arg6[%swap3A_586, %swap3A_587, %swap3A_588], %swap3A_591 {strides = array<i32>} : memref<32x128x100xf32, #tpu.memory_space<vmem>>, vector<1x128x100xf32>,
    %mul3A_592 = arith.mulf %add3A_143, %mul3A_158 : vector<128x100xf32>
    %swap3A_593 = arith.constant 18 : index
    %swap3A_594 = arith.constant 0 : index
    %swap3A_595 = arith.constant 0 : index
    %swap3A_596 = vector.load %arg6[%swap3A_593, %swap3A_594, %swap3A_595] : memref<32x128x100xf32, #tpu.memory_space<vmem>>, vector<1x128x100xf32>
    %swap3A_597 = vector.shape_cast %swap3A_596 : vector<1x128x100xf32> to vector<128x100xf32>
    %swap3A_598 = vector.shape_cast %mul3A_592 : vector<128x100xf32> to vector<1x128x100xf32>
    tpu.vector_store %arg6[%swap3A_593, %swap3A_594, %swap3A_595], %swap3A_598 {strides = array<i32>} : memref<32x128x100xf32, #tpu.memory_space<vmem>>, vector<1x128x100xf32>,
    %mul3A_599 = arith.mulf %add3A_143, %mul3A_161 : vector<128x100xf32>
    %swap3A_600 = arith.constant 19 : index
    %swap3A_601 = arith.constant 0 : index
    %swap3A_602 = arith.constant 0 : index
    %swap3A_603 = vector.load %arg6[%swap3A_600, %swap3A_601, %swap3A_602] : memref<32x128x100xf32, #tpu.memory_space<vmem>>, vector<1x128x100xf32>
    %swap3A_604 = vector.shape_cast %swap3A_603 : vector<1x128x100xf32> to vector<128x100xf32>
    %swap3A_605 = vector.shape_cast %mul3A_599 : vector<128x100xf32> to vector<1x128x100xf32>
    tpu.vector_store %arg6[%swap3A_600, %swap3A_601, %swap3A_602], %swap3A_605 {strides = array<i32>} : memref<32x128x100xf32, #tpu.memory_space<vmem>>, vector<1x128x100xf32>,
    %mul3A_606 = arith.mulf %add3A_143, %mul3A_165 : vector<128x100xf32>
    %swap3A_607 = arith.constant 20 : index
    %swap3A_608 = arith.constant 0 : index
    %swap3A_609 = arith.constant 0 : index
    %swap3A_610 = vector.load %arg6[%swap3A_607, %swap3A_608, %swap3A_609] : memref<32x128x100xf32, #tpu.memory_space<vmem>>, vector<1x128x100xf32>
    %swap3A_611 = vector.shape_cast %swap3A_610 : vector<1x128x100xf32> to vector<128x100xf32>
    %swap3A_612 = vector.shape_cast %mul3A_606 : vector<128x100xf32> to vector<1x128x100xf32>
    tpu.vector_store %arg6[%swap3A_607, %swap3A_608, %swap3A_609], %swap3A_612 {strides = array<i32>} : memref<32x128x100xf32, #tpu.memory_space<vmem>>, vector<1x128x100xf32>,
    %mul3A_613 = arith.mulf %add3A_143, %mul3A_169 : vector<128x100xf32>
    %swap3A_614 = arith.constant 21 : index
    %swap3A_615 = arith.constant 0 : index
    %swap3A_616 = arith.constant 0 : index
    %swap3A_617 = vector.load %arg6[%swap3A_614, %swap3A_615, %swap3A_616] : memref<32x128x100xf32, #tpu.memory_space<vmem>>, vector<1x128x100xf32>
    %swap3A_618 = vector.shape_cast %swap3A_617 : vector<1x128x100xf32> to vector<128x100xf32>
    %swap3A_619 = vector.shape_cast %mul3A_613 : vector<128x100xf32> to vector<1x128x100xf32>
    tpu.vector_store %arg6[%swap3A_614, %swap3A_615, %swap3A_616], %swap3A_619 {strides = array<i32>} : memref<32x128x100xf32, #tpu.memory_space<vmem>>, vector<1x128x100xf32>,
    %mul3A_620 = arith.mulf %add3A_143, %mul3A_178 : vector<128x100xf32>
    %swap3A_621 = arith.constant 22 : index
    %swap3A_622 = arith.constant 0 : index
    %swap3A_623 = arith.constant 0 : index
    %swap3A_624 = vector.load %arg6[%swap3A_621, %swap3A_622, %swap3A_623] : memref<32x128x100xf32, #tpu.memory_space<vmem>>, vector<1x128x100xf32>
    %swap3A_625 = vector.shape_cast %swap3A_624 : vector<1x128x100xf32> to vector<128x100xf32>
    %swap3A_626 = vector.shape_cast %mul3A_620 : vector<128x100xf32> to vector<1x128x100xf32>
    tpu.vector_store %arg6[%swap3A_621, %swap3A_622, %swap3A_623], %swap3A_626 {strides = array<i32>} : memref<32x128x100xf32, #tpu.memory_space<vmem>>, vector<1x128x100xf32>,
    %mul3A_627 = arith.mulf %add3A_143, %mul3A_182 : vector<128x100xf32>
    %swap3A_628 = arith.constant 23 : index
    %swap3A_629 = arith.constant 0 : index
    %swap3A_630 = arith.constant 0 : index
    %swap3A_631 = vector.load %arg6[%swap3A_628, %swap3A_629, %swap3A_630] : memref<32x128x100xf32, #tpu.memory_space<vmem>>, vector<1x128x100xf32>
    %swap3A_632 = vector.shape_cast %swap3A_631 : vector<1x128x100xf32> to vector<128x100xf32>
    %swap3A_633 = vector.shape_cast %mul3A_627 : vector<128x100xf32> to vector<1x128x100xf32>
    tpu.vector_store %arg6[%swap3A_628, %swap3A_629, %swap3A_630], %swap3A_633 {strides = array<i32>} : memref<32x128x100xf32, #tpu.memory_space<vmem>>, vector<1x128x100xf32>,
    %mul3A_634 = arith.mulf %add3A_143, %mul3A_186 : vector<128x100xf32>
    %swap3A_635 = arith.constant 24 : index
    %swap3A_636 = arith.constant 0 : index
    %swap3A_637 = arith.constant 0 : index
    %swap3A_638 = vector.load %arg6[%swap3A_635, %swap3A_636, %swap3A_637] : memref<32x128x100xf32, #tpu.memory_space<vmem>>, vector<1x128x100xf32>
    %swap3A_639 = vector.shape_cast %swap3A_638 : vector<1x128x100xf32> to vector<128x100xf32>
    %swap3A_640 = vector.shape_cast %mul3A_634 : vector<128x100xf32> to vector<1x128x100xf32>
    tpu.vector_store %arg6[%swap3A_635, %swap3A_636, %swap3A_637], %swap3A_640 {strides = array<i32>} : memref<32x128x100xf32, #tpu.memory_space<vmem>>, vector<1x128x100xf32>,
    %mul3A_641 = arith.mulf %add3A_143, %mul3A_194 : vector<128x100xf32>
    %swap3A_642 = arith.constant 25 : index
    %swap3A_643 = arith.constant 0 : index
    %swap3A_644 = arith.constant 0 : index
    %swap3A_645 = vector.load %arg6[%swap3A_642, %swap3A_643, %swap3A_644] : memref<32x128x100xf32, #tpu.memory_space<vmem>>, vector<1x128x100xf32>
    %swap3A_646 = vector.shape_cast %swap3A_645 : vector<1x128x100xf32> to vector<128x100xf32>
    %swap3A_647 = vector.shape_cast %mul3A_641 : vector<128x100xf32> to vector<1x128x100xf32>
    tpu.vector_store %arg6[%swap3A_642, %swap3A_643, %swap3A_644], %swap3A_647 {strides = array<i32>} : memref<32x128x100xf32, #tpu.memory_space<vmem>>, vector<1x128x100xf32>,
    %mul3A_648 = arith.mulf %add3A_143, %mul3A_199 : vector<128x100xf32>
    %swap3A_649 = arith.constant 26 : index
    %swap3A_650 = arith.constant 0 : index
    %swap3A_651 = arith.constant 0 : index
    %swap3A_652 = vector.load %arg6[%swap3A_649, %swap3A_650, %swap3A_651] : memref<32x128x100xf32, #tpu.memory_space<vmem>>, vector<1x128x100xf32>
    %swap3A_653 = vector.shape_cast %swap3A_652 : vector<1x128x100xf32> to vector<128x100xf32>
    %swap3A_654 = vector.shape_cast %mul3A_648 : vector<128x100xf32> to vector<1x128x100xf32>
    tpu.vector_store %arg6[%swap3A_649, %swap3A_650, %swap3A_651], %swap3A_654 {strides = array<i32>} : memref<32x128x100xf32, #tpu.memory_space<vmem>>, vector<1x128x100xf32>,
    %mul3A_655 = arith.mulf %add3A_143, %mul3A_209 : vector<128x100xf32>
    %swap3A_656 = arith.constant 27 : index
    %swap3A_657 = arith.constant 0 : index
    %swap3A_658 = arith.constant 0 : index
    %swap3A_659 = vector.load %arg6[%swap3A_656, %swap3A_657, %swap3A_658] : memref<32x128x100xf32, #tpu.memory_space<vmem>>, vector<1x128x100xf32>
    %swap3A_660 = vector.shape_cast %swap3A_659 : vector<1x128x100xf32> to vector<128x100xf32>
    %swap3A_661 = vector.shape_cast %mul3A_655 : vector<128x100xf32> to vector<1x128x100xf32>
    tpu.vector_store %arg6[%swap3A_656, %swap3A_657, %swap3A_658], %swap3A_661 {strides = array<i32>} : memref<32x128x100xf32, #tpu.memory_space<vmem>>, vector<1x128x100xf32>,
    %mul3A_662 = arith.mulf %add3A_143, %mul3A_219 : vector<128x100xf32>
    %swap3A_663 = arith.constant 28 : index
    %swap3A_664 = arith.constant 0 : index
    %swap3A_665 = arith.constant 0 : index
    %swap3A_666 = vector.load %arg6[%swap3A_663, %swap3A_664, %swap3A_665] : memref<32x128x100xf32, #tpu.memory_space<vmem>>, vector<1x128x100xf32>
    %swap3A_667 = vector.shape_cast %swap3A_666 : vector<1x128x100xf32> to vector<128x100xf32>
    %swap3A_668 = vector.shape_cast %mul3A_662 : vector<128x100xf32> to vector<1x128x100xf32>
    tpu.vector_store %arg6[%swap3A_663, %swap3A_664, %swap3A_665], %swap3A_668 {strides = array<i32>} : memref<32x128x100xf32, #tpu.memory_space<vmem>>, vector<1x128x100xf32>,
    %mul3A_669 = arith.mulf %add3A_143, %mul3A_229 : vector<128x100xf32>
    %swap3A_670 = arith.constant 29 : index
    %swap3A_671 = arith.constant 0 : index
    %swap3A_672 = arith.constant 0 : index
    %swap3A_673 = vector.load %arg6[%swap3A_670, %swap3A_671, %swap3A_672] : memref<32x128x100xf32, #tpu.memory_space<vmem>>, vector<1x128x100xf32>
    %swap3A_674 = vector.shape_cast %swap3A_673 : vector<1x128x100xf32> to vector<128x100xf32>
    %swap3A_675 = vector.shape_cast %mul3A_669 : vector<128x100xf32> to vector<1x128x100xf32>
    tpu.vector_store %arg6[%swap3A_670, %swap3A_671, %swap3A_672], %swap3A_675 {strides = array<i32>} : memref<32x128x100xf32, #tpu.memory_space<vmem>>, vector<1x128x100xf32>,
    %mul3A_676 = arith.mulf %add3A_143, %mul3A_234 : vector<128x100xf32>
    %swap3A_677 = arith.constant 30 : index
    %swap3A_678 = arith.constant 0 : index
    %swap3A_679 = arith.constant 0 : index
    %swap3A_680 = vector.load %arg6[%swap3A_677, %swap3A_678, %swap3A_679] : memref<32x128x100xf32, #tpu.memory_space<vmem>>, vector<1x128x100xf32>
    %swap3A_681 = vector.shape_cast %swap3A_680 : vector<1x128x100xf32> to vector<128x100xf32>
    %swap3A_682 = vector.shape_cast %mul3A_676 : vector<128x100xf32> to vector<1x128x100xf32>
    tpu.vector_store %arg6[%swap3A_677, %swap3A_678, %swap3A_679], %swap3A_682 {strides = array<i32>} : memref<32x128x100xf32, #tpu.memory_space<vmem>>, vector<1x128x100xf32>,
    %mul3A_683 = arith.mulf %add3A_143, %mul3A_242 : vector<128x100xf32>
    %swap3A_684 = arith.constant 31 : index
    %swap3A_685 = arith.constant 0 : index
    %swap3A_686 = arith.constant 0 : index
    %swap3A_687 = vector.load %arg6[%swap3A_684, %swap3A_685, %swap3A_686] : memref<32x128x100xf32, #tpu.memory_space<vmem>>, vector<1x128x100xf32>
    %swap3A_688 = vector.shape_cast %swap3A_687 : vector<1x128x100xf32> to vector<128x100xf32>
    %swap3A_689 = vector.shape_cast %mul3A_683 : vector<128x100xf32> to vector<1x128x100xf32>
    tpu.vector_store %arg6[%swap3A_684, %swap3A_685, %swap3A_686], %swap3A_689 {strides = array<i32>} : memref<32x128x100xf32, #tpu.memory_space<vmem>>, vector<1x128x100xf32>,
    return
  }
  func.func @transform_0(%arg0: i32) -> (i32, i32) {
    %c0_i32 = arith.constant 0 : i32
    %c0_i32_0 = arith.constant 0 : i32
    return %arg0, %c0_i32 : i32, i32
  }
  func.func @transform_1(%arg0: i32) -> (i32, i32) {
    %c0_i32 = arith.constant 0 : i32
    %c0_i32_0 = arith.constant 0 : i32
    return %arg0, %c0_i32 : i32, i32
  }
  func.func @transform_2(%arg0: i32) -> (i32, i32) {
    %c0_i32 = arith.constant 0 : i32
    %c0_i32_0 = arith.constant 0 : i32
    return %arg0, %c0_i32 : i32, i32
  }
  func.func @transform_3(%arg0: i32) -> (i32, i32) {
    %c0_i32 = arith.constant 0 : i32
    %c0_i32_0 = arith.constant 0 : i32
    %c0_i32_1 = arith.constant 0 : i32
    return %c0_i32, %c0_i32_0 : i32, i32
  }
  func.func @transform_4(%arg0: i32) -> (i32, i32, i32) {
    %c0_i32 = arith.constant 0 : i32
    %c0_i32_0 = arith.constant 0 : i32
    %c0_i32_1 = arith.constant 0 : i32
    return %c0_i32, %arg0, %c0_i32_0 : i32, i32, i32
  }
  func.func @transform_5(%arg0: i32) -> (i32, i32, i32) {
    %c0_i32 = arith.constant 0 : i32
    %c0_i32_0 = arith.constant 0 : i32
    %c0_i32_1 = arith.constant 0 : i32
    return %c0_i32, %arg0, %c0_i32_0 : i32, i32, i32
  }
}

module attributes {stable_mosaic.version = 14 : i64} {
  func.func @_node_kernel(%arg0: i32, %arg1: memref<200x128xf32, #tpu.memory_space<vmem>>, %arg2: memref<200x128xf32, #tpu.memory_space<vmem>>, %arg3: memref<200x1xi32, #tpu.memory_space<vmem>>, %arg4: memref<200x1xi32, #tpu.memory_space<vmem>>, %arg5: memref<1x1024xf32, #tpu.memory_space<vmem>>, %arg6: memref<1x1024xf32, #tpu.memory_space<vmem>>, %arg7: memref<128x256xf32, #tpu.memory_space<vmem>>, %arg8: memref<128x256xf32, #tpu.memory_space<vmem>>, %arg9: memref<16x256xf32, #tpu.memory_space<vmem>>, %arg10: memref<16x256xf32, #tpu.memory_space<vmem>>, %arg11: memref<4x1024x256xf32, #tpu.memory_space<vmem>>, %arg12: memref<4x256x256xf32, #tpu.memory_space<vmem>>, %arg13: memref<4x1x256xf32, #tpu.memory_space<vmem>>, %arg14: memref<1x128xf32, #tpu.memory_space<vmem>>) attributes {dimension_semantics = [#tpu.dimension_semantics<arbitrary>], iteration_bounds = array<i64: 50>, scalar_prefetch = 0 : i64, scratch_operands = 0 : i64, tpu.core_type = #tpu.core_type<tc>, window_params = [{transform_indices = @transform_0, window_bounds = array<i64: 200, 128>}, {transform_indices = @transform_1, window_bounds = array<i64: 200, 128>}, {transform_indices = @transform_2, window_bounds = array<i64: 200, 1>}, {transform_indices = @transform_3, window_bounds = array<i64: 200, 1>}, {pipeline_mode = #tpu.pipeline_mode<synchronous>, transform_indices = @transform_4, window_bounds = array<i64: 1, 1024>}, {pipeline_mode = #tpu.pipeline_mode<synchronous>, transform_indices = @transform_5, window_bounds = array<i64: 1, 1024>}, {pipeline_mode = #tpu.pipeline_mode<synchronous>, transform_indices = @transform_6, window_bounds = array<i64: 128, 256>}, {pipeline_mode = #tpu.pipeline_mode<synchronous>, transform_indices = @transform_7, window_bounds = array<i64: 128, 256>}, {pipeline_mode = #tpu.pipeline_mode<synchronous>, transform_indices = @transform_8, window_bounds = array<i64: 16, 256>}, {pipeline_mode = #tpu.pipeline_mode<synchronous>, transform_indices = @transform_9, window_bounds = array<i64: 16, 256>}, {pipeline_mode = #tpu.pipeline_mode<synchronous>, transform_indices = @transform_10, window_bounds = array<i64: 4, 1024, 256>}, {pipeline_mode = #tpu.pipeline_mode<synchronous>, transform_indices = @transform_11, window_bounds = array<i64: 4, 256, 256>}, {pipeline_mode = #tpu.pipeline_mode<synchronous>, transform_indices = @transform_12, window_bounds = array<i64: 4, 1, 256>}, {pipeline_mode = #tpu.pipeline_mode<synchronous>, transform_indices = @transform_13, window_bounds = array<i64: 1, 128>}]} {
    %eq3A = arith.constant 0 : i32
    %eq3A_0 = arith.cmpi eq, %arg0, %eq3A : i32
    %convert_element_type3A = arith.extui %eq3A_0 : i1 to i32
    %cond3A = arith.constant 0 : i32
    %cond3A_1 = arith.cmpi ne, %convert_element_type3A, %cond3A : i32
    scf.if %cond3A_1 {
      %broadcast_in_dim3A_461 = arith.constant 0.000000e+00 : f32
      %broadcast_in_dim3A_462 = vector.broadcast %broadcast_in_dim3A_461 : f32 to vector<1x128xf32>
      %swap3A_463 = arith.constant 0 : index
      %swap3A_464 = arith.constant 0 : index
      %swap3A_465 = vector.load %arg14[%swap3A_463, %swap3A_464] : memref<1x128xf32, #tpu.memory_space<vmem>>, vector<1x128xf32>
      tpu.vector_store %arg14[%swap3A_463, %swap3A_464], %broadcast_in_dim3A_462 {strides = array<i32>} : memref<1x128xf32, #tpu.memory_space<vmem>>, vector<1x128xf32>,
    } else {
    }
    %get3A = arith.constant 0 : index
    %get3A_2 = arith.constant 0 : index
    %get3A_3 = vector.load %arg1[%get3A, %get3A_2] : memref<200x128xf32, #tpu.memory_space<vmem>>, vector<200x128xf32>
    %get3A_4 = arith.constant 0 : index
    %get3A_5 = arith.constant 0 : index
    %get3A_6 = vector.load %arg2[%get3A_4, %get3A_5] : memref<200x128xf32, #tpu.memory_space<vmem>>, vector<200x128xf32>
    %get3A_7 = arith.constant 0 : index
    %get3A_8 = arith.constant 0 : index
    %get3A_9 = vector.load %arg7[%get3A_7, %get3A_8] : memref<128x256xf32, #tpu.memory_space<vmem>>, vector<128x256xf32>
    %dot_general3A = arith.constant dense<0.000000e+00> : vector<200x256xf32>
    %dot_general3A_10 = tpu.matmul %get3A_3, %get3A_9, %dot_general3A {dimension_numbers = #tpu.dot_dimension_numbers<[1], [0], [0], [1], [0, 0, 1, 1], [], []>, transpose_lhs_hint = false} : vector<200x128xf32>, vector<128x256xf32>, vector<200x256xf32> -> vector<200x256xf32>
    %get3A_11 = arith.constant 0 : index
    %get3A_12 = arith.constant 0 : index
    %get3A_13 = vector.load %arg8[%get3A_11, %get3A_12] : memref<128x256xf32, #tpu.memory_space<vmem>>, vector<128x256xf32>
    %dot_general3A_14 = arith.constant dense<0.000000e+00> : vector<200x256xf32>
    %dot_general3A_15 = tpu.matmul %get3A_6, %get3A_13, %dot_general3A_14 {dimension_numbers = #tpu.dot_dimension_numbers<[1], [0], [0], [1], [0, 0, 1, 1], [], []>, transpose_lhs_hint = false} : vector<200x128xf32>, vector<128x256xf32>, vector<200x256xf32> -> vector<200x256xf32>
    %add3A = arith.addf %dot_general3A_10, %dot_general3A_15 : vector<200x256xf32>
    %slice3A = vector.extract_strided_slice %add3A {offsets = [0, 0], sizes = [200, 16], strides = [1, 1]} : vector<200x256xf32> to vector<200x16xf32>
    %get3A_16 = arith.constant 0 : index
    %get3A_17 = arith.constant 0 : index
    %get3A_18 = vector.load %arg9[%get3A_16, %get3A_17] : memref<16x256xf32, #tpu.memory_space<vmem>>, vector<16x256xf32>
    %dot_general3A_19 = arith.constant dense<0.000000e+00> : vector<200x256xf32>
    %dot_general3A_20 = tpu.matmul %slice3A, %get3A_18, %dot_general3A_19 {dimension_numbers = #tpu.dot_dimension_numbers<[1], [0], [0], [1], [0, 0, 1, 1], [], []>, transpose_lhs_hint = false} : vector<200x16xf32>, vector<16x256xf32>, vector<200x256xf32> -> vector<200x256xf32>
    %get3A_21 = arith.constant 0 : index
    %get3A_22 = arith.constant 0 : index
    %get3A_23 = vector.load %arg10[%get3A_21, %get3A_22] : memref<16x256xf32, #tpu.memory_space<vmem>>, vector<16x256xf32>
    %dot_general3A_24 = arith.constant dense<0.000000e+00> : vector<200x256xf32>
    %dot_general3A_25 = tpu.matmul %slice3A, %get3A_23, %dot_general3A_24 {dimension_numbers = #tpu.dot_dimension_numbers<[1], [0], [0], [1], [0, 0, 1, 1], [], []>, transpose_lhs_hint = false} : vector<200x16xf32>, vector<16x256xf32>, vector<200x256xf32> -> vector<200x256xf32>
    %mul3A = arith.mulf %dot_general3A_20, %dot_general3A_25 : vector<200x256xf32>
    %mul3A_26 = arith.constant 1.000000e+00 : f32
    %mul3A_27 = vector.broadcast %mul3A_26 : f32 to vector<200x256xf32>
    %mul3A_28 = arith.mulf %mul3A, %mul3A_27 : vector<200x256xf32>
    %slice3A_29 = vector.extract_strided_slice %add3A {offsets = [0, 16], sizes = [200, 16], strides = [1, 1]} : vector<200x256xf32> to vector<200x16xf32>
    %get3A_30 = arith.constant 0 : index
    %get3A_31 = arith.constant 0 : index
    %get3A_32 = vector.load %arg9[%get3A_30, %get3A_31] : memref<16x256xf32, #tpu.memory_space<vmem>>, vector<16x256xf32>
    %dot_general3A_33 = arith.constant dense<0.000000e+00> : vector<200x256xf32>
    %dot_general3A_34 = tpu.matmul %slice3A_29, %get3A_32, %dot_general3A_33 {dimension_numbers = #tpu.dot_dimension_numbers<[1], [0], [0], [1], [0, 0, 1, 1], [], []>, transpose_lhs_hint = false} : vector<200x16xf32>, vector<16x256xf32>, vector<200x256xf32> -> vector<200x256xf32>
    %get3A_35 = arith.constant 0 : index
    %get3A_36 = arith.constant 0 : index
    %get3A_37 = vector.load %arg10[%get3A_35, %get3A_36] : memref<16x256xf32, #tpu.memory_space<vmem>>, vector<16x256xf32>
    %dot_general3A_38 = arith.constant dense<0.000000e+00> : vector<200x256xf32>
    %dot_general3A_39 = tpu.matmul %slice3A_29, %get3A_37, %dot_general3A_38 {dimension_numbers = #tpu.dot_dimension_numbers<[1], [0], [0], [1], [0, 0, 1, 1], [], []>, transpose_lhs_hint = false} : vector<200x16xf32>, vector<16x256xf32>, vector<200x256xf32> -> vector<200x256xf32>
    %mul3A_40 = arith.mulf %dot_general3A_34, %dot_general3A_39 : vector<200x256xf32>
    %slice3A_41 = vector.extract_strided_slice %add3A {offsets = [0, 32], sizes = [200, 16], strides = [1, 1]} : vector<200x256xf32> to vector<200x16xf32>
    %get3A_42 = arith.constant 0 : index
    %get3A_43 = arith.constant 0 : index
    %get3A_44 = vector.load %arg9[%get3A_42, %get3A_43] : memref<16x256xf32, #tpu.memory_space<vmem>>, vector<16x256xf32>
    %dot_general3A_45 = arith.constant dense<0.000000e+00> : vector<200x256xf32>
    %dot_general3A_46 = tpu.matmul %slice3A_41, %get3A_44, %dot_general3A_45 {dimension_numbers = #tpu.dot_dimension_numbers<[1], [0], [0], [1], [0, 0, 1, 1], [], []>, transpose_lhs_hint = false} : vector<200x16xf32>, vector<16x256xf32>, vector<200x256xf32> -> vector<200x256xf32>
    %get3A_47 = arith.constant 0 : index
    %get3A_48 = arith.constant 0 : index
    %get3A_49 = vector.load %arg10[%get3A_47, %get3A_48] : memref<16x256xf32, #tpu.memory_space<vmem>>, vector<16x256xf32>
    %dot_general3A_50 = arith.constant dense<0.000000e+00> : vector<200x256xf32>
    %dot_general3A_51 = tpu.matmul %slice3A_41, %get3A_49, %dot_general3A_50 {dimension_numbers = #tpu.dot_dimension_numbers<[1], [0], [0], [1], [0, 0, 1, 1], [], []>, transpose_lhs_hint = false} : vector<200x16xf32>, vector<16x256xf32>, vector<200x256xf32> -> vector<200x256xf32>
    %mul3A_52 = arith.mulf %dot_general3A_46, %dot_general3A_51 : vector<200x256xf32>
    %add3A_53 = arith.addf %mul3A_40, %mul3A_52 : vector<200x256xf32>
    %slice3A_54 = vector.extract_strided_slice %add3A {offsets = [0, 48], sizes = [200, 16], strides = [1, 1]} : vector<200x256xf32> to vector<200x16xf32>
    %get3A_55 = arith.constant 0 : index
    %get3A_56 = arith.constant 0 : index
    %get3A_57 = vector.load %arg9[%get3A_55, %get3A_56] : memref<16x256xf32, #tpu.memory_space<vmem>>, vector<16x256xf32>
    %dot_general3A_58 = arith.constant dense<0.000000e+00> : vector<200x256xf32>
    %dot_general3A_59 = tpu.matmul %slice3A_54, %get3A_57, %dot_general3A_58 {dimension_numbers = #tpu.dot_dimension_numbers<[1], [0], [0], [1], [0, 0, 1, 1], [], []>, transpose_lhs_hint = false} : vector<200x16xf32>, vector<16x256xf32>, vector<200x256xf32> -> vector<200x256xf32>
    %get3A_60 = arith.constant 0 : index
    %get3A_61 = arith.constant 0 : index
    %get3A_62 = vector.load %arg10[%get3A_60, %get3A_61] : memref<16x256xf32, #tpu.memory_space<vmem>>, vector<16x256xf32>
    %dot_general3A_63 = arith.constant dense<0.000000e+00> : vector<200x256xf32>
    %dot_general3A_64 = tpu.matmul %slice3A_54, %get3A_62, %dot_general3A_63 {dimension_numbers = #tpu.dot_dimension_numbers<[1], [0], [0], [1], [0, 0, 1, 1], [], []>, transpose_lhs_hint = false} : vector<200x16xf32>, vector<16x256xf32>, vector<200x256xf32> -> vector<200x256xf32>
    %mul3A_65 = arith.mulf %dot_general3A_59, %dot_general3A_64 : vector<200x256xf32>
    %add3A_66 = arith.addf %add3A_53, %mul3A_65 : vector<200x256xf32>
    %mul3A_67 = arith.constant 0.577350259 : f32
    %mul3A_68 = vector.broadcast %mul3A_67 : f32 to vector<200x256xf32>
    %mul3A_69 = arith.mulf %add3A_66, %mul3A_68 : vector<200x256xf32>
    %slice3A_70 = vector.extract_strided_slice %add3A {offsets = [0, 64], sizes = [200, 16], strides = [1, 1]} : vector<200x256xf32> to vector<200x16xf32>
    %get3A_71 = arith.constant 0 : index
    %get3A_72 = arith.constant 0 : index
    %get3A_73 = vector.load %arg9[%get3A_71, %get3A_72] : memref<16x256xf32, #tpu.memory_space<vmem>>, vector<16x256xf32>
    %dot_general3A_74 = arith.constant dense<0.000000e+00> : vector<200x256xf32>
    %dot_general3A_75 = tpu.matmul %slice3A_70, %get3A_73, %dot_general3A_74 {dimension_numbers = #tpu.dot_dimension_numbers<[1], [0], [0], [1], [0, 0, 1, 1], [], []>, transpose_lhs_hint = false} : vector<200x16xf32>, vector<16x256xf32>, vector<200x256xf32> -> vector<200x256xf32>
    %get3A_76 = arith.constant 0 : index
    %get3A_77 = arith.constant 0 : index
    %get3A_78 = vector.load %arg10[%get3A_76, %get3A_77] : memref<16x256xf32, #tpu.memory_space<vmem>>, vector<16x256xf32>
    %dot_general3A_79 = arith.constant dense<0.000000e+00> : vector<200x256xf32>
    %dot_general3A_80 = tpu.matmul %slice3A_70, %get3A_78, %dot_general3A_79 {dimension_numbers = #tpu.dot_dimension_numbers<[1], [0], [0], [1], [0, 0, 1, 1], [], []>, transpose_lhs_hint = false} : vector<200x16xf32>, vector<16x256xf32>, vector<200x256xf32> -> vector<200x256xf32>
    %mul3A_81 = arith.mulf %dot_general3A_75, %dot_general3A_80 : vector<200x256xf32>
    %slice3A_82 = vector.extract_strided_slice %add3A {offsets = [0, 80], sizes = [200, 16], strides = [1, 1]} : vector<200x256xf32> to vector<200x16xf32>
    %get3A_83 = arith.constant 0 : index
    %get3A_84 = arith.constant 0 : index
    %get3A_85 = vector.load %arg9[%get3A_83, %get3A_84] : memref<16x256xf32, #tpu.memory_space<vmem>>, vector<16x256xf32>
    %dot_general3A_86 = arith.constant dense<0.000000e+00> : vector<200x256xf32>
    %dot_general3A_87 = tpu.matmul %slice3A_82, %get3A_85, %dot_general3A_86 {dimension_numbers = #tpu.dot_dimension_numbers<[1], [0], [0], [1], [0, 0, 1, 1], [], []>, transpose_lhs_hint = false} : vector<200x16xf32>, vector<16x256xf32>, vector<200x256xf32> -> vector<200x256xf32>
    %get3A_88 = arith.constant 0 : index
    %get3A_89 = arith.constant 0 : index
    %get3A_90 = vector.load %arg10[%get3A_88, %get3A_89] : memref<16x256xf32, #tpu.memory_space<vmem>>, vector<16x256xf32>
    %dot_general3A_91 = arith.constant dense<0.000000e+00> : vector<200x256xf32>
    %dot_general3A_92 = tpu.matmul %slice3A_82, %get3A_90, %dot_general3A_91 {dimension_numbers = #tpu.dot_dimension_numbers<[1], [0], [0], [1], [0, 0, 1, 1], [], []>, transpose_lhs_hint = false} : vector<200x16xf32>, vector<16x256xf32>, vector<200x256xf32> -> vector<200x256xf32>
    %mul3A_93 = arith.mulf %dot_general3A_87, %dot_general3A_92 : vector<200x256xf32>
    %add3A_94 = arith.addf %mul3A_81, %mul3A_93 : vector<200x256xf32>
    %slice3A_95 = vector.extract_strided_slice %add3A {offsets = [0, 96], sizes = [200, 16], strides = [1, 1]} : vector<200x256xf32> to vector<200x16xf32>
    %get3A_96 = arith.constant 0 : index
    %get3A_97 = arith.constant 0 : index
    %get3A_98 = vector.load %arg9[%get3A_96, %get3A_97] : memref<16x256xf32, #tpu.memory_space<vmem>>, vector<16x256xf32>
    %dot_general3A_99 = arith.constant dense<0.000000e+00> : vector<200x256xf32>
    %dot_general3A_100 = tpu.matmul %slice3A_95, %get3A_98, %dot_general3A_99 {dimension_numbers = #tpu.dot_dimension_numbers<[1], [0], [0], [1], [0, 0, 1, 1], [], []>, transpose_lhs_hint = false} : vector<200x16xf32>, vector<16x256xf32>, vector<200x256xf32> -> vector<200x256xf32>
    %get3A_101 = arith.constant 0 : index
    %get3A_102 = arith.constant 0 : index
    %get3A_103 = vector.load %arg10[%get3A_101, %get3A_102] : memref<16x256xf32, #tpu.memory_space<vmem>>, vector<16x256xf32>
    %dot_general3A_104 = arith.constant dense<0.000000e+00> : vector<200x256xf32>
    %dot_general3A_105 = tpu.matmul %slice3A_95, %get3A_103, %dot_general3A_104 {dimension_numbers = #tpu.dot_dimension_numbers<[1], [0], [0], [1], [0, 0, 1, 1], [], []>, transpose_lhs_hint = false} : vector<200x16xf32>, vector<16x256xf32>, vector<200x256xf32> -> vector<200x256xf32>
    %mul3A_106 = arith.mulf %dot_general3A_100, %dot_general3A_105 : vector<200x256xf32>
    %add3A_107 = arith.addf %add3A_94, %mul3A_106 : vector<200x256xf32>
    %slice3A_108 = vector.extract_strided_slice %add3A {offsets = [0, 112], sizes = [200, 16], strides = [1, 1]} : vector<200x256xf32> to vector<200x16xf32>
    %get3A_109 = arith.constant 0 : index
    %get3A_110 = arith.constant 0 : index
    %get3A_111 = vector.load %arg9[%get3A_109, %get3A_110] : memref<16x256xf32, #tpu.memory_space<vmem>>, vector<16x256xf32>
    %dot_general3A_112 = arith.constant dense<0.000000e+00> : vector<200x256xf32>
    %dot_general3A_113 = tpu.matmul %slice3A_108, %get3A_111, %dot_general3A_112 {dimension_numbers = #tpu.dot_dimension_numbers<[1], [0], [0], [1], [0, 0, 1, 1], [], []>, transpose_lhs_hint = false} : vector<200x16xf32>, vector<16x256xf32>, vector<200x256xf32> -> vector<200x256xf32>
    %get3A_114 = arith.constant 0 : index
    %get3A_115 = arith.constant 0 : index
    %get3A_116 = vector.load %arg10[%get3A_114, %get3A_115] : memref<16x256xf32, #tpu.memory_space<vmem>>, vector<16x256xf32>
    %dot_general3A_117 = arith.constant dense<0.000000e+00> : vector<200x256xf32>
    %dot_general3A_118 = tpu.matmul %slice3A_108, %get3A_116, %dot_general3A_117 {dimension_numbers = #tpu.dot_dimension_numbers<[1], [0], [0], [1], [0, 0, 1, 1], [], []>, transpose_lhs_hint = false} : vector<200x16xf32>, vector<16x256xf32>, vector<200x256xf32> -> vector<200x256xf32>
    %mul3A_119 = arith.mulf %dot_general3A_113, %dot_general3A_118 : vector<200x256xf32>
    %add3A_120 = arith.addf %add3A_107, %mul3A_119 : vector<200x256xf32>
    %slice3A_121 = vector.extract_strided_slice %add3A {offsets = [0, 128], sizes = [200, 16], strides = [1, 1]} : vector<200x256xf32> to vector<200x16xf32>
    %get3A_122 = arith.constant 0 : index
    %get3A_123 = arith.constant 0 : index
    %get3A_124 = vector.load %arg9[%get3A_122, %get3A_123] : memref<16x256xf32, #tpu.memory_space<vmem>>, vector<16x256xf32>
    %dot_general3A_125 = arith.constant dense<0.000000e+00> : vector<200x256xf32>
    %dot_general3A_126 = tpu.matmul %slice3A_121, %get3A_124, %dot_general3A_125 {dimension_numbers = #tpu.dot_dimension_numbers<[1], [0], [0], [1], [0, 0, 1, 1], [], []>, transpose_lhs_hint = false} : vector<200x16xf32>, vector<16x256xf32>, vector<200x256xf32> -> vector<200x256xf32>
    %get3A_127 = arith.constant 0 : index
    %get3A_128 = arith.constant 0 : index
    %get3A_129 = vector.load %arg10[%get3A_127, %get3A_128] : memref<16x256xf32, #tpu.memory_space<vmem>>, vector<16x256xf32>
    %dot_general3A_130 = arith.constant dense<0.000000e+00> : vector<200x256xf32>
    %dot_general3A_131 = tpu.matmul %slice3A_121, %get3A_129, %dot_general3A_130 {dimension_numbers = #tpu.dot_dimension_numbers<[1], [0], [0], [1], [0, 0, 1, 1], [], []>, transpose_lhs_hint = false} : vector<200x16xf32>, vector<16x256xf32>, vector<200x256xf32> -> vector<200x256xf32>
    %mul3A_132 = arith.mulf %dot_general3A_126, %dot_general3A_131 : vector<200x256xf32>
    %add3A_133 = arith.addf %add3A_120, %mul3A_132 : vector<200x256xf32>
    %mul3A_134 = arith.constant 0.44721359 : f32
    %mul3A_135 = vector.broadcast %mul3A_134 : f32 to vector<200x256xf32>
    %mul3A_136 = arith.mulf %add3A_133, %mul3A_135 : vector<200x256xf32>
    %slice3A_137 = vector.extract_strided_slice %add3A {offsets = [0, 144], sizes = [200, 16], strides = [1, 1]} : vector<200x256xf32> to vector<200x16xf32>
    %get3A_138 = arith.constant 0 : index
    %get3A_139 = arith.constant 0 : index
    %get3A_140 = vector.load %arg9[%get3A_138, %get3A_139] : memref<16x256xf32, #tpu.memory_space<vmem>>, vector<16x256xf32>
    %dot_general3A_141 = arith.constant dense<0.000000e+00> : vector<200x256xf32>
    %dot_general3A_142 = tpu.matmul %slice3A_137, %get3A_140, %dot_general3A_141 {dimension_numbers = #tpu.dot_dimension_numbers<[1], [0], [0], [1], [0, 0, 1, 1], [], []>, transpose_lhs_hint = false} : vector<200x16xf32>, vector<16x256xf32>, vector<200x256xf32> -> vector<200x256xf32>
    %get3A_143 = arith.constant 0 : index
    %get3A_144 = arith.constant 0 : index
    %get3A_145 = vector.load %arg10[%get3A_143, %get3A_144] : memref<16x256xf32, #tpu.memory_space<vmem>>, vector<16x256xf32>
    %dot_general3A_146 = arith.constant dense<0.000000e+00> : vector<200x256xf32>
    %dot_general3A_147 = tpu.matmul %slice3A_137, %get3A_145, %dot_general3A_146 {dimension_numbers = #tpu.dot_dimension_numbers<[1], [0], [0], [1], [0, 0, 1, 1], [], []>, transpose_lhs_hint = false} : vector<200x16xf32>, vector<16x256xf32>, vector<200x256xf32> -> vector<200x256xf32>
    %mul3A_148 = arith.mulf %dot_general3A_142, %dot_general3A_147 : vector<200x256xf32>
    %slice3A_149 = vector.extract_strided_slice %add3A {offsets = [0, 160], sizes = [200, 16], strides = [1, 1]} : vector<200x256xf32> to vector<200x16xf32>
    %get3A_150 = arith.constant 0 : index
    %get3A_151 = arith.constant 0 : index
    %get3A_152 = vector.load %arg9[%get3A_150, %get3A_151] : memref<16x256xf32, #tpu.memory_space<vmem>>, vector<16x256xf32>
    %dot_general3A_153 = arith.constant dense<0.000000e+00> : vector<200x256xf32>
    %dot_general3A_154 = tpu.matmul %slice3A_149, %get3A_152, %dot_general3A_153 {dimension_numbers = #tpu.dot_dimension_numbers<[1], [0], [0], [1], [0, 0, 1, 1], [], []>, transpose_lhs_hint = false} : vector<200x16xf32>, vector<16x256xf32>, vector<200x256xf32> -> vector<200x256xf32>
    %get3A_155 = arith.constant 0 : index
    %get3A_156 = arith.constant 0 : index
    %get3A_157 = vector.load %arg10[%get3A_155, %get3A_156] : memref<16x256xf32, #tpu.memory_space<vmem>>, vector<16x256xf32>
    %dot_general3A_158 = arith.constant dense<0.000000e+00> : vector<200x256xf32>
    %dot_general3A_159 = tpu.matmul %slice3A_149, %get3A_157, %dot_general3A_158 {dimension_numbers = #tpu.dot_dimension_numbers<[1], [0], [0], [1], [0, 0, 1, 1], [], []>, transpose_lhs_hint = false} : vector<200x16xf32>, vector<16x256xf32>, vector<200x256xf32> -> vector<200x256xf32>
    %mul3A_160 = arith.mulf %dot_general3A_154, %dot_general3A_159 : vector<200x256xf32>
    %add3A_161 = arith.addf %mul3A_148, %mul3A_160 : vector<200x256xf32>
    %slice3A_162 = vector.extract_strided_slice %add3A {offsets = [0, 176], sizes = [200, 16], strides = [1, 1]} : vector<200x256xf32> to vector<200x16xf32>
    %get3A_163 = arith.constant 0 : index
    %get3A_164 = arith.constant 0 : index
    %get3A_165 = vector.load %arg9[%get3A_163, %get3A_164] : memref<16x256xf32, #tpu.memory_space<vmem>>, vector<16x256xf32>
    %dot_general3A_166 = arith.constant dense<0.000000e+00> : vector<200x256xf32>
    %dot_general3A_167 = tpu.matmul %slice3A_162, %get3A_165, %dot_general3A_166 {dimension_numbers = #tpu.dot_dimension_numbers<[1], [0], [0], [1], [0, 0, 1, 1], [], []>, transpose_lhs_hint = false} : vector<200x16xf32>, vector<16x256xf32>, vector<200x256xf32> -> vector<200x256xf32>
    %get3A_168 = arith.constant 0 : index
    %get3A_169 = arith.constant 0 : index
    %get3A_170 = vector.load %arg10[%get3A_168, %get3A_169] : memref<16x256xf32, #tpu.memory_space<vmem>>, vector<16x256xf32>
    %dot_general3A_171 = arith.constant dense<0.000000e+00> : vector<200x256xf32>
    %dot_general3A_172 = tpu.matmul %slice3A_162, %get3A_170, %dot_general3A_171 {dimension_numbers = #tpu.dot_dimension_numbers<[1], [0], [0], [1], [0, 0, 1, 1], [], []>, transpose_lhs_hint = false} : vector<200x16xf32>, vector<16x256xf32>, vector<200x256xf32> -> vector<200x256xf32>
    %mul3A_173 = arith.mulf %dot_general3A_167, %dot_general3A_172 : vector<200x256xf32>
    %add3A_174 = arith.addf %add3A_161, %mul3A_173 : vector<200x256xf32>
    %slice3A_175 = vector.extract_strided_slice %add3A {offsets = [0, 192], sizes = [200, 16], strides = [1, 1]} : vector<200x256xf32> to vector<200x16xf32>
    %get3A_176 = arith.constant 0 : index
    %get3A_177 = arith.constant 0 : index
    %get3A_178 = vector.load %arg9[%get3A_176, %get3A_177] : memref<16x256xf32, #tpu.memory_space<vmem>>, vector<16x256xf32>
    %dot_general3A_179 = arith.constant dense<0.000000e+00> : vector<200x256xf32>
    %dot_general3A_180 = tpu.matmul %slice3A_175, %get3A_178, %dot_general3A_179 {dimension_numbers = #tpu.dot_dimension_numbers<[1], [0], [0], [1], [0, 0, 1, 1], [], []>, transpose_lhs_hint = false} : vector<200x16xf32>, vector<16x256xf32>, vector<200x256xf32> -> vector<200x256xf32>
    %get3A_181 = arith.constant 0 : index
    %get3A_182 = arith.constant 0 : index
    %get3A_183 = vector.load %arg10[%get3A_181, %get3A_182] : memref<16x256xf32, #tpu.memory_space<vmem>>, vector<16x256xf32>
    %dot_general3A_184 = arith.constant dense<0.000000e+00> : vector<200x256xf32>
    %dot_general3A_185 = tpu.matmul %slice3A_175, %get3A_183, %dot_general3A_184 {dimension_numbers = #tpu.dot_dimension_numbers<[1], [0], [0], [1], [0, 0, 1, 1], [], []>, transpose_lhs_hint = false} : vector<200x16xf32>, vector<16x256xf32>, vector<200x256xf32> -> vector<200x256xf32>
    %mul3A_186 = arith.mulf %dot_general3A_180, %dot_general3A_185 : vector<200x256xf32>
    %add3A_187 = arith.addf %add3A_174, %mul3A_186 : vector<200x256xf32>
    %slice3A_188 = vector.extract_strided_slice %add3A {offsets = [0, 208], sizes = [200, 16], strides = [1, 1]} : vector<200x256xf32> to vector<200x16xf32>
    %get3A_189 = arith.constant 0 : index
    %get3A_190 = arith.constant 0 : index
    %get3A_191 = vector.load %arg9[%get3A_189, %get3A_190] : memref<16x256xf32, #tpu.memory_space<vmem>>, vector<16x256xf32>
    %dot_general3A_192 = arith.constant dense<0.000000e+00> : vector<200x256xf32>
    %dot_general3A_193 = tpu.matmul %slice3A_188, %get3A_191, %dot_general3A_192 {dimension_numbers = #tpu.dot_dimension_numbers<[1], [0], [0], [1], [0, 0, 1, 1], [], []>, transpose_lhs_hint = false} : vector<200x16xf32>, vector<16x256xf32>, vector<200x256xf32> -> vector<200x256xf32>
    %get3A_194 = arith.constant 0 : index
    %get3A_195 = arith.constant 0 : index
    %get3A_196 = vector.load %arg10[%get3A_194, %get3A_195] : memref<16x256xf32, #tpu.memory_space<vmem>>, vector<16x256xf32>
    %dot_general3A_197 = arith.constant dense<0.000000e+00> : vector<200x256xf32>
    %dot_general3A_198 = tpu.matmul %slice3A_188, %get3A_196, %dot_general3A_197 {dimension_numbers = #tpu.dot_dimension_numbers<[1], [0], [0], [1], [0, 0, 1, 1], [], []>, transpose_lhs_hint = false} : vector<200x16xf32>, vector<16x256xf32>, vector<200x256xf32> -> vector<200x256xf32>
    %mul3A_199 = arith.mulf %dot_general3A_193, %dot_general3A_198 : vector<200x256xf32>
    %add3A_200 = arith.addf %add3A_187, %mul3A_199 : vector<200x256xf32>
    %slice3A_201 = vector.extract_strided_slice %add3A {offsets = [0, 224], sizes = [200, 16], strides = [1, 1]} : vector<200x256xf32> to vector<200x16xf32>
    %get3A_202 = arith.constant 0 : index
    %get3A_203 = arith.constant 0 : index
    %get3A_204 = vector.load %arg9[%get3A_202, %get3A_203] : memref<16x256xf32, #tpu.memory_space<vmem>>, vector<16x256xf32>
    %dot_general3A_205 = arith.constant dense<0.000000e+00> : vector<200x256xf32>
    %dot_general3A_206 = tpu.matmul %slice3A_201, %get3A_204, %dot_general3A_205 {dimension_numbers = #tpu.dot_dimension_numbers<[1], [0], [0], [1], [0, 0, 1, 1], [], []>, transpose_lhs_hint = false} : vector<200x16xf32>, vector<16x256xf32>, vector<200x256xf32> -> vector<200x256xf32>
    %get3A_207 = arith.constant 0 : index
    %get3A_208 = arith.constant 0 : index
    %get3A_209 = vector.load %arg10[%get3A_207, %get3A_208] : memref<16x256xf32, #tpu.memory_space<vmem>>, vector<16x256xf32>
    %dot_general3A_210 = arith.constant dense<0.000000e+00> : vector<200x256xf32>
    %dot_general3A_211 = tpu.matmul %slice3A_201, %get3A_209, %dot_general3A_210 {dimension_numbers = #tpu.dot_dimension_numbers<[1], [0], [0], [1], [0, 0, 1, 1], [], []>, transpose_lhs_hint = false} : vector<200x16xf32>, vector<16x256xf32>, vector<200x256xf32> -> vector<200x256xf32>
    %mul3A_212 = arith.mulf %dot_general3A_206, %dot_general3A_211 : vector<200x256xf32>
    %add3A_213 = arith.addf %add3A_200, %mul3A_212 : vector<200x256xf32>
    %slice3A_214 = vector.extract_strided_slice %add3A {offsets = [0, 240], sizes = [200, 16], strides = [1, 1]} : vector<200x256xf32> to vector<200x16xf32>
    %get3A_215 = arith.constant 0 : index
    %get3A_216 = arith.constant 0 : index
    %get3A_217 = vector.load %arg9[%get3A_215, %get3A_216] : memref<16x256xf32, #tpu.memory_space<vmem>>, vector<16x256xf32>
    %dot_general3A_218 = arith.constant dense<0.000000e+00> : vector<200x256xf32>
    %dot_general3A_219 = tpu.matmul %slice3A_214, %get3A_217, %dot_general3A_218 {dimension_numbers = #tpu.dot_dimension_numbers<[1], [0], [0], [1], [0, 0, 1, 1], [], []>, transpose_lhs_hint = false} : vector<200x16xf32>, vector<16x256xf32>, vector<200x256xf32> -> vector<200x256xf32>
    %get3A_220 = arith.constant 0 : index
    %get3A_221 = arith.constant 0 : index
    %get3A_222 = vector.load %arg10[%get3A_220, %get3A_221] : memref<16x256xf32, #tpu.memory_space<vmem>>, vector<16x256xf32>
    %dot_general3A_223 = arith.constant dense<0.000000e+00> : vector<200x256xf32>
    %dot_general3A_224 = tpu.matmul %slice3A_214, %get3A_222, %dot_general3A_223 {dimension_numbers = #tpu.dot_dimension_numbers<[1], [0], [0], [1], [0, 0, 1, 1], [], []>, transpose_lhs_hint = false} : vector<200x16xf32>, vector<16x256xf32>, vector<200x256xf32> -> vector<200x256xf32>
    %mul3A_225 = arith.mulf %dot_general3A_219, %dot_general3A_224 : vector<200x256xf32>
    %add3A_226 = arith.addf %add3A_213, %mul3A_225 : vector<200x256xf32>
    %mul3A_227 = arith.constant 0.377964467 : f32
    %mul3A_228 = vector.broadcast %mul3A_227 : f32 to vector<200x256xf32>
    %mul3A_229 = arith.mulf %add3A_226, %mul3A_228 : vector<200x256xf32>
    %concatenate3A = tpu.concatenate %mul3A_28, %mul3A_69, %mul3A_136, %mul3A_229 in 1 : vector<200x256xf32>, vector<200x256xf32>, vector<200x256xf32>, vector<200x256xf32> -> vector<200x1024xf32>
    %reduce_sum3A = arith.constant dense<0.000000e+00> : vector<200xf32>
    %reduce_sum3A_230 = vector.multi_reduction <add>, %concatenate3A, %reduce_sum3A [1] : vector<200x1024xf32> to vector<200xf32>
    %broadcast_in_dim3A = vector.shape_cast %reduce_sum3A_230 : vector<200xf32> to vector<200x1xf32>
    %div3A = arith.constant 1.024000e+03 : f32
    %div3A_231 = vector.broadcast %div3A : f32 to vector<200x1xf32>
    %div3A_232 = arith.divf %broadcast_in_dim3A, %div3A_231 : vector<200x1xf32>
    %sub3A = vector.broadcast %div3A_232 : vector<200x1xf32> to vector<200x1024xf32>
    %sub3A_233 = arith.subf %concatenate3A, %sub3A : vector<200x1024xf32>
    %mul3A_234 = arith.mulf %sub3A_233, %sub3A_233 : vector<200x1024xf32>
    %reduce_sum3A_235 = arith.constant dense<0.000000e+00> : vector<200xf32>
    %reduce_sum3A_236 = vector.multi_reduction <add>, %mul3A_234, %reduce_sum3A_235 [1] : vector<200x1024xf32> to vector<200xf32>
    %broadcast_in_dim3A_237 = vector.shape_cast %reduce_sum3A_236 : vector<200xf32> to vector<200x1xf32>
    %div3A_238 = arith.constant 1.024000e+03 : f32
    %div3A_239 = vector.broadcast %div3A_238 : f32 to vector<200x1xf32>
    %div3A_240 = arith.divf %broadcast_in_dim3A_237, %div3A_239 : vector<200x1xf32>
    %add3A_241 = arith.constant 9.99999974E-6 : f32
    %add3A_242 = vector.broadcast %add3A_241 : f32 to vector<200x1xf32>
    %add3A_243 = arith.addf %div3A_240, %add3A_242 : vector<200x1xf32>
    %rsqrt3A = math.rsqrt %add3A_243 : vector<200x1xf32>
    %mul3A_244 = vector.broadcast %rsqrt3A : vector<200x1xf32> to vector<200x1024xf32>
    %mul3A_245 = arith.mulf %sub3A_233, %mul3A_244 : vector<200x1024xf32>
    %get3A_246 = arith.constant 0 : index
    %get3A_247 = arith.constant 0 : index
    %get3A_248 = vector.load %arg5[%get3A_246, %get3A_247] : memref<1x1024xf32, #tpu.memory_space<vmem>>, vector<1x1024xf32>
    %mul3A_249 = vector.broadcast %get3A_248 : vector<1x1024xf32> to vector<200x1024xf32>
    %mul3A_250 = arith.mulf %mul3A_245, %mul3A_249 : vector<200x1024xf32>
    %get3A_251 = arith.constant 0 : index
    %get3A_252 = arith.constant 0 : index
    %get3A_253 = vector.load %arg6[%get3A_251, %get3A_252] : memref<1x1024xf32, #tpu.memory_space<vmem>>, vector<1x1024xf32>
    %add3A_254 = vector.broadcast %get3A_253 : vector<1x1024xf32> to vector<200x1024xf32>
    %add3A_255 = arith.addf %mul3A_250, %add3A_254 : vector<200x1024xf32>
    %get3A_256 = arith.constant 0 : index
    %get3A_257 = arith.constant 0 : index
    %get3A_258 = vector.load %arg3[%get3A_256, %get3A_257] : memref<200x1xi32, #tpu.memory_space<vmem>>, vector<200x1xi32>
    %broadcast_in_dim3A_259 = arith.constant 0.000000e+00 : f32
    %broadcast_in_dim3A_260 = vector.broadcast %broadcast_in_dim3A_259 : f32 to vector<200x1xf32>
    %get3A_261 = arith.constant 0 : index
    %get3A_262 = arith.constant 0 : index
    %get3A_263 = arith.constant 0 : index
    %get3A_264 = vector.load %arg11[%get3A_261, %get3A_262, %get3A_263] : memref<4x1024x256xf32, #tpu.memory_space<vmem>>, vector<1x1024x256xf32>
    %get3A_265 = vector.shape_cast %get3A_264 : vector<1x1024x256xf32> to vector<1024x256xf32>
    %dot_general3A_266 = arith.constant dense<0.000000e+00> : vector<200x256xf32>
    %dot_general3A_267 = tpu.matmul %add3A_255, %get3A_265, %dot_general3A_266 {dimension_numbers = #tpu.dot_dimension_numbers<[1], [0], [0], [1], [0, 0, 1, 1], [], []>, transpose_lhs_hint = false} : vector<200x1024xf32>, vector<1024x256xf32>, vector<200x256xf32> -> vector<200x256xf32>
    %logistic3A = arith.negf %dot_general3A_267 : vector<200x256xf32>
    %logistic3A_268 = math.exp %logistic3A : vector<200x256xf32>
    %logistic3A_269 = arith.constant 1.000000e+00 : f32
    %logistic3A_270 = vector.broadcast %logistic3A_269 : f32 to vector<200x256xf32>
    %logistic3A_271 = arith.addf %logistic3A_270, %logistic3A_268 : vector<200x256xf32>
    %logistic3A_272 = arith.divf %logistic3A_270, %logistic3A_271 : vector<200x256xf32>
    %mul3A_273 = arith.mulf %dot_general3A_267, %logistic3A_272 : vector<200x256xf32>
    %get3A_274 = arith.constant 0 : index
    %get3A_275 = arith.constant 0 : index
    %get3A_276 = arith.constant 0 : index
    %get3A_277 = vector.load %arg12[%get3A_274, %get3A_275, %get3A_276] : memref<4x256x256xf32, #tpu.memory_space<vmem>>, vector<1x256x256xf32>
    %get3A_278 = vector.shape_cast %get3A_277 : vector<1x256x256xf32> to vector<256x256xf32>
    %dot_general3A_279 = arith.constant dense<0.000000e+00> : vector<200x256xf32>
    %dot_general3A_280 = tpu.matmul %mul3A_273, %get3A_278, %dot_general3A_279 {dimension_numbers = #tpu.dot_dimension_numbers<[1], [0], [0], [1], [0, 0, 1, 1], [], []>, transpose_lhs_hint = false} : vector<200x256xf32>, vector<256x256xf32>, vector<200x256xf32> -> vector<200x256xf32>
    %logistic3A_281 = arith.negf %dot_general3A_280 : vector<200x256xf32>
    %logistic3A_282 = math.exp %logistic3A_281 : vector<200x256xf32>
    %logistic3A_283 = arith.constant 1.000000e+00 : f32
    %logistic3A_284 = vector.broadcast %logistic3A_283 : f32 to vector<200x256xf32>
    %logistic3A_285 = arith.addf %logistic3A_284, %logistic3A_282 : vector<200x256xf32>
    %logistic3A_286 = arith.divf %logistic3A_284, %logistic3A_285 : vector<200x256xf32>
    %mul3A_287 = arith.mulf %dot_general3A_280, %logistic3A_286 : vector<200x256xf32>
    %get3A_288 = arith.constant 0 : index
    %get3A_289 = arith.constant 0 : index
    %get3A_290 = arith.constant 0 : index
    %get3A_291 = vector.load %arg13[%get3A_288, %get3A_289, %get3A_290] : memref<4x1x256xf32, #tpu.memory_space<vmem>>, vector<1x1x256xf32>
    %get3A_292 = vector.shape_cast %get3A_291 : vector<1x1x256xf32> to vector<1x256xf32>
    %mul3A_293 = vector.broadcast %get3A_292 : vector<1x256xf32> to vector<200x256xf32>
    %mul3A_294 = arith.mulf %mul3A_287, %mul3A_293 : vector<200x256xf32>
    %reduce_sum3A_295 = arith.constant dense<0.000000e+00> : vector<200xf32>
    %reduce_sum3A_296 = vector.multi_reduction <add>, %mul3A_294, %reduce_sum3A_295 [1] : vector<200x256xf32> to vector<200xf32>
    %broadcast_in_dim3A_297 = vector.shape_cast %reduce_sum3A_296 : vector<200xf32> to vector<200x1xf32>
    %eq3A_298 = arith.constant 0 : i32
    %eq3A_299 = vector.broadcast %eq3A_298 : i32 to vector<200x1xi32>
    %eq3A_300 = arith.cmpi eq, %get3A_258, %eq3A_299 : vector<200x1xi32>
    %convert_element_type3A_301 = arith.extui %eq3A_300 : vector<200x1xi1> to vector<200x1xi32>
    %convert_element_type3A_302 = arith.sitofp %convert_element_type3A_301 : vector<200x1xi32> to vector<200x1xf32>
    %mul3A_303 = arith.mulf %convert_element_type3A_302, %broadcast_in_dim3A_297 : vector<200x1xf32>
    %add3A_304 = arith.addf %broadcast_in_dim3A_260, %mul3A_303 : vector<200x1xf32>
    %get3A_305 = arith.constant 1 : index
    %get3A_306 = arith.constant 0 : index
    %get3A_307 = arith.constant 0 : index
    %get3A_308 = vector.load %arg11[%get3A_305, %get3A_306, %get3A_307] : memref<4x1024x256xf32, #tpu.memory_space<vmem>>, vector<1x1024x256xf32>
    %get3A_309 = vector.shape_cast %get3A_308 : vector<1x1024x256xf32> to vector<1024x256xf32>
    %dot_general3A_310 = arith.constant dense<0.000000e+00> : vector<200x256xf32>
    %dot_general3A_311 = tpu.matmul %add3A_255, %get3A_309, %dot_general3A_310 {dimension_numbers = #tpu.dot_dimension_numbers<[1], [0], [0], [1], [0, 0, 1, 1], [], []>, transpose_lhs_hint = false} : vector<200x1024xf32>, vector<1024x256xf32>, vector<200x256xf32> -> vector<200x256xf32>
    %logistic3A_312 = arith.negf %dot_general3A_311 : vector<200x256xf32>
    %logistic3A_313 = math.exp %logistic3A_312 : vector<200x256xf32>
    %logistic3A_314 = arith.constant 1.000000e+00 : f32
    %logistic3A_315 = vector.broadcast %logistic3A_314 : f32 to vector<200x256xf32>
    %logistic3A_316 = arith.addf %logistic3A_315, %logistic3A_313 : vector<200x256xf32>
    %logistic3A_317 = arith.divf %logistic3A_315, %logistic3A_316 : vector<200x256xf32>
    %mul3A_318 = arith.mulf %dot_general3A_311, %logistic3A_317 : vector<200x256xf32>
    %get3A_319 = arith.constant 1 : index
    %get3A_320 = arith.constant 0 : index
    %get3A_321 = arith.constant 0 : index
    %get3A_322 = vector.load %arg12[%get3A_319, %get3A_320, %get3A_321] : memref<4x256x256xf32, #tpu.memory_space<vmem>>, vector<1x256x256xf32>
    %get3A_323 = vector.shape_cast %get3A_322 : vector<1x256x256xf32> to vector<256x256xf32>
    %dot_general3A_324 = arith.constant dense<0.000000e+00> : vector<200x256xf32>
    %dot_general3A_325 = tpu.matmul %mul3A_318, %get3A_323, %dot_general3A_324 {dimension_numbers = #tpu.dot_dimension_numbers<[1], [0], [0], [1], [0, 0, 1, 1], [], []>, transpose_lhs_hint = false} : vector<200x256xf32>, vector<256x256xf32>, vector<200x256xf32> -> vector<200x256xf32>
    %logistic3A_326 = arith.negf %dot_general3A_325 : vector<200x256xf32>
    %logistic3A_327 = math.exp %logistic3A_326 : vector<200x256xf32>
    %logistic3A_328 = arith.constant 1.000000e+00 : f32
    %logistic3A_329 = vector.broadcast %logistic3A_328 : f32 to vector<200x256xf32>
    %logistic3A_330 = arith.addf %logistic3A_329, %logistic3A_327 : vector<200x256xf32>
    %logistic3A_331 = arith.divf %logistic3A_329, %logistic3A_330 : vector<200x256xf32>
    %mul3A_332 = arith.mulf %dot_general3A_325, %logistic3A_331 : vector<200x256xf32>
    %get3A_333 = arith.constant 1 : index
    %get3A_334 = arith.constant 0 : index
    %get3A_335 = arith.constant 0 : index
    %get3A_336 = vector.load %arg13[%get3A_333, %get3A_334, %get3A_335] : memref<4x1x256xf32, #tpu.memory_space<vmem>>, vector<1x1x256xf32>
    %get3A_337 = vector.shape_cast %get3A_336 : vector<1x1x256xf32> to vector<1x256xf32>
    %mul3A_338 = vector.broadcast %get3A_337 : vector<1x256xf32> to vector<200x256xf32>
    %mul3A_339 = arith.mulf %mul3A_332, %mul3A_338 : vector<200x256xf32>
    %reduce_sum3A_340 = arith.constant dense<0.000000e+00> : vector<200xf32>
    %reduce_sum3A_341 = vector.multi_reduction <add>, %mul3A_339, %reduce_sum3A_340 [1] : vector<200x256xf32> to vector<200xf32>
    %broadcast_in_dim3A_342 = vector.shape_cast %reduce_sum3A_341 : vector<200xf32> to vector<200x1xf32>
    %eq3A_343 = arith.constant 1 : i32
    %eq3A_344 = vector.broadcast %eq3A_343 : i32 to vector<200x1xi32>
    %eq3A_345 = arith.cmpi eq, %get3A_258, %eq3A_344 : vector<200x1xi32>
    %convert_element_type3A_346 = arith.extui %eq3A_345 : vector<200x1xi1> to vector<200x1xi32>
    %convert_element_type3A_347 = arith.sitofp %convert_element_type3A_346 : vector<200x1xi32> to vector<200x1xf32>
    %mul3A_348 = arith.mulf %convert_element_type3A_347, %broadcast_in_dim3A_342 : vector<200x1xf32>
    %add3A_349 = arith.addf %add3A_304, %mul3A_348 : vector<200x1xf32>
    %get3A_350 = arith.constant 2 : index
    %get3A_351 = arith.constant 0 : index
    %get3A_352 = arith.constant 0 : index
    %get3A_353 = vector.load %arg11[%get3A_350, %get3A_351, %get3A_352] : memref<4x1024x256xf32, #tpu.memory_space<vmem>>, vector<1x1024x256xf32>
    %get3A_354 = vector.shape_cast %get3A_353 : vector<1x1024x256xf32> to vector<1024x256xf32>
    %dot_general3A_355 = arith.constant dense<0.000000e+00> : vector<200x256xf32>
    %dot_general3A_356 = tpu.matmul %add3A_255, %get3A_354, %dot_general3A_355 {dimension_numbers = #tpu.dot_dimension_numbers<[1], [0], [0], [1], [0, 0, 1, 1], [], []>, transpose_lhs_hint = false} : vector<200x1024xf32>, vector<1024x256xf32>, vector<200x256xf32> -> vector<200x256xf32>
    %logistic3A_357 = arith.negf %dot_general3A_356 : vector<200x256xf32>
    %logistic3A_358 = math.exp %logistic3A_357 : vector<200x256xf32>
    %logistic3A_359 = arith.constant 1.000000e+00 : f32
    %logistic3A_360 = vector.broadcast %logistic3A_359 : f32 to vector<200x256xf32>
    %logistic3A_361 = arith.addf %logistic3A_360, %logistic3A_358 : vector<200x256xf32>
    %logistic3A_362 = arith.divf %logistic3A_360, %logistic3A_361 : vector<200x256xf32>
    %mul3A_363 = arith.mulf %dot_general3A_356, %logistic3A_362 : vector<200x256xf32>
    %get3A_364 = arith.constant 2 : index
    %get3A_365 = arith.constant 0 : index
    %get3A_366 = arith.constant 0 : index
    %get3A_367 = vector.load %arg12[%get3A_364, %get3A_365, %get3A_366] : memref<4x256x256xf32, #tpu.memory_space<vmem>>, vector<1x256x256xf32>
    %get3A_368 = vector.shape_cast %get3A_367 : vector<1x256x256xf32> to vector<256x256xf32>
    %dot_general3A_369 = arith.constant dense<0.000000e+00> : vector<200x256xf32>
    %dot_general3A_370 = tpu.matmul %mul3A_363, %get3A_368, %dot_general3A_369 {dimension_numbers = #tpu.dot_dimension_numbers<[1], [0], [0], [1], [0, 0, 1, 1], [], []>, transpose_lhs_hint = false} : vector<200x256xf32>, vector<256x256xf32>, vector<200x256xf32> -> vector<200x256xf32>
    %logistic3A_371 = arith.negf %dot_general3A_370 : vector<200x256xf32>
    %logistic3A_372 = math.exp %logistic3A_371 : vector<200x256xf32>
    %logistic3A_373 = arith.constant 1.000000e+00 : f32
    %logistic3A_374 = vector.broadcast %logistic3A_373 : f32 to vector<200x256xf32>
    %logistic3A_375 = arith.addf %logistic3A_374, %logistic3A_372 : vector<200x256xf32>
    %logistic3A_376 = arith.divf %logistic3A_374, %logistic3A_375 : vector<200x256xf32>
    %mul3A_377 = arith.mulf %dot_general3A_370, %logistic3A_376 : vector<200x256xf32>
    %get3A_378 = arith.constant 2 : index
    %get3A_379 = arith.constant 0 : index
    %get3A_380 = arith.constant 0 : index
    %get3A_381 = vector.load %arg13[%get3A_378, %get3A_379, %get3A_380] : memref<4x1x256xf32, #tpu.memory_space<vmem>>, vector<1x1x256xf32>
    %get3A_382 = vector.shape_cast %get3A_381 : vector<1x1x256xf32> to vector<1x256xf32>
    %mul3A_383 = vector.broadcast %get3A_382 : vector<1x256xf32> to vector<200x256xf32>
    %mul3A_384 = arith.mulf %mul3A_377, %mul3A_383 : vector<200x256xf32>
    %reduce_sum3A_385 = arith.constant dense<0.000000e+00> : vector<200xf32>
    %reduce_sum3A_386 = vector.multi_reduction <add>, %mul3A_384, %reduce_sum3A_385 [1] : vector<200x256xf32> to vector<200xf32>
    %broadcast_in_dim3A_387 = vector.shape_cast %reduce_sum3A_386 : vector<200xf32> to vector<200x1xf32>
    %eq3A_388 = arith.constant 2 : i32
    %eq3A_389 = vector.broadcast %eq3A_388 : i32 to vector<200x1xi32>
    %eq3A_390 = arith.cmpi eq, %get3A_258, %eq3A_389 : vector<200x1xi32>
    %convert_element_type3A_391 = arith.extui %eq3A_390 : vector<200x1xi1> to vector<200x1xi32>
    %convert_element_type3A_392 = arith.sitofp %convert_element_type3A_391 : vector<200x1xi32> to vector<200x1xf32>
    %mul3A_393 = arith.mulf %convert_element_type3A_392, %broadcast_in_dim3A_387 : vector<200x1xf32>
    %add3A_394 = arith.addf %add3A_349, %mul3A_393 : vector<200x1xf32>
    %get3A_395 = arith.constant 3 : index
    %get3A_396 = arith.constant 0 : index
    %get3A_397 = arith.constant 0 : index
    %get3A_398 = vector.load %arg11[%get3A_395, %get3A_396, %get3A_397] : memref<4x1024x256xf32, #tpu.memory_space<vmem>>, vector<1x1024x256xf32>
    %get3A_399 = vector.shape_cast %get3A_398 : vector<1x1024x256xf32> to vector<1024x256xf32>
    %dot_general3A_400 = arith.constant dense<0.000000e+00> : vector<200x256xf32>
    %dot_general3A_401 = tpu.matmul %add3A_255, %get3A_399, %dot_general3A_400 {dimension_numbers = #tpu.dot_dimension_numbers<[1], [0], [0], [1], [0, 0, 1, 1], [], []>, transpose_lhs_hint = false} : vector<200x1024xf32>, vector<1024x256xf32>, vector<200x256xf32> -> vector<200x256xf32>
    %logistic3A_402 = arith.negf %dot_general3A_401 : vector<200x256xf32>
    %logistic3A_403 = math.exp %logistic3A_402 : vector<200x256xf32>
    %logistic3A_404 = arith.constant 1.000000e+00 : f32
    %logistic3A_405 = vector.broadcast %logistic3A_404 : f32 to vector<200x256xf32>
    %logistic3A_406 = arith.addf %logistic3A_405, %logistic3A_403 : vector<200x256xf32>
    %logistic3A_407 = arith.divf %logistic3A_405, %logistic3A_406 : vector<200x256xf32>
    %mul3A_408 = arith.mulf %dot_general3A_401, %logistic3A_407 : vector<200x256xf32>
    %get3A_409 = arith.constant 3 : index
    %get3A_410 = arith.constant 0 : index
    %get3A_411 = arith.constant 0 : index
    %get3A_412 = vector.load %arg12[%get3A_409, %get3A_410, %get3A_411] : memref<4x256x256xf32, #tpu.memory_space<vmem>>, vector<1x256x256xf32>
    %get3A_413 = vector.shape_cast %get3A_412 : vector<1x256x256xf32> to vector<256x256xf32>
    %dot_general3A_414 = arith.constant dense<0.000000e+00> : vector<200x256xf32>
    %dot_general3A_415 = tpu.matmul %mul3A_408, %get3A_413, %dot_general3A_414 {dimension_numbers = #tpu.dot_dimension_numbers<[1], [0], [0], [1], [0, 0, 1, 1], [], []>, transpose_lhs_hint = false} : vector<200x256xf32>, vector<256x256xf32>, vector<200x256xf32> -> vector<200x256xf32>
    %logistic3A_416 = arith.negf %dot_general3A_415 : vector<200x256xf32>
    %logistic3A_417 = math.exp %logistic3A_416 : vector<200x256xf32>
    %logistic3A_418 = arith.constant 1.000000e+00 : f32
    %logistic3A_419 = vector.broadcast %logistic3A_418 : f32 to vector<200x256xf32>
    %logistic3A_420 = arith.addf %logistic3A_419, %logistic3A_417 : vector<200x256xf32>
    %logistic3A_421 = arith.divf %logistic3A_419, %logistic3A_420 : vector<200x256xf32>
    %mul3A_422 = arith.mulf %dot_general3A_415, %logistic3A_421 : vector<200x256xf32>
    %get3A_423 = arith.constant 3 : index
    %get3A_424 = arith.constant 0 : index
    %get3A_425 = arith.constant 0 : index
    %get3A_426 = vector.load %arg13[%get3A_423, %get3A_424, %get3A_425] : memref<4x1x256xf32, #tpu.memory_space<vmem>>, vector<1x1x256xf32>
    %get3A_427 = vector.shape_cast %get3A_426 : vector<1x1x256xf32> to vector<1x256xf32>
    %mul3A_428 = vector.broadcast %get3A_427 : vector<1x256xf32> to vector<200x256xf32>
    %mul3A_429 = arith.mulf %mul3A_422, %mul3A_428 : vector<200x256xf32>
    %reduce_sum3A_430 = arith.constant dense<0.000000e+00> : vector<200xf32>
    %reduce_sum3A_431 = vector.multi_reduction <add>, %mul3A_429, %reduce_sum3A_430 [1] : vector<200x256xf32> to vector<200xf32>
    %broadcast_in_dim3A_432 = vector.shape_cast %reduce_sum3A_431 : vector<200xf32> to vector<200x1xf32>
    %eq3A_433 = arith.constant 3 : i32
    %eq3A_434 = vector.broadcast %eq3A_433 : i32 to vector<200x1xi32>
    %eq3A_435 = arith.cmpi eq, %get3A_258, %eq3A_434 : vector<200x1xi32>
    %convert_element_type3A_436 = arith.extui %eq3A_435 : vector<200x1xi1> to vector<200x1xi32>
    %convert_element_type3A_437 = arith.sitofp %convert_element_type3A_436 : vector<200x1xi32> to vector<200x1xf32>
    %mul3A_438 = arith.mulf %convert_element_type3A_437, %broadcast_in_dim3A_432 : vector<200x1xf32>
    %add3A_439 = arith.addf %add3A_394, %mul3A_438 : vector<200x1xf32>
    %get3A_440 = arith.constant 0 : index
    %get3A_441 = arith.constant 0 : index
    %get3A_442 = vector.load %arg4[%get3A_440, %get3A_441] : memref<200x1xi32, #tpu.memory_space<vmem>>, vector<200x1xi32>
    %iota3A = tpu.iota {dimensions = array<i32: 1>} : vector<200x128xi32>
    %eq3A_443 = vector.broadcast %get3A_442 : vector<200x1xi32> to vector<200x128xi32>
    %eq3A_444 = arith.cmpi eq, %iota3A, %eq3A_443 : vector<200x128xi32>
    %convert_element_type3A_445 = arith.extui %eq3A_444 : vector<200x128xi1> to vector<200x128xi32>
    %convert_element_type3A_446 = arith.sitofp %convert_element_type3A_445 : vector<200x128xi32> to vector<200x128xf32>
    %mul3A_447 = vector.broadcast %add3A_439 : vector<200x1xf32> to vector<200x128xf32>
    %mul3A_448 = arith.mulf %convert_element_type3A_446, %mul3A_447 : vector<200x128xf32>
    %reduce_sum3A_449 = arith.constant dense<0.000000e+00> : vector<128xf32>
    %reduce_sum3A_450 = vector.multi_reduction <add>, %mul3A_448, %reduce_sum3A_449 [0] : vector<200x128xf32> to vector<128xf32>
    %broadcast_in_dim3A_451 = vector.shape_cast %reduce_sum3A_450 : vector<128xf32> to vector<1x128xf32>
    %get3A_452 = arith.constant 0 : index
    %get3A_453 = arith.constant 0 : index
    %get3A_454 = vector.load %arg14[%get3A_452, %get3A_453] : memref<1x128xf32, #tpu.memory_space<vmem>>, vector<1x128xf32>
    %mul3A_455 = arith.constant 5.000000e-01 : f32
    %mul3A_456 = vector.broadcast %mul3A_455 : f32 to vector<1x128xf32>
    %mul3A_457 = arith.mulf %mul3A_456, %broadcast_in_dim3A_451 : vector<1x128xf32>
    %add3A_458 = arith.addf %get3A_454, %mul3A_457 : vector<1x128xf32>
    %swap3A = arith.constant 0 : index
    %swap3A_459 = arith.constant 0 : index
    %swap3A_460 = vector.load %arg14[%swap3A, %swap3A_459] : memref<1x128xf32, #tpu.memory_space<vmem>>, vector<1x128xf32>
    tpu.vector_store %arg14[%swap3A, %swap3A_459], %add3A_458 {strides = array<i32>} : memref<1x128xf32, #tpu.memory_space<vmem>>, vector<1x128xf32>,
    return
  }
  func.func @transform_0(%arg0: i32) -> (i32, i32) {
    %c0_i32 = arith.constant 0 : i32
    %c0_i32_0 = arith.constant 0 : i32
    return %arg0, %c0_i32 : i32, i32
  }
  func.func @transform_1(%arg0: i32) -> (i32, i32) {
    %c0_i32 = arith.constant 0 : i32
    %c0_i32_0 = arith.constant 0 : i32
    return %arg0, %c0_i32 : i32, i32
  }
  func.func @transform_2(%arg0: i32) -> (i32, i32) {
    %c0_i32 = arith.constant 0 : i32
    %c0_i32_0 = arith.constant 0 : i32
    return %arg0, %c0_i32 : i32, i32
  }
  func.func @transform_3(%arg0: i32) -> (i32, i32) {
    %c0_i32 = arith.constant 0 : i32
    %c0_i32_0 = arith.constant 0 : i32
    return %arg0, %c0_i32 : i32, i32
  }
  func.func @transform_4(%arg0: i32) -> (i32, i32) {
    %c0_i32 = arith.constant 0 : i32
    %c0_i32_0 = arith.constant 0 : i32
    %c0_i32_1 = arith.constant 0 : i32
    return %c0_i32, %c0_i32_0 : i32, i32
  }
  func.func @transform_5(%arg0: i32) -> (i32, i32) {
    %c0_i32 = arith.constant 0 : i32
    %c0_i32_0 = arith.constant 0 : i32
    %c0_i32_1 = arith.constant 0 : i32
    return %c0_i32, %c0_i32_0 : i32, i32
  }
  func.func @transform_6(%arg0: i32) -> (i32, i32) {
    %c0_i32 = arith.constant 0 : i32
    %c0_i32_0 = arith.constant 0 : i32
    %c0_i32_1 = arith.constant 0 : i32
    return %c0_i32, %c0_i32_0 : i32, i32
  }
  func.func @transform_7(%arg0: i32) -> (i32, i32) {
    %c0_i32 = arith.constant 0 : i32
    %c0_i32_0 = arith.constant 0 : i32
    %c0_i32_1 = arith.constant 0 : i32
    return %c0_i32, %c0_i32_0 : i32, i32
  }
  func.func @transform_8(%arg0: i32) -> (i32, i32) {
    %c0_i32 = arith.constant 0 : i32
    %c0_i32_0 = arith.constant 0 : i32
    %c0_i32_1 = arith.constant 0 : i32
    return %c0_i32, %c0_i32_0 : i32, i32
  }
  func.func @transform_9(%arg0: i32) -> (i32, i32) {
    %c0_i32 = arith.constant 0 : i32
    %c0_i32_0 = arith.constant 0 : i32
    %c0_i32_1 = arith.constant 0 : i32
    return %c0_i32, %c0_i32_0 : i32, i32
  }
  func.func @transform_10(%arg0: i32) -> (i32, i32, i32) {
    %c0_i32 = arith.constant 0 : i32
    %c0_i32_0 = arith.constant 0 : i32
    %c0_i32_1 = arith.constant 0 : i32
    %c0_i32_2 = arith.constant 0 : i32
    return %c0_i32, %c0_i32_0, %c0_i32_1 : i32, i32, i32
  }
  func.func @transform_11(%arg0: i32) -> (i32, i32, i32) {
    %c0_i32 = arith.constant 0 : i32
    %c0_i32_0 = arith.constant 0 : i32
    %c0_i32_1 = arith.constant 0 : i32
    %c0_i32_2 = arith.constant 0 : i32
    return %c0_i32, %c0_i32_0, %c0_i32_1 : i32, i32, i32
  }
  func.func @transform_12(%arg0: i32) -> (i32, i32, i32) {
    %c0_i32 = arith.constant 0 : i32
    %c0_i32_0 = arith.constant 0 : i32
    %c0_i32_1 = arith.constant 0 : i32
    %c0_i32_2 = arith.constant 0 : i32
    return %c0_i32, %c0_i32_0, %c0_i32_1 : i32, i32, i32
  }
  func.func @transform_13(%arg0: i32) -> (i32, i32) {
    %c0_i32 = arith.constant 0 : i32
    %c0_i32_0 = arith.constant 0 : i32
    %c0_i32_1 = arith.constant 0 : i32
    return %c0_i32, %c0_i32_0 : i32, i32
  }
}

</mosaic_0001>

<sc_bundles>
// kernel: kernel.5.cloned.1.call-start
scs
__scs_entry_jumppad:
0x0: {  	(pc) =	sbr.rel $0x88, $3  }
0x1: {  	(tag) =	ssettag $0x0;
	lr =	simm.s32 $0x1  }
0x2: {  	[smem:$0x3F96] =	sst lr;
	_ =	strace $0xD0000000  }
0x3: {  	_ = 	snop  }
0x4: {  	_ = 	snop  }
0x5: {  	_ = 	snop  }
0x6: {  	_ = 	snop  }
0x7: {  	_ = 	snop  }
__scs_overlays_trampoline_lowered:
0x8: {  	[smem:$0x3FA5] =	sst s0  }
0x9: {  	[smem:$0x3FA6] =	sst s1  }
0xa: {  	[smem:$0x3FA7] =	sst s2  }
0xb: {  	[smem:$0x3FA8] =	sst s3  }
0xc: {  	[smem:$0x3FA9] =	sst s4  }
0xd: {  	[smem:$0x3FAA] =	sst s5  }
0xe: {  	[smem:$0x3FAB] =	sst s6  }
0xf: {  	[smem:$0x3FAC] =	sst s7  }
0x10: {  	[smem:$0x3FAD] =	sst s8  }
0x11: {  	[smem:$0x3FAE] =	sst s9;
	s0 =	simm.s32 @!p0 $0x0  }
0x12: {  	s1 =	sld [smem:$0x3F94];
	s0 =	simm.s32 @p0 $0x1  }
0x13: {  	[smem:$0x3FAF] =	sst s0;
	s0 =	simm.s32 @!p1 $0x0  }
0x14: {  	s2 =	sld [smem:$0x3F93];
	s0 =	simm.s32 @p1 $0x1  }
0x15: {  	[smem:$0x3FB0] =	sst s0;
	s0 =	simm.s32 @!p2 $0x0  }
0x16: {  	s3 =	sld [smem:$0x3FDB];
	s0 =	simm.s32 @p2 $0x1  }
0x17: {  	s4 =	simm.s32 $0x1BF5;
	[smem:$0x3FB2] =	sst s0  }
0x18: {  	s0 =	sld [smem:$0x3F95];
	_ =	swait.ge [sflag:s4], $0x0  }
0x19: {  	s7 =	sld [smem:$0x3F96]  }
0x1a: {  	s8 =	sadd.s32 $0xFFFFE003, lr  }
0x1b: {  	s9 =	sadd.s32 $0xFFFFFEF7, lr;
	s5 =	simm.s32 $0xFFFFFFFF;
	p2 =	slt.u32 s8, $0xFFFFF086  }
0x1c: {  	p1 =	slt.u32 s9, $0xF7A;
	s5 =	simm.s32 @!p2 $0x0  }
0x1d: {  	s5 =	simm.s32 @p1 $0x1;
	p0 =	seq.s32 s7, s2  }
0x1e: {  	s7 =	smul.u32 @!p0 $0xF7A, s2;
	p2 =	seq.s32 @!p0 s5, $0x0  }
0x1f: {  	s9 =	smul.u32 $0xF7A, s1;
	s8 =	simm.s32 @!p0 $0x1BF5;
	p2 =	por !p2, p0  }
0x20: {  	[sflag:s8] =	ssyncset.s32 @!p0 $0xFFFFF086;
	s6 =	sadd.s32 @!p0 s3, s7;
	s7 =	simm.s32 @!p0 $0x108  }
0x21: {  	s3 =	sadd.s32 s3, s9;
	s6 =	sadd.s32 @!p0 $0x88, s6;
	s7 =	simm.s32 @p2 $0x1082  }
0x22: {  	[simem:s7], [sflag:s8] =	dma.local @!p0 [hbm:s6], $0xF7A  }
0x23: {  	s9 =	sor.u32 $0xD0000000, s2;
	s6 =	simm.s32 $0x108;
	_ =	swait.ge @!p0 [sflag:s8], $0x0  }
0x24: {  	s3 =	sadd.s32 $0x88, s3;
	s6 =	simm.s32 @!p1 $0x1082;
	[sflag:s4] =	ssyncset.s32 $0xFFFFF086  }
0x25: {  	[simem:s6], [sflag:s4] =	dma.local [hbm:s3], $0xF7A  }
0x26: {  	[smem:$0x3F96] =	sst s1;
	(tag) =	ssettag s2;
	_ =	strace s9  }
0x27: {  	s1 =	sld [smem:$0x3FA6]  }
0x28: {  	s2 =	sld [smem:$0x3FA7]  }
0x29: {  	s4 =	sld [smem:$0x3FA9]  }
0x2a: {  	p0 =	seq.s32 s5, $0x0;
	s5 =	sld [smem:$0x3FAA]  }
0x2b: {  	s6 =	sld [smem:$0x3FAB]  }
0x2c: {  	s7 =	sld [smem:$0x3FAC]  }
0x2d: {  	s3 =	simm.s32 $0x108;
	s8 =	sld [smem:$0x3FAD]  }
0x2e: {  	s3 =	simm.s32 @!p0 $0x1082;
	s9 =	sld [smem:$0x3FAE]  }
0x2f: {  	lr =	sadd.s32 s0, s3;
	s0 =	sld [smem:$0x3FA5]  }
0x30: {  	s3 =	sld [smem:$0x3FA8]  }
0x31: {  	[smem:$0x3FB1] =	sst s10  }
0x32: {  	s10 =	sld [smem:$0x3FAF];
	_ =	sdelay $0x3  }
0x33: {  	p0 =	seq.s32 s10, $0x1;
	s10 =	sld [smem:$0x3FB1];
	_ =	sdelay $0x3  }
0x34: {  	[smem:$0x3FB1] =	sst s10  }
0x35: {  	s10 =	sld [smem:$0x3FB0];
	_ =	sdelay $0x3  }
0x36: {  	p1 =	seq.s32 s10, $0x1;
	s10 =	sld [smem:$0x3FB1];
	_ =	sdelay $0x3  }
0x37: {  	[smem:$0x3FB1] =	sst s10  }
0x38: {  	s10 =	sld [smem:$0x3FB2]  }
0x39: {  	_ = 	snop;
	(pc) =	sbr.ind lr, $3  }
0x3a: {  	_ = 	snop  }
0x3b: {  	_ = 	snop  }
0x3c: {  	p2 =	seq.s32 s10, $0x1;
	s10 =	sld [smem:$0x3FB1]  }
0x3d: {  	_ =	shalt  }
0x3e: {  	_ =	shalt  }
0x3f: {  	_ =	shalt  }
0x40: {  	_ =	shalt  }
0x41: {  	_ =	shalt  }
0x42: {  	_ =	shalt  }
0x43: {  	_ =	shalt  }
0x44: {  	_ =	shalt  }
0x45: {  	_ =	shalt  }
0x46: {  	_ =	shalt  }
0x47: {  	_ =	shalt  }
0x48: {  	_ =	shalt  }
0x49: {  	_ =	shalt  }
0x4a: {  	_ =	shalt  }
0x4b: {  	_ =	shalt  }
0x4c: {  	_ =	shalt  }
0x4d: {  	_ =	shalt  }
0x4e: {  	_ =	shalt  }
0x4f: {  	_ =	shalt  }
0x50: {  	_ =	shalt  }
0x51: {  	_ =	shalt  }
0x52: {  	_ =	shalt  }
0x53: {  	_ =	shalt  }
0x54: {  	_ =	shalt  }
0x55: {  	_ =	shalt  }
0x56: {  	_ =	shalt  }
0x57: {  	_ =	shalt  }
0x58: {  	_ =	shalt  }
0x59: {  	_ =	shalt  }
0x5a: {  	_ =	shalt  }
0x5b: {  	_ =	shalt  }
0x5c: {  	_ =	shalt  }
0x5d: {  	_ =	shalt  }
0x5e: {  	_ =	shalt  }
0x5f: {  	_ =	shalt  }
0x60: {  	_ =	shalt  }
0x61: {  	_ =	shalt  }
0x62: {  	_ =	shalt  }
0x63: {  	_ =	shalt  }
0x64: {  	_ =	shalt  }
0x65: {  	_ =	shalt  }
0x66: {  	_ =	shalt  }
0x67: {  	_ =	shalt  }
0x68: {  	_ =	shalt  }
0x69: {  	_ =	shalt  }
0x6a: {  	_ =	shalt  }
0x6b: {  	_ =	shalt  }
0x6c: {  	_ =	shalt  }
0x6d: {  	_ =	shalt  }
0x6e: {  	_ =	shalt  }
0x6f: {  	_ =	shalt  }
0x70: {  	_ =	shalt  }
0x71: {  	_ =	shalt  }
0x72: {  	_ =	shalt  }
0x73: {  	_ =	shalt  }
0x74: {  	_ =	shalt  }
0x75: {  	_ =	shalt  }
0x76: {  	_ =	shalt  }
0x77: {  	_ =	shalt  }
0x78: {  	_ =	shalt  }
0x79: {  	_ =	shalt  }
0x7a: {  	_ =	shalt  }
0x7b: {  	_ =	shalt  }
0x7c: {  	_ =	shalt  }
0x7d: {  	_ =	shalt  }
0x7e: {  	_ =	shalt  }
0x7f: {  	_ =	shalt  }
0x80: {  	_ =	shalt  }
0x81: {  	_ =	shalt  }
0x82: {  	_ =	shalt  }
0x83: {  	_ =	shalt  }
0x84: {  	_ =	shalt  }
0x85: {  	_ =	shalt  }
0x86: {  	_ =	shalt  }
0x87: {  	_ =	shalt  }
.Lfunc_end0:
.L_simem_size_0:
called_computation.4_lowered:
.L_overlay_start_0:
0x88: {  	s2 =	sld [smem:$0x3FD9]  }
0x89: {  	s3 =	sld [smem:$0x3FFE];
	_ =	sdelay $0x1  }
0x8a: {  	s1 =	srdreg.scid  }
0x8b: {  	s0 =	sand.u32 $0x1, s1  }
0x8c: {  	s17 =	sshll.u32 s0, $0xA;
	s2 =	sadd.s32 s3, s2  }
0x8d: {  	s2 =	sadd.s32 s2, s17  }
0x8e: {  	[smem:$0x3FBD] =	sst s2  }
0x8f: {  	_ = 	snop  }
0x90: {  	s2 =	sld [smem:$0x3FC8];
	(tm) =	ssettm $0x1  }
0x91: {  	s18 =	sld [smem:$0x3FFB];
	_ =	sdelay $0x3  }
0x92: {  	_ =	strace s18  }
0x93: {  	s3 =	sld [smem:$0x3FFC];
	_ =	sdelay $0x3  }
0x94: {  	_ =	strace s3  }
0x95: {  	s3 =	sld [smem:$0x3FFD];
	_ =	sdelay $0x3  }
0x96: {  	_ =	strace s3  }
0x97: {  	_ =	strace $0x8FFFFFFF  }
0x98: {  	s19 =	sld [smem:$0x3FDB];
	_ =	sdelay $0x1  }
0x99: {  	s4 =	simm.s32 $_scs_section_size  }
0x9a: {  	s5 =	simm.s32 $_size__tile_overlayer_lowered;
	s6 =	simm.s32 $_tile_overlayer_lowered  }
0x9b: {  	s22 =	simm.s32 $0x1BFF;
	s21 =	sshll.u32 s6, $0x1;
	s3 =	sadd.s32 s4, s19  }
0x9c: {  	s7 =	simm.s32 $0x0;
	s20 =	sshll.u32 s5, $0x1;
	s5 =	sadd.s32 s21, s3  }
0x9d: {  	[timem:s7], [sflag:s22] =	dma.local [hbm:s5], s20  }
0x9e: {  	_ =	swait.ge [sflag:s22], s20  }
0x9f: {  	s4 =	ssub.s32 $0x0, s20;
	[sflag:s22] =	ssyncset.done $0x0  }
0xa0: {  	[sflag:s22] =	ssyncadd.s32 s4;
	_ =	sdelay $0x1  }
0xa1: {  	s23 =	simm.s32 $0x1B8B  }
0xa2: {  	_ =	swait.ge [sflag:s23], $0x1  }
0xa3: {  	[sflag:s23] =	ssyncset.done $0x0  }
0xa4: {  	s25 =	simm.s32 $0x1B8E;
	s24 =	sld [smem:$0x3FFE];
	[sflag:s23] =	ssyncadd.s32 $0xFFFFFFFF  }
0xa5: {  	s26 =	simm.s32 $execute0_lowered;
	[smem:$0x3FD2] =	sst s25  }
0xa6: {  	s5 =	sshll.u32 s26, $0x1;
	_ =	strace $0x80000046;
	[dreg:$0x1] =	wrdreg $0xFFFFFFFF  }
0xa7: {  	s28 =	simm.s32 $_size_execute0_lowered;
	s3 =	sadd.s32 s3, s5;
	[dreg:$0x0] =	wrdreg $0x0  }
0xa8: {  	s5 =	sshll.u32 s28, $0x1;
	[dreg:$0x2] =	wrdreg s3  }
0xa9: {  	[dreg:$0x3] =	wrdreg s5  }
0xaa: {  	[dreg:$0x4] =	wrdreg $0xC0  }
0xab: {  	_ =	task [dreg:s7], $0x5FFFF  }
0xac: {  	[dreg:$0x1] =	wrdreg $0xFFFFFFFF  }
0xad: {  	[dreg:$0x0] =	wrdreg $0x60  }
0xae: {  	[dreg:$0x2] =	wrdreg s24  }
0xaf: {  	[dreg:$0x3] =	wrdreg s2  }
0xb0: {  	[dreg:$0x4] =	wrdreg $0x9  }
0xb1: {  	_ =	task.clear_ibuf [dreg:s7], $0x5FFFF;
	_ =	strace $0x90000046  }
0xb2: {  	s29 =	simm.s32 $0x9;
	_ =	strace $0x80000048  }
0xb3: {  	_ =	swait.ge [sflag:s29], $0x1  }
0xb4: {  	[sflag:s29] =	ssyncadd.s32 $0xFFFFFFFF  }
0xb5: {  	_ =	strace $0x90000048  }
0xb6: {  	_ =	sfence  }
0xb7: {  	s30 =	sld [smem:$0x0];
	_ =	sdelay $0x2  }
0xb8: {  	s31 =	sshll.u32 s1, $0xD;
	s1 =	sshrl.u32 s1, $0x2  }
0xb9: {  	s3 =	sand.u32 $0x4000, s31;
	s1 =	sadd.s32 s1, s30  }
0xba: {  	s0 =	sor.u32 s3, s0;
	s1 =	sshll.u32 s1, $0x11  }
0xbb: {  	s0 =	sor.u32 s1, s0  }
0xbc: {  	s0 =	sadd.s32 $0x8F2B, s0  }
0xbd: {  	[sflag:s0] =	ssyncadd.remote.s32 $0x1  }
0xbe: {  	_ =	sfence.sel $0xFFFF  }
0xbf: {  	[dreg:$0x0] =	wrdreg $0xFFFFFFFF;
	(pc) =	sbr.abs _section_cstart, $3  }
0xc0: {  	[dreg:$0x1] =	wrdreg $0xFFFFFFFF  }
0xc1: {  	_ =	task.clear_ibuf [dreg:s7], $0x2FFFF;
	_ =	strace $0x9FFFFFFF  }
0xc2: {  	(tm) =	ssettm $0x7FFFFFFF  }
0xc3: {  	_ =	shalt  }
tec
execute0_lowered:
.L_overlay_start_1:
0x0: {  	(tag) =	ssettag $0x1  }
0x1: {  	s0 =	rddreg [dreg:$0x0]  }
0x2: {  	s1 =	rddreg [dreg:$0x1]  }
0x3: {  	s3 =	simm.s32 $0x0;
	s2 =	srdreg.scid;
	s4 =	stileid.u32  }
0x4: {  	s14 =	simm.s32 $0x2;
	s15 =	simm.s32 $0x4000;
	s16 =	simm.s32 $0x50  }
0x5: {  	s20 =	simm.s32 $0xF680;
	s21 =	simm.s32 $0x11E00;
	s22 =	simm.s32 $0x14580  }
0x6: {  	s23 =	simm.s32 $0x16D00;
	s24 =	simm.s32 $0x1;
	s25 =	simm.s32 $0x0  }
0x7: {  	[smem:$0x7FF] =	sst s3;
	s2 =	sand.u32 $0x1, s2;
	s6 =	sshll.u32 s4, $0x1  }
0x8: {  	s4 =	sadd.s32 $0x1600, s0;
	s5 =	sadd.s32 $0x1000, s0;
	s6 =	sor.u32 s2, s6  }
0x9: {  	_ =	strace $0x80000047;
	s2 =	ssub.s32 $0x2, s2;
	s7 =	sshll.u32 s6, $0xB  }
0xa: {  	s8 =	smul.u32 $0x4E2, s6;
	s29 =	sshrl.u32 s2, $0x1;
	s9 =	sadd.s32 s7, s0  }
0xb: {  	s6 =	sadd.s32 $0xA00, s0;
	s2 =	ssub.s32 s2, s29;
	s30 =	sadd.s32 $0x11C00, s9  }
0xc: {  	s0 =	sadd.s32 s8, s0;
	s31 =	sadd.s32 $0x1C00, s9;
	[dreg:$0x3] =	wrdreg s30  }
0xd: {  	s13 =	smax.u32 s2, $0x1;
	[dreg:$0x4] =	wrdreg s31;
	s9 =	sadd.s32 $0x21C00, s0  }
0xe: {  	s10 =	sadd.s32 $0x2BA00, s0;
	s11 =	sadd.s32 $0x35800, s0;
	s12 =	sadd.s32 $0x3F600, s0  }
.LBB2_1:
0xf: {  	s0 =	rddreg [dreg:$0x3]  }
0x10: {  	[tilespmem:s3], [sflag:$0x2] =	stream.linear.gather [hbm4b:s0+s3], $0x3E80, $0x38;
	[tilespmem:$0x19480] =	vst v63  }
0x11: {  	_ =	swait.ge [sflag:s14], $0x3E80  }
0x12: {  	[sflag:s14] =	ssyncset.done $0x0  }
0x13: {  	s30 =	rddreg [dreg:$0x4];
	[sflag:s14] =	ssyncadd.s32 $0xFFFFC180  }
0x14: {  	[tilespmem:s15], [sflag:$0x2] =	stream.linear.gather [hbm4b:s30+s3], $0x3E80, $0x38;
	[tilespmem:$0x19480] =	vst v63  }
0x15: {  	_ =	swait.ge [sflag:s14], $0x3E80  }
0x16: {  	[sflag:s14] =	ssyncset.done $0x0  }
0x17: {  	s31 =	simm.s32 $0x8000;
	[sflag:s14] =	ssyncadd.s32 $0xFFFFC180  }
0x18: {  	[tilespmem:s31], [sflag:$0x1] =	stream.indirect.gather [hbm4b:s4+s16], $0x1, s3, s16, $0xb8;
	[tilespmem:$0x19480] =	vst v63  }
0x19: {  	s2 =	simm.s32 $0xA780  }
0x1a: {  	[tilespmem:s2], [sflag:$0x1] =	stream.indirect.gather [hbm4b:s5+s16], $0x1, s3, s16, $0xb8;
	[tilespmem:$0x19480] =	vst v63  }
0x1b: {  	s7 =	simm.s32 $0xCF00  }
0x1c: {  	[tilespmem:s7], [sflag:$0x1] =	stream.indirect.gather [hbm4b:s6+s16], $0x1, s3, s16, $0xb8;
	[tilespmem:$0x19480] =	vst v63  }
0x1d: {  	_ = 	snop  }
0x1e: {  	[tilespmem:s20], [sflag:$0x1] =	stream.indirect.gather [hbm4b:s4+s16], $0x1, s15, s16, $0xb8;
	[tilespmem:$0x19480] =	vst v63  }
0x1f: {  	_ = 	snop  }
0x20: {  	[tilespmem:s21], [sflag:$0x1] =	stream.indirect.gather [hbm4b:s5+s16], $0x1, s15, s16, $0xb8;
	[tilespmem:$0x19480] =	vst v63  }
0x21: {  	_ = 	snop  }
0x22: {  	[tilespmem:s22], [sflag:$0x1] =	stream.indirect.gather [hbm4b:s6+s16], $0x1, s15, s16, $0xb8;
	[tilespmem:$0x19480] =	vst v63  }
0x23: {  	_ = 	snop  }
0x24: {  	[tilespmem:s23], [sflag:$0x1] =	stream.indirect.gather [hbm4b:s1+s16], $0x1, s15, s16, $0xb8;
	[tilespmem:$0x19480] =	vst v63  }
0x25: {  	s8 =	simm.s32 $0x80;
	s2 =	simm.s32 $0x8050  }
0x26: {  	[tilespmem:s2], [sflag:$0x1] =	stream.indirect.gather [hbm4b:s4+s16], $0x1, s8, s16, $0xb8;
	[tilespmem:$0x19480] =	vst v63  }
0x27: {  	s17 =	simm.s32 $0xA7D0  }
0x28: {  	[tilespmem:s17], [sflag:$0x1] =	stream.indirect.gather [hbm4b:s5+s16], $0x1, s8, s16, $0xb8;
	[tilespmem:$0x19480] =	vst v63  }
0x29: {  	s18 =	simm.s32 $0xCF50  }
0x2a: {  	[tilespmem:s18], [sflag:$0x1] =	stream.indirect.gather [hbm4b:s6+s16], $0x1, s8, s16, $0xb8;
	[tilespmem:$0x19480] =	vst v63  }
0x2b: {  	s19 =	simm.s32 $0x4080;
	s26 =	simm.s32 $0xF6D0  }
0x2c: {  	[tilespmem:s26], [sflag:$0x1] =	stream.indirect.gather [hbm4b:s4+s16], $0x1, s19, s16, $0xb8;
	[tilespmem:$0x19480] =	vst v63  }
0x2d: {  	s29 =	simm.s32 $0x11E50  }
0x2e: {  	[tilespmem:s29], [sflag:$0x1] =	stream.indirect.gather [hbm4b:s5+s16], $0x1, s19, s16, $0xb8;
	[tilespmem:$0x19480] =	vst v63  }
0x2f: {  	s30 =	simm.s32 $0x145D0  }
0x30: {  	[tilespmem:s30], [sflag:$0x1] =	stream.indirect.gather [hbm4b:s6+s16], $0x1, s19, s16, $0xb8;
	[tilespmem:$0x19480] =	vst v63  }
0x31: {  	s31 =	simm.s32 $0x16D50  }
0x32: {  	[tilespmem:s31], [sflag:$0x1] =	stream.indirect.gather [hbm4b:s1+s16], $0x1, s19, s16, $0xb8;
	[tilespmem:$0x19480] =	vst v63  }
0x33: {  	_ =	swait.ge [sflag:s24], $0x50  }
0x34: {  	[sflag:s24] =	ssyncset.done $0x0  }
0x35: {  	[sflag:s24] =	ssyncadd.s32 $0xFFFFFFB0  }
0x36: {  	_ =	swait.ge [sflag:s24], $0x50  }
0x37: {  	[sflag:s24] =	ssyncset.done $0x0  }
0x38: {  	[sflag:s24] =	ssyncadd.s32 $0xFFFFFFB0  }
0x39: {  	_ =	swait.ge [sflag:s24], $0x50  }
0x3a: {  	[sflag:s24] =	ssyncset.done $0x0  }
0x3b: {  	[sflag:s24] =	ssyncadd.s32 $0xFFFFFFB0  }
0x3c: {  	_ =	swait.ge [sflag:s24], $0x50  }
0x3d: {  	[sflag:s24] =	ssyncset.done $0x0  }
0x3e: {  	[sflag:s24] =	ssyncadd.s32 $0xFFFFFFB0  }
0x3f: {  	_ =	swait.ge [sflag:s24], $0x50  }
0x40: {  	[sflag:s24] =	ssyncset.done $0x0  }
0x41: {  	[sflag:s24] =	ssyncadd.s32 $0xFFFFFFB0  }
0x42: {  	_ =	swait.ge [sflag:s24], $0x50  }
0x43: {  	[sflag:s24] =	ssyncset.done $0x0  }
0x44: {  	[sflag:s24] =	ssyncadd.s32 $0xFFFFFFB0  }
0x45: {  	s28 =	simm.s32 $0x100;
	s17 =	simm.s32 $0x50;
	_ =	swait.ge [sflag:s24], $0x50  }
0x46: {  	s18 =	simm.s32 $0x280;
	s26 =	simm.s32 $0x4100;
	[sflag:s24] =	ssyncset.done $0x0  }
.LBB2_2:
0x47: {  	s29 =	sadd.s32 $0x8050, s17  }
0x48: {  	[sflag:s24] =	ssyncadd.s32 $0xFFFFFFB0;
	s2 =	smov.u32 s18;
	s0 =	sadd.s32 $0x140, s18  }
0x49: {  	[tilespmem:s29], [sflag:$0x1] =	stream.indirect.gather [hbm4b:s4+s16], $0x1, s28, s16, $0xb8;
	[tilespmem:$0x19480] =	vst v63  }
0x4a: {  	p0 =	sne.s32 s18, $0x99C0;
	s18 =	sadd.s32 $0xA7D0, s17  }
0x4b: {  	[tilespmem:s18], [sflag:$0x1] =	stream.indirect.gather [hbm4b:s5+s16], $0x1, s28, s16, $0xb8;
	[tilespmem:$0x19480] =	vst v63  }
0x4c: {  	s18 =	sadd.s32 $0xCF50, s17  }
0x4d: {  	[tilespmem:s18], [sflag:$0x1] =	stream.indirect.gather [hbm4b:s6+s16], $0x1, s28, s16, $0xb8;
	[tilespmem:$0x19480] =	vst v63  }
0x4e: {  	s18 =	sadd.s32 $0xF6D0, s17  }
0x4f: {  	[tilespmem:s18], [sflag:$0x1] =	stream.indirect.gather [hbm4b:s4+s16], $0x1, s26, s16, $0xb8;
	[tilespmem:$0x19480] =	vst v63  }
0x50: {  	s18 =	sadd.s32 $0x11E50, s17  }
0x51: {  	[tilespmem:s18], [sflag:$0x1] =	stream.indirect.gather [hbm4b:s5+s16], $0x1, s26, s16, $0xb8;
	[tilespmem:$0x19480] =	vst v63  }
0x52: {  	s18 =	sadd.s32 $0x145D0, s17  }
0x53: {  	[tilespmem:s18], [sflag:$0x1] =	stream.indirect.gather [hbm4b:s6+s16], $0x1, s26, s16, $0xb8;
	[tilespmem:$0x19480] =	vst v63  }
0x54: {  	s17 =	sadd.s32 $0x16D50, s17  }
0x55: {  	[tilespmem:s17], [sflag:$0x1] =	stream.indirect.gather [hbm4b:s1+s16], $0x1, s26, s16, $0xb8;
	[tilespmem:$0x19480] =	vst v63  }
0x56: {  	_ =	swait.ge [sflag:s24], $0x50  }
0x57: {  	[sflag:s24] =	ssyncset.done $0x0  }
0x58: {  	[sflag:s24] =	ssyncadd.s32 $0xFFFFFFB0  }
0x59: {  	_ =	swait.ge [sflag:s24], $0x50  }
0x5a: {  	[sflag:s24] =	ssyncset.done $0x0  }
0x5b: {  	[sflag:s24] =	ssyncadd.s32 $0xFFFFFFB0  }
0x5c: {  	_ =	swait.ge [sflag:s24], $0x50  }
0x5d: {  	[sflag:s24] =	ssyncset.done $0x0  }
0x5e: {  	[sflag:s24] =	ssyncadd.s32 $0xFFFFFFB0  }
0x5f: {  	_ =	swait.ge [sflag:s24], $0x50  }
0x60: {  	[sflag:s24] =	ssyncset.done $0x0  }
0x61: {  	[sflag:s24] =	ssyncadd.s32 $0xFFFFFFB0  }
0x62: {  	_ =	swait.ge [sflag:s24], $0x50  }
0x63: {  	[sflag:s24] =	ssyncset.done $0x0  }
0x64: {  	[sflag:s24] =	ssyncadd.s32 $0xFFFFFFB0  }
.Ltmp0:
0x65: {  	_ =	swait.ge [sflag:s24], $0x50;
	(pc) =	sbr.rel @p0 .LBB2_2-.Ltmp0, $4  }
0x66: {  	[sflag:s24] =	ssyncset.done $0x0  }
0x67: {  	[sflag:s24] =	ssyncadd.s32 $0xFFFFFFB0  }
0x68: {  	s28 =	sadd.s32 $0x80, s28;
	s26 =	sadd.s32 $0x80, s26;
	_ =	swait.ge [sflag:s24], $0x50  }
0x69: {  	s18 =	smov.u32 s0;
	s17 =	sshra.s32 s2, $0x2;
	[sflag:s24] =	ssyncset.done $0x0  }
0x6a: {  	s0 =	sadd.s32 $0x8050, s17;
	[sflag:s24] =	ssyncadd.s32 $0xFFFFFFB0  }
0x6b: {  	[tilespmem:s0], [sflag:$0x1] =	stream.indirect.gather [hbm4b:s4+s16], $0x1, s28, s16, $0xb8;
	[tilespmem:$0x19480] =	vst v63  }
0x6c: {  	s7 =	sadd.s32 $0xA7D0, s17  }
0x6d: {  	[tilespmem:s7], [sflag:$0x1] =	stream.indirect.gather [hbm4b:s5+s16], $0x1, s28, s16, $0xb8;
	[tilespmem:$0x19480] =	vst v63  }
0x6e: {  	s8 =	sadd.s32 $0xCF50, s17  }
0x6f: {  	[tilespmem:s8], [sflag:$0x1] =	stream.indirect.gather [hbm4b:s6+s16], $0x1, s28, s16, $0xb8;
	[tilespmem:$0x19480] =	vst v63  }
0x70: {  	s18 =	sadd.s32 $0xF6D0, s17  }
0x71: {  	[tilespmem:s18], [sflag:$0x1] =	stream.indirect.gather [hbm4b:s4+s16], $0x1, s26, s16, $0xb8;
	[tilespmem:$0x19480] =	vst v63  }
0x72: {  	s19 =	sadd.s32 $0x11E50, s17  }
0x73: {  	[tilespmem:s19], [sflag:$0x1] =	stream.indirect.gather [hbm4b:s5+s16], $0x1, s26, s16, $0xb8;
	[tilespmem:$0x19480] =	vst v63  }
0x74: {  	s2 =	sadd.s32 $0x145D0, s17  }
0x75: {  	[tilespmem:s2], [sflag:$0x1] =	stream.indirect.gather [hbm4b:s6+s16], $0x1, s26, s16, $0xb8;
	[tilespmem:$0x19480] =	vst v63  }
0x76: {  	s7 =	sadd.s32 $0x16D50, s17  }
0x77: {  	[tilespmem:s7], [sflag:$0x1] =	stream.indirect.gather [hbm4b:s1+s16], $0x1, s26, s16, $0xb8;
	[tilespmem:$0x19480] =	vst v63  }
0x78: {  	_ =	swait.ge [sflag:s24], $0x50  }
0x79: {  	[sflag:s24] =	ssyncset.done $0x0  }
0x7a: {  	[sflag:s24] =	ssyncadd.s32 $0xFFFFFFB0  }
0x7b: {  	_ =	swait.ge [sflag:s24], $0x50  }
0x7c: {  	[sflag:s24] =	ssyncset.done $0x0  }
0x7d: {  	[sflag:s24] =	ssyncadd.s32 $0xFFFFFFB0  }
0x7e: {  	_ =	swait.ge [sflag:s24], $0x50  }
0x7f: {  	[sflag:s24] =	ssyncset.done $0x0  }
0x80: {  	[sflag:s24] =	ssyncadd.s32 $0xFFFFFFB0  }
0x81: {  	_ =	swait.ge [sflag:s24], $0x50  }
0x82: {  	[sflag:s24] =	ssyncset.done $0x0  }
0x83: {  	[sflag:s24] =	ssyncadd.s32 $0xFFFFFFB0  }
0x84: {  	_ =	swait.ge [sflag:s24], $0x50  }
0x85: {  	[sflag:s24] =	ssyncset.done $0x0  }
0x86: {  	[sflag:s24] =	ssyncadd.s32 $0xFFFFFFB0  }
0x87: {  	_ =	swait.ge [sflag:s24], $0x50  }
0x88: {  	[sflag:s24] =	ssyncset.done $0x0  }
0x89: {  	[sflag:s24] =	ssyncadd.s32 $0xFFFFFFB0  }
0x8a: {  	_ =	swait.ge [sflag:s24], $0x50  }
0x8b: {  	[sflag:s24] =	ssyncset.done $0x0  }
0x8c: {  	[sflag:s24] =	ssyncadd.s32 $0xFFFFFFB0  }
0x8d: {  	_ =	swait.ge [sflag:s24], $0x50  }
0x8e: {  	[sflag:s24] =	ssyncset.done $0x0  }
0x8f: {  	[sflag:s24] =	ssyncadd.s32 $0xFFFFFFB0  }
0x90: {  	_ =	swait.ge [sflag:s24], $0x50  }
0x91: {  	[sflag:s24] =	ssyncset.done $0x0  }
0x92: {  	[sflag:s24] =	ssyncadd.s32 $0xFFFFFFB0  }
0x93: {  	_ =	swait.ge [sflag:s24], $0x50  }
0x94: {  	[sflag:s24] =	ssyncset.done $0x0  }
0x95: {  	[sflag:s24] =	ssyncadd.s32 $0xFFFFFFB0  }
0x96: {  	_ =	swait.ge [sflag:s24], $0x50  }
0x97: {  	[sflag:s24] =	ssyncset.done $0x0  }
0x98: {  	[sflag:s24] =	ssyncadd.s32 $0xFFFFFFB0  }
0x99: {  	_ =	swait.ge [sflag:s24], $0x50  }
0x9a: {  	[sflag:s24] =	ssyncset.done $0x0  }
0x9b: {  	[sflag:s24] =	ssyncadd.s32 $0xFFFFFFB0  }
0x9c: {  	_ =	swait.ge [sflag:s24], $0x50  }
0x9d: {  	[sflag:s24] =	ssyncset.done $0x0  }
0x9e: {  	[sflag:s24] =	ssyncadd.s32 $0xFFFFFFB0  }
0x9f: {  	_ =	swait.ge [sflag:s24], $0x50  }
0xa0: {  	[sflag:s24] =	ssyncset.done $0x0  }
0xa1: {  	s26 =	simm.s32 $0x8000;
	[sflag:s24] =	ssyncadd.s32 $0xFFFFFFB0  }
0xa2: {  	s28 =	simm.s32 $0xF680;
	v0 =	vld [tilespmem:s26+$0x0]  }
0xa3: {  	v1 =	vld [tilespmem:s28+$0x0];
	_ =	sdelay $0x4  }
0xa4: {  	v0 =	vsub.f32 v1, v0;
	_ =	sdelay $0x1  }
0xa5: {  	s29 =	simm.s32 $0x11E00;
	[tilespmem:s28+$0x0] =	vst v0  }
0xa6: {  	s8 =	simm.s32 $0xA780;
	v0 =	vld [tilespmem:s29+$0x0]  }
0xa7: {  	v1 =	vld [tilespmem:s8+$0x0];
	_ =	sdelay $0x4  }
0xa8: {  	v0 =	vsub.f32 v0, v1;
	_ =	sdelay $0x1  }
0xa9: {  	s17 =	simm.s32 $0x0;
	s2 =	simm.s32 $0x14580;
	[tilespmem:s29+$0x0] =	vst v0  }
0xaa: {  	s0 =	smul.u32 $0xCCCD, s17;
	s18 =	simm.s32 $0xCF00;
	v0 =	vld [tilespmem:s2+$0x0]  }
0xab: {  	v1 =	vld [tilespmem:s18+$0x0]  }
0xac: {  	s0 =	sshrl.u32 s0, $0x12  }
0xad: {  	s19 =	smul.u32 $0x5, s0;
	_ =	sdelay $0x1  }
0xae: {  	s17 =	ssub.s32 $0x0, s19  }
0xaf: {  	s17 =	sand.u32 $0xFFFF, s17;
	v0 =	vsub.f32 v0, v1  }
0xb0: {  	s0 =	sshll.u32 s0, $0x7;
	s17 =	sshll.u32 s17, $0x4  }
0xb1: {  	s0 =	sor.u32 s17, s0;
	[tilespmem:s2+$0x0] =	vst v0  }
0xb2: {  	s30 =	simm.s32 $0x16D00;
	v0 =	vld [tilespmem:s0+$0x0]  }
0xb3: {  	v1 =	vld [tilespmem:s30+$0x0];
	_ =	sdelay $0x3  }
0xb4: {  	v0 =	vshll.u32 v0, $0x2  }
0xb5: {  	s31 =	simm.s32 $0x1;
	s17 =	simm.s32 $0x14590;
	v0 =	vadd.s32 v1, v0  }
0xb6: {  	s18 =	simm.s32 $0xCF10;
	s2 =	simm.s32 $0xA790;
	s0 =	simm.s32 $0x16D10;
	vm0 =	vgt.s32 v0, $0x0  }
.LBB2_4:
0xb7: {  	v0 =	vnsel vm0, $0x0, v0;
	s28 =	sadd.s32 $0x10, s28;
	s26 =	sadd.s32 $0x10, s26;
	s29 =	sadd.s32 $0x10, s29  }
0xb8: {  	p0 =	sne.s32 s31, $0x270;
	s19 =	smov.u32 s31;
	s31 =	sadd.s32 $0x1, s31;
	v0 =	vmin.u32 v0, $0x9C3F  }
0xb9: {  	[tilespmem:s30+$0x0] =	vst v0;
	s30 =	smov.u32 s0  }
0xba: {  	v0 =	vld [tilespmem:s26+$0x0]  }
0xbb: {  	v1 =	vld [tilespmem:s28+$0x0];
	_ =	sdelay $0x4  }
0xbc: {  	v0 =	vsub.f32 v1, v0;
	_ =	sdelay $0x1  }
0xbd: {  	[tilespmem:s28+$0x0] =	vst v0  }
0xbe: {  	v0 =	vld [tilespmem:s29+$0x0]  }
0xbf: {  	v1 =	vld [tilespmem:s2+$0x0];
	_ =	sdelay $0x4  }
0xc0: {  	v0 =	vsub.f32 v0, v1;
	_ =	sdelay $0x1  }
0xc1: {  	[tilespmem:s29+$0x0] =	vst v0  }
0xc2: {  	s7 =	smul.u32 $0xCCCD, s19;
	v0 =	vld [tilespmem:s17+$0x0]  }
0xc3: {  	v1 =	vld [tilespmem:s18+$0x0]  }
0xc4: {  	s7 =	sshrl.u32 s7, $0x12  }
0xc5: {  	s8 =	smul.u32 $0x5, s7;
	_ =	sdelay $0x1  }
0xc6: {  	s8 =	ssub.s32 s19, s8  }
0xc7: {  	s8 =	sand.u32 $0xFFFF, s8;
	v0 =	vsub.f32 v0, v1  }
0xc8: {  	s7 =	sshll.u32 s7, $0x7;
	s8 =	sshll.u32 s8, $0x4  }
0xc9: {  	s7 =	sor.u32 s8, s7;
	[tilespmem:s17+$0x0] =	vst v0  }
0xca: {  	v0 =	vld [tilespmem:s7+$0x0]  }
0xcb: {  	v1 =	vld [tilespmem:s0+$0x0];
	_ =	sdelay $0x1  }
.Ltmp1:
0xcc: {  	(pc) =	sbr.rel @p0 .LBB2_4-.Ltmp1, $4  }
0xcd: {  	_ = 	snop  }
0xce: {  	v0 =	vshll.u32 v0, $0x2  }
0xcf: {  	s0 =	sadd.s32 $0x10, s0;
	v0 =	vadd.s32 v1, v0  }
0xd0: {  	s2 =	sadd.s32 $0x10, s2;
	s18 =	sadd.s32 $0x10, s18;
	s17 =	sadd.s32 $0x10, s17;
	vm0 =	vgt.s32 v0, $0x0  }
0xd1: {  	v0 =	vnsel vm0, $0x0, v0  }
0xd2: {  	v0 =	vmin.u32 v0, $0x9C3F  }
0xd3: {  	[tilespmem:s30+$0x0] =	vst v0  }
0xd4: {  	[hbm4b:s9+s3] =	stream.linear.scatter [tilespmem:s20], [sflag:$0x2], $0x2710, $0x38;
	[tilespmem:$0x19480] =	vst v63  }
0xd5: {  	_ =	swait.ge [sflag:s14], $0x2710  }
0xd6: {  	[sflag:s14] =	ssyncset.done $0x0  }
0xd7: {  	[sflag:s14] =	ssyncadd.s32 $0xFFFFD8F0  }
0xd8: {  	[hbm4b:s10+s3] =	stream.linear.scatter [tilespmem:s21], [sflag:$0x2], $0x2710, $0x38;
	[tilespmem:$0x19480] =	vst v63  }
0xd9: {  	_ =	swait.ge [sflag:s14], $0x2710  }
0xda: {  	[sflag:s14] =	ssyncset.done $0x0  }
0xdb: {  	[sflag:s14] =	ssyncadd.s32 $0xFFFFD8F0  }
0xdc: {  	[hbm4b:s11+s3] =	stream.linear.scatter [tilespmem:s22], [sflag:$0x2], $0x2710, $0x38;
	[tilespmem:$0x19480] =	vst v63  }
0xdd: {  	s25 =	sadd.s32 $0x1, s25;
	_ =	swait.ge [sflag:s14], $0x2710  }
0xde: {  	p0 =	sne.s32 s25, s13;
	[sflag:s14] =	ssyncset.done $0x0  }
.Ltmp2:
0xdf: {  	[sflag:s14] =	ssyncadd.s32 $0xFFFFD8F0;
	(pc) =	sbr.rel @p0 .LBB2_1-.Ltmp2, $4  }
0xe0: {  	[hbm4b:s12+s3] =	stream.linear.scatter [tilespmem:s23], [sflag:$0x2], $0x2710, $0x38;
	[tilespmem:$0x19480] =	vst v63  }
0xe1: {  	_ =	swait.ge [sflag:s14], $0x2710  }
0xe2: {  	[sflag:s14] =	ssyncset.done $0x0  }
0xe3: {  	[sflag:s14] =	ssyncadd.s32 $0xFFFFD8F0  }
0xe4: {  	_ =	sfence.sel $0x180000  }
0xe5: {  	[bflag:$0x0] =	sbarrier.arrive $0xFFFF  }
0xe6: {  	_ =	strace $0x90000047  }
0xe7: {  	s0 =	stileid.u32;
	[bflag:$0x2] =	sbarrier.arrive $0xFFFF  }
0xe8: {  	p0 =	sne.s32 s0, $0x0;
	s0 =	rddreg [dreg:$0x2]  }
0xe9: {  	s0 =	sadd.s32 @!p0 $0x100000, s0  }
0xea: {  	[sflag:s0] =	ssyncadd.tile.s32 @!p0 $0x1;
	_ =	shalt  }
.Lfunc_end2:
_tile_overlayer_lowered:
.L_overlay_start_2:
0xeb: {  	(tag) =	ssettag $0x2  }
0xec: {  	s0 =	rddreg [dreg:$0x0];
	s2 =	stileid.u32  }
0xed: {  	s1 =	rddreg [dreg:$0x1];
	p0 =	sne.s32 s2, $0x0  }
0xee: {  	s3 =	rddreg [dreg:$0x2];
	[bflag:$0x3] =	sbarrier.arrive $0xFFFF;
	s2 =	simm.s32 @!p0 $0x1C02  }
0xef: {  	[timem:s3], [sflag:s2] =	dma.local @!p0 [hbm:s0], s1  }
0xf0: {  	s0 =	simm.s32 @!p0 $0x2  }
0xf1: {  	_ =	swait.ge @!p0 [sflag:s0], s1  }
0xf2: {  	s1 =	ssub.s32 @!p0 $0x0, s1;
	[sflag:s0] =	ssyncset.done @!p0 $0x0  }
0xf3: {  	[sflag:s0] =	ssyncadd.s32 @!p0 s1  }
0xf4: {  	[bflag:$0x3] =	sbarrier.arrive $0xFFFF  }
0xf5: {  	_ =	shalt  }

// kernel: scatter_offload_async_start.1
scs
__scs_entry_jumppad:
0x0: {  	(pc) =	sbr.rel $0x88, $3  }
0x1: {  	(tag) =	ssettag $0x0;
	lr =	simm.s32 $0x1  }
0x2: {  	[smem:$0x3F96] =	sst lr;
	_ =	strace $0xD0000000  }
0x3: {  	_ = 	snop  }
0x4: {  	_ = 	snop  }
0x5: {  	_ = 	snop  }
0x6: {  	_ = 	snop  }
0x7: {  	_ = 	snop  }
__scs_overlays_trampoline_lowered:
0x8: {  	[smem:$0x3FA5] =	sst s0  }
0x9: {  	[smem:$0x3FA6] =	sst s1  }
0xa: {  	[smem:$0x3FA7] =	sst s2  }
0xb: {  	[smem:$0x3FA8] =	sst s3  }
0xc: {  	[smem:$0x3FA9] =	sst s4  }
0xd: {  	[smem:$0x3FAA] =	sst s5  }
0xe: {  	[smem:$0x3FAB] =	sst s6  }
0xf: {  	[smem:$0x3FAC] =	sst s7  }
0x10: {  	[smem:$0x3FAD] =	sst s8  }
0x11: {  	[smem:$0x3FAE] =	sst s9;
	s0 =	simm.s32 @!p0 $0x0  }
0x12: {  	s1 =	sld [smem:$0x3F94];
	s0 =	simm.s32 @p0 $0x1  }
0x13: {  	[smem:$0x3FAF] =	sst s0;
	s0 =	simm.s32 @!p1 $0x0  }
0x14: {  	s2 =	sld [smem:$0x3F93];
	s0 =	simm.s32 @p1 $0x1  }
0x15: {  	[smem:$0x3FB0] =	sst s0;
	s0 =	simm.s32 @!p2 $0x0  }
0x16: {  	s3 =	sld [smem:$0x3FDB];
	s0 =	simm.s32 @p2 $0x1  }
0x17: {  	s4 =	simm.s32 $0x1BF5;
	[smem:$0x3FB2] =	sst s0  }
0x18: {  	s0 =	sld [smem:$0x3F95];
	_ =	swait.ge [sflag:s4], $0x0  }
0x19: {  	s7 =	sld [smem:$0x3F96]  }
0x1a: {  	s8 =	sadd.s32 $0xFFFFE003, lr  }
0x1b: {  	s9 =	sadd.s32 $0xFFFFFEF7, lr;
	s5 =	simm.s32 $0xFFFFFFFF;
	p2 =	slt.u32 s8, $0xFFFFF086  }
0x1c: {  	p1 =	slt.u32 s9, $0xF7A;
	s5 =	simm.s32 @!p2 $0x0  }
0x1d: {  	s5 =	simm.s32 @p1 $0x1;
	p0 =	seq.s32 s7, s2  }
0x1e: {  	s7 =	smul.u32 @!p0 $0xF7A, s2;
	p2 =	seq.s32 @!p0 s5, $0x0  }
0x1f: {  	s9 =	smul.u32 $0xF7A, s1;
	s8 =	simm.s32 @!p0 $0x1BF5;
	p2 =	por !p2, p0  }
0x20: {  	[sflag:s8] =	ssyncset.s32 @!p0 $0xFFFFF086;
	s6 =	sadd.s32 @!p0 s3, s7;
	s7 =	simm.s32 @!p0 $0x108  }
0x21: {  	s3 =	sadd.s32 s3, s9;
	s6 =	sadd.s32 @!p0 $0x88, s6;
	s7 =	simm.s32 @p2 $0x1082  }
0x22: {  	[simem:s7], [sflag:s8] =	dma.local @!p0 [hbm:s6], $0xF7A  }
0x23: {  	s9 =	sor.u32 $0xD0000000, s2;
	s6 =	simm.s32 $0x108;
	_ =	swait.ge @!p0 [sflag:s8], $0x0  }
0x24: {  	s3 =	sadd.s32 $0x88, s3;
	s6 =	simm.s32 @!p1 $0x1082;
	[sflag:s4] =	ssyncset.s32 $0xFFFFF086  }
0x25: {  	[simem:s6], [sflag:s4] =	dma.local [hbm:s3], $0xF7A  }
0x26: {  	[smem:$0x3F96] =	sst s1;
	(tag) =	ssettag s2;
	_ =	strace s9  }
0x27: {  	s1 =	sld [smem:$0x3FA6]  }
0x28: {  	s2 =	sld [smem:$0x3FA7]  }
0x29: {  	s4 =	sld [smem:$0x3FA9]  }
0x2a: {  	p0 =	seq.s32 s5, $0x0;
	s5 =	sld [smem:$0x3FAA]  }
0x2b: {  	s6 =	sld [smem:$0x3FAB]  }
0x2c: {  	s7 =	sld [smem:$0x3FAC]  }
0x2d: {  	s3 =	simm.s32 $0x108;
	s8 =	sld [smem:$0x3FAD]  }
0x2e: {  	s3 =	simm.s32 @!p0 $0x1082;
	s9 =	sld [smem:$0x3FAE]  }
0x2f: {  	lr =	sadd.s32 s0, s3;
	s0 =	sld [smem:$0x3FA5]  }
0x30: {  	s3 =	sld [smem:$0x3FA8]  }
0x31: {  	[smem:$0x3FB1] =	sst s10  }
0x32: {  	s10 =	sld [smem:$0x3FAF];
	_ =	sdelay $0x3  }
0x33: {  	p0 =	seq.s32 s10, $0x1;
	s10 =	sld [smem:$0x3FB1];
	_ =	sdelay $0x3  }
0x34: {  	[smem:$0x3FB1] =	sst s10  }
0x35: {  	s10 =	sld [smem:$0x3FB0];
	_ =	sdelay $0x3  }
0x36: {  	p1 =	seq.s32 s10, $0x1;
	s10 =	sld [smem:$0x3FB1];
	_ =	sdelay $0x3  }
0x37: {  	[smem:$0x3FB1] =	sst s10  }
0x38: {  	s10 =	sld [smem:$0x3FB2]  }
0x39: {  	_ = 	snop;
	(pc) =	sbr.ind lr, $3  }
0x3a: {  	_ = 	snop  }
0x3b: {  	_ = 	snop  }
0x3c: {  	p2 =	seq.s32 s10, $0x1;
	s10 =	sld [smem:$0x3FB1]  }
0x3d: {  	_ =	shalt  }
0x3e: {  	_ =	shalt  }
0x3f: {  	_ =	shalt  }
0x40: {  	_ =	shalt  }
0x41: {  	_ =	shalt  }
0x42: {  	_ =	shalt  }
0x43: {  	_ =	shalt  }
0x44: {  	_ =	shalt  }
0x45: {  	_ =	shalt  }
0x46: {  	_ =	shalt  }
0x47: {  	_ =	shalt  }
0x48: {  	_ =	shalt  }
0x49: {  	_ =	shalt  }
0x4a: {  	_ =	shalt  }
0x4b: {  	_ =	shalt  }
0x4c: {  	_ =	shalt  }
0x4d: {  	_ =	shalt  }
0x4e: {  	_ =	shalt  }
0x4f: {  	_ =	shalt  }
0x50: {  	_ =	shalt  }
0x51: {  	_ =	shalt  }
0x52: {  	_ =	shalt  }
0x53: {  	_ =	shalt  }
0x54: {  	_ =	shalt  }
0x55: {  	_ =	shalt  }
0x56: {  	_ =	shalt  }
0x57: {  	_ =	shalt  }
0x58: {  	_ =	shalt  }
0x59: {  	_ =	shalt  }
0x5a: {  	_ =	shalt  }
0x5b: {  	_ =	shalt  }
0x5c: {  	_ =	shalt  }
0x5d: {  	_ =	shalt  }
0x5e: {  	_ =	shalt  }
0x5f: {  	_ =	shalt  }
0x60: {  	_ =	shalt  }
0x61: {  	_ =	shalt  }
0x62: {  	_ =	shalt  }
0x63: {  	_ =	shalt  }
0x64: {  	_ =	shalt  }
0x65: {  	_ =	shalt  }
0x66: {  	_ =	shalt  }
0x67: {  	_ =	shalt  }
0x68: {  	_ =	shalt  }
0x69: {  	_ =	shalt  }
0x6a: {  	_ =	shalt  }
0x6b: {  	_ =	shalt  }
0x6c: {  	_ =	shalt  }
0x6d: {  	_ =	shalt  }
0x6e: {  	_ =	shalt  }
0x6f: {  	_ =	shalt  }
0x70: {  	_ =	shalt  }
0x71: {  	_ =	shalt  }
0x72: {  	_ =	shalt  }
0x73: {  	_ =	shalt  }
0x74: {  	_ =	shalt  }
0x75: {  	_ =	shalt  }
0x76: {  	_ =	shalt  }
0x77: {  	_ =	shalt  }
0x78: {  	_ =	shalt  }
0x79: {  	_ =	shalt  }
0x7a: {  	_ =	shalt  }
0x7b: {  	_ =	shalt  }
0x7c: {  	_ =	shalt  }
0x7d: {  	_ =	shalt  }
0x7e: {  	_ =	shalt  }
0x7f: {  	_ =	shalt  }
0x80: {  	_ =	shalt  }
0x81: {  	_ =	shalt  }
0x82: {  	_ =	shalt  }
0x83: {  	_ =	shalt  }
0x84: {  	_ =	shalt  }
0x85: {  	_ =	shalt  }
0x86: {  	_ =	shalt  }
0x87: {  	_ =	shalt  }
.Lfunc_end0:
.L_simem_size_0:
called_computation.1_lowered:
.L_overlay_start_0:
0x88: {  	s2 =	sld [smem:$0x3FD9]  }
0x89: {  	s3 =	sld [smem:$0x3FFE];
	_ =	sdelay $0x1  }
0x8a: {  	s1 =	srdreg.scid  }
0x8b: {  	s0 =	sand.u32 $0x1, s1  }
0x8c: {  	s12 =	sshll.u32 s0, $0xA;
	s2 =	sadd.s32 s3, s2  }
0x8d: {  	s2 =	sadd.s32 s2, s12  }
0x8e: {  	[smem:$0x3FBD] =	sst s2  }
0x8f: {  	_ = 	snop  }
0x90: {  	(tm) =	ssettm $0x1  }
0x91: {  	s13 =	sld [smem:$0x3FFB];
	_ =	sdelay $0x3  }
0x92: {  	_ =	strace s13  }
0x93: {  	s2 =	sld [smem:$0x3FFC];
	_ =	sdelay $0x3  }
0x94: {  	_ =	strace s2  }
0x95: {  	s2 =	sld [smem:$0x3FFD];
	_ =	sdelay $0x3  }
0x96: {  	_ =	strace s2  }
0x97: {  	_ =	strace $0x8FFFFFFF  }
0x98: {  	s14 =	sld [smem:$0x3FDB];
	_ =	sdelay $0x1  }
0x99: {  	s15 =	simm.s32 $_scs_section_size  }
0x9a: {  	s4 =	simm.s32 $_size__tile_overlayer_lowered;
	s5 =	simm.s32 $_tile_overlayer_lowered  }
0x9b: {  	s19 =	simm.s32 $0x1BFF;
	s17 =	sshll.u32 s5, $0x1;
	s6 =	sadd.s32 s15, s14  }
0x9c: {  	s20 =	simm.s32 $0x0;
	s16 =	sshll.u32 s4, $0x1;
	s18 =	sadd.s32 s17, s6  }
0x9d: {  	[timem:s20], [sflag:s19] =	dma.local [hbm:s18], s16  }
0x9e: {  	_ =	swait.ge [sflag:s19], s16  }
0x9f: {  	s3 =	ssub.s32 $0x0, s16;
	[sflag:s19] =	ssyncset.done $0x0  }
0xa0: {  	[sflag:s19] =	ssyncadd.s32 s3;
	_ =	sdelay $0x1  }
0xa1: {  	s21 =	simm.s32 $0x1B8B  }
0xa2: {  	_ =	swait.ge [sflag:s21], $0x1  }
0xa3: {  	[sflag:s21] =	ssyncset.done $0x0  }
0xa4: {  	[sflag:s21] =	ssyncadd.s32 $0xFFFFFFFF  }
0xa5: {  	s3 =	sld [smem:$0x0]  }
0xa6: {  	s4 =	sand.u32 $0xFFFFFFFE, s1  }
0xa7: {  	p0 =	sne.s32 s1, s4  }
0xa8: {  	s4 =	sshll.u32 @p0 s4, $0xE  }
0xa9: {  	s5 =	sadd.s32 @p0 $0x11B8D, s4;
	s7 =	sshll.u32 @p0 s3, $0x11  }
0xaa: {  	s5 =	sor.u32 @p0 s7, s5  }
0xab: {  	[sflag:s5] =	ssyncadd.remote.s32 @p0 $0x1;
	_ =	sdelay $0x1  }
0xac: {  	s5 =	simm.s32 @p0 $0x1B8D  }
0xad: {  	_ =	swait.eq @p0 [sflag:s5], $0x1  }
0xae: {  	[sflag:s5] =	ssyncadd.s32 @p0 $0xFFFFFFFF  }
0xaf: {  	s7 =	sshll.u32 @!p0 s1, $0xE  }
0xb0: {  	s7 =	sor.u32 @!p0 $0x4000, s7;
	s5 =	simm.s32 @!p0 $0x1B8D  }
0xb1: {  	s9 =	sshll.u32 @!p0 s3, $0x11;
	s8 =	sadd.s32 @!p0 $0x11B8D, s7;
	_ =	swait.eq @!p0 [sflag:s5], $0x1  }
0xb2: {  	[sflag:s5] =	ssyncadd.s32 @!p0 $0xFFFFFFFF;
	s5 =	sor.u32 @!p0 s9, s8  }
0xb3: {  	s23 =	simm.s32 $0x1B8E;
	s22 =	sld [smem:$0x3FFE];
	[sflag:s5] =	ssyncadd.remote.s32 @!p0 $0x1  }
0xb4: {  	s24 =	simm.s32 $execute0_lowered;
	[smem:$0x3FD2] =	sst s23  }
0xb5: {  	s8 =	sshll.u32 s24, $0x1;
	_ =	strace $0x8000004F;
	[dreg:$0x1] =	wrdreg $0xFFFFFFFF  }
0xb6: {  	s25 =	simm.s32 $_size_execute0_lowered;
	s8 =	sadd.s32 s6, s8;
	[dreg:$0x0] =	wrdreg $0x0  }
0xb7: {  	s9 =	sshll.u32 s25, $0x1;
	[dreg:$0x2] =	wrdreg s8  }
0xb8: {  	[dreg:$0x3] =	wrdreg s9  }
0xb9: {  	[dreg:$0x4] =	wrdreg $0xC0  }
0xba: {  	s26 =	simm.s32 $execute1_lowered;
	_ =	task [dreg:s20], $0x5FFFF  }
0xbb: {  	s8 =	sshll.u32 s26, $0x1;
	[dreg:$0x1] =	wrdreg $0xFFFFFFFF  }
0xbc: {  	s6 =	sadd.s32 s6, s8;
	[dreg:$0x0] =	wrdreg $0x60  }
0xbd: {  	[dreg:$0x2] =	wrdreg s6  }
0xbe: {  	[dreg:$0x3] =	wrdreg s22  }
0xbf: {  	[dreg:$0x4] =	wrdreg $0x9  }
0xc0: {  	_ =	task.clear_ibuf [dreg:s20], $0x5FFFF;
	_ =	strace $0x9000004F  }
0xc1: {  	s28 =	simm.s32 $0x9;
	_ =	strace $0x80000051  }
0xc2: {  	_ =	swait.ge [sflag:s28], $0x1  }
0xc3: {  	[sflag:s28] =	ssyncadd.s32 $0xFFFFFFFF  }
0xc4: {  	_ =	strace $0x90000051  }
0xc5: {  	s6 =	sld [smem:$0x0];
	_ =	sdelay $0x3  }
0xc6: {  	s4 =	sadd.s32 @p0 $0x11BF3, s4;
	s8 =	sshll.u32 @p0 s6, $0x11  }
0xc7: {  	s4 =	sor.u32 @p0 s8, s4  }
0xc8: {  	[sflag:s4] =	ssyncadd.remote.s32 @p0 $0x1;
	_ =	sdelay $0x1  }
0xc9: {  	s4 =	simm.s32 @p0 $0x1BF3  }
0xca: {  	_ =	swait.eq @p0 [sflag:s4], $0x1  }
0xcb: {  	[sflag:s4] =	ssyncadd.s32 @p0 $0xFFFFFFFF;
	_ =	sdelay $0x1  }
0xcc: {  	s4 =	simm.s32 @!p0 $0x1BF3  }
0xcd: {  	s7 =	sadd.s32 @!p0 $0x11BF3, s7;
	s6 =	sshll.u32 @!p0 s6, $0x11;
	_ =	swait.eq @!p0 [sflag:s4], $0x1  }
0xce: {  	[sflag:s4] =	ssyncadd.s32 @!p0 $0xFFFFFFFF;
	s4 =	sor.u32 @!p0 s6, s7  }
0xcf: {  	[sflag:s4] =	ssyncadd.remote.s32 @!p0 $0x1  }
0xd0: {  	_ =	strace $0x80000052;
	[dreg:$0x1] =	wrdreg $0xFFFFFFFF  }
0xd1: {  	[dreg:$0x0] =	wrdreg $0x2030  }
0xd2: {  	[dreg:$0x2] =	wrdreg s22  }
0xd3: {  	[dreg:$0x3] =	wrdreg s1  }
0xd4: {  	[dreg:$0x4] =	wrdreg s3  }
0xd5: {  	[dreg:$0x5] =	wrdreg $0xA  }
0xd6: {  	_ =	task.clear_ibuf [dreg:s20], $0x6FFFF;
	_ =	strace $0x90000052  }
0xd7: {  	s29 =	simm.s32 $0xA;
	_ =	strace $0x80000054  }
0xd8: {  	_ =	swait.ge [sflag:s29], $0x1  }
0xd9: {  	[sflag:s29] =	ssyncadd.s32 $0xFFFFFFFF  }
0xda: {  	_ =	strace $0x90000054  }
0xdb: {  	_ =	sfence  }
0xdc: {  	s30 =	sld [smem:$0x0];
	_ =	sdelay $0x2  }
0xdd: {  	s31 =	sshll.u32 s1, $0xD;
	s1 =	sshrl.u32 s1, $0x2  }
0xde: {  	s4 =	sand.u32 $0x4000, s31;
	s1 =	sadd.s32 s1, s30  }
0xdf: {  	s0 =	sor.u32 s4, s0;
	s1 =	sshll.u32 s1, $0x11  }
0xe0: {  	s0 =	sor.u32 s1, s0  }
0xe1: {  	s0 =	sadd.s32 $0x8F2B, s0  }
0xe2: {  	[sflag:s0] =	ssyncadd.remote.s32 $0x1  }
0xe3: {  	_ =	sfence.sel $0xFFFF  }
0xe4: {  	[dreg:$0x0] =	wrdreg $0xFFFFFFFF;
	(pc) =	sbr.abs _section_cstart, $3  }
0xe5: {  	[dreg:$0x1] =	wrdreg $0xFFFFFFFF  }
0xe6: {  	_ =	task.clear_ibuf [dreg:s20], $0x2FFFF;
	_ =	strace $0x9FFFFFFF  }
0xe7: {  	(tm) =	ssettm $0x7FFFFFFF  }
tec
execute0_lowered:
.L_overlay_start_1:
0x0: {  	(tag) =	ssettag $0x1  }
0x1: {  	s2 =	rddreg [dreg:$0x0]  }
0x2: {  	s5 =	rddreg [dreg:$0x1]  }
0x3: {  	s0 =	rddreg [dreg:$0x2];
	s3 =	stileid.u32;
	[bflag:$0x3] =	sbarrier.arrive $0xFFFF  }
0x4: {  	s1 =	simm.s32 $_size_execute1_lowered;
	s29 =	srdreg.scid;
	s31 =	simm.s32 $0x2  }
0x5: {  	s13 =	simm.s32 $0x0;
	s8 =	simm.s32 $0x20;
	p0 =	sne.s32 s3, $0x0  }
0x6: {  	s1 =	sshll.u32 s1, $0x1;
	s4 =	simm.s32 @!p0 $0x1C3F;
	s6 =	simm.s32 @!p0 $0x4060  }
0x7: {  	[timem:s6], [sflag:s4] =	dma.local @!p0 [hbm:s2], s1  }
0x8: {  	s9 =	simm.s32 $0x80;
	s11 =	simm.s32 $0x0;
	s2 =	sshll.u32 s29, $0x9  }
.Ltmp0:
0x9: {  	s3 =	sshll.u32 s3, $0xA;
	s30 =	sand.u32 $0x200, s2;
	(pc) =	sbr.rel .LBB2_1-.Ltmp0, $4  }
0xa: {  	s12 =	simm.s32 $0x0;
	_ =	strace $0x80000050;
	s3 =	sor.u32 s3, s30  }
0xb: {  	s4 =	simm.s32 $0x1;
	s2 =	sadd.s32 $0x181C00, s5;
	s7 =	ssub.s32 $0x9C00, s3  }
0xc: {  	s5 =	sadd.s32 $0x21E000, s5;
	[sflag:s4] =	ssyncpa.u1 $0x0;
	s6 =	sshrl.u32 s7, $0xE  }
0xd: {  	[sflag:s31] =	ssyncpa.u1 $0x0;
	s10 =	smov.u32 s3;
	s7 =	sadd.s32 $0x2, s6  }
.LBB2_5:
0xe: {  	_ =	sdelay $0x3  }
0xf: {  	[tilespmem:v1+s16+$0x0 ss:$0x1] =	vst.idx.msk $0xffff, v2  }
0x10: {  	[tilespmem:v1+s17+$0x0 ss:$0x1] =	vst.idx.msk $0xffff, v3  }
.LBB2_6:
0x11: {  	s16 =	sand.u32 $0x1FFFFFF, s11  }
0x12: {  	s17 =	smulhi.u32 $0x1A36E2F, s16;
	_ =	sdelay $0x1  }
0x13: {  	s17 =	sshrl.u32 s17, $0x8  }
0x14: {  	s17 =	smul.u32 $0x9C40, s17;
	_ =	sdelay $0x1  }
0x15: {  	s16 =	ssub.s32 s16, s17  }
0x16: {  	s16 =	sshll.u32 s16, $0x4  }
0x17: {  	s16 =	sadd.s32 s5, s16  }
0x18: {  	[hbm4b:s16+s8] =	stream.strided.scatter [tilespmem:s15], [sflag:$0x2], s14, s9, s8, $0x38;
	[tilespmem:$0x10000] =	vst v63  }
.LBB2_7:
0x19: {  	p1 =	slt.u32 s12, $0x2  }
0x1a: {  	p2 =	sgt.s32 @!p1 s13, $0x9A40  }
0x1b: {  	s14 =	smov.u32 s13;
	s15 =	sshra.s32 @!p1 s13, $0x1F;
	p2 =	por !p2, p1  }
0x1c: {  	s13 =	sand.u32 @!p1 s15, s13;
	s14 =	simm.s32 @p2 $0x9A40  }
0x1d: {  	s13 =	ssub.s32 @!p1 s14, s13  }
0x1e: {  	s13 =	sadd.s32 @!p1 $0xFFFF65C0, s13  }
0x1f: {  	s14 =	sshll.u32 @!p1 s13, $0x7  }
0x20: {  	p2 =	sgt.s32 @!p1 s13, $0x1FF;
	s13 =	ssub.s32 @!p1 $0x10000, s14  }
0x21: {  	s15 =	sadd.s32 $0x4000, s10;
	p2 =	por !p2, p1;
	s13 =	sshrl.u32 @!p1 s13, $0x2  }
0x22: {  	s13 =	simm.s32 @!p2 $0x0;
	p2 =	sgt.s32 s15, $0x9C3F  }
0x23: {  	s15 =	smov.u32 @p2 s3;
	p2 =	sne.s32 s12, s7  }
.Ltmp1:
0x24: {  	_ = 	snop;
	(pc) =	sbr.rel @!p2 .LBB2_8-.Ltmp1, $4  }
0x25: {  	s14 =	simm.s32 @!p1 $0x2  }
0x26: {  	_ =	swait.ge @!p1 [sflag:s14], s13;
	s16 =	ssub.s32 @!p1 $0x0, s13  }
0x27: {  	s13 =	smov.u32 s11;
	s12 =	sadd.s32 $0x1, s12;
	[sflag:s14] =	ssyncset.done @!p1 $0x0  }
0x28: {  	s11 =	smov.u32 s10;
	s10 =	smov.u32 s15;
	[sflag:s14] =	ssyncadd.s32 @!p1 s16  }
.LBB2_1:
0x29: {  	p1 =	sgt.u32 s12, s6  }
0x2a: {  	s15 =	smov.u32 s10;
	p2 =	sgt.s32 @!p1 s10, $0x9A40  }
0x2b: {  	s14 =	sand.u32 @!p1 $0x1FFFFFF, s10;
	s16 =	sshra.s32 @!p1 s10, $0x1F;
	p2 =	por !p2, p1  }
0x2c: {  	s17 =	smulhi.u32 @!p1 $0x1A36E2F, s14;
	s16 =	sand.u32 @!p1 s16, s10;
	s15 =	simm.s32 @p2 $0x9A40  }
0x2d: {  	s15 =	ssub.s32 @!p1 s15, s16  }
0x2e: {  	s16 =	sshrl.u32 @!p1 s17, $0x8;
	s15 =	sadd.s32 @!p1 $0xFFFF65C0, s15  }
0x2f: {  	s17 =	sxor.u32 @!p1 $0xFFFFFFFF, s12;
	s16 =	smul.u32 @!p1 $0x9C40, s16;
	s18 =	sshll.u32 @!p1 s15, $0x7  }
0x30: {  	s17 =	sshll.u32 @!p1 s17, $0xE;
	p2 =	sgt.s32 @!p1 s15, $0x1FF;
	s15 =	ssub.s32 @!p1 $0x10000, s18  }
0x31: {  	s14 =	ssub.s32 @!p1 s14, s16;
	p2 =	por !p2, p1;
	s16 =	sand.u32 @!p1 $0x4000, s17  }
0x32: {  	s17 =	simm.s32 @!p1 $0x20;
	s15 =	sshrl.u32 @!p1 s15, $0x2;
	s14 =	sshll.u32 @!p1 s14, $0x4  }
0x33: {  	s18 =	simm.s32 @!p1 $0x80;
	s15 =	simm.s32 @!p2 $0x0;
	s14 =	sadd.s32 @!p1 s2, s14  }
0x34: {  	[tilespmem:s16], [sflag:$0x1] =	stream.strided.gather @!p1 [hbm4b:s14+s17], s15, s18, s17, $0x38;
	[tilespmem:$0x10000] =	vst v63  }
0x35: {  	p1 =	seq.s32 s12, $0x0  }
0x36: {  	p2 =	sge.u32 @!p1 s12, s7  }
0x37: {  	p1 =	por p1, p2  }
.Ltmp2:
0x38: {  	_ = 	snop;
	(pc) =	sbr.rel @p1 .LBB2_7-.Ltmp2, $1  }
0x39: {  	_ =	sdelay $0x3  }
0x3a: {  	p1 =	sgt.s32 s11, $0x9A40;
	s14 =	smov.u32 s11;
	s15 =	sshra.s32 s11, $0x1F  }
0x3b: {  	s14 =	simm.s32 @!p1 $0x9A40;
	s15 =	sand.u32 s15, s11  }
0x3c: {  	s14 =	ssub.s32 s14, s15  }
0x3d: {  	s14 =	sadd.s32 $0xFFFF65C0, s14  }
0x3e: {  	s31 =	sshll.u32 s14, $0x7  }
0x3f: {  	s15 =	ssub.s32 $0x10000, s31  }
0x40: {  	p1 =	sgt.s32 s14, $0x1FF;
	s14 =	sshrl.u32 s15, $0x2;
	s15 =	sadd.s32 $0x200, s11  }
0x41: {  	s14 =	simm.s32 @p1 $0x0;
	p1 =	slt.s32 s15, $0x9C40  }
0x42: {  	s15 =	simm.s32 @!p1 $0x9C40  }
0x43: {  	s18 =	ssub.s32 s15, s11  }
0x44: {  	p1 =	slt.s32 s18, $0x1  }
.Ltmp3:
0x45: {  	_ = 	snop;
	(pc) =	sbr.rel @p1 .LBB2_6-.Ltmp3, $4  }
0x46: {  	_ = 	snop  }
0x47: {  	s16 =	sshll.u32 s12, $0xE;
	_ =	swait.ge [sflag:s4], s14  }
0x48: {  	s16 =	sand.u32 $0x4000, s16;
	s17 =	ssub.s32 $0x0, s14;
	[sflag:s4] =	ssyncset.done $0x0  }
0x49: {  	s15 =	sor.u32 $0x8000, s16;
	[sflag:s4] =	ssyncadd.s32 s17  }
0x4a: {  	v0 =	vmov s16;
	_ =	sdelay $0x2  }
0x4b: {  	s31 =	simm.s32 $0x0;
	p1 =	sne.s32 s18, $0x1  }
.Ltmp4:
0x4c: {  	s16 =	sand.u32 $0x3FE0, s31;
	(pc) =	sbr.rel @!p1 .LBB2_5-.Ltmp4, $3  }
0x4d: {  	v1 =	vmov s15;
	s17 =	sor.u32 $0x10, s16;
	v2 =	vld.idx.msk [tilespmem:v0+s16+$0x0 ss:$0x1], $0xffff  }
0x4e: {  	v3 =	vld.idx.msk [tilespmem:v0+s17+$0x0 ss:$0x1], $0xffff;
	_ =	sdelay $0x1  }
0x4f: {  	s18 =	sadd.s32 $0xFFFFFFFF, s18;
	s19 =	simm.s32 $0x20  }
.LBB2_4:
0x50: {  	s20 =	sand.u32 $0x3FE0, s19;
	p1 =	sne.s32 s18, $0x1;
	s18 =	sadd.s32 $0xFFFFFFFF, s18  }
.Ltmp5:
0x51: {  	s21 =	sor.u32 $0x10, s20;
	[tilespmem:v1+s16+$0x0 ss:$0x1] =	vst.idx.msk $0xffff, v2;
	v2 =	vld.idx.msk [tilespmem:v0+s20+$0x0 ss:$0x1], $0xffff;
	s16 =	smov.u32 s20;
	(pc) =	sbr.rel @p1 .LBB2_4-.Ltmp5, $2  }
0x52: {  	[tilespmem:v1+s17+$0x0 ss:$0x1] =	vst.idx.msk $0xffff, v3;
	v3 =	vld.idx.msk [tilespmem:v0+s21+$0x0 ss:$0x1], $0xffff;
	s17 =	smov.u32 s21;
	_ =	sdelay $0x2  }
0x53: {  	s19 =	sadd.s32 $0x20, s19  }
.Ltmp6:
0x54: {  	_ = 	snop;
	(pc) =	sbr.rel .LBB2_5-.Ltmp6, $1  }
0x55: {  	_ =	sdelay $0x3  }
.LBB2_8:
0x56: {  	_ =	sfence.sel $0x180000  }
0x57: {  	s2 =	simm.s32 $0x1;
	[bflag:$0x0] =	sbarrier.arrive $0xFFFF  }
0x58: {  	s31 =	simm.s32 $0x2;
	[sflag:s2] =	ssyncpa.u1 $0x1  }
0x59: {  	[sflag:s31] =	ssyncpa.u1 $0x1  }
0x5a: {  	_ =	strace $0x90000050  }
0x5b: {  	s0 =	sadd.s32 @!p0 $0x100000, s0;
	[bflag:$0x2] =	sbarrier.arrive $0xFFFF  }
0x5c: {  	[sflag:s0] =	ssyncadd.tile.s32 @!p0 $0x1;
	s0 =	simm.s32 @!p0 $0x3F  }
0x5d: {  	_ =	swait.ge @!p0 [sflag:s0], s1  }
0x5e: {  	s1 =	ssub.s32 @!p0 $0x0, s1;
	[sflag:s0] =	ssyncset.done @!p0 $0x0  }
0x5f: {  	[sflag:s0] =	ssyncadd.s32 @!p0 s1  }
0x60: {  	[bflag:$0x3] =	sbarrier.arrive $0xFFFF  }
0x61: {  	_ =	shalt  }
.Lfunc_end2:
execute1_lowered:
.L_overlay_start_2:
0x62: {  	(tag) =	ssettag $0x2  }
0x63: {  	s7 =	rddreg [dreg:$0x0]  }
0x64: {  	s2 =	rddreg [dreg:$0x1];
	_ =	strace $0x80000053;
	s3 =	simm.s32 $0x1  }
0x65: {  	v0 =	vimm.s32 $0x0;
	[sflag:s3] =	ssyncpa.u1 $0x0  }
0x66: {  	[tilespmem:$0x48] =	vst v0  }
0x67: {  	[tilespmem:$0x58] =	vst v0  }
0x68: {  	[tilespmem:$0x68] =	vst v0  }
0x69: {  	[tilespmem:$0x78] =	vst v0  }
0x6a: {  	[tilespmem:$0x88] =	vst v0  }
0x6b: {  	[tilespmem:$0x98] =	vst v0  }
0x6c: {  	[tilespmem:$0xA8] =	vst v0  }
0x6d: {  	[tilespmem:$0xB8] =	vst v0  }
0x6e: {  	[tilespmem:$0xC8] =	vst v0  }
0x6f: {  	[tilespmem:$0xD8] =	vst v0  }
0x70: {  	[tilespmem:$0xE8] =	vst v0  }
0x71: {  	[tilespmem:$0xF8] =	vst v0  }
0x72: {  	[tilespmem:$0x108] =	vst v0  }
0x73: {  	[tilespmem:$0x118] =	vst v0  }
0x74: {  	[tilespmem:$0x128] =	vst v0  }
0x75: {  	[tilespmem:$0x138] =	vst v0  }
0x76: {  	[tilespmem:$0x148] =	vst v0  }
0x77: {  	[tilespmem:$0x158] =	vst v0  }
0x78: {  	[tilespmem:$0x168] =	vst v0  }
0x79: {  	[tilespmem:$0x178] =	vst v0  }
0x7a: {  	[tilespmem:$0x188] =	vst v0  }
0x7b: {  	[tilespmem:$0x198] =	vst v0  }
0x7c: {  	[tilespmem:$0x1A8] =	vst v0  }
0x7d: {  	[tilespmem:$0x1B8] =	vst v0  }
0x7e: {  	[tilespmem:$0x1C8] =	vst v0  }
0x7f: {  	[tilespmem:$0x1D8] =	vst v0  }
0x80: {  	[tilespmem:$0x1E8] =	vst v0  }
0x81: {  	[tilespmem:$0x1F8] =	vst v0  }
0x82: {  	[tilespmem:$0x208] =	vst v0  }
0x83: {  	[tilespmem:$0x218] =	vst v0  }
0x84: {  	[tilespmem:$0x228] =	vst v0  }
0x85: {  	[tilespmem:$0x238] =	vst v0  }
0x86: {  	[tilespmem:$0x248] =	vst v0  }
0x87: {  	[tilespmem:$0x258] =	vst v0  }
0x88: {  	[tilespmem:$0x268] =	vst v0  }
0x89: {  	[tilespmem:$0x278] =	vst v0  }
0x8a: {  	[tilespmem:$0x288] =	vst v0  }
0x8b: {  	[tilespmem:$0x298] =	vst v0  }
0x8c: {  	[tilespmem:$0x2A8] =	vst v0  }
0x8d: {  	[tilespmem:$0x2B8] =	vst v0  }
0x8e: {  	[tilespmem:$0x2C8] =	vst v0  }
0x8f: {  	[tilespmem:$0x2D8] =	vst v0  }
0x90: {  	[tilespmem:$0x2E8] =	vst v0  }
0x91: {  	[tilespmem:$0x2F8] =	vst v0  }
0x92: {  	[tilespmem:$0x308] =	vst v0  }
0x93: {  	[tilespmem:$0x318] =	vst v0  }
0x94: {  	[tilespmem:$0x328] =	vst v0  }
0x95: {  	[tilespmem:$0x338] =	vst v0  }
0x96: {  	[tilespmem:$0x348] =	vst v0  }
0x97: {  	[tilespmem:$0x358] =	vst v0  }
0x98: {  	[tilespmem:$0x368] =	vst v0  }
0x99: {  	[tilespmem:$0x378] =	vst v0  }
0x9a: {  	[tilespmem:$0x388] =	vst v0  }
0x9b: {  	[tilespmem:$0x398] =	vst v0  }
0x9c: {  	[tilespmem:$0x3A8] =	vst v0  }
0x9d: {  	[tilespmem:$0x3B8] =	vst v0  }
0x9e: {  	[tilespmem:$0x3C8] =	vst v0  }
0x9f: {  	[tilespmem:$0x3D8] =	vst v0  }
0xa0: {  	[tilespmem:$0x3E8] =	vst v0  }
0xa1: {  	[tilespmem:$0x3F8] =	vst v0  }
0xa2: {  	[tilespmem:$0x408] =	vst v0  }
0xa3: {  	[tilespmem:$0x418] =	vst v0  }
0xa4: {  	[tilespmem:$0x428] =	vst v0  }
0xa5: {  	[tilespmem:$0x438] =	vst v0  }
0xa6: {  	[tilespmem:$0x448] =	vst v0  }
0xa7: {  	[tilespmem:$0x458] =	vst v0  }
0xa8: {  	[tilespmem:$0x468] =	vst v0  }
0xa9: {  	[tilespmem:$0x478] =	vst v0  }
0xaa: {  	[tilespmem:$0x488] =	vst v0  }
0xab: {  	[tilespmem:$0x498] =	vst v0  }
0xac: {  	[tilespmem:$0x4A8] =	vst v0  }
0xad: {  	[tilespmem:$0x4B8] =	vst v0  }
0xae: {  	[tilespmem:$0x4C8] =	vst v0  }
0xaf: {  	[tilespmem:$0x4D8] =	vst v0  }
0xb0: {  	[tilespmem:$0x4E8] =	vst v0  }
0xb1: {  	[tilespmem:$0x4F8] =	vst v0  }
0xb2: {  	[tilespmem:$0x508] =	vst v0  }
0xb3: {  	[tilespmem:$0x518] =	vst v0  }
0xb4: {  	[tilespmem:$0x528] =	vst v0  }
0xb5: {  	[tilespmem:$0x538] =	vst v0  }
0xb6: {  	[tilespmem:$0x548] =	vst v0  }
0xb7: {  	[tilespmem:$0x558] =	vst v0  }
0xb8: {  	[tilespmem:$0x568] =	vst v0  }
0xb9: {  	[tilespmem:$0x578] =	vst v0  }
0xba: {  	[tilespmem:$0x588] =	vst v0  }
0xbb: {  	[tilespmem:$0x598] =	vst v0  }
0xbc: {  	[tilespmem:$0x5A8] =	vst v0  }
0xbd: {  	[tilespmem:$0x5B8] =	vst v0  }
0xbe: {  	[tilespmem:$0x5C8] =	vst v0  }
0xbf: {  	[tilespmem:$0x5D8] =	vst v0  }
0xc0: {  	[tilespmem:$0x5E8] =	vst v0  }
0xc1: {  	[tilespmem:$0x5F8] =	vst v0  }
0xc2: {  	[tilespmem:$0x608] =	vst v0  }
0xc3: {  	[tilespmem:$0x618] =	vst v0  }
0xc4: {  	[tilespmem:$0x628] =	vst v0  }
0xc5: {  	[tilespmem:$0x638] =	vst v0  }
0xc6: {  	[tilespmem:$0x648] =	vst v0  }
0xc7: {  	[tilespmem:$0x658] =	vst v0  }
0xc8: {  	[tilespmem:$0x668] =	vst v0  }
0xc9: {  	[tilespmem:$0x678] =	vst v0  }
0xca: {  	[tilespmem:$0x688] =	vst v0  }
0xcb: {  	[tilespmem:$0x698] =	vst v0  }
0xcc: {  	[tilespmem:$0x6A8] =	vst v0  }
0xcd: {  	[tilespmem:$0x6B8] =	vst v0  }
0xce: {  	[tilespmem:$0x6C8] =	vst v0  }
0xcf: {  	[tilespmem:$0x6D8] =	vst v0  }
0xd0: {  	[tilespmem:$0x6E8] =	vst v0  }
0xd1: {  	[tilespmem:$0x6F8] =	vst v0  }
0xd2: {  	[tilespmem:$0x708] =	vst v0  }
0xd3: {  	[tilespmem:$0x718] =	vst v0  }
0xd4: {  	[tilespmem:$0x728] =	vst v0  }
0xd5: {  	[tilespmem:$0x738] =	vst v0  }
0xd6: {  	[tilespmem:$0x748] =	vst v0  }
0xd7: {  	[tilespmem:$0x758] =	vst v0  }
0xd8: {  	[tilespmem:$0x768] =	vst v0  }
0xd9: {  	[tilespmem:$0x778] =	vst v0  }
0xda: {  	[tilespmem:$0x788] =	vst v0  }
0xdb: {  	[tilespmem:$0x798] =	vst v0  }
0xdc: {  	[tilespmem:$0x7A8] =	vst v0  }
0xdd: {  	[tilespmem:$0x7B8] =	vst v0  }
0xde: {  	[tilespmem:$0x7C8] =	vst v0  }
0xdf: {  	[tilespmem:$0x7D8] =	vst v0  }
0xe0: {  	[tilespmem:$0x7E8] =	vst v0  }
0xe1: {  	[tilespmem:$0x7F8] =	vst v0  }
0xe2: {  	[tilespmem:$0x808] =	vst v0  }
0xe3: {  	[tilespmem:$0x818] =	vst v0  }
0xe4: {  	[tilespmem:$0x828] =	vst v0  }
0xe5: {  	[tilespmem:$0x838] =	vst v0  }
0xe6: {  	[tilespmem:$0x848] =	vst v0  }
0xe7: {  	[tilespmem:$0x858] =	vst v0  }
0xe8: {  	[tilespmem:$0x868] =	vst v0  }
0xe9: {  	[tilespmem:$0x878] =	vst v0  }
0xea: {  	[tilespmem:$0x888] =	vst v0  }
0xeb: {  	[tilespmem:$0x898] =	vst v0  }
0xec: {  	[tilespmem:$0x8A8] =	vst v0  }
0xed: {  	[tilespmem:$0x8B8] =	vst v0  }
0xee: {  	[tilespmem:$0x8C8] =	vst v0  }
0xef: {  	[tilespmem:$0x8D8] =	vst v0  }
0xf0: {  	[tilespmem:$0x8E8] =	vst v0  }
0xf1: {  	[tilespmem:$0x8F8] =	vst v0  }
0xf2: {  	[tilespmem:$0x908] =	vst v0  }
0xf3: {  	[tilespmem:$0x918] =	vst v0  }
0xf4: {  	[tilespmem:$0x928] =	vst v0  }
0xf5: {  	[tilespmem:$0x938] =	vst v0  }
0xf6: {  	[tilespmem:$0x948] =	vst v0  }
0xf7: {  	[tilespmem:$0x958] =	vst v0  }
0xf8: {  	[tilespmem:$0x968] =	vst v0  }
0xf9: {  	[tilespmem:$0x978] =	vst v0  }
0xfa: {  	[tilespmem:$0x988] =	vst v0  }
0xfb: {  	[tilespmem:$0x998] =	vst v0  }
0xfc: {  	[tilespmem:$0x9A8] =	vst v0  }
0xfd: {  	[tilespmem:$0x9B8] =	vst v0  }
0xfe: {  	[tilespmem:$0x9C8] =	vst v0  }
0xff: {  	[tilespmem:$0x9D8] =	vst v0  }
0x100: {  	[tilespmem:$0x9E8] =	vst v0  }
0x101: {  	[tilespmem:$0x9F8] =	vst v0  }
0x102: {  	[tilespmem:$0xA08] =	vst v0  }
0x103: {  	[tilespmem:$0xA18] =	vst v0  }
0x104: {  	[tilespmem:$0xA28] =	vst v0  }
0x105: {  	[tilespmem:$0xA38] =	vst v0  }
0x106: {  	[tilespmem:$0xA48] =	vst v0  }
0x107: {  	[tilespmem:$0xA58] =	vst v0  }
0x108: {  	[tilespmem:$0xA68] =	vst v0  }
0x109: {  	[tilespmem:$0xA78] =	vst v0  }
0x10a: {  	[tilespmem:$0xA88] =	vst v0  }
0x10b: {  	[tilespmem:$0xA98] =	vst v0  }
0x10c: {  	[tilespmem:$0xAA8] =	vst v0  }
0x10d: {  	[tilespmem:$0xAB8] =	vst v0  }
0x10e: {  	[tilespmem:$0xAC8] =	vst v0  }
0x10f: {  	[tilespmem:$0xAD8] =	vst v0  }
0x110: {  	[tilespmem:$0xAE8] =	vst v0  }
0x111: {  	[tilespmem:$0xAF8] =	vst v0  }
0x112: {  	[tilespmem:$0xB08] =	vst v0  }
0x113: {  	[tilespmem:$0xB18] =	vst v0  }
0x114: {  	[tilespmem:$0xB28] =	vst v0  }
0x115: {  	[tilespmem:$0xB38] =	vst v0  }
0x116: {  	[tilespmem:$0xB48] =	vst v0  }
0x117: {  	[tilespmem:$0xB58] =	vst v0  }
0x118: {  	[tilespmem:$0xB68] =	vst v0  }
0x119: {  	[tilespmem:$0xB78] =	vst v0  }
0x11a: {  	[tilespmem:$0xB88] =	vst v0  }
0x11b: {  	[tilespmem:$0xB98] =	vst v0  }
0x11c: {  	[tilespmem:$0xBA8] =	vst v0  }
0x11d: {  	[tilespmem:$0xBB8] =	vst v0  }
0x11e: {  	[tilespmem:$0xBC8] =	vst v0  }
0x11f: {  	[tilespmem:$0xBD8] =	vst v0  }
0x120: {  	[tilespmem:$0xBE8] =	vst v0  }
0x121: {  	[tilespmem:$0xBF8] =	vst v0  }
0x122: {  	[tilespmem:$0xC08] =	vst v0  }
0x123: {  	[tilespmem:$0xC18] =	vst v0  }
0x124: {  	[tilespmem:$0xC28] =	vst v0  }
0x125: {  	[tilespmem:$0xC38] =	vst v0  }
0x126: {  	[tilespmem:$0xC48] =	vst v0  }
0x127: {  	[tilespmem:$0xC58] =	vst v0  }
0x128: {  	[tilespmem:$0xC68] =	vst v0  }
0x129: {  	[tilespmem:$0xC78] =	vst v0  }
0x12a: {  	[tilespmem:$0xC88] =	vst v0  }
0x12b: {  	[tilespmem:$0xC98] =	vst v0  }
0x12c: {  	[tilespmem:$0xCA8] =	vst v0  }
0x12d: {  	[tilespmem:$0xCB8] =	vst v0  }
0x12e: {  	[tilespmem:$0xCC8] =	vst v0  }
0x12f: {  	[tilespmem:$0xCD8] =	vst v0  }
0x130: {  	[tilespmem:$0xCE8] =	vst v0  }
0x131: {  	[tilespmem:$0xCF8] =	vst v0  }
0x132: {  	[tilespmem:$0xD08] =	vst v0  }
0x133: {  	[tilespmem:$0xD18] =	vst v0  }
0x134: {  	[tilespmem:$0xD28] =	vst v0  }
0x135: {  	[tilespmem:$0xD38] =	vst v0  }
0x136: {  	[tilespmem:$0xD48] =	vst v0  }
0x137: {  	[tilespmem:$0xD58] =	vst v0  }
0x138: {  	[tilespmem:$0xD68] =	vst v0  }
0x139: {  	[tilespmem:$0xD78] =	vst v0  }
0x13a: {  	[tilespmem:$0xD88] =	vst v0  }
0x13b: {  	[tilespmem:$0xD98] =	vst v0  }
0x13c: {  	[tilespmem:$0xDA8] =	vst v0  }
0x13d: {  	[tilespmem:$0xDB8] =	vst v0  }
0x13e: {  	[tilespmem:$0xDC8] =	vst v0  }
0x13f: {  	[tilespmem:$0xDD8] =	vst v0  }
0x140: {  	[tilespmem:$0xDE8] =	vst v0  }
0x141: {  	[tilespmem:$0xDF8] =	vst v0  }
0x142: {  	[tilespmem:$0xE08] =	vst v0  }
0x143: {  	[tilespmem:$0xE18] =	vst v0  }
0x144: {  	[tilespmem:$0xE28] =	vst v0  }
0x145: {  	[tilespmem:$0xE38] =	vst v0  }
0x146: {  	[tilespmem:$0xE48] =	vst v0  }
0x147: {  	[tilespmem:$0xE58] =	vst v0  }
0x148: {  	[tilespmem:$0xE68] =	vst v0  }
0x149: {  	[tilespmem:$0xE78] =	vst v0  }
0x14a: {  	[tilespmem:$0xE88] =	vst v0  }
0x14b: {  	[tilespmem:$0xE98] =	vst v0  }
0x14c: {  	[tilespmem:$0xEA8] =	vst v0  }
0x14d: {  	[tilespmem:$0xEB8] =	vst v0  }
0x14e: {  	[tilespmem:$0xEC8] =	vst v0  }
0x14f: {  	[tilespmem:$0xED8] =	vst v0  }
0x150: {  	[tilespmem:$0xEE8] =	vst v0  }
0x151: {  	[tilespmem:$0xEF8] =	vst v0  }
0x152: {  	[tilespmem:$0xF08] =	vst v0  }
0x153: {  	[tilespmem:$0xF18] =	vst v0  }
0x154: {  	[tilespmem:$0xF28] =	vst v0  }
0x155: {  	[tilespmem:$0xF38] =	vst v0  }
0x156: {  	[tilespmem:$0xF48] =	vst v0  }
0x157: {  	[tilespmem:$0xF58] =	vst v0  }
0x158: {  	[tilespmem:$0xF68] =	vst v0  }
0x159: {  	[tilespmem:$0xF78] =	vst v0  }
0x15a: {  	[tilespmem:$0xF88] =	vst v0  }
0x15b: {  	[tilespmem:$0xF98] =	vst v0  }
0x15c: {  	[tilespmem:$0xFA8] =	vst v0  }
0x15d: {  	[tilespmem:$0xFB8] =	vst v0  }
0x15e: {  	[tilespmem:$0xFC8] =	vst v0  }
0x15f: {  	[tilespmem:$0xFD8] =	vst v0  }
0x160: {  	[tilespmem:$0xFE8] =	vst v0  }
0x161: {  	[tilespmem:$0xFF8] =	vst v0  }
0x162: {  	[tilespmem:$0x1008] =	vst v0  }
0x163: {  	[tilespmem:$0x1018] =	vst v0  }
0x164: {  	[tilespmem:$0x1028] =	vst v0  }
0x165: {  	[tilespmem:$0x1168] =	vst v0  }
0x166: {  	[tilespmem:$0x1038] =	vst v0  }
0x167: {  	[tilespmem:$0x1048] =	vst v0  }
0x168: {  	[tilespmem:$0x1058] =	vst v0  }
0x169: {  	[tilespmem:$0x1068] =	vst v0  }
0x16a: {  	[tilespmem:$0x1078] =	vst v0  }
0x16b: {  	[tilespmem:$0x1088] =	vst v0  }
0x16c: {  	[tilespmem:$0x1098] =	vst v0  }
0x16d: {  	[tilespmem:$0x10A8] =	vst v0  }
0x16e: {  	[tilespmem:$0x10B8] =	vst v0  }
0x16f: {  	[tilespmem:$0x10C8] =	vst v0  }
0x170: {  	[tilespmem:$0x10D8] =	vst v0  }
0x171: {  	[tilespmem:$0x10E8] =	vst v0  }
0x172: {  	[tilespmem:$0x10F8] =	vst v0  }
0x173: {  	[tilespmem:$0x1108] =	vst v0  }
0x174: {  	[tilespmem:$0x1118] =	vst v0  }
0x175: {  	[tilespmem:$0x1128] =	vst v0  }
0x176: {  	[tilespmem:$0x1138] =	vst v0  }
0x177: {  	[tilespmem:$0x1148] =	vst v0  }
0x178: {  	[tilespmem:$0x1158] =	vst v0  }
0x179: {  	[tilespmem:$0x1178] =	vst v0  }
0x17a: {  	[tilespmem:$0x1188] =	vst v0  }
0x17b: {  	[tilespmem:$0x1198] =	vst v0  }
0x17c: {  	[tilespmem:$0x11A8] =	vst v0  }
0x17d: {  	[tilespmem:$0x11B8] =	vst v0  }
0x17e: {  	[tilespmem:$0x11C8] =	vst v0  }
0x17f: {  	[tilespmem:$0x11D8] =	vst v0  }
0x180: {  	[tilespmem:$0x11E8] =	vst v0  }
0x181: {  	[tilespmem:$0x11F8] =	vst v0  }
0x182: {  	[tilespmem:$0x1208] =	vst v0  }
0x183: {  	[tilespmem:$0x1218] =	vst v0  }
0x184: {  	[tilespmem:$0x1228] =	vst v0  }
0x185: {  	[tilespmem:$0x1238] =	vst v0  }
0x186: {  	[tilespmem:$0x1248] =	vst v0  }
0x187: {  	[tilespmem:$0x1258] =	vst v0  }
0x188: {  	[tilespmem:$0x1268] =	vst v0  }
0x189: {  	[tilespmem:$0x1278] =	vst v0  }
0x18a: {  	[tilespmem:$0x1288] =	vst v0  }
0x18b: {  	[tilespmem:$0x1298] =	vst v0  }
0x18c: {  	[tilespmem:$0x12A8] =	vst v0  }
0x18d: {  	[tilespmem:$0x12B8] =	vst v0  }
0x18e: {  	[tilespmem:$0x12C8] =	vst v0  }
0x18f: {  	[tilespmem:$0x12D8] =	vst v0  }
0x190: {  	[tilespmem:$0x12E8] =	vst v0  }
0x191: {  	[tilespmem:$0x12F8] =	vst v0  }
0x192: {  	[tilespmem:$0x1308] =	vst v0  }
0x193: {  	[tilespmem:$0x1318] =	vst v0  }
0x194: {  	[tilespmem:$0x1328] =	vst v0  }
0x195: {  	[tilespmem:$0x1338] =	vst v0  }
0x196: {  	[tilespmem:$0x1348] =	vst v0  }
0x197: {  	[tilespmem:$0x1358] =	vst v0  }
0x198: {  	[tilespmem:$0x1368] =	vst v0  }
0x199: {  	[tilespmem:$0x1378] =	vst v0  }
0x19a: {  	[tilespmem:$0x1388] =	vst v0  }
0x19b: {  	[tilespmem:$0x1398] =	vst v0  }
0x19c: {  	[tilespmem:$0x13A8] =	vst v0  }
0x19d: {  	[tilespmem:$0x13B8] =	vst v0  }
0x19e: {  	[tilespmem:$0x13C8] =	vst v0  }
0x19f: {  	[tilespmem:$0x13D8] =	vst v0  }
0x1a0: {  	[tilespmem:$0x13E8] =	vst v0  }
0x1a1: {  	[tilespmem:$0x13F8] =	vst v0  }
0x1a2: {  	[tilespmem:$0x1408] =	vst v0  }
0x1a3: {  	[tilespmem:$0x1418] =	vst v0  }
0x1a4: {  	[tilespmem:$0x1428] =	vst v0  }
0x1a5: {  	[tilespmem:$0x1438] =	vst v0  }
0x1a6: {  	[tilespmem:$0x1448] =	vst v0  }
0x1a7: {  	[tilespmem:$0x1458] =	vst v0  }
0x1a8: {  	[tilespmem:$0x1468] =	vst v0  }
0x1a9: {  	[tilespmem:$0x1478] =	vst v0  }
0x1aa: {  	[tilespmem:$0x1488] =	vst v0  }
0x1ab: {  	[tilespmem:$0x1498] =	vst v0  }
0x1ac: {  	[tilespmem:$0x14A8] =	vst v0  }
0x1ad: {  	[tilespmem:$0x14B8] =	vst v0  }
0x1ae: {  	[tilespmem:$0x14C8] =	vst v0  }
0x1af: {  	[tilespmem:$0x14D8] =	vst v0  }
0x1b0: {  	[tilespmem:$0x14E8] =	vst v0  }
0x1b1: {  	[tilespmem:$0x14F8] =	vst v0  }
0x1b2: {  	[tilespmem:$0x1508] =	vst v0  }
0x1b3: {  	[tilespmem:$0x1518] =	vst v0  }
0x1b4: {  	[tilespmem:$0x1528] =	vst v0  }
0x1b5: {  	[tilespmem:$0x1538] =	vst v0  }
0x1b6: {  	[tilespmem:$0x1548] =	vst v0  }
0x1b7: {  	[tilespmem:$0x1558] =	vst v0  }
0x1b8: {  	[tilespmem:$0x1568] =	vst v0  }
0x1b9: {  	[tilespmem:$0x1578] =	vst v0  }
0x1ba: {  	[tilespmem:$0x1588] =	vst v0  }
0x1bb: {  	[tilespmem:$0x1598] =	vst v0  }
0x1bc: {  	[tilespmem:$0x15A8] =	vst v0  }
0x1bd: {  	[tilespmem:$0x15B8] =	vst v0  }
0x1be: {  	[tilespmem:$0x15C8] =	vst v0  }
0x1bf: {  	[tilespmem:$0x15D8] =	vst v0  }
0x1c0: {  	[tilespmem:$0x15E8] =	vst v0  }
0x1c1: {  	[tilespmem:$0x15F8] =	vst v0  }
0x1c2: {  	[tilespmem:$0x1608] =	vst v0  }
0x1c3: {  	[tilespmem:$0x1618] =	vst v0  }
0x1c4: {  	[tilespmem:$0x1628] =	vst v0  }
0x1c5: {  	[tilespmem:$0x1638] =	vst v0  }
0x1c6: {  	[tilespmem:$0x1648] =	vst v0  }
0x1c7: {  	[tilespmem:$0x1658] =	vst v0  }
0x1c8: {  	[tilespmem:$0x1668] =	vst v0  }
0x1c9: {  	[tilespmem:$0x1678] =	vst v0  }
0x1ca: {  	[tilespmem:$0x1688] =	vst v0  }
0x1cb: {  	[tilespmem:$0x1698] =	vst v0  }
0x1cc: {  	[tilespmem:$0x16A8] =	vst v0  }
0x1cd: {  	[tilespmem:$0x16B8] =	vst v0  }
0x1ce: {  	[tilespmem:$0x16C8] =	vst v0  }
0x1cf: {  	[tilespmem:$0x16D8] =	vst v0  }
0x1d0: {  	[tilespmem:$0x16E8] =	vst v0  }
0x1d1: {  	[tilespmem:$0x16F8] =	vst v0  }
0x1d2: {  	[tilespmem:$0x1708] =	vst v0  }
0x1d3: {  	[tilespmem:$0x1718] =	vst v0  }
0x1d4: {  	[tilespmem:$0x1728] =	vst v0  }
0x1d5: {  	[tilespmem:$0x1738] =	vst v0  }
0x1d6: {  	[tilespmem:$0x1748] =	vst v0  }
0x1d7: {  	[tilespmem:$0x1758] =	vst v0  }
0x1d8: {  	[tilespmem:$0x1768] =	vst v0  }
0x1d9: {  	[tilespmem:$0x1778] =	vst v0  }
0x1da: {  	[tilespmem:$0x1788] =	vst v0  }
0x1db: {  	[tilespmem:$0x1798] =	vst v0  }
0x1dc: {  	[tilespmem:$0x17A8] =	vst v0  }
0x1dd: {  	[tilespmem:$0x17B8] =	vst v0  }
0x1de: {  	[tilespmem:$0x17C8] =	vst v0  }
0x1df: {  	[tilespmem:$0x17D8] =	vst v0  }
0x1e0: {  	[tilespmem:$0x17E8] =	vst v0  }
0x1e1: {  	[tilespmem:$0x17F8] =	vst v0  }
0x1e2: {  	[tilespmem:$0x1808] =	vst v0  }
0x1e3: {  	[tilespmem:$0x1818] =	vst v0  }
0x1e4: {  	[tilespmem:$0x1828] =	vst v0  }
0x1e5: {  	[tilespmem:$0x1838] =	vst v0  }
0x1e6: {  	[tilespmem:$0x1848] =	vst v0  }
0x1e7: {  	[tilespmem:$0x1858] =	vst v0  }
0x1e8: {  	[tilespmem:$0x1868] =	vst v0  }
0x1e9: {  	[tilespmem:$0x1878] =	vst v0  }
0x1ea: {  	[tilespmem:$0x1888] =	vst v0  }
0x1eb: {  	[tilespmem:$0x1898] =	vst v0  }
0x1ec: {  	[tilespmem:$0x18A8] =	vst v0  }
0x1ed: {  	[tilespmem:$0x18B8] =	vst v0  }
0x1ee: {  	[tilespmem:$0x18C8] =	vst v0  }
0x1ef: {  	[tilespmem:$0x18D8] =	vst v0  }
0x1f0: {  	[tilespmem:$0x18E8] =	vst v0  }
0x1f1: {  	[tilespmem:$0x18F8] =	vst v0  }
0x1f2: {  	[tilespmem:$0x1908] =	vst v0  }
0x1f3: {  	[tilespmem:$0x1918] =	vst v0  }
0x1f4: {  	[tilespmem:$0x1928] =	vst v0  }
0x1f5: {  	[tilespmem:$0x1938] =	vst v0  }
0x1f6: {  	[tilespmem:$0x1948] =	vst v0  }
0x1f7: {  	[tilespmem:$0x1958] =	vst v0  }
0x1f8: {  	[tilespmem:$0x1968] =	vst v0  }
0x1f9: {  	[tilespmem:$0x1978] =	vst v0  }
0x1fa: {  	[tilespmem:$0x1988] =	vst v0  }
0x1fb: {  	[tilespmem:$0x1998] =	vst v0  }
0x1fc: {  	[tilespmem:$0x19A8] =	vst v0  }
0x1fd: {  	[tilespmem:$0x19B8] =	vst v0  }
0x1fe: {  	[tilespmem:$0x19C8] =	vst v0  }
0x1ff: {  	[tilespmem:$0x19D8] =	vst v0  }
0x200: {  	[tilespmem:$0x19E8] =	vst v0  }
0x201: {  	[tilespmem:$0x19F8] =	vst v0  }
0x202: {  	[tilespmem:$0x1A08] =	vst v0  }
0x203: {  	[tilespmem:$0x1A18] =	vst v0  }
0x204: {  	[tilespmem:$0x1A28] =	vst v0  }
0x205: {  	[tilespmem:$0x1A38] =	vst v0  }
0x206: {  	[tilespmem:$0x1A48] =	vst v0  }
0x207: {  	[tilespmem:$0x1A58] =	vst v0  }
0x208: {  	[tilespmem:$0x1A68] =	vst v0  }
0x209: {  	[tilespmem:$0x1A78] =	vst v0  }
0x20a: {  	[tilespmem:$0x1A88] =	vst v0  }
0x20b: {  	[tilespmem:$0x1A98] =	vst v0  }
0x20c: {  	[tilespmem:$0x1AA8] =	vst v0  }
0x20d: {  	[tilespmem:$0x1AB8] =	vst v0  }
0x20e: {  	[tilespmem:$0x1AC8] =	vst v0  }
0x20f: {  	[tilespmem:$0x1AD8] =	vst v0  }
0x210: {  	[tilespmem:$0x1AE8] =	vst v0  }
0x211: {  	[tilespmem:$0x1AF8] =	vst v0  }
0x212: {  	[tilespmem:$0x1B08] =	vst v0  }
0x213: {  	[tilespmem:$0x1B18] =	vst v0  }
0x214: {  	[tilespmem:$0x1B28] =	vst v0  }
0x215: {  	[tilespmem:$0x1B38] =	vst v0  }
0x216: {  	[tilespmem:$0x1B48] =	vst v0  }
0x217: {  	[tilespmem:$0x1B58] =	vst v0  }
0x218: {  	[tilespmem:$0x1B68] =	vst v0  }
0x219: {  	[tilespmem:$0x1B78] =	vst v0  }
0x21a: {  	[tilespmem:$0x1B88] =	vst v0  }
0x21b: {  	[tilespmem:$0x1B98] =	vst v0  }
0x21c: {  	[tilespmem:$0x1BA8] =	vst v0  }
0x21d: {  	[tilespmem:$0x1BB8] =	vst v0  }
0x21e: {  	[tilespmem:$0x1BC8] =	vst v0  }
0x21f: {  	[tilespmem:$0x1BD8] =	vst v0  }
0x220: {  	[tilespmem:$0x1BE8] =	vst v0  }
0x221: {  	[tilespmem:$0x1BF8] =	vst v0  }
0x222: {  	[tilespmem:$0x1C08] =	vst v0  }
0x223: {  	[tilespmem:$0x1C18] =	vst v0  }
0x224: {  	[tilespmem:$0x1C28] =	vst v0  }
0x225: {  	[tilespmem:$0x1C38] =	vst v0  }
0x226: {  	[tilespmem:$0x1C48] =	vst v0  }
0x227: {  	[tilespmem:$0x1C58] =	vst v0  }
0x228: {  	[tilespmem:$0x1C68] =	vst v0  }
0x229: {  	[tilespmem:$0x1C78] =	vst v0  }
0x22a: {  	[tilespmem:$0x1C88] =	vst v0  }
0x22b: {  	[tilespmem:$0x1C98] =	vst v0  }
0x22c: {  	[tilespmem:$0x1CA8] =	vst v0  }
0x22d: {  	[tilespmem:$0x1CB8] =	vst v0  }
0x22e: {  	[tilespmem:$0x1CC8] =	vst v0  }
0x22f: {  	[tilespmem:$0x1CD8] =	vst v0  }
0x230: {  	[tilespmem:$0x1CE8] =	vst v0  }
0x231: {  	[tilespmem:$0x1CF8] =	vst v0  }
0x232: {  	[tilespmem:$0x1D08] =	vst v0  }
0x233: {  	[tilespmem:$0x1D18] =	vst v0  }
0x234: {  	[tilespmem:$0x1D28] =	vst v0  }
0x235: {  	[tilespmem:$0x1D38] =	vst v0  }
0x236: {  	[tilespmem:$0x1D48] =	vst v0  }
0x237: {  	[tilespmem:$0x1D58] =	vst v0  }
0x238: {  	[tilespmem:$0x1D68] =	vst v0  }
0x239: {  	[tilespmem:$0x1D78] =	vst v0  }
0x23a: {  	[tilespmem:$0x1D88] =	vst v0  }
0x23b: {  	[tilespmem:$0x1D98] =	vst v0  }
0x23c: {  	[tilespmem:$0x1DA8] =	vst v0  }
0x23d: {  	[tilespmem:$0x1DB8] =	vst v0  }
0x23e: {  	[tilespmem:$0x1DC8] =	vst v0  }
0x23f: {  	[tilespmem:$0x1DD8] =	vst v0  }
0x240: {  	[tilespmem:$0x1DE8] =	vst v0  }
0x241: {  	[tilespmem:$0x1DF8] =	vst v0  }
0x242: {  	[tilespmem:$0x1E08] =	vst v0  }
0x243: {  	[tilespmem:$0x1E18] =	vst v0  }
0x244: {  	[tilespmem:$0x1E28] =	vst v0  }
0x245: {  	[tilespmem:$0x1E38] =	vst v0  }
0x246: {  	[tilespmem:$0x1E48] =	vst v0  }
0x247: {  	[tilespmem:$0x1E58] =	vst v0  }
0x248: {  	[tilespmem:$0x1E68] =	vst v0  }
0x249: {  	[tilespmem:$0x1E78] =	vst v0  }
0x24a: {  	[tilespmem:$0x1E88] =	vst v0  }
0x24b: {  	[tilespmem:$0x1E98] =	vst v0  }
0x24c: {  	[tilespmem:$0x1EA8] =	vst v0  }
0x24d: {  	[tilespmem:$0x1EB8] =	vst v0  }
0x24e: {  	[tilespmem:$0x1EC8] =	vst v0  }
0x24f: {  	[tilespmem:$0x1ED8] =	vst v0  }
0x250: {  	[tilespmem:$0x1EE8] =	vst v0  }
0x251: {  	[tilespmem:$0x1EF8] =	vst v0  }
0x252: {  	[tilespmem:$0x1F08] =	vst v0  }
0x253: {  	[tilespmem:$0x1F18] =	vst v0  }
0x254: {  	[tilespmem:$0x1F28] =	vst v0  }
0x255: {  	[tilespmem:$0x1F38] =	vst v0  }
0x256: {  	[tilespmem:$0x1F48] =	vst v0  }
0x257: {  	[tilespmem:$0x1F58] =	vst v0  }
0x258: {  	[tilespmem:$0x1F68] =	vst v0  }
0x259: {  	[tilespmem:$0x1F78] =	vst v0  }
0x25a: {  	[tilespmem:$0x1F88] =	vst v0  }
0x25b: {  	[tilespmem:$0x1F98] =	vst v0  }
0x25c: {  	[tilespmem:$0x1FA8] =	vst v0  }
0x25d: {  	[tilespmem:$0x1FB8] =	vst v0  }
0x25e: {  	[tilespmem:$0x1FC8] =	vst v0  }
0x25f: {  	[tilespmem:$0x1FD8] =	vst v0  }
0x260: {  	[tilespmem:$0x1FE8] =	vst v0  }
0x261: {  	[tilespmem:$0x1FF8] =	vst v0  }
0x262: {  	[tilespmem:$0x2008] =	vst v0  }
0x263: {  	[tilespmem:$0x2018] =	vst v0  }
0x264: {  	[tilespmem:$0x2028] =	vst v0  }
0x265: {  	[tilespmem:$0x2038] =	vst v0  }
0x266: {  	[tilespmem:$0x2048] =	vst v0  }
0x267: {  	[tilespmem:$0x2058] =	vst v0  }
0x268: {  	[tilespmem:$0x2068] =	vst v0  }
0x269: {  	[tilespmem:$0x2078] =	vst v0  }
0x26a: {  	[tilespmem:$0x2088] =	vst v0  }
0x26b: {  	[tilespmem:$0x2098] =	vst v0  }
0x26c: {  	[tilespmem:$0x20A8] =	vst v0  }
0x26d: {  	[tilespmem:$0x20B8] =	vst v0  }
0x26e: {  	[tilespmem:$0x20C8] =	vst v0  }
0x26f: {  	[tilespmem:$0x20D8] =	vst v0  }
0x270: {  	[tilespmem:$0x20E8] =	vst v0  }
0x271: {  	[tilespmem:$0x20F8] =	vst v0  }
0x272: {  	[tilespmem:$0x2108] =	vst v0  }
0x273: {  	[tilespmem:$0x2118] =	vst v0  }
0x274: {  	[tilespmem:$0x2128] =	vst v0  }
0x275: {  	[tilespmem:$0x2138] =	vst v0  }
0x276: {  	[tilespmem:$0x2148] =	vst v0  }
0x277: {  	[tilespmem:$0x2158] =	vst v0  }
0x278: {  	[tilespmem:$0x2168] =	vst v0  }
0x279: {  	[tilespmem:$0x2218] =	vst v0  }
0x27a: {  	[tilespmem:$0x3058] =	vst v0  }
0x27b: {  	[tilespmem:$0x3048] =	vst v0  }
0x27c: {  	[tilespmem:$0x3038] =	vst v0  }
0x27d: {  	[tilespmem:$0x3028] =	vst v0  }
0x27e: {  	[tilespmem:$0x3018] =	vst v0  }
0x27f: {  	[tilespmem:$0x3008] =	vst v0  }
0x280: {  	[tilespmem:$0x2FF8] =	vst v0  }
0x281: {  	[tilespmem:$0x2FE8] =	vst v0  }
0x282: {  	[tilespmem:$0x2FD8] =	vst v0  }
0x283: {  	[tilespmem:$0x2FC8] =	vst v0  }
0x284: {  	[tilespmem:$0x2FB8] =	vst v0  }
0x285: {  	[tilespmem:$0x2FA8] =	vst v0  }
0x286: {  	[tilespmem:$0x2F98] =	vst v0  }
0x287: {  	[tilespmem:$0x2F88] =	vst v0  }
0x288: {  	[tilespmem:$0x2F78] =	vst v0  }
0x289: {  	[tilespmem:$0x2F68] =	vst v0  }
0x28a: {  	[tilespmem:$0x2F58] =	vst v0  }
0x28b: {  	[tilespmem:$0x2F48] =	vst v0  }
0x28c: {  	[tilespmem:$0x2F38] =	vst v0  }
0x28d: {  	[tilespmem:$0x2F28] =	vst v0  }
0x28e: {  	[tilespmem:$0x2F18] =	vst v0  }
0x28f: {  	[tilespmem:$0x2F08] =	vst v0  }
0x290: {  	[tilespmem:$0x2EF8] =	vst v0  }
0x291: {  	[tilespmem:$0x2EE8] =	vst v0  }
0x292: {  	[tilespmem:$0x2ED8] =	vst v0  }
0x293: {  	[tilespmem:$0x2EC8] =	vst v0  }
0x294: {  	[tilespmem:$0x2EB8] =	vst v0  }
0x295: {  	[tilespmem:$0x2EA8] =	vst v0  }
0x296: {  	[tilespmem:$0x2E98] =	vst v0  }
0x297: {  	[tilespmem:$0x2E88] =	vst v0  }
0x298: {  	[tilespmem:$0x2E78] =	vst v0  }
0x299: {  	[tilespmem:$0x2E68] =	vst v0  }
0x29a: {  	[tilespmem:$0x2E58] =	vst v0  }
0x29b: {  	[tilespmem:$0x2E48] =	vst v0  }
0x29c: {  	[tilespmem:$0x2E38] =	vst v0  }
0x29d: {  	[tilespmem:$0x2E28] =	vst v0  }
0x29e: {  	[tilespmem:$0x2E18] =	vst v0  }
0x29f: {  	[tilespmem:$0x2E08] =	vst v0  }
0x2a0: {  	[tilespmem:$0x2DF8] =	vst v0  }
0x2a1: {  	[tilespmem:$0x2DE8] =	vst v0  }
0x2a2: {  	[tilespmem:$0x2DD8] =	vst v0  }
0x2a3: {  	[tilespmem:$0x2DC8] =	vst v0  }
0x2a4: {  	[tilespmem:$0x2DB8] =	vst v0  }
0x2a5: {  	[tilespmem:$0x2DA8] =	vst v0  }
0x2a6: {  	[tilespmem:$0x2D98] =	vst v0  }
0x2a7: {  	[tilespmem:$0x2D88] =	vst v0  }
0x2a8: {  	[tilespmem:$0x2D78] =	vst v0  }
0x2a9: {  	[tilespmem:$0x2D68] =	vst v0  }
0x2aa: {  	[tilespmem:$0x2D58] =	vst v0  }
0x2ab: {  	[tilespmem:$0x2D48] =	vst v0  }
0x2ac: {  	[tilespmem:$0x2D38] =	vst v0  }
0x2ad: {  	[tilespmem:$0x2D28] =	vst v0  }
0x2ae: {  	[tilespmem:$0x2D18] =	vst v0  }
0x2af: {  	[tilespmem:$0x2D08] =	vst v0  }
0x2b0: {  	[tilespmem:$0x2CF8] =	vst v0  }
0x2b1: {  	[tilespmem:$0x2CE8] =	vst v0  }
0x2b2: {  	[tilespmem:$0x2CD8] =	vst v0  }
0x2b3: {  	[tilespmem:$0x2CC8] =	vst v0  }
0x2b4: {  	[tilespmem:$0x2CB8] =	vst v0  }
0x2b5: {  	[tilespmem:$0x2CA8] =	vst v0  }
0x2b6: {  	[tilespmem:$0x2C98] =	vst v0  }
0x2b7: {  	[tilespmem:$0x2C88] =	vst v0  }
0x2b8: {  	[tilespmem:$0x2C78] =	vst v0  }
0x2b9: {  	[tilespmem:$0x2C68] =	vst v0  }
0x2ba: {  	[tilespmem:$0x2C58] =	vst v0  }
0x2bb: {  	[tilespmem:$0x2C48] =	vst v0  }
0x2bc: {  	[tilespmem:$0x2C38] =	vst v0  }
0x2bd: {  	[tilespmem:$0x2C28] =	vst v0  }
0x2be: {  	[tilespmem:$0x2C18] =	vst v0  }
0x2bf: {  	[tilespmem:$0x2C08] =	vst v0  }
0x2c0: {  	[tilespmem:$0x2BF8] =	vst v0  }
0x2c1: {  	[tilespmem:$0x2BE8] =	vst v0  }
0x2c2: {  	[tilespmem:$0x2BD8] =	vst v0  }
0x2c3: {  	[tilespmem:$0x2BC8] =	vst v0  }
0x2c4: {  	[tilespmem:$0x2BB8] =	vst v0  }
0x2c5: {  	[tilespmem:$0x2BA8] =	vst v0  }
0x2c6: {  	[tilespmem:$0x2B98] =	vst v0  }
0x2c7: {  	[tilespmem:$0x2B88] =	vst v0  }
0x2c8: {  	[tilespmem:$0x2B78] =	vst v0  }
0x2c9: {  	[tilespmem:$0x2B68] =	vst v0  }
0x2ca: {  	[tilespmem:$0x2B58] =	vst v0  }
0x2cb: {  	[tilespmem:$0x2B48] =	vst v0  }
0x2cc: {  	[tilespmem:$0x2B38] =	vst v0  }
0x2cd: {  	[tilespmem:$0x2B28] =	vst v0  }
0x2ce: {  	[tilespmem:$0x2B18] =	vst v0  }
0x2cf: {  	[tilespmem:$0x2B08] =	vst v0  }
0x2d0: {  	[tilespmem:$0x2AF8] =	vst v0  }
0x2d1: {  	[tilespmem:$0x2AE8] =	vst v0  }
0x2d2: {  	[tilespmem:$0x2AD8] =	vst v0  }
0x2d3: {  	[tilespmem:$0x2AC8] =	vst v0  }
0x2d4: {  	[tilespmem:$0x2AB8] =	vst v0  }
0x2d5: {  	[tilespmem:$0x2AA8] =	vst v0  }
0x2d6: {  	[tilespmem:$0x2A98] =	vst v0  }
0x2d7: {  	[tilespmem:$0x2A88] =	vst v0  }
0x2d8: {  	[tilespmem:$0x2A78] =	vst v0  }
0x2d9: {  	[tilespmem:$0x2A68] =	vst v0  }
0x2da: {  	[tilespmem:$0x2A58] =	vst v0  }
0x2db: {  	[tilespmem:$0x2A48] =	vst v0  }
0x2dc: {  	[tilespmem:$0x2A38] =	vst v0  }
0x2dd: {  	[tilespmem:$0x2A28] =	vst v0  }
0x2de: {  	[tilespmem:$0x2A18] =	vst v0  }
0x2df: {  	[tilespmem:$0x2A08] =	vst v0  }
0x2e0: {  	[tilespmem:$0x29F8] =	vst v0  }
0x2e1: {  	[tilespmem:$0x29E8] =	vst v0  }
0x2e2: {  	[tilespmem:$0x29D8] =	vst v0  }
0x2e3: {  	[tilespmem:$0x29C8] =	vst v0  }
0x2e4: {  	[tilespmem:$0x29B8] =	vst v0  }
0x2e5: {  	[tilespmem:$0x29A8] =	vst v0  }
0x2e6: {  	[tilespmem:$0x2998] =	vst v0  }
0x2e7: {  	[tilespmem:$0x2988] =	vst v0  }
0x2e8: {  	[tilespmem:$0x2978] =	vst v0  }
0x2e9: {  	[tilespmem:$0x2968] =	vst v0  }
0x2ea: {  	[tilespmem:$0x2958] =	vst v0  }
0x2eb: {  	[tilespmem:$0x2948] =	vst v0  }
0x2ec: {  	[tilespmem:$0x2938] =	vst v0  }
0x2ed: {  	[tilespmem:$0x2928] =	vst v0  }
0x2ee: {  	[tilespmem:$0x2918] =	vst v0  }
0x2ef: {  	[tilespmem:$0x2908] =	vst v0  }
0x2f0: {  	[tilespmem:$0x28F8] =	vst v0  }
0x2f1: {  	[tilespmem:$0x28E8] =	vst v0  }
0x2f2: {  	[tilespmem:$0x28D8] =	vst v0  }
0x2f3: {  	[tilespmem:$0x28C8] =	vst v0  }
0x2f4: {  	[tilespmem:$0x28B8] =	vst v0  }
0x2f5: {  	[tilespmem:$0x28A8] =	vst v0  }
0x2f6: {  	[tilespmem:$0x2898] =	vst v0  }
0x2f7: {  	[tilespmem:$0x2888] =	vst v0  }
0x2f8: {  	[tilespmem:$0x2878] =	vst v0  }
0x2f9: {  	[tilespmem:$0x2868] =	vst v0  }
0x2fa: {  	[tilespmem:$0x2858] =	vst v0  }
0x2fb: {  	[tilespmem:$0x2848] =	vst v0  }
0x2fc: {  	[tilespmem:$0x2838] =	vst v0  }
0x2fd: {  	[tilespmem:$0x2828] =	vst v0  }
0x2fe: {  	[tilespmem:$0x2818] =	vst v0  }
0x2ff: {  	[tilespmem:$0x2808] =	vst v0  }
0x300: {  	[tilespmem:$0x27F8] =	vst v0  }
0x301: {  	[tilespmem:$0x27E8] =	vst v0  }
0x302: {  	[tilespmem:$0x27D8] =	vst v0  }
0x303: {  	[tilespmem:$0x27C8] =	vst v0  }
0x304: {  	[tilespmem:$0x27B8] =	vst v0  }
0x305: {  	[tilespmem:$0x27A8] =	vst v0  }
0x306: {  	[tilespmem:$0x2798] =	vst v0  }
0x307: {  	[tilespmem:$0x2788] =	vst v0  }
0x308: {  	[tilespmem:$0x2778] =	vst v0  }
0x309: {  	[tilespmem:$0x2768] =	vst v0  }
0x30a: {  	[tilespmem:$0x2758] =	vst v0  }
0x30b: {  	[tilespmem:$0x2748] =	vst v0  }
0x30c: {  	[tilespmem:$0x2738] =	vst v0  }
0x30d: {  	[tilespmem:$0x2728] =	vst v0  }
0x30e: {  	[tilespmem:$0x2718] =	vst v0  }
0x30f: {  	[tilespmem:$0x2708] =	vst v0  }
0x310: {  	[tilespmem:$0x26F8] =	vst v0  }
0x311: {  	[tilespmem:$0x26E8] =	vst v0  }
0x312: {  	[tilespmem:$0x26D8] =	vst v0  }
0x313: {  	[tilespmem:$0x26C8] =	vst v0  }
0x314: {  	[tilespmem:$0x26B8] =	vst v0  }
0x315: {  	[tilespmem:$0x26A8] =	vst v0  }
0x316: {  	[tilespmem:$0x2698] =	vst v0  }
0x317: {  	[tilespmem:$0x2688] =	vst v0  }
0x318: {  	[tilespmem:$0x2678] =	vst v0  }
0x319: {  	[tilespmem:$0x2668] =	vst v0  }
0x31a: {  	[tilespmem:$0x2658] =	vst v0  }
0x31b: {  	[tilespmem:$0x2648] =	vst v0  }
0x31c: {  	[tilespmem:$0x2638] =	vst v0  }
0x31d: {  	[tilespmem:$0x2628] =	vst v0  }
0x31e: {  	[tilespmem:$0x2618] =	vst v0  }
0x31f: {  	[tilespmem:$0x2608] =	vst v0  }
0x320: {  	[tilespmem:$0x25F8] =	vst v0  }
0x321: {  	[tilespmem:$0x25E8] =	vst v0  }
0x322: {  	[tilespmem:$0x25D8] =	vst v0  }
0x323: {  	[tilespmem:$0x25C8] =	vst v0  }
0x324: {  	[tilespmem:$0x25B8] =	vst v0  }
0x325: {  	[tilespmem:$0x25A8] =	vst v0  }
0x326: {  	[tilespmem:$0x2598] =	vst v0  }
0x327: {  	[tilespmem:$0x2588] =	vst v0  }
0x328: {  	[tilespmem:$0x2578] =	vst v0  }
0x329: {  	[tilespmem:$0x2568] =	vst v0  }
0x32a: {  	[tilespmem:$0x2558] =	vst v0  }
0x32b: {  	[tilespmem:$0x2548] =	vst v0  }
0x32c: {  	[tilespmem:$0x2538] =	vst v0  }
0x32d: {  	[tilespmem:$0x2528] =	vst v0  }
0x32e: {  	[tilespmem:$0x2518] =	vst v0  }
0x32f: {  	[tilespmem:$0x2508] =	vst v0  }
0x330: {  	[tilespmem:$0x24F8] =	vst v0  }
0x331: {  	[tilespmem:$0x24E8] =	vst v0  }
0x332: {  	[tilespmem:$0x24D8] =	vst v0  }
0x333: {  	[tilespmem:$0x24C8] =	vst v0  }
0x334: {  	[tilespmem:$0x24B8] =	vst v0  }
0x335: {  	[tilespmem:$0x24A8] =	vst v0  }
0x336: {  	[tilespmem:$0x2498] =	vst v0  }
0x337: {  	[tilespmem:$0x2488] =	vst v0  }
0x338: {  	[tilespmem:$0x2478] =	vst v0  }
0x339: {  	[tilespmem:$0x2468] =	vst v0  }
0x33a: {  	[tilespmem:$0x2458] =	vst v0  }
0x33b: {  	[tilespmem:$0x2448] =	vst v0  }
0x33c: {  	[tilespmem:$0x2438] =	vst v0  }
0x33d: {  	[tilespmem:$0x2428] =	vst v0  }
0x33e: {  	[tilespmem:$0x2418] =	vst v0  }
0x33f: {  	[tilespmem:$0x2408] =	vst v0  }
0x340: {  	[tilespmem:$0x23F8] =	vst v0  }
0x341: {  	[tilespmem:$0x23E8] =	vst v0  }
0x342: {  	[tilespmem:$0x23D8] =	vst v0  }
0x343: {  	[tilespmem:$0x23C8] =	vst v0  }
0x344: {  	[tilespmem:$0x23B8] =	vst v0  }
0x345: {  	[tilespmem:$0x23A8] =	vst v0  }
0x346: {  	[tilespmem:$0x2398] =	vst v0  }
0x347: {  	[tilespmem:$0x2388] =	vst v0  }
0x348: {  	[tilespmem:$0x2378] =	vst v0  }
0x349: {  	[tilespmem:$0x2368] =	vst v0  }
0x34a: {  	[tilespmem:$0x2358] =	vst v0  }
0x34b: {  	[tilespmem:$0x2348] =	vst v0  }
0x34c: {  	[tilespmem:$0x2338] =	vst v0  }
0x34d: {  	[tilespmem:$0x2328] =	vst v0  }
0x34e: {  	[tilespmem:$0x2318] =	vst v0  }
0x34f: {  	[tilespmem:$0x2308] =	vst v0  }
0x350: {  	[tilespmem:$0x22F8] =	vst v0  }
0x351: {  	[tilespmem:$0x22E8] =	vst v0  }
0x352: {  	[tilespmem:$0x22D8] =	vst v0  }
0x353: {  	[tilespmem:$0x22C8] =	vst v0  }
0x354: {  	[tilespmem:$0x22B8] =	vst v0  }
0x355: {  	[tilespmem:$0x22A8] =	vst v0  }
0x356: {  	[tilespmem:$0x2298] =	vst v0  }
0x357: {  	[tilespmem:$0x2288] =	vst v0  }
0x358: {  	[tilespmem:$0x2278] =	vst v0  }
0x359: {  	s10 =	stileid.u32;
	[tilespmem:$0x2268] =	vst v0  }
0x35a: {  	s0 =	simm.s32 $0x1;
	p0 =	sne.s32 s10, $0x0;
	s1 =	smul.u32 $0x1A, s10;
	[tilespmem:$0x2258] =	vst v0  }
0x35b: {  	s0 =	simm.s32 @!p0 $0x0;
	[tilespmem:$0x2248] =	vst v0  }
0x35c: {  	[tilespmem:$0x2238] =	vst v0;
	s0 =	sor.u32 s0, s1  }
0x35d: {  	p1 =	seq.s32 s10, $0x0;
	[tilespmem:$0x2228] =	vst v0;
	s1 =	simm.s32 $0x2880;
	s8 =	smul.u32 $0x180, s0  }
0x35e: {  	s1 =	simm.s32 @!p1 $0x2700;
	[tilespmem:$0x21F8] =	vst v0  }
0x35f: {  	[tilespmem:$0x2208] =	vst v0;
	s0 =	sadd.s32 s1, s8  }
0x360: {  	s4 =	simm.s32 $0x2;
	[tilespmem:$0x21E8] =	vst v0;
	s9 =	smin.u32 s0, $0x27100  }
0x361: {  	s31 =	simm.s32 $0x9;
	s5 =	simm.s32 $0xA;
	[tilespmem:$0x2188] =	vst v0;
	s0 =	ssub.s32 s9, s8  }
0x362: {  	s12 =	simm.s32 $0xB;
	s18 =	simm.s32 $0x0;
	[tilespmem:$0x21D8] =	vst v0;
	p1 =	sgt.s32 s0, $0x0  }
0x363: {  	p2 =	por $0x0, $0x0;
	s19 =	simm.s32 $0xC;
	[tilespmem:$0x21C8] =	vst v0;
	s0 =	simm.s32 @!p1 $0x0  }
0x364: {  	s23 =	simm.s32 $0x0;
	s20 =	simm.s32 $0x0;
	[tilespmem:$0x21B8] =	vst v0;
	s30 =	smulhi.u32 $0x2AAAAAAB, s0  }
0x365: {  	s22 =	simm.s32 $0x0;
	s2 =	sand.u32 $0x1, s2;
	s16 =	sshll.u32 s10, $0x6;
	[tilespmem:$0x21A8] =	vst v0  }
0x366: {  	s1 =	sshrl.u32 s30, $0x6;
	[tilespmem:$0x2198] =	vst v0;
	[dreg:$0x4] =	wrdreg s2;
	s2 =	smul.u32 $0x4E20, s2  }
0x367: {  	[tilespmem:$0x2178] =	vst v0;
	[sflag:s4] =	ssyncpa.u1 $0x0;
	v0 =	vimm.s32 $0xFFFFFFFF;
	s4 =	sadd.s32 $0x21E000, s7;
	s6 =	smul.u32 $0x180, s1  }
.Ltmp7:
0x368: {  	[tilespmem:$0x6088] =	vst v0;
	[sflag:s31] =	ssyncpa.u1 $0x0;
	s2 =	sadd.s32 s2, s7;
	(pc) =	sbr.rel .LBB3_1-.Ltmp7, $4  }
0x369: {  	[sflag:s5] =	ssyncpa.u1 $0x0;
	p1 =	sne.s32 s0, s6;
	s0 =	simm.s32 $0x1  }
0x36a: {  	s7 =	sadd.s32 $0x4A1C00, s7;
	[sflag:s12] =	ssyncpa.u1 $0x0;
	s0 =	simm.s32 @!p1 $0x0  }
0x36b: {  	s14 =	sadd.s32 $0xA800, s2;
	s15 =	sadd.s32 $0xA00, s2;
	s13 =	sadd.s32 s0, s1  }
0x36c: {  	v0 =	vlaneseq.u32;
	s21 =	smov.u32 s8;
	p1 =	por $0x1, $0x1;
	s17 =	sadd.s32 $0x1, s13  }
.LBB3_22:
0x36d: {  	s0 =	sshrl.u32 s0, $0x2  }
.LBB3_24:
0x36e: {  	_ =	swait.ge [sflag:s19], s0  }
0x36f: {  	s30 =	ssub.s32 $0x0, s0;
	v1 =	vmov s25;
	vm0 =	veq.s32 v0, $0x0;
	[sflag:s19] =	ssyncset.done $0x0  }
0x370: {  	vm15 =	veq.s32 v0, $0x2;
	v1 =	vsel vm0, s31, v1;
	[sflag:s19] =	ssyncadd.s32 s30  }
0x371: {  	v1 =	vsel vm15, s23, v1;
	[sflag:s19] =	ssyncpa.u1 $0x1  }
0x372: {  	[tilespmem:$0x6088] =	vst v1  }
.LBB3_25:
0x373: {  	s0 =	sadd.s32 $0x180, s21  }
0x374: {  	s1 =	smov.u32 s8;
	p3 =	slt.s32 s0, s9  }
0x375: {  	s1 =	smov.u32 @p3 s0;
	p3 =	sne.s32 s22, s17  }
.Ltmp8:
0x376: {  	_ = 	snop;
	(pc) =	sbr.rel @!p3 .LBB3_26-.Ltmp8, $4  }
0x377: {  	_ = 	snop  }
0x378: {  	s23 =	smov.u32 s20  }
0x379: {  	s31 =	sadd.s32 $0x1, s22;
	s20 =	smov.u32 s21;
	p1 =	por !p1, !p1  }
0x37a: {  	p2 =	por !p2, !p2;
	s22 =	smov.u32 s31;
	s21 =	smov.u32 s1  }
.LBB3_1:
0x37b: {  	p3 =	sge.u32 s22, s13  }
0x37c: {  	s0 =	smulhi.u32 @!p3 $0xAAAAAAAB, s22  }
0x37d: {  	s1 =	smov.u32 s21;
	p4 =	sgt.s32 @!p3 s21, $0x26F80  }
0x37e: {  	s2 =	sshra.s32 @!p3 s21, $0x1F;
	p4 =	por !p4, p3;
	s0 =	sshrl.u32 @!p3 s0, $0x1  }
0x37f: {  	s2 =	sand.u32 @!p3 s2, s21;
	s1 =	simm.s32 @p4 $0x26F80;
	s0 =	smul.u32 @!p3 $0x3, s0  }
0x380: {  	s1 =	ssub.s32 @!p3 s1, s2  }
0x381: {  	s1 =	sadd.s32 @!p3 $0xFFFD9080, s1;
	s0 =	ssub.s32 @!p3 s22, s0  }
0x382: {  	s2 =	sshll.u32 @!p3 s1, $0x2;
	p4 =	sgt.s32 @!p3 s1, $0x17F;
	s0 =	smul.u32 @!p3 $0x600, s0  }
0x383: {  	s5 =	sand.u32 @!p3 $0x7, s21;
	s1 =	ssub.s32 @!p3 $0x600, s2;
	p4 =	por !p4, p3  }
0x384: {  	s2 =	sshrl.u32 @!p3 s21, $0x3;
	s1 =	sshrl.u32 @!p3 s1, $0x2;
	s0 =	sshrl.u32 @!p3 s0, $0x2  }
0x385: {  	s2 =	sadd.s32 @!p3 s2, s14;
	s1 =	simm.s32 @!p4 $0x0;
	s0 =	sadd.s32 @!p3 $0x64C8, s0  }
0x386: {  	[tilespmem:s0], [sflag:$0xA] =	stream.linear.gather @!p3 [hbm4b:s2+s5], s1, $0x38;
	[tilespmem:$0x1EC48] =	vst v63  }
0x387: {  	s1 =	sadd.s32 $0xFFFFFFFF, s22  }
0x388: {  	p3 =	sge.u32 s1, s13  }
0x389: {  	p4 =	sgt.s32 @!p3 s20, $0x26F80  }
0x38a: {  	s0 =	smov.u32 s20;
	s2 =	sshra.s32 @!p3 s20, $0x1F;
	p4 =	por !p4, p3  }
0x38b: {  	s2 =	sand.u32 @!p3 s2, s20;
	s0 =	simm.s32 @p4 $0x26F80  }
0x38c: {  	s0 =	ssub.s32 @!p3 s0, s2  }
0x38d: {  	s0 =	sadd.s32 @!p3 $0xFFFD9080, s0  }
0x38e: {  	s2 =	sshll.u32 @!p3 s0, $0x2  }
0x38f: {  	p4 =	sgt.s32 @!p3 s0, $0x17F;
	s0 =	ssub.s32 @!p3 $0x600, s2  }
0x390: {  	p4 =	por !p4, p3;
	s0 =	sshrl.u32 @!p3 s0, $0x2  }
0x391: {  	s5 =	simm.s32 @!p3 $0xA;
	s2 =	sand.u32 @!p3 $0x1, s1;
	s0 =	simm.s32 @!p4 $0x0  }
0x392: {  	s2 =	smul.u32 @!p3 $0x600, s2;
	_ =	swait.ge @!p3 [sflag:s5], s0  }
0x393: {  	s6 =	ssub.s32 @!p3 $0x0, s0;
	[sflag:s5] =	ssyncset.done @!p3 $0x0  }
0x394: {  	s2 =	sshrl.u32 @!p3 s2, $0x2;
	[sflag:s5] =	ssyncadd.s32 @!p3 s6;
	s5 =	sshrl.u32 @!p3 s20, $0x3  }
0x395: {  	s2 =	sadd.s32 @!p3 $0x6948, s2;
	s6 =	sand.u32 @!p3 $0x7, s20;
	s5 =	sadd.s32 @!p3 s5, s15  }
0x396: {  	[tilespmem:s2], [sflag:$0xB] =	stream.linear.gather @!p3 [hbm4b:s5+s6], s0, $0x38;
	[tilespmem:$0x1EC48] =	vst v63  }
0x397: {  	s0 =	ssub.s32 @!p3 $0x27100, s20  }
0x398: {  	p4 =	slt.s32 @!p3 s0, $0x1  }
0x399: {  	p4 =	por p3, p4  }
.Ltmp9:
0x39a: {  	_ = 	snop;
	(pc) =	sbr.rel @p4 .LBB3_7-.Ltmp9, $1  }
0x39b: {  	_ =	sdelay $0x3  }
0x39c: {  	s2 =	smulhi.u32 $0xAAAAAAAB, s1;
	_ =	sdelay $0x1  }
0x39d: {  	s2 =	sshrl.u32 s2, $0x1  }
0x39e: {  	s2 =	smul.u32 $0x3, s2;
	_ =	sdelay $0x1  }
0x39f: {  	s29 =	ssub.s32 s1, s2  }
0x3a0: {  	s5 =	simm.s32 $0x1;
	s1 =	smul.u32 $0x600, s29  }
.Ltmp10:
0x3a1: {  	s5 =	simm.s32 @!p1 $0x0;
	(pc) =	sbr.rel .LBB3_4-.Ltmp10, $4  }
0x3a2: {  	s30 =	smul.u32 $0x30000, s5  }
0x3a3: {  	p4 =	slt.s32 @!p3 s0, $0x180;
	s1 =	sshrl.u32 s1, $0x2  }
0x3a4: {  	p3 =	por !p4, p3;
	s2 =	sshrl.u32 s30, $0x2;
	s31 =	sadd.s32 $0x64C8, s1  }
0x3a5: {  	s24 =	simm.s32 $0x0;
	s0 =	simm.s32 @p3 $0x180;
	s1 =	sadd.s32 $0x6C48, s2;
	v1 =	vmov s31  }
.LBB3_3:
0x3a6: {  	p3 =	sge.s32 s24, s0  }
.Ltmp11:
0x3a7: {  	_ = 	snop;
	(pc) =	sbr.rel @p3 .LBB3_7-.Ltmp11, $2  }
0x3a8: {  	_ =	sdelay $0x2  }
0x3a9: {  	s1 =	sadd.s32 $0x800, s1  }
.LBB3_4:
0x3aa: {  	p3 =	sle.s32 s0, s24  }
.Ltmp12:
0x3ab: {  	_ = 	snop;
	(pc) =	sbr.rel @p3 .LBB3_3-.Ltmp12, $2  }
0x3ac: {  	_ =	sdelay $0x2  }
0x3ad: {  	s2 =	smov.u32 s24;
	s24 =	sadd.s32 $0x10, s24  }
0x3ae: {  	s5 =	ssub.s32 s0, s2  }
0x3af: {  	p3 =	slt.s32 s5, $0x10  }
0x3b0: {  	s5 =	simm.s32 @!p3 $0x10  }
0x3b1: {  	v2 =	vmov s5  }
0x3b2: {  	vm0 =	vgt.s32 v2, v0;
	_ =	sdelay $0x5  }
0x3b3: {  	v2 =	vld.idx.msk [tilespmem:v1+s2+$0x0 ss:$0x1], vm0;
	_ =	sdelay $0x2  }
0x3b4: {  	s6 =	smov.u32 s0;
	p3 =	slt.s32 s24, s0  }
0x3b5: {  	s25 =	simm.s32 $0x0;
	s6 =	smov.u32 @p3 s24;
	s5 =	smov.u32 s1  }
.LBB3_6:
0x3b6: {  	(v2sf) =	vpush v2, s25;
	_ =	sdelay $0xc  }
0x3b7: {  	s25 =	sadd.s32 $0x1, s25  }
0x3b8: {  	s31 =	sadd.s32 s25, s2  }
0x3b9: {  	p3 =	slt.s32 s31, s6;
	s10 =	spop (v2sf)  }
.Ltmp13:
0x3ba: {  	s10 =	sshll.u32 s10, $0x4;
	(pc) =	sbr.rel @p3 .LBB3_6-.Ltmp13, $4  }
0x3bb: {  	s10 =	sand.u32 $0x1FFFFFF0, s10  }
0x3bc: {  	s10 =	sadd.s32 s7, s10  }
0x3bd: {  	[tilespmem:s5], [sflag:$0x9] =	stream.linear.gather [hbm4b:s10+s18], $0x20, $0x38;
	[tilespmem:$0x1EC48] =	vst v63  }
0x3be: {  	s5 =	sadd.s32 $0x80, s5  }
.Ltmp14:
0x3bf: {  	_ = 	snop;
	(pc) =	sbr.rel .LBB3_3-.Ltmp14, $1  }
0x3c0: {  	_ =	sdelay $0x3  }
.LBB3_7:
0x3c1: {  	p3 =	slt.u32 s22, $0x2  }
.Ltmp15:
0x3c2: {  	_ = 	snop;
	(pc) =	sbr.rel @p3 .LBB3_25-.Ltmp15, $1  }
0x3c3: {  	_ =	sdelay $0x3  }
0x3c4: {  	p3 =	sgt.s32 s23, $0x26F80  }
0x3c5: {  	s0 =	smov.u32 s23;
	s1 =	sshra.s32 s23, $0x1F;
	s2 =	ssub.s32 $0x27100, s23  }
0x3c6: {  	s0 =	simm.s32 @!p3 $0x26F80;
	s1 =	sand.u32 s1, s23;
	p3 =	slt.s32 s2, $0x180  }
0x3c7: {  	s0 =	ssub.s32 s0, s1;
	s2 =	simm.s32 @!p3 $0x180  }
0x3c8: {  	s0 =	sadd.s32 $0xFFFD9080, s0;
	s11 =	sshll.u32 s2, $0x5  }
0x3c9: {  	s26 =	simm.s32 $0x9;
	s24 =	sshll.u32 s0, $0x2;
	s1 =	sand.u32 $0x3FFFFFE0, s11  }
0x3ca: {  	p3 =	sgt.s32 s0, $0x17F;
	s25 =	ssub.s32 $0x600, s24;
	_ =	swait.ge [sflag:s26], s1  }
0x3cb: {  	s1 =	ssub.s32 $0x0, s1;
	[sflag:s26] =	ssyncset.done $0x0;
	s0 =	sshrl.u32 s25, $0x2  }
0x3cc: {  	[sflag:s26] =	ssyncadd.s32 s1;
	s0 =	simm.s32 @p3 $0x0  }
0x3cd: {  	_ =	swait.ge [sflag:s12], s0  }
0x3ce: {  	s0 =	ssub.s32 $0x0, s0;
	[sflag:s12] =	ssyncset.done $0x0  }
0x3cf: {  	[sflag:s12] =	ssyncadd.s32 s0  }
0x3d0: {  	v1 =	vld [tilespmem:$0x6088];
	_ =	sdelay $0x4  }
0x3d1: {  	(v2sf) =	vpush v1, $0x0  }
0x3d2: {  	(v2sf) =	vpush v1, $0x1  }
0x3d3: {  	(v2sf) =	vpush v1, $0x2;
	_ =	sdelay $0x3  }
0x3d4: {  	s0 =	sadd.s32 $0x180, s23  }
0x3d5: {  	s1 =	ssub.s32 $0x4E200, s23;
	p3 =	slt.s32 s9, s0  }
0x3d6: {  	s0 =	smov.u32 @p3 s9;
	p3 =	sgt.s32 s1, $0x0  }
0x3d7: {  	s28 =	ssub.s32 s0, s23;
	s1 =	simm.s32 @!p3 $0x0  }
0x3d8: {  	p3 =	slt.s32 s1, s28  }
0x3d9: {  	s28 =	smov.u32 @p3 s1  }
0x3da: {  	s26 =	simm.s32 $0x1;
	p3 =	slt.s32 s28, $0x1  }
.Ltmp16:
0x3db: {  	s26 =	simm.s32 @!p2 $0x0;
	(pc) =	sbr.rel @p3 .LBB3_12-.Ltmp16, $4  }
0x3dc: {  	s30 =	smul.u32 $0x600, s26  }
0x3dd: {  	s0 =	spop (v2sf)  }
0x3de: {  	s31 =	sshrl.u32 s30, $0x2;
	s29 =	spop (v2sf)  }
0x3df: {  	s24 =	sadd.s32 $0x6948, s31;
	s23 =	spop (v2sf)  }
0x3e0: {  	s1 =	smin.u32 s28, $0x10  }
0x3e1: {  	v1 =	vmov s1  }
0x3e2: {  	p4 =	sgt.s32 s28, $0x10;
	vm1 =	vgt.u32 v1, v0  }
.Ltmp17:
0x3e3: {  	_ = 	snop;
	(pc) =	sbr.rel @!p4 .LBB3_11-.Ltmp17, $2  }
0x3e4: {  	_ =	sdelay $0x2  }
0x3e5: {  	s2 =	simm.s32 $0x10;
	s25 =	sadd.s32 $0xFFFFFFF0, s28;
	s1 =	smov.u32 s24;
	vm0 =	vmmov vm1  }
.LBB3_10:
0x3e6: {  	s5 =	smin.u32 s25, $0x10;
	s2 =	sadd.s32 $0x10, s2;
	v1 =	vld.msk [tilespmem:s1+$0x0 ss:$0x1], vm1  }
0x3e7: {  	v2 =	vmov s5;
	p4 =	slt.s32 s2, s28  }
0x3e8: {  	vm1 =	vgt.u32 v2, v0  }
.Ltmp18:
0x3e9: {  	(pc) =	sbr.rel @p4 .LBB3_10-.Ltmp18, $3  }
0x3ea: {  	_ =	sdelay $0x1  }
0x3eb: {  	v1 =	vshll.u32 v1, $0x4  }
0x3ec: {  	s25 =	sadd.s32 $0xFFFFFFF0, s25;
	[tilespmem:s1+$0x0] =	vst.msk vm0, v1;
	s1 =	sadd.s32 $0x10, s1;
	vm0 =	vmmov vm1  }
.LBB3_11:
0x3ed: {  	_ =	sdelay $0x4  }
0x3ee: {  	v1 =	vld.msk [tilespmem:s1+$0x0 ss:$0x1], vm1;
	_ =	sdelay $0x4  }
0x3ef: {  	v1 =	vshll.u32 v1, $0x4  }
0x3f0: {  	[tilespmem:s1+$0x0] =	vst.msk vm0, v1  }
.LBB3_12:
0x3f1: {  	s1 =	sand.u32 $0x1, s22  }
0x3f2: {  	s1 =	smul.u32 $0x180, s1  }
0x3f3: {  	p4 =	sne.s32 s29, $0xFFFFFFFF  }
0x3f4: {  	v1 =	vld.msk @!p4 [tilespmem:s1+$0x6948], $0x1;
	_ =	sdelay $0x4  }
0x3f5: {  	(v2sf) =	vpush @!p4 v1, $0x0;
	_ =	sdelay $0xc  }
.Ltmp19:
0x3f6: {  	_ = 	snop;
	(pc) =	sbr.rel @p3 .LBB3_23-.Ltmp19, $4  }
0x3f7: {  	_ = 	snop  }
0x3f8: {  	s30 =	spop @!p4 (v2sf)  }
0x3f9: {  	s23 =	simm.s32 @!p4 $0x0;
	s25 =	smov.u32 s30  }
0x3fa: {  	[sflag:s19] =	ssyncpa.u1 $0x0;
	s30 =	smov.u32 @p4 s0;
	s25 =	smov.u32 @p4 s29  }
0x3fb: {  	v1 =	vld.msk [tilespmem:s24+$0x0], $0x1;
	_ =	sdelay $0x4  }
0x3fc: {  	(v2sf) =	vpush v1, $0x0;
	_ =	sdelay $0xe  }
0x3fd: {  	s0 =	smul.u32 $0x30000, s26;
	s1 =	spop (v2sf)  }
0x3fe: {  	s28 =	ssub.s32 $0x0, s28;
	p3 =	seq.s32 s30, s1  }
0x3ff: {  	s31 =	sadd.s32 $0x1, s28;
	s0 =	sshrl.u32 s0, $0x2;
	p4 =	sgt.s32 @!p3 s30, $0x0  }
0x400: {  	s26 =	sadd.s32 $0x6C58, s0;
	s0 =	smov.u32 s30;
	p4 =	por !p4, p3  }
0x401: {  	s0 =	simm.s32 @p4 $0x0;
	p4 =	seq.s32 s31, $0x0  }
.Ltmp20:
0x402: {  	_ = 	snop;
	(pc) =	sbr.rel @p4 .LBB3_15-.Ltmp20, $4  }
0x403: {  	_ = 	snop  }
0x404: {  	s29 =	simm.s32 $0x0;
	s2 =	simm.s32 @!p3 $0x1;
	s0 =	smin.u32 @!p3 s0, $0x9C3FC  }
0x405: {  	s6 =	simm.s32 @!p3 $0x3068;
	s2 =	smov.u32 @p3 s29;
	s10 =	sand.u32 @!p3 $0xFFFF8, s0  }
0x406: {  	s5 =	sand.u32 @!p3 $0x7, s0;
	s0 =	sadd.s32 $0x1, s24;
	s10 =	sadd.s32 @!p3 s4, s10  }
.LBB3_14:
0x407: {  	s11 =	smov.u32 s2  }
0x408: {  	[tilespmem:s6], [sflag:$0x2] =	stream.linear.gather @!p3 [hbm4b:s10+s5], $0x20, $0x38;
	[tilespmem:$0x1EC48] =	vst v63  }
0x409: {  	s31 =	sadd.s32 $0x1, s31;
	s5 =	smov.u32 s1;
	v1 =	vld.msk [tilespmem:s0+$0x0], $0x1  }
0x40a: {  	p4 =	seq.s32 s31, $0x0;
	_ =	sdelay $0x3  }
0x40b: {  	(v2sf) =	vpush v1, $0x0;
	_ =	sdelay $0xe  }
0x40c: {  	s1 =	spop (v2sf)  }
0x40d: {  	p3 =	seq.s32 s5, s1  }
0x40e: {  	p5 =	sgt.s32 @!p3 s5, $0x0;
	s6 =	sshll.u32 @!p3 s2, $0x7;
	s2 =	sadd.s32 @!p3 $0x1, s2  }
.Ltmp21:
0x40f: {  	p5 =	por !p5, p3;
	s6 =	sshra.s32 @!p3 s6, $0x2;
	(pc) =	sbr.rel @!p4 .LBB3_14-.Ltmp21, $4  }
0x410: {  	s2 =	smov.u32 @p3 s11;
	s5 =	simm.s32 @p5 $0x0;
	s6 =	sadd.s32 @!p3 $0x3068, s6  }
0x411: {  	s5 =	smin.u32 @!p3 s5, $0x9C3FC  }
0x412: {  	s10 =	sand.u32 @!p3 $0xFFFF8, s5;
	s5 =	sand.u32 @!p3 $0x7, s5  }
0x413: {  	s0 =	sadd.s32 $0x1, s0;
	s10 =	sadd.s32 @!p3 s4, s10  }
.LBB3_15:
0x414: {  	[tilespmem:s6], [sflag:$0x2] =	stream.linear.gather @!p3 [hbm4b:s10+s5], $0x20, $0x38;
	[tilespmem:$0x1EC48] =	vst v63  }
.Ltmp22:
0x415: {  	s0 =	sshll.u32 s2, $0x5;
	(pc) =	sbr.rel .LBB3_16-.Ltmp22, $4  }
0x416: {  	s1 =	simm.s32 $0x2;
	s0 =	sand.u32 $0x3FFFFFE0, s0  }
0x417: {  	_ =	swait.ge [sflag:s1], s0  }
0x418: {  	s0 =	ssub.s32 $0x0, s0;
	[sflag:s1] =	ssyncset.done $0x0  }
0x419: {  	[sflag:s1] =	ssyncadd.s32 s0;
	s0 =	simm.s32 $0x0  }
.LBB3_17:
0x41a: {  	v1 =	vld [tilespmem:s26+$0xFFFFFFF0];
	_ =	sdelay $0x4  }
0x41b: {  	[tilespmem:s1+$0x48] =	vst.add.f32.msk $0xffff, v1  }
0x41c: {  	v1 =	vld [tilespmem:s26+$0x0];
	_ =	sdelay $0x4  }
0x41d: {  	[tilespmem:s1+$0x58] =	vst.add.f32.msk $0xffff, v1  }
.LBB3_21:
0x41e: {  	s28 =	sadd.s32 $0x1, s28  }
0x41f: {  	p3 =	seq.s32 s28, $0x0  }
.Ltmp23:
0x420: {  	_ = 	snop;
	(pc) =	sbr.rel @p3 .LBB3_22-.Ltmp23, $2  }
0x421: {  	_ =	sdelay $0x2  }
0x422: {  	s26 =	sadd.s32 $0x80, s26;
	s24 =	sadd.s32 $0x1, s24;
	s30 =	smov.u32 s31  }
.LBB3_16:
0x423: {  	v1 =	vld.msk [tilespmem:s24+$0x0], $0x1;
	_ =	sdelay $0x4  }
0x424: {  	(v2sf) =	vpush v1, $0x0;
	_ =	sdelay $0xe  }
0x425: {  	s31 =	spop (v2sf)  }
0x426: {  	p3 =	sne.s32 s30, s31  }
.Ltmp24:
0x427: {  	_ = 	snop;
	(pc) =	sbr.rel @!p3 .LBB3_17-.Ltmp24, $3  }
0x428: {  	_ =	sdelay $0x1  }
0x429: {  	s1 =	sshll.u32 s23, $0x7  }
0x42a: {  	s1 =	sshra.s32 s1, $0x2  }
0x42b: {  	p3 =	seq.s32 s30, s25  }
.Ltmp25:
0x42c: {  	_ = 	snop;
	(pc) =	sbr.rel @!p3 .LBB3_19-.Ltmp25, $1  }
0x42d: {  	_ =	sdelay $0x3  }
.Ltmp26:
0x42e: {  	s1 =	sadd.s32 $0x48, s1;
	(pc) =	sbr.rel .LBB3_20-.Ltmp26, $4  }
0x42f: {  	[spmem:s16] =	stream.linear.scatter [tilespmem:s1], [sflag:$0x1], $0x20, $0x38;
	[tilespmem:$0x1EC48] =	vst v63  }
0x430: {  	_ =	swait.ge [sflag:s3], $0x20  }
0x431: {  	[sflag:s3] =	ssyncset.done $0x0  }
0x432: {  	[sflag:s3] =	ssyncadd.s32 $0xFFFFFFE0  }
.LBB3_19:
0x433: {  	s2 =	sshll.u32 s29, $0x7  }
0x434: {  	s2 =	sshra.s32 s2, $0x2  }
0x435: {  	v1 =	vld [tilespmem:s2+$0x3068];
	_ =	sdelay $0x4  }
0x436: {  	[tilespmem:s1+$0x48] =	vst.add.f32.msk $0xffff, v1  }
0x437: {  	v1 =	vld [tilespmem:s2+$0x3078];
	_ =	sdelay $0x2  }
0x438: {  	p3 =	sgt.u32 s30, $0x9C3FC  }
0x439: {  	s2 =	sand.u32 @!p3 $0xFFFF8, s30  }
0x43a: {  	s5 =	sadd.s32 $0x48, s1;
	[tilespmem:s1+$0x58] =	vst.add.f32.msk $0xffff, v1;
	s1 =	sadd.s32 @!p3 s4, s2;
	s2 =	sand.u32 @!p3 $0x7, s30  }
0x43b: {  	[hbm4b:s1+s2] =	stream.linear.scatter @!p3 [tilespmem:s5], [sflag:$0xC], $0x20, $0x38;
	[tilespmem:$0x1EC48] =	vst v63  }
0x43c: {  	s1 =	simm.s32 $0x0  }
0x43d: {  	s1 =	simm.s32 @!p3 $0x80  }
0x43e: {  	s0 =	sadd.s32 s1, s0  }
.LBB3_20:
0x43f: {  	s1 =	sadd.s32 $0x1, s23  }
0x440: {  	s2 =	smulhi.u32 $0xAAAAAAAB, s1;
	_ =	sdelay $0x1  }
0x441: {  	v1 =	vld [tilespmem:s26+$0xFFFFFFF0];
	s2 =	sshrl.u32 s2, $0x8  }
0x442: {  	s2 =	smul.u32 $0x180, s2;
	_ =	sdelay $0x1  }
0x443: {  	s23 =	ssub.s32 s1, s2  }
0x444: {  	s1 =	sshll.u32 s23, $0x5  }
0x445: {  	[tilespmem:s1+$0x48] =	vst v1  }
0x446: {  	v1 =	vld [tilespmem:s26+$0x0]  }
.Ltmp27:
0x447: {  	_ = 	snop;
	(pc) =	sbr.rel .LBB3_21-.Ltmp27, $2  }
0x448: {  	_ =	sdelay $0x2  }
0x449: {  	s29 =	sadd.s32 $0x1, s29;
	[tilespmem:s1+$0x58] =	vst v1  }
.LBB3_23:
.Ltmp28:
0x44a: {  	(pc) =	sbr.rel .LBB3_24-.Ltmp28, $4  }
0x44b: {  	_ = 	snop  }
0x44c: {  	s0 =	simm.s32 $0x2  }
0x44d: {  	_ =	swait.ge [sflag:s0], $0x0  }
0x44e: {  	s31 =	smov.u32 s30;
	[sflag:s0] =	ssyncset.done $0x0;
	s0 =	simm.s32 $0x0  }
.LBB3_26:
0x44f: {  	_ =	sfence.sel $0x180000  }
0x450: {  	s0 =	simm.s32 $0x9;
	[bflag:$0x0] =	sbarrier.arrive $0xFFFF  }
0x451: {  	s24 =	simm.s32 $0xA;
	[sflag:s0] =	ssyncpa.u1 $0x1  }
0x452: {  	s25 =	simm.s32 $0xB;
	[sflag:s24] =	ssyncpa.u1 $0x1  }
0x453: {  	s26 =	simm.s32 $0x2;
	[sflag:s25] =	ssyncpa.u1 $0x1  }
0x454: {  	[sflag:s26] =	ssyncpa.u1 $0x1  }
0x455: {  	v0 =	vld [tilespmem:$0x6088];
	_ =	sdelay $0x4  }
0x456: {  	(v2sf) =	vpush v0, $0x0  }
0x457: {  	(v2sf) =	vpush v0, $0x1;
	_ =	sdelay $0x1  }
0x458: {  	(v2sf) =	vpush v0, $0x2;
	_ =	sdelay $0xb  }
0x459: {  	s0 =	spop (v2sf)  }
0x45a: {  	s1 =	spop (v2sf)  }
0x45b: {  	s2 =	smov.u32 s0;
	p1 =	sne.s32 s0, s1  }
0x45c: {  	s3 =	spop (v2sf);
	s2 =	simm.s32 @!p1 $0xFFFFFFFF  }
0x45d: {  	v2 =	vimm.s32 $0x1;
	v3 =	vlaneseq.u32;
	p1 =	seq.s32 s3, $0xFFFFFFFF;
	v1 =	vmov s2  }
0x45e: {  	s14 =	stileid.u32;
	v0 =	vperm.xlane v0, v2;
	p2 =	sne.s32 @!p1 s0, s1;
	v1 =	vperm.xlane v1, v3  }
0x45f: {  	vm0 =	vcmask $0x3F04;
	s6 =	simm.s32 $0x6088;
	s0 =	simm.s32 @!p1 $0x1;
	p2 =	por !p2, p1  }
0x460: {  	s2 =	sshll.u32 s14, $0x1;
	s1 =	sshll.u32 @!p1 s3, $0x7;
	s0 =	simm.s32 @p2 $0x0;
	v0 =	vsel vm0, v1, v0  }
0x461: {  	s5 =	sor.u32 $0x400, s2;
	s1 =	sshra.s32 @!p1 s1, $0x2;
	s0 =	sor.u32 @!p1 s0, s2;
	[tilespmem:$0x6088] =	vst v0  }
0x462: {  	[spmem:s5] =	stream.linear.scatter [tilespmem:s6], [sflag:$0x1], $0x2, $0x38;
	[tilespmem:$0x1EC48] =	vst v63  }
0x463: {  	s1 =	sadd.s32 @!p1 $0x48, s1;
	s0 =	sshll.u32 @!p1 s0, $0x5  }
0x464: {  	[spmem:s0] =	stream.linear.scatter @!p1 [tilespmem:s1], [sflag:$0x1], $0x20, $0x38;
	[tilespmem:$0x1EC48] =	vst v63  }
0x465: {  	s0 =	simm.s32 @!p1 $0x22  }
0x466: {  	s28 =	simm.s32 $0x1;
	s0 =	simm.s32 @p1 $0x2  }
0x467: {  	_ =	swait.ge [sflag:s28], s0  }
0x468: {  	s0 =	ssub.s32 $0x0, s0;
	[sflag:s28] =	ssyncset.done $0x0  }
0x469: {  	[sflag:s28] =	ssyncadd.s32 s0  }
.Ltmp29:
0x46a: {  	_ =	sfence.stream.spmem;
	(pc) =	sbr.rel @p0 .LBB3_43-.Ltmp29, $4  }
0x46b: {  	s29 =	simm.s32 $0x3;
	[bflag:$0x0] =	sbarrier.arrive $0xFFFF  }
0x46c: {  	s30 =	simm.s32 $0x4;
	[sflag:s29] =	ssyncpa.u1 $0x1  }
0x46d: {  	s31 =	simm.s32 $0x3C;
	[sflag:s30] =	ssyncpa.u1 $0x1  }
0x46e: {  	s15 =	rddreg [dreg:$0x4];
	[sflag:s31] =	ssyncpa.u1 $0x1  }
0x46f: {  	_ =	sfence.stream.spmem;
	s0 =	simm.s32 $0x5  }
0x470: {  	s1 =	simm.s32 $0x400;
	s2 =	simm.s32 $0x6098;
	[sflag:s0] =	ssyncpa.u1 $0x0  }
0x471: {  	[tilespmem:s2], [sflag:$0x5] =	stream.linear.gather [spmem:s1], $0x20, $0x38;
	[tilespmem:$0x1EC48] =	vst v63  }
0x472: {  	s26 =	simm.s32 $0x0;
	s28 =	simm.s32 $0x60B8  }
0x473: {  	[tilespmem:s28], [sflag:$0x5] =	stream.linear.gather [spmem:s26], $0x400, $0x38;
	[tilespmem:$0x1EC48] =	vst v63  }
0x474: {  	_ =	swait.ge [sflag:s0], $0x420  }
0x475: {  	[sflag:s0] =	ssyncset.done $0x0  }
0x476: {  	s29 =	simm.s32 $0x0;
	[sflag:s0] =	ssyncadd.s32 $0xFFFFFBE0  }
0x477: {  	v0 =	vld.msk [tilespmem:s29+$0x6098], $0x1;
	_ =	sdelay $0x1  }
0x478: {  	s30 =	simm.s32 $0x1  }
0x479: {  	v1 =	vld.msk [tilespmem:s30+$0x6098], $0x1;
	_ =	sdelay $0x1  }
0x47a: {  	(v2sf) =	vpush v0, $0x0;
	_ =	sdelay $0x2  }
0x47b: {  	(v2sf) =	vpush v1, $0x0;
	_ =	sdelay $0x2  }
0x47c: {  	s31 =	simm.s32 $0x2  }
0x47d: {  	v0 =	vld.msk [tilespmem:s31+$0x6098], $0x1;
	_ =	sdelay $0x2  }
0x47e: {  	s1 =	simm.s32 $0xFFFFFFFF;
	s2 =	simm.s32 $0xFFFFFFFF;
	s0 =	simm.s32 $0xC  }
.LBB3_28:
0x47f: {  	s3 =	smov.u32 s2;
	s5 =	smov.u32 s1  }
0x480: {  	s1 =	sshra.s32 s0, $0x2;
	p1 =	sne.s32 s0, $0x7C;
	s0 =	sadd.s32 $0x4, s0;
	(v2sf) =	vpush v0, $0x0  }
0x481: {  	v0 =	vld.msk [tilespmem:s1+$0x6098], $0x1  }
.Ltmp30:
0x482: {  	(pc) =	sbr.rel @p1 .LBB3_28-.Ltmp30, $4  }
0x483: {  	s2 =	spop (v2sf)  }
0x484: {  	p2 =	sne.s32 s5, $0xFFFFFFFF;
	s1 =	smov.u32 s2  }
0x485: {  	p3 =	seq.s32 s2, $0xFFFFFFFF;
	s1 =	smov.u32 @p2 s5  }
0x486: {  	s2 =	smov.u32 @p3 s3;
	s1 =	smov.u32 @p3 s5  }
0x487: {  	(v2sf) =	vpush v0, $0x0;
	_ =	sdelay $0x8  }
0x488: {  	s0 =	spop (v2sf)  }
0x489: {  	p1 =	sne.s32 s1, $0xFFFFFFFF;
	s3 =	smov.u32 s0  }
0x48a: {  	s9 =	simm.s32 $0x6;
	p2 =	seq.s32 s0, $0xFFFFFFFF;
	s3 =	smov.u32 @p1 s1  }
0x48b: {  	s10 =	simm.s32 $0x6068;
	s3 =	smov.u32 @p2 s1;
	s1 =	spop (v2sf)  }
0x48c: {  	s0 =	smov.u32 @p2 s2;
	p1 =	sne.s32 s3, $0xFFFFFFFF;
	s5 =	smov.u32 s1  }
.Ltmp31:
0x48d: {  	p2 =	seq.s32 s1, $0xFFFFFFFF;
	s5 =	smov.u32 @p1 s3;
	(pc) =	sbr.rel .LBB3_30-.Ltmp31, $4  }
0x48e: {  	s11 =	simm.s32 $0x0;
	s5 =	smov.u32 @p2 s3;
	s7 =	spop (v2sf)  }
0x48f: {  	[sflag:s9] =	ssyncpa.u1 $0x0;
	p1 =	sne.s32 s5, $0xFFFFFFFF;
	s8 =	smov.u32 s7  }
0x490: {  	s1 =	smov.u32 @p2 s0;
	p2 =	seq.s32 s7, $0xFFFFFFFF;
	s8 =	smov.u32 @p1 s5  }
0x491: {  	s3 =	simm.s32 $0x0;
	s7 =	smov.u32 @p2 s1;
	s8 =	smov.u32 @p2 s5  }
.LBB3_36:
0x492: {  	p1 =	sgt.u32 s12, $0x9C3FC  }
0x493: {  	p2 =	seq.s32 @!p1 s12, s8  }
0x494: {  	p1 =	por p1, p2  }
0x495: {  	p2 =	sne.s32 @!p1 s12, s7  }
0x496: {  	p1 =	por p1, !p2  }
0x497: {  	s0 =	sshll.u32 @p1 s11, $0x7  }
0x498: {  	s0 =	sand.u32 @!p1 $0xFFFF8, s12  }
0x499: {  	s1 =	sand.u32 @!p1 $0x7, s12;
	s0 =	sadd.s32 @!p1 s4, s0  }
0x49a: {  	[tilespmem:s10], [sflag:$0x6] =	stream.linear.gather @!p1 [hbm4b:s0+s1], $0x20, $0x38;
	[tilespmem:$0x1EC48] =	vst v63  }
0x49b: {  	_ =	swait.ge @!p1 [sflag:s9], $0x20  }
0x49c: {  	[sflag:s9] =	ssyncset.done @!p1 $0x0  }
0x49d: {  	[sflag:s9] =	ssyncadd.s32 @!p1 $0xFFFFFFE0  }
0x49e: {  	v1 =	vld @!p1 [tilespmem:$0x6068];
	_ =	sdelay $0x2  }
0x49f: {  	s0 =	sshll.u32 @!p1 s11, $0x7  }
0x4a0: {  	s1 =	sshrl.u32 @!p1 s0, $0x2  }
0x4a1: {  	[tilespmem:s1+$0x60B8] =	vst.add.f32.msk @!p1 $0xffff, v1  }
0x4a2: {  	v1 =	vld @!p1 [tilespmem:$0x6078];
	_ =	sdelay $0x4  }
0x4a3: {  	[tilespmem:s1+$0x60C8] =	vst.add.f32.msk @!p1 $0xffff, v1  }
0x4a4: {  	s0 =	sshrl.u32 s0, $0x2;
	[tilespmem:s3+$0x6098] =	vst.msk $0x1, v0  }
0x4a5: {  	v0 =	vld [tilespmem:s0+$0x60B8];
	_ =	sdelay $0x2  }
0x4a6: {  	s31 =	sshll.u32 s3, $0x7  }
0x4a7: {  	s1 =	sshra.s32 s31, $0x2  }
0x4a8: {  	[tilespmem:s1+$0x60B8] =	vst v0  }
0x4a9: {  	v0 =	vld [tilespmem:s0+$0x60C8];
	_ =	sdelay $0x4  }
0x4aa: {  	s3 =	sadd.s32 $0x1, s3;
	[tilespmem:s1+$0x60C8] =	vst v0  }
.LBB3_37:
0x4ab: {  	s11 =	sadd.s32 $0x1, s11  }
0x4ac: {  	p1 =	sne.s32 s11, $0x20  }
.Ltmp32:
0x4ad: {  	_ = 	snop;
	(pc) =	sbr.rel @!p1 .LBB3_38-.Ltmp32, $1  }
0x4ae: {  	_ =	sdelay $0x3  }
.LBB3_30:
0x4af: {  	v0 =	vld.msk [tilespmem:s11+$0x6098], $0x1;
	_ =	sdelay $0x4  }
0x4b0: {  	(v2sf) =	vpush v0, $0x0;
	_ =	sdelay $0xe  }
0x4b1: {  	s12 =	spop (v2sf)  }
0x4b2: {  	p1 =	seq.s32 s12, $0xFFFFFFFF  }
.Ltmp33:
0x4b3: {  	_ = 	snop;
	(pc) =	sbr.rel @p1 .LBB3_37-.Ltmp33, $1  }
0x4b4: {  	_ =	sdelay $0x3  }
0x4b5: {  	p1 =	slt.s32 s3, $0x1  }
.Ltmp34:
0x4b6: {  	_ = 	snop;
	(pc) =	sbr.rel @p1 .LBB3_36-.Ltmp34, $1  }
0x4b7: {  	_ =	sdelay $0x3  }
0x4b8: {  	s0 =	simm.s32 $0x6098;
	p1 =	por $0x0, $0x0  }
0x4b9: {  	v1 =	vld.msk @!p1 [tilespmem:s0+$0x0], $0x1;
	_ =	sdelay $0x4  }
0x4ba: {  	(v2sf) =	vpush @!p1 v1, $0x0;
	_ =	sdelay $0xd  }
0x4bb: {  	p3 =	sne.s32 s3, $0x1  }
.Ltmp35:
0x4bc: {  	s1 =	spop @!p1 (v2sf);
	(pc) =	sbr.rel @!p3 .LBB3_34-.Ltmp35, $4  }
0x4bd: {  	p2 =	seq.s32 @!p1 s12, s1  }
0x4be: {  	s13 =	simm.s32 $0x0;
	p2 =	por !p2, p1  }
0x4bf: {  	s2 =	simm.s32 $0xFFFFFFFF;
	s13 =	simm.s32 @p2 $0xFFFFFFFF  }
0x4c0: {  	s1 =	simm.s32 $0x1;
	s13 =	smov.u32 @p1 s2  }
.LBB3_33:
0x4c1: {  	s2 =	smov.u32 s13;
	p1 =	sne.s32 s13, $0xFFFFFFFF  }
0x4c2: {  	s0 =	sadd.s32 $0x1, s0;
	s13 =	smov.u32 s1;
	s1 =	sadd.s32 $0x1, s1  }
0x4c3: {  	p2 =	sne.s32 s3, s1;
	v1 =	vld.msk @!p1 [tilespmem:s0+$0x0], $0x1;
	_ =	sdelay $0x4  }
0x4c4: {  	(v2sf) =	vpush @!p1 v1, $0x0;
	_ =	sdelay $0xe  }
.Ltmp36:
0x4c5: {  	s5 =	spop @!p1 (v2sf);
	(pc) =	sbr.rel @p2 .LBB3_33-.Ltmp36, $4  }
0x4c6: {  	p3 =	seq.s32 @!p1 s12, s5  }
0x4c7: {  	p3 =	por !p3, p1  }
0x4c8: {  	s13 =	simm.s32 @p3 $0xFFFFFFFF  }
0x4c9: {  	s13 =	smov.u32 @p1 s2  }
.LBB3_34:
0x4ca: {  	p1 =	seq.s32 s13, $0xFFFFFFFF  }
.Ltmp37:
0x4cb: {  	_ = 	snop;
	(pc) =	sbr.rel @p1 .LBB3_36-.Ltmp37, $1  }
0x4cc: {  	_ =	sdelay $0x3  }
0x4cd: {  	s0 =	sshll.u32 s11, $0x5  }
0x4ce: {  	s0 =	sand.u32 $0x3FFFFFE0, s0  }
0x4cf: {  	v0 =	vld [tilespmem:s0+$0x60B8];
	_ =	sdelay $0x2  }
0x4d0: {  	s1 =	sshll.u32 s13, $0x7  }
0x4d1: {  	s1 =	sshra.s32 s1, $0x2  }
0x4d2: {  	[tilespmem:s1+$0x60B8] =	vst.add.f32.msk $0xffff, v0  }
0x4d3: {  	v0 =	vld [tilespmem:s0+$0x60C8]  }
.Ltmp38:
0x4d4: {  	_ = 	snop;
	(pc) =	sbr.rel .LBB3_37-.Ltmp38, $2  }
0x4d5: {  	_ =	sdelay $0x2  }
0x4d6: {  	[tilespmem:s1+$0x60C8] =	vst.add.f32.msk $0xffff, v0  }
.LBB3_38:
0x4d7: {  	s0 =	simm.s32 $0x6;
	p1 =	seq.s32 s3, $0x0  }
0x4d8: {  	[sflag:s0] =	ssyncpa.u1 $0x1;
	v0 =	vimm.s32 @p1 $0xFFFFFFFF  }
0x4d9: {  	s9 =	sadd.s32 $0xFFFFFFFF, s3;
	[tilespmem:$0x64B8] =	vst @p1 v0  }
0x4da: {  	v0 =	vld.msk @!p1 [tilespmem:s9+$0x6098], $0x1;
	_ =	sdelay $0x1  }
0x4db: {  	v1 =	vld.msk @!p1 [tilespmem:$0x6098], $0x1;
	_ =	sdelay $0x2  }
0x4dc: {  	p2 =	seq.s32 @!p1 s9, $0x0;
	v0 =	vbroadcast @!p1 v0, $0x0  }
0x4dd: {  	vm0 =	vmmov @!p1 $0x1;
	p2 =	por !p2, p1  }
0x4de: {  	v1 =	vnsel @!p1 vm0, $0xFFFFFFFF, v1;
	vm0 =	vcmask @!p1 $0x308;
	v0 =	vpsel !p2, $0xFFFFFFFF, v0  }
0x4df: {  	p2 =	sne.s32 @!p1 s8, s7;
	v0 =	vsel @!p1 vm0, v1, v0  }
0x4e0: {  	s0 =	simm.s32 @!p1 $0x60B8;
	s1 =	simm.s32 @!p1 $0x0;
	p3 =	por !p2, p1;
	[tilespmem:$0x64B8] =	vst @!p1 v0  }
0x4e1: {  	[spmem:s1] =	stream.linear.scatter @!p1 [tilespmem:s0], [sflag:$0x1], $0x20, $0x38;
	[tilespmem:$0x1EC48] =	vst v63  }
0x4e2: {  	s0 =	sshll.u32 @!p3 s9, $0x7  }
0x4e3: {  	s0 =	sshra.s32 @!p3 s0, $0x2  }
0x4e4: {  	s1 =	simm.s32 @!p3 $0x20;
	s0 =	sadd.s32 @!p3 $0x60B8, s0  }
0x4e5: {  	[spmem:s1] =	stream.linear.scatter @!p3 [tilespmem:s0], [sflag:$0x1], $0x20, $0x38;
	[tilespmem:$0x1EC48] =	vst v63  }
0x4e6: {  	s0 =	simm.s32 @!p3 $0x1  }
0x4e7: {  	_ =	swait.ge @!p3 [sflag:s0], $0x40  }
0x4e8: {  	p1 =	por p2, p1;
	[sflag:s0] =	ssyncset.done @!p3 $0x0  }
0x4e9: {  	[sflag:s0] =	ssyncadd.s32 @!p3 $0xFFFFFFC0;
	s0 =	simm.s32 @!p1 $0x1  }
0x4ea: {  	_ =	swait.ge @!p1 [sflag:s0], $0x20  }
0x4eb: {  	s29 =	simm.s32 $0x64B8;
	[sflag:s0] =	ssyncset.done @!p1 $0x0  }
0x4ec: {  	s30 =	simm.s32 $0x400;
	s31 =	simm.s32 $0x1;
	[sflag:s0] =	ssyncadd.s32 @!p1 $0xFFFFFFE0  }
0x4ed: {  	[spmem:s30] =	stream.linear.scatter [tilespmem:s29], [sflag:$0x1], $0x10, $0x38;
	[tilespmem:$0x1EC48] =	vst v63  }
0x4ee: {  	_ =	swait.ge [sflag:s31], $0x10  }
0x4ef: {  	[sflag:s31] =	ssyncset.done $0x0  }
0x4f0: {  	p1 =	seq.s32 s15, $0x0;
	s8 =	rddreg [dreg:$0x1];
	[sflag:s31] =	ssyncadd.s32 $0xFFFFFFF0  }
0x4f1: {  	s1 =	sshll.u32 @p1 s8, $0xE;
	s7 =	rddreg [dreg:$0x2]  }
0x4f2: {  	s0 =	sadd.s32 @p1 $0x15C3C, s1;
	s1 =	sshll.u32 @p1 s7, $0x11  }
0x4f3: {  	_ =	sfence.stream.spmem;
	s0 =	sor.u32 @p1 s1, s0  }
0x4f4: {  	[sflag:s0] =	ssyncadd.remote.s32 @p1 $0x1;
	s0 =	simm.s32 @p1 $0x4  }
0x4f5: {  	s2 =	simm.s32 @!p1 $0x3C;
	s1 =	sand.u32 $0xFFFFFFFE, s8;
	_ =	swait.ge @p1 [sflag:s0], $0xA  }
0x4f6: {  	s5 =	simm.s32 @!p1 $0x0;
	s1 =	sadd.s32 @!p1 $0x4, s1;
	[sflag:s0] =	ssyncset.done @p1 $0x0  }
0x4f7: {  	s6 =	simm.s32 @!p1 $0x40;
	[sflag:s0] =	ssyncadd.s32 @p1 $0xFFFFFFF6;
	s0 =	sshll.u32 @!p1 s1, $0x1A  }
0x4f8: {  	s1 =	sshll.u32 @!p1 s1, $0xD;
	s0 =	sor.u32 @!p1 s0, s7;
	_ =	swait.eq @!p1 [sflag:s2], $0x1  }
0x4f9: {  	s1 =	sor.u32 @!p1 $0x1C04, s1;
	s2 =	simm.s32 @!p1 $0x1C03;
	s0 =	sor.u32 @!p1 $0x80004000, s0  }
0x4fa: {  	[spmem:s6], [sflag:s1] =	dma.general @!p1 [spmem:s5], [sflag:s2], length:$0x8, [dreg:$0x0], stride_count:$0x0, ici_dest:s0, dma_misc:DstOpCode:WRITE  }
0x4fb: {  	p2 =	slt.s32 s9, $0x2;
	s5 =	simm.s32 @!p1 $0x80;
	s6 =	simm.s32 @!p1 $0x82  }
0x4fc: {  	[spmem:s6], [sflag:s1] =	dma.general @!p1 [spmem:s5], [sflag:s2], length:$0x2, [dreg:$0x0], stride_count:$0x0, ici_dest:s0, dma_misc:DstOpCode:WRITE  }
.Ltmp39:
0x4fd: {  	s0 =	simm.s32 @!p1 $0x3;
	(pc) =	sbr.rel @p2 .LBB3_42-.Ltmp39, $4  }
0x4fe: {  	s1 =	sshll.u32 @!p1 s8, $0xE;
	_ =	swait.ge @!p1 [sflag:s0], $0xA  }
0x4ff: {  	s2 =	sshll.u32 @!p1 s7, $0x11;
	s1 =	sadd.s32 @!p1 $0x11C3C, s1;
	[sflag:s0] =	ssyncset.done @!p1 $0x0  }
0x500: {  	[sflag:s0] =	ssyncadd.s32 @!p1 $0xFFFFFFF6;
	s0 =	sor.u32 @!p1 s2, s1  }
0x501: {  	[sflag:s0] =	ssyncadd.remote.s32 @!p1 $0xFFFFFFFF;
	s0 =	simm.s32 $0x0  }
0x502: {  	s0 =	simm.s32 $0x6099  }
0x503: {  	v0 =	vld.msk [tilespmem:s0+$0x0], $0x1;
	_ =	sdelay $0x4  }
0x504: {  	(v2sf) =	vpush v0, $0x0;
	_ =	sdelay $0xc  }
0x505: {  	s1 =	sadd.s32 $0xFFFFFFFE, s3  }
0x506: {  	s1 =	sadd.s32 $0xFFFFFFFF, s1  }
0x507: {  	p2 =	sne.s32 s1, $0x0;
	s2 =	spop (v2sf)  }
.Ltmp40:
0x508: {  	p1 =	sgt.u32 s2, $0x9C3FC;
	(pc) =	sbr.rel @!p2 .LBB3_41-.Ltmp40, $4  }
0x509: {  	s6 =	simm.s32 $0x0;
	s3 =	sand.u32 @!p1 $0xFFFF8, s2  }
0x50a: {  	s0 =	simm.s32 $0x60D8;
	s2 =	sand.u32 @!p1 $0x7, s2;
	s3 =	sadd.s32 @!p1 s4, s3  }
0x50b: {  	[hbm4b:s3+s2] =	stream.linear.scatter @!p1 [tilespmem:s0], [sflag:$0x5], $0x20, $0x38;
	[tilespmem:$0x1EC48] =	vst v63  }
0x50c: {  	s6 =	simm.s32 @!p1 $0x80;
	s2 =	simm.s32 $0x0;
	s3 =	simm.s32 $0x609A  }
.LBB3_40:
0x50d: {  	v0 =	vld.msk [tilespmem:s3+$0x0], $0x1;
	s1 =	sadd.s32 $0xFFFFFFFF, s1;
	s2 =	sadd.s32 s2, s6  }
0x50e: {  	p1 =	sne.s32 s1, $0x0;
	_ =	sdelay $0x3  }
0x50f: {  	(v2sf) =	vpush v0, $0x0;
	_ =	sdelay $0xe  }
.Ltmp41:
0x510: {  	s5 =	spop (v2sf);
	(pc) =	sbr.rel @p1 .LBB3_40-.Ltmp41, $4  }
0x511: {  	s6 =	simm.s32 $0x0;
	p2 =	sgt.u32 s5, $0x9C3FC  }
0x512: {  	s0 =	sadd.s32 $0x20, s0;
	s6 =	simm.s32 @!p2 $0x80;
	s7 =	sand.u32 @!p2 $0xFFFF8, s5  }
0x513: {  	s3 =	sadd.s32 $0x1, s3;
	s5 =	sand.u32 @!p2 $0x7, s5;
	s7 =	sadd.s32 @!p2 s4, s7  }
0x514: {  	[hbm4b:s7+s5] =	stream.linear.scatter @!p2 [tilespmem:s0], [sflag:$0x5], $0x20, $0x38;
	[tilespmem:$0x1EC48] =	vst v63  }
.LBB3_41:
0x515: {  	s0 =	sadd.s32 s2, s6  }
0x516: {  	s0 =	sshrl.u32 s0, $0x2  }
.LBB3_42:
0x517: {  	s1 =	simm.s32 $0x5  }
0x518: {  	_ =	swait.ge [sflag:s1], s0  }
0x519: {  	s31 =	ssub.s32 $0x0, s0;
	[sflag:s1] =	ssyncset.done $0x0  }
0x51a: {  	[sflag:s1] =	ssyncadd.s32 s31  }
0x51b: {  	[sflag:s1] =	ssyncpa.u1 $0x1  }
.LBB3_43:
0x51c: {  	s0 =	sor.u32 s15, s14  }
0x51d: {  	p1 =	sne.s32 s0, $0x0  }
.Ltmp42:
0x51e: {  	_ = 	snop;
	(pc) =	sbr.rel @p1 .LBB3_58-.Ltmp42, $3  }
0x51f: {  	_ =	sdelay $0x1  }
0x520: {  	[bflag:$0x0] =	sbarrier.arrive $0xFFFF  }
0x521: {  	_ =	sfence  }
0x522: {  	s0 =	simm.s32 $0x7  }
0x523: {  	s1 =	simm.s32 $0x400;
	s2 =	simm.s32 $0x6098;
	[sflag:s0] =	ssyncpa.u1 $0x0  }
0x524: {  	[tilespmem:s2], [sflag:$0x7] =	stream.linear.gather [spmem:s1], $0x20, $0x38;
	[tilespmem:$0x1EC48] =	vst v63  }
0x525: {  	s30 =	simm.s32 $0x60B8;
	s1 =	simm.s32 $0x0  }
0x526: {  	[tilespmem:s30], [sflag:$0x7] =	stream.linear.gather [spmem:s1], $0x400, $0x38;
	[tilespmem:$0x1EC48] =	vst v63  }
.Ltmp43:
0x527: {  	_ = 	snop;
	(pc) =	sbr.rel .LBB3_45-.Ltmp43, $4  }
0x528: {  	_ =	swait.ge [sflag:s0], $0x420  }
0x529: {  	[sflag:s0] =	ssyncset.done $0x0  }
0x52a: {  	s31 =	simm.s32 $0x8;
	[sflag:s0] =	ssyncadd.s32 $0xFFFFFBE0  }
0x52b: {  	s2 =	simm.s32 $0x0;
	[sflag:s31] =	ssyncpa.u1 $0x0  }
.LBB3_51:
0x52c: {  	p1 =	slt.u32 s3, $0x9C3FD  }
0x52d: {  	s0 =	sand.u32 @p1 $0xFFFF8, s3  }
0x52e: {  	s3 =	sand.u32 @p1 $0x7, s3;
	s5 =	simm.s32 @p1 $0x6068;
	s0 =	sadd.s32 @p1 s4, s0  }
0x52f: {  	[tilespmem:s5], [sflag:$0x8] =	stream.linear.gather @p1 [hbm4b:s0+s3], $0x20, $0x38;
	[tilespmem:$0x1EC48] =	vst v63  }
0x530: {  	s0 =	simm.s32 @p1 $0x8  }
0x531: {  	_ =	swait.ge @p1 [sflag:s0], $0x20  }
0x532: {  	[sflag:s0] =	ssyncset.done @p1 $0x0  }
0x533: {  	[sflag:s0] =	ssyncadd.s32 @p1 $0xFFFFFFE0  }
0x534: {  	v1 =	vld @p1 [tilespmem:$0x6068];
	_ =	sdelay $0x2  }
0x535: {  	s0 =	sshll.u32 @p1 s2, $0x7  }
0x536: {  	s3 =	sshrl.u32 @p1 s0, $0x2  }
0x537: {  	[tilespmem:s3+$0x60B8] =	vst.add.f32.msk @p1 $0xffff, v1  }
0x538: {  	v1 =	vld @p1 [tilespmem:$0x6078];
	_ =	sdelay $0x3  }
0x539: {  	s5 =	sshll.u32 @!p1 s2, $0x7  }
0x53a: {  	s5 =	smov.u32 @p1 s0;
	[tilespmem:s3+$0x60C8] =	vst.add.f32.msk @p1 $0xffff, v1  }
0x53b: {  	s0 =	sshrl.u32 s5, $0x2;
	[tilespmem:s1+$0x6098] =	vst.msk $0x1, v0  }
0x53c: {  	v0 =	vld [tilespmem:s0+$0x60B8];
	_ =	sdelay $0x2  }
0x53d: {  	s31 =	sshll.u32 s1, $0x7  }
0x53e: {  	s3 =	sshra.s32 s31, $0x2  }
0x53f: {  	[tilespmem:s3+$0x60B8] =	vst v0  }
0x540: {  	v0 =	vld [tilespmem:s0+$0x60C8];
	_ =	sdelay $0x4  }
0x541: {  	s1 =	sadd.s32 $0x1, s1;
	[tilespmem:s3+$0x60C8] =	vst v0  }
.LBB3_52:
0x542: {  	s2 =	sadd.s32 $0x1, s2  }
0x543: {  	p1 =	sne.s32 s2, $0x20  }
.Ltmp44:
0x544: {  	_ = 	snop;
	(pc) =	sbr.rel @!p1 .LBB3_53-.Ltmp44, $1  }
0x545: {  	_ =	sdelay $0x3  }
.LBB3_45:
0x546: {  	v0 =	vld.msk [tilespmem:s2+$0x6098], $0x1;
	_ =	sdelay $0x4  }
0x547: {  	(v2sf) =	vpush v0, $0x0;
	_ =	sdelay $0xe  }
0x548: {  	s3 =	spop (v2sf)  }
0x549: {  	p1 =	seq.s32 s3, $0xFFFFFFFF  }
.Ltmp45:
0x54a: {  	_ = 	snop;
	(pc) =	sbr.rel @p1 .LBB3_52-.Ltmp45, $1  }
0x54b: {  	_ =	sdelay $0x3  }
0x54c: {  	p1 =	slt.s32 s1, $0x1  }
.Ltmp46:
0x54d: {  	_ = 	snop;
	(pc) =	sbr.rel @p1 .LBB3_51-.Ltmp46, $1  }
0x54e: {  	_ =	sdelay $0x3  }
0x54f: {  	s0 =	simm.s32 $0x6098;
	p1 =	por $0x0, $0x0  }
0x550: {  	v1 =	vld.msk @!p1 [tilespmem:s0+$0x0], $0x1;
	_ =	sdelay $0x4  }
0x551: {  	(v2sf) =	vpush @!p1 v1, $0x0;
	_ =	sdelay $0xd  }
0x552: {  	p3 =	sne.s32 s1, $0x1  }
.Ltmp47:
0x553: {  	s5 =	spop @!p1 (v2sf);
	(pc) =	sbr.rel @!p3 .LBB3_49-.Ltmp47, $4  }
0x554: {  	p2 =	seq.s32 @!p1 s3, s5  }
0x555: {  	s5 =	simm.s32 $0x0;
	p2 =	por !p2, p1  }
0x556: {  	s7 =	simm.s32 $0xFFFFFFFF;
	s5 =	simm.s32 @p2 $0xFFFFFFFF  }
0x557: {  	s6 =	simm.s32 $0x1;
	s5 =	smov.u32 @p1 s7  }
.LBB3_48:
0x558: {  	s7 =	smov.u32 s5;
	p1 =	sne.s32 s5, $0xFFFFFFFF  }
0x559: {  	s0 =	sadd.s32 $0x1, s0;
	s5 =	smov.u32 s6;
	s6 =	sadd.s32 $0x1, s6  }
0x55a: {  	p2 =	sne.s32 s1, s6;
	v1 =	vld.msk @!p1 [tilespmem:s0+$0x0], $0x1;
	_ =	sdelay $0x4  }
0x55b: {  	(v2sf) =	vpush @!p1 v1, $0x0;
	_ =	sdelay $0xe  }
.Ltmp48:
0x55c: {  	s8 =	spop @!p1 (v2sf);
	(pc) =	sbr.rel @p2 .LBB3_48-.Ltmp48, $4  }
0x55d: {  	p3 =	seq.s32 @!p1 s3, s8  }
0x55e: {  	p3 =	por !p3, p1  }
0x55f: {  	s5 =	simm.s32 @p3 $0xFFFFFFFF  }
0x560: {  	s5 =	smov.u32 @p1 s7  }
.LBB3_49:
0x561: {  	p1 =	seq.s32 s5, $0xFFFFFFFF  }
.Ltmp49:
0x562: {  	_ = 	snop;
	(pc) =	sbr.rel @p1 .LBB3_51-.Ltmp49, $1  }
0x563: {  	_ =	sdelay $0x3  }
0x564: {  	s0 =	sshll.u32 s2, $0x5  }
0x565: {  	s0 =	sand.u32 $0x3FFFFFE0, s0  }
0x566: {  	v0 =	vld [tilespmem:s0+$0x60B8];
	_ =	sdelay $0x2  }
0x567: {  	s3 =	sshll.u32 s5, $0x7  }
0x568: {  	s3 =	sshra.s32 s3, $0x2  }
0x569: {  	[tilespmem:s3+$0x60B8] =	vst.add.f32.msk $0xffff, v0  }
0x56a: {  	v0 =	vld [tilespmem:s0+$0x60C8]  }
.Ltmp50:
0x56b: {  	_ = 	snop;
	(pc) =	sbr.rel .LBB3_52-.Ltmp50, $2  }
0x56c: {  	_ =	sdelay $0x2  }
0x56d: {  	[tilespmem:s3+$0x60C8] =	vst.add.f32.msk $0xffff, v0  }
.LBB3_53:
0x56e: {  	p1 =	slt.s32 s1, $0x1  }
.Ltmp51:
0x56f: {  	_ = 	snop;
	(pc) =	sbr.rel @p1 .LBB3_57-.Ltmp51, $3  }
0x570: {  	_ =	sdelay $0x1  }
0x571: {  	s0 =	simm.s32 $0x8  }
0x572: {  	s2 =	simm.s32 $0x0;
	[sflag:s0] =	ssyncpa.u1 $0x1  }
0x573: {  	s0 =	simm.s32 $0x6098  }
0x574: {  	v0 =	vld.msk [tilespmem:s0+$0x0], $0x1;
	_ =	sdelay $0x4  }
0x575: {  	(v2sf) =	vpush v0, $0x0;
	_ =	sdelay $0xe  }
0x576: {  	s1 =	sadd.s32 $0xFFFFFFFF, s1;
	s3 =	spop (v2sf)  }
0x577: {  	p2 =	sne.s32 s1, $0x0;
	p1 =	sgt.u32 s3, $0x9C3FC  }
.Ltmp52:
0x578: {  	s5 =	sand.u32 @!p1 $0xFFFF8, s3;
	(pc) =	sbr.rel @!p2 .LBB3_56-.Ltmp52, $4  }
0x579: {  	s0 =	simm.s32 $0x60B8;
	s3 =	sand.u32 @!p1 $0x7, s3;
	s5 =	sadd.s32 @!p1 s4, s5  }
0x57a: {  	[hbm4b:s5+s3] =	stream.linear.scatter @!p1 [tilespmem:s0], [sflag:$0x7], $0x20, $0x38;
	[tilespmem:$0x1EC48] =	vst v63  }
0x57b: {  	s5 =	simm.s32 $0x0  }
0x57c: {  	s3 =	simm.s32 $0x6099;
	s5 =	simm.s32 @!p1 $0x80  }
.LBB3_55:
0x57d: {  	v0 =	vld.msk [tilespmem:s3+$0x0], $0x1;
	s1 =	sadd.s32 $0xFFFFFFFF, s1;
	s2 =	sadd.s32 s2, s5  }
0x57e: {  	p1 =	sne.s32 s1, $0x0;
	_ =	sdelay $0x3  }
0x57f: {  	(v2sf) =	vpush v0, $0x0;
	_ =	sdelay $0xe  }
.Ltmp53:
0x580: {  	s6 =	spop (v2sf);
	(pc) =	sbr.rel @p1 .LBB3_55-.Ltmp53, $4  }
0x581: {  	s5 =	simm.s32 $0x0;
	p2 =	sgt.u32 s6, $0x9C3FC  }
0x582: {  	s0 =	sadd.s32 $0x20, s0;
	s5 =	simm.s32 @!p2 $0x80;
	s7 =	sand.u32 @!p2 $0xFFFF8, s6  }
0x583: {  	s3 =	sadd.s32 $0x1, s3;
	s6 =	sand.u32 @!p2 $0x7, s6;
	s7 =	sadd.s32 @!p2 s4, s7  }
0x584: {  	[hbm4b:s7+s6] =	stream.linear.scatter @!p2 [tilespmem:s0], [sflag:$0x7], $0x20, $0x38;
	[tilespmem:$0x1EC48] =	vst v63  }
.LBB3_56:
0x585: {  	s0 =	sadd.s32 s2, s5  }
0x586: {  	s2 =	sshrl.u32 s0, $0x2  }
.LBB3_57:
0x587: {  	s0 =	simm.s32 $0x7  }
0x588: {  	_ =	swait.ge [sflag:s0], s2  }
0x589: {  	s1 =	ssub.s32 $0x0, s2;
	[sflag:s0] =	ssyncset.done $0x0  }
0x58a: {  	[sflag:s0] =	ssyncadd.s32 s1  }
0x58b: {  	[sflag:s0] =	ssyncpa.u1 $0x1  }
.LBB3_58:
0x58c: {  	_ =	sfence;
	s0 =	simm.s32 $0x1  }
0x58d: {  	[sflag:s0] =	ssyncpa.u1 $0x1  }
0x58e: {  	_ =	strace $0x90000053  }
0x58f: {  	[bflag:$0x2] =	sbarrier.arrive $0xFFFF  }
0x590: {  	s0 =	rddreg [dreg:$0x3]  }
0x591: {  	s0 =	sadd.s32 @!p0 $0x100000, s0  }
0x592: {  	[sflag:s0] =	ssyncadd.tile.s32 @!p0 $0x1;
	_ =	shalt  }
.Lfunc_end3:
_tile_overlayer_lowered:
.L_overlay_start_3:
0x593: {  	(tag) =	ssettag $0x3  }
0x594: {  	s0 =	rddreg [dreg:$0x0];
	s2 =	stileid.u32  }
0x595: {  	s1 =	rddreg [dreg:$0x1];
	p0 =	sne.s32 s2, $0x0  }
0x596: {  	s3 =	rddreg [dreg:$0x2];
	[bflag:$0x3] =	sbarrier.arrive $0xFFFF;
	s2 =	simm.s32 @!p0 $0x1C01  }
0x597: {  	[timem:s3], [sflag:s2] =	dma.local @!p0 [hbm:s0], s1  }
0x598: {  	s0 =	simm.s32 @!p0 $0x1  }
0x599: {  	_ =	swait.ge @!p0 [sflag:s0], s1  }
0x59a: {  	s1 =	ssub.s32 @!p0 $0x0, s1;
	[sflag:s0] =	ssyncset.done @!p0 $0x0  }
0x59b: {  	[sflag:s0] =	ssyncadd.s32 @!p0 s1  }
0x59c: {  	[bflag:$0x3] =	sbarrier.arrive $0xFFFF  }
0x59d: {  	_ =	shalt  }

// kernel: scatter_offload_async_start
scs
__scs_entry_jumppad:
0x0: {  	(pc) =	sbr.rel $0x88, $3  }
0x1: {  	(tag) =	ssettag $0x0;
	lr =	simm.s32 $0x1  }
0x2: {  	[smem:$0x3F96] =	sst lr;
	_ =	strace $0xD0000000  }
0x3: {  	_ = 	snop  }
0x4: {  	_ = 	snop  }
0x5: {  	_ = 	snop  }
0x6: {  	_ = 	snop  }
0x7: {  	_ = 	snop  }
__scs_overlays_trampoline_lowered:
0x8: {  	[smem:$0x3FA5] =	sst s0  }
0x9: {  	[smem:$0x3FA6] =	sst s1  }
0xa: {  	[smem:$0x3FA7] =	sst s2  }
0xb: {  	[smem:$0x3FA8] =	sst s3  }
0xc: {  	[smem:$0x3FA9] =	sst s4  }
0xd: {  	[smem:$0x3FAA] =	sst s5  }
0xe: {  	[smem:$0x3FAB] =	sst s6  }
0xf: {  	[smem:$0x3FAC] =	sst s7  }
0x10: {  	[smem:$0x3FAD] =	sst s8  }
0x11: {  	[smem:$0x3FAE] =	sst s9;
	s0 =	simm.s32 @!p0 $0x0  }
0x12: {  	s1 =	sld [smem:$0x3F94];
	s0 =	simm.s32 @p0 $0x1  }
0x13: {  	[smem:$0x3FAF] =	sst s0;
	s0 =	simm.s32 @!p1 $0x0  }
0x14: {  	s2 =	sld [smem:$0x3F93];
	s0 =	simm.s32 @p1 $0x1  }
0x15: {  	[smem:$0x3FB0] =	sst s0;
	s0 =	simm.s32 @!p2 $0x0  }
0x16: {  	s3 =	sld [smem:$0x3FDB];
	s0 =	simm.s32 @p2 $0x1  }
0x17: {  	s4 =	simm.s32 $0x1BF5;
	[smem:$0x3FB2] =	sst s0  }
0x18: {  	s0 =	sld [smem:$0x3F95];
	_ =	swait.ge [sflag:s4], $0x0  }
0x19: {  	s7 =	sld [smem:$0x3F96]  }
0x1a: {  	s8 =	sadd.s32 $0xFFFFE003, lr  }
0x1b: {  	s9 =	sadd.s32 $0xFFFFFEF7, lr;
	s5 =	simm.s32 $0xFFFFFFFF;
	p2 =	slt.u32 s8, $0xFFFFF086  }
0x1c: {  	p1 =	slt.u32 s9, $0xF7A;
	s5 =	simm.s32 @!p2 $0x0  }
0x1d: {  	s5 =	simm.s32 @p1 $0x1;
	p0 =	seq.s32 s7, s2  }
0x1e: {  	s7 =	smul.u32 @!p0 $0xF7A, s2;
	p2 =	seq.s32 @!p0 s5, $0x0  }
0x1f: {  	s9 =	smul.u32 $0xF7A, s1;
	s8 =	simm.s32 @!p0 $0x1BF5;
	p2 =	por !p2, p0  }
0x20: {  	[sflag:s8] =	ssyncset.s32 @!p0 $0xFFFFF086;
	s6 =	sadd.s32 @!p0 s3, s7;
	s7 =	simm.s32 @!p0 $0x108  }
0x21: {  	s3 =	sadd.s32 s3, s9;
	s6 =	sadd.s32 @!p0 $0x88, s6;
	s7 =	simm.s32 @p2 $0x1082  }
0x22: {  	[simem:s7], [sflag:s8] =	dma.local @!p0 [hbm:s6], $0xF7A  }
0x23: {  	s9 =	sor.u32 $0xD0000000, s2;
	s6 =	simm.s32 $0x108;
	_ =	swait.ge @!p0 [sflag:s8], $0x0  }
0x24: {  	s3 =	sadd.s32 $0x88, s3;
	s6 =	simm.s32 @!p1 $0x1082;
	[sflag:s4] =	ssyncset.s32 $0xFFFFF086  }
0x25: {  	[simem:s6], [sflag:s4] =	dma.local [hbm:s3], $0xF7A  }
0x26: {  	[smem:$0x3F96] =	sst s1;
	(tag) =	ssettag s2;
	_ =	strace s9  }
0x27: {  	s1 =	sld [smem:$0x3FA6]  }
0x28: {  	s2 =	sld [smem:$0x3FA7]  }
0x29: {  	s4 =	sld [smem:$0x3FA9]  }
0x2a: {  	p0 =	seq.s32 s5, $0x0;
	s5 =	sld [smem:$0x3FAA]  }
0x2b: {  	s6 =	sld [smem:$0x3FAB]  }
0x2c: {  	s7 =	sld [smem:$0x3FAC]  }
0x2d: {  	s3 =	simm.s32 $0x108;
	s8 =	sld [smem:$0x3FAD]  }
0x2e: {  	s3 =	simm.s32 @!p0 $0x1082;
	s9 =	sld [smem:$0x3FAE]  }
0x2f: {  	lr =	sadd.s32 s0, s3;
	s0 =	sld [smem:$0x3FA5]  }
0x30: {  	s3 =	sld [smem:$0x3FA8]  }
0x31: {  	[smem:$0x3FB1] =	sst s10  }
0x32: {  	s10 =	sld [smem:$0x3FAF];
	_ =	sdelay $0x3  }
0x33: {  	p0 =	seq.s32 s10, $0x1;
	s10 =	sld [smem:$0x3FB1];
	_ =	sdelay $0x3  }
0x34: {  	[smem:$0x3FB1] =	sst s10  }
0x35: {  	s10 =	sld [smem:$0x3FB0];
	_ =	sdelay $0x3  }
0x36: {  	p1 =	seq.s32 s10, $0x1;
	s10 =	sld [smem:$0x3FB1];
	_ =	sdelay $0x3  }
0x37: {  	[smem:$0x3FB1] =	sst s10  }
0x38: {  	s10 =	sld [smem:$0x3FB2]  }
0x39: {  	_ = 	snop;
	(pc) =	sbr.ind lr, $3  }
0x3a: {  	_ = 	snop  }
0x3b: {  	_ = 	snop  }
0x3c: {  	p2 =	seq.s32 s10, $0x1;
	s10 =	sld [smem:$0x3FB1]  }
0x3d: {  	_ =	shalt  }
0x3e: {  	_ =	shalt  }
0x3f: {  	_ =	shalt  }
0x40: {  	_ =	shalt  }
0x41: {  	_ =	shalt  }
0x42: {  	_ =	shalt  }
0x43: {  	_ =	shalt  }
0x44: {  	_ =	shalt  }
0x45: {  	_ =	shalt  }
0x46: {  	_ =	shalt  }
0x47: {  	_ =	shalt  }
0x48: {  	_ =	shalt  }
0x49: {  	_ =	shalt  }
0x4a: {  	_ =	shalt  }
0x4b: {  	_ =	shalt  }
0x4c: {  	_ =	shalt  }
0x4d: {  	_ =	shalt  }
0x4e: {  	_ =	shalt  }
0x4f: {  	_ =	shalt  }
0x50: {  	_ =	shalt  }
0x51: {  	_ =	shalt  }
0x52: {  	_ =	shalt  }
0x53: {  	_ =	shalt  }
0x54: {  	_ =	shalt  }
0x55: {  	_ =	shalt  }
0x56: {  	_ =	shalt  }
0x57: {  	_ =	shalt  }
0x58: {  	_ =	shalt  }
0x59: {  	_ =	shalt  }
0x5a: {  	_ =	shalt  }
0x5b: {  	_ =	shalt  }
0x5c: {  	_ =	shalt  }
0x5d: {  	_ =	shalt  }
0x5e: {  	_ =	shalt  }
0x5f: {  	_ =	shalt  }
0x60: {  	_ =	shalt  }
0x61: {  	_ =	shalt  }
0x62: {  	_ =	shalt  }
0x63: {  	_ =	shalt  }
0x64: {  	_ =	shalt  }
0x65: {  	_ =	shalt  }
0x66: {  	_ =	shalt  }
0x67: {  	_ =	shalt  }
0x68: {  	_ =	shalt  }
0x69: {  	_ =	shalt  }
0x6a: {  	_ =	shalt  }
0x6b: {  	_ =	shalt  }
0x6c: {  	_ =	shalt  }
0x6d: {  	_ =	shalt  }
0x6e: {  	_ =	shalt  }
0x6f: {  	_ =	shalt  }
0x70: {  	_ =	shalt  }
0x71: {  	_ =	shalt  }
0x72: {  	_ =	shalt  }
0x73: {  	_ =	shalt  }
0x74: {  	_ =	shalt  }
0x75: {  	_ =	shalt  }
0x76: {  	_ =	shalt  }
0x77: {  	_ =	shalt  }
0x78: {  	_ =	shalt  }
0x79: {  	_ =	shalt  }
0x7a: {  	_ =	shalt  }
0x7b: {  	_ =	shalt  }
0x7c: {  	_ =	shalt  }
0x7d: {  	_ =	shalt  }
0x7e: {  	_ =	shalt  }
0x7f: {  	_ =	shalt  }
0x80: {  	_ =	shalt  }
0x81: {  	_ =	shalt  }
0x82: {  	_ =	shalt  }
0x83: {  	_ =	shalt  }
0x84: {  	_ =	shalt  }
0x85: {  	_ =	shalt  }
0x86: {  	_ =	shalt  }
0x87: {  	_ =	shalt  }
.Lfunc_end0:
.L_simem_size_0:
called_computation_lowered:
.L_overlay_start_0:
0x88: {  	s2 =	sld [smem:$0x3FD9]  }
0x89: {  	s3 =	sld [smem:$0x3FFE];
	_ =	sdelay $0x1  }
0x8a: {  	s1 =	srdreg.scid  }
0x8b: {  	s0 =	sand.u32 $0x1, s1  }
0x8c: {  	s12 =	sshll.u32 s0, $0xA;
	s2 =	sadd.s32 s3, s2  }
0x8d: {  	s2 =	sadd.s32 s2, s12  }
0x8e: {  	[smem:$0x3FBD] =	sst s2  }
0x8f: {  	_ = 	snop  }
0x90: {  	(tm) =	ssettm $0x1  }
0x91: {  	s13 =	sld [smem:$0x3FFB];
	_ =	sdelay $0x3  }
0x92: {  	_ =	strace s13  }
0x93: {  	s2 =	sld [smem:$0x3FFC];
	_ =	sdelay $0x3  }
0x94: {  	_ =	strace s2  }
0x95: {  	s2 =	sld [smem:$0x3FFD];
	_ =	sdelay $0x3  }
0x96: {  	_ =	strace s2  }
0x97: {  	_ =	strace $0x8FFFFFFF  }
0x98: {  	s14 =	sld [smem:$0x3FDB];
	_ =	sdelay $0x1  }
0x99: {  	s15 =	simm.s32 $_scs_section_size  }
0x9a: {  	s4 =	simm.s32 $_size__tile_overlayer_lowered;
	s5 =	simm.s32 $_tile_overlayer_lowered  }
0x9b: {  	s19 =	simm.s32 $0x1BFF;
	s17 =	sshll.u32 s5, $0x1;
	s6 =	sadd.s32 s15, s14  }
0x9c: {  	s20 =	simm.s32 $0x0;
	s16 =	sshll.u32 s4, $0x1;
	s18 =	sadd.s32 s17, s6  }
0x9d: {  	[timem:s20], [sflag:s19] =	dma.local [hbm:s18], s16  }
0x9e: {  	_ =	swait.ge [sflag:s19], s16  }
0x9f: {  	s3 =	ssub.s32 $0x0, s16;
	[sflag:s19] =	ssyncset.done $0x0  }
0xa0: {  	[sflag:s19] =	ssyncadd.s32 s3;
	_ =	sdelay $0x1  }
0xa1: {  	s21 =	simm.s32 $0x1B8B  }
0xa2: {  	_ =	swait.ge [sflag:s21], $0x1  }
0xa3: {  	[sflag:s21] =	ssyncset.done $0x0  }
0xa4: {  	[sflag:s21] =	ssyncadd.s32 $0xFFFFFFFF  }
0xa5: {  	s3 =	sld [smem:$0x0]  }
0xa6: {  	s4 =	sand.u32 $0xFFFFFFFE, s1  }
0xa7: {  	p0 =	sne.s32 s1, s4  }
0xa8: {  	s4 =	sshll.u32 @p0 s4, $0xE  }
0xa9: {  	s5 =	sadd.s32 @p0 $0x11B8D, s4;
	s7 =	sshll.u32 @p0 s3, $0x11  }
0xaa: {  	s5 =	sor.u32 @p0 s7, s5  }
0xab: {  	[sflag:s5] =	ssyncadd.remote.s32 @p0 $0x1;
	_ =	sdelay $0x1  }
0xac: {  	s5 =	simm.s32 @p0 $0x1B8D  }
0xad: {  	_ =	swait.eq @p0 [sflag:s5], $0x1  }
0xae: {  	[sflag:s5] =	ssyncadd.s32 @p0 $0xFFFFFFFF  }
0xaf: {  	s7 =	sshll.u32 @!p0 s1, $0xE  }
0xb0: {  	s7 =	sor.u32 @!p0 $0x4000, s7;
	s5 =	simm.s32 @!p0 $0x1B8D  }
0xb1: {  	s9 =	sshll.u32 @!p0 s3, $0x11;
	s8 =	sadd.s32 @!p0 $0x11B8D, s7;
	_ =	swait.eq @!p0 [sflag:s5], $0x1  }
0xb2: {  	[sflag:s5] =	ssyncadd.s32 @!p0 $0xFFFFFFFF;
	s5 =	sor.u32 @!p0 s9, s8  }
0xb3: {  	s23 =	simm.s32 $0x1B8E;
	s22 =	sld [smem:$0x3FFE];
	[sflag:s5] =	ssyncadd.remote.s32 @!p0 $0x1  }
0xb4: {  	s24 =	simm.s32 $execute0_lowered;
	[smem:$0x3FD2] =	sst s23  }
0xb5: {  	s8 =	sshll.u32 s24, $0x1;
	_ =	strace $0x80000055;
	[dreg:$0x1] =	wrdreg $0xFFFFFFFF  }
0xb6: {  	s25 =	simm.s32 $_size_execute0_lowered;
	s8 =	sadd.s32 s6, s8;
	[dreg:$0x0] =	wrdreg $0x0  }
0xb7: {  	s9 =	sshll.u32 s25, $0x1;
	[dreg:$0x2] =	wrdreg s8  }
0xb8: {  	[dreg:$0x3] =	wrdreg s9  }
0xb9: {  	[dreg:$0x4] =	wrdreg $0xC0  }
0xba: {  	s26 =	simm.s32 $execute1_lowered;
	_ =	task [dreg:s20], $0x5FFFF  }
0xbb: {  	s8 =	sshll.u32 s26, $0x1;
	[dreg:$0x1] =	wrdreg $0xFFFFFFFF  }
0xbc: {  	s6 =	sadd.s32 s6, s8;
	[dreg:$0x0] =	wrdreg $0x60  }
0xbd: {  	[dreg:$0x2] =	wrdreg s6  }
0xbe: {  	[dreg:$0x3] =	wrdreg s22  }
0xbf: {  	[dreg:$0x4] =	wrdreg $0xB  }
0xc0: {  	_ =	task.clear_ibuf [dreg:s20], $0x5FFFF;
	_ =	strace $0x90000055  }
0xc1: {  	s28 =	simm.s32 $0xB;
	_ =	strace $0x80000057  }
0xc2: {  	_ =	swait.ge [sflag:s28], $0x1  }
0xc3: {  	[sflag:s28] =	ssyncadd.s32 $0xFFFFFFFF  }
0xc4: {  	_ =	strace $0x90000057  }
0xc5: {  	s6 =	sld [smem:$0x0];
	_ =	sdelay $0x3  }
0xc6: {  	s4 =	sadd.s32 @p0 $0x11BF3, s4;
	s8 =	sshll.u32 @p0 s6, $0x11  }
0xc7: {  	s4 =	sor.u32 @p0 s8, s4  }
0xc8: {  	[sflag:s4] =	ssyncadd.remote.s32 @p0 $0x1;
	_ =	sdelay $0x1  }
0xc9: {  	s4 =	simm.s32 @p0 $0x1BF3  }
0xca: {  	_ =	swait.eq @p0 [sflag:s4], $0x1  }
0xcb: {  	[sflag:s4] =	ssyncadd.s32 @p0 $0xFFFFFFFF;
	_ =	sdelay $0x1  }
0xcc: {  	s4 =	simm.s32 @!p0 $0x1BF3  }
0xcd: {  	s7 =	sadd.s32 @!p0 $0x11BF3, s7;
	s6 =	sshll.u32 @!p0 s6, $0x11;
	_ =	swait.eq @!p0 [sflag:s4], $0x1  }
0xce: {  	[sflag:s4] =	ssyncadd.s32 @!p0 $0xFFFFFFFF;
	s4 =	sor.u32 @!p0 s6, s7  }
0xcf: {  	[sflag:s4] =	ssyncadd.remote.s32 @!p0 $0x1  }
0xd0: {  	_ =	strace $0x80000058;
	[dreg:$0x1] =	wrdreg $0xFFFFFFFF  }
0xd1: {  	[dreg:$0x0] =	wrdreg $0x2030  }
0xd2: {  	[dreg:$0x2] =	wrdreg s22  }
0xd3: {  	[dreg:$0x3] =	wrdreg s1  }
0xd4: {  	[dreg:$0x4] =	wrdreg s3  }
0xd5: {  	[dreg:$0x5] =	wrdreg $0xC  }
0xd6: {  	_ =	task.clear_ibuf [dreg:s20], $0x6FFFF;
	_ =	strace $0x90000058  }
0xd7: {  	s29 =	simm.s32 $0xC;
	_ =	strace $0x8000005A  }
0xd8: {  	_ =	swait.ge [sflag:s29], $0x1  }
0xd9: {  	[sflag:s29] =	ssyncadd.s32 $0xFFFFFFFF  }
0xda: {  	_ =	strace $0x9000005A  }
0xdb: {  	_ =	sfence  }
0xdc: {  	s30 =	sld [smem:$0x0];
	_ =	sdelay $0x2  }
0xdd: {  	s31 =	sshll.u32 s1, $0xD;
	s1 =	sshrl.u32 s1, $0x2  }
0xde: {  	s4 =	sand.u32 $0x4000, s31;
	s1 =	sadd.s32 s1, s30  }
0xdf: {  	s0 =	sor.u32 s4, s0;
	s1 =	sshll.u32 s1, $0x11  }
0xe0: {  	s0 =	sor.u32 s1, s0  }
0xe1: {  	s0 =	sadd.s32 $0x8F2B, s0  }
0xe2: {  	[sflag:s0] =	ssyncadd.remote.s32 $0x1  }
0xe3: {  	_ =	sfence.sel $0xFFFF  }
0xe4: {  	[dreg:$0x0] =	wrdreg $0xFFFFFFFF;
	(pc) =	sbr.abs _section_cstart, $3  }
0xe5: {  	[dreg:$0x1] =	wrdreg $0xFFFFFFFF  }
0xe6: {  	_ =	task.clear_ibuf [dreg:s20], $0x2FFFF;
	_ =	strace $0x9FFFFFFF  }
0xe7: {  	(tm) =	ssettm $0x7FFFFFFF  }
tec
execute0_lowered:
.L_overlay_start_1:
0x0: {  	(tag) =	ssettag $0x1  }
0x1: {  	s2 =	rddreg [dreg:$0x0]  }
0x2: {  	s5 =	rddreg [dreg:$0x1]  }
0x3: {  	s0 =	rddreg [dreg:$0x2];
	s3 =	stileid.u32;
	[bflag:$0x3] =	sbarrier.arrive $0xFFFF  }
0x4: {  	s1 =	simm.s32 $_size_execute1_lowered;
	s29 =	srdreg.scid;
	s31 =	simm.s32 $0x2  }
0x5: {  	s13 =	simm.s32 $0x0;
	s8 =	simm.s32 $0x20;
	p0 =	sne.s32 s3, $0x0  }
0x6: {  	s1 =	sshll.u32 s1, $0x1;
	s4 =	simm.s32 @!p0 $0x1C3F;
	s6 =	simm.s32 @!p0 $0x4060  }
0x7: {  	[timem:s6], [sflag:s4] =	dma.local @!p0 [hbm:s2], s1  }
0x8: {  	s9 =	simm.s32 $0x80;
	s11 =	simm.s32 $0x0;
	s2 =	sshll.u32 s29, $0x9  }
.Ltmp0:
0x9: {  	s3 =	sshll.u32 s3, $0xA;
	s30 =	sand.u32 $0x200, s2;
	(pc) =	sbr.rel .LBB2_1-.Ltmp0, $4  }
0xa: {  	s12 =	simm.s32 $0x0;
	_ =	strace $0x80000056;
	s3 =	sor.u32 s3, s30  }
0xb: {  	s4 =	simm.s32 $0x1;
	s2 =	sadd.s32 $0x181C00, s5;
	s7 =	ssub.s32 $0x9C00, s3  }
0xc: {  	s5 =	sadd.s32 $0x14600, s5;
	[sflag:s4] =	ssyncpa.u1 $0x0;
	s6 =	sshrl.u32 s7, $0xE  }
0xd: {  	[sflag:s31] =	ssyncpa.u1 $0x0;
	s10 =	smov.u32 s3;
	s7 =	sadd.s32 $0x2, s6  }
.LBB2_5:
0xe: {  	_ =	sdelay $0x3  }
0xf: {  	[tilespmem:v1+s16+$0x0 ss:$0x1] =	vst.idx.msk $0xffff, v2  }
0x10: {  	[tilespmem:v1+s17+$0x0 ss:$0x1] =	vst.idx.msk $0xffff, v3  }
.LBB2_6:
0x11: {  	s16 =	sand.u32 $0x1FFFFFF, s11  }
0x12: {  	s17 =	smulhi.u32 $0x1A36E2F, s16;
	_ =	sdelay $0x1  }
0x13: {  	s17 =	sshrl.u32 s17, $0x8  }
0x14: {  	s17 =	smul.u32 $0x9C40, s17;
	_ =	sdelay $0x1  }
0x15: {  	s16 =	ssub.s32 s16, s17  }
0x16: {  	s16 =	sshll.u32 s16, $0x4  }
0x17: {  	s16 =	sadd.s32 s5, s16  }
0x18: {  	[hbm4b:s16+s8] =	stream.strided.scatter [tilespmem:s15], [sflag:$0x2], s14, s9, s8, $0x38;
	[tilespmem:$0x10000] =	vst v63  }
.LBB2_7:
0x19: {  	p1 =	slt.u32 s12, $0x2  }
0x1a: {  	p2 =	sgt.s32 @!p1 s13, $0x9A40  }
0x1b: {  	s14 =	smov.u32 s13;
	s15 =	sshra.s32 @!p1 s13, $0x1F;
	p2 =	por !p2, p1  }
0x1c: {  	s13 =	sand.u32 @!p1 s15, s13;
	s14 =	simm.s32 @p2 $0x9A40  }
0x1d: {  	s13 =	ssub.s32 @!p1 s14, s13  }
0x1e: {  	s13 =	sadd.s32 @!p1 $0xFFFF65C0, s13  }
0x1f: {  	s14 =	sshll.u32 @!p1 s13, $0x7  }
0x20: {  	p2 =	sgt.s32 @!p1 s13, $0x1FF;
	s13 =	ssub.s32 @!p1 $0x10000, s14  }
0x21: {  	s15 =	sadd.s32 $0x4000, s10;
	p2 =	por !p2, p1;
	s13 =	sshrl.u32 @!p1 s13, $0x2  }
0x22: {  	s13 =	simm.s32 @!p2 $0x0;
	p2 =	sgt.s32 s15, $0x9C3F  }
0x23: {  	s15 =	smov.u32 @p2 s3;
	p2 =	sne.s32 s12, s7  }
.Ltmp1:
0x24: {  	_ = 	snop;
	(pc) =	sbr.rel @!p2 .LBB2_8-.Ltmp1, $4  }
0x25: {  	s14 =	simm.s32 @!p1 $0x2  }
0x26: {  	_ =	swait.ge @!p1 [sflag:s14], s13;
	s16 =	ssub.s32 @!p1 $0x0, s13  }
0x27: {  	s13 =	smov.u32 s11;
	s12 =	sadd.s32 $0x1, s12;
	[sflag:s14] =	ssyncset.done @!p1 $0x0  }
0x28: {  	s11 =	smov.u32 s10;
	s10 =	smov.u32 s15;
	[sflag:s14] =	ssyncadd.s32 @!p1 s16  }
.LBB2_1:
0x29: {  	p1 =	sgt.u32 s12, s6  }
0x2a: {  	s15 =	smov.u32 s10;
	p2 =	sgt.s32 @!p1 s10, $0x9A40  }
0x2b: {  	s14 =	sand.u32 @!p1 $0x1FFFFFF, s10;
	s16 =	sshra.s32 @!p1 s10, $0x1F;
	p2 =	por !p2, p1  }
0x2c: {  	s17 =	smulhi.u32 @!p1 $0x1A36E2F, s14;
	s16 =	sand.u32 @!p1 s16, s10;
	s15 =	simm.s32 @p2 $0x9A40  }
0x2d: {  	s15 =	ssub.s32 @!p1 s15, s16  }
0x2e: {  	s16 =	sshrl.u32 @!p1 s17, $0x8;
	s15 =	sadd.s32 @!p1 $0xFFFF65C0, s15  }
0x2f: {  	s17 =	sxor.u32 @!p1 $0xFFFFFFFF, s12;
	s16 =	smul.u32 @!p1 $0x9C40, s16;
	s18 =	sshll.u32 @!p1 s15, $0x7  }
0x30: {  	s17 =	sshll.u32 @!p1 s17, $0xE;
	p2 =	sgt.s32 @!p1 s15, $0x1FF;
	s15 =	ssub.s32 @!p1 $0x10000, s18  }
0x31: {  	s14 =	ssub.s32 @!p1 s14, s16;
	p2 =	por !p2, p1;
	s16 =	sand.u32 @!p1 $0x4000, s17  }
0x32: {  	s17 =	simm.s32 @!p1 $0x20;
	s15 =	sshrl.u32 @!p1 s15, $0x2;
	s14 =	sshll.u32 @!p1 s14, $0x4  }
0x33: {  	s18 =	simm.s32 @!p1 $0x80;
	s15 =	simm.s32 @!p2 $0x0;
	s14 =	sadd.s32 @!p1 s2, s14  }
0x34: {  	[tilespmem:s16], [sflag:$0x1] =	stream.strided.gather @!p1 [hbm4b:s14+s17], s15, s18, s17, $0x38;
	[tilespmem:$0x10000] =	vst v63  }
0x35: {  	p1 =	seq.s32 s12, $0x0  }
0x36: {  	p2 =	sge.u32 @!p1 s12, s7  }
0x37: {  	p1 =	por p1, p2  }
.Ltmp2:
0x38: {  	_ = 	snop;
	(pc) =	sbr.rel @p1 .LBB2_7-.Ltmp2, $1  }
0x39: {  	_ =	sdelay $0x3  }
0x3a: {  	p1 =	sgt.s32 s11, $0x9A40;
	s14 =	smov.u32 s11;
	s15 =	sshra.s32 s11, $0x1F  }
0x3b: {  	s14 =	simm.s32 @!p1 $0x9A40;
	s15 =	sand.u32 s15, s11  }
0x3c: {  	s14 =	ssub.s32 s14, s15  }
0x3d: {  	s14 =	sadd.s32 $0xFFFF65C0, s14  }
0x3e: {  	s31 =	sshll.u32 s14, $0x7  }
0x3f: {  	s15 =	ssub.s32 $0x10000, s31  }
0x40: {  	p1 =	sgt.s32 s14, $0x1FF;
	s14 =	sshrl.u32 s15, $0x2;
	s15 =	sadd.s32 $0x200, s11  }
0x41: {  	s14 =	simm.s32 @p1 $0x0;
	p1 =	slt.s32 s15, $0x9C40  }
0x42: {  	s15 =	simm.s32 @!p1 $0x9C40  }
0x43: {  	s18 =	ssub.s32 s15, s11  }
0x44: {  	p1 =	slt.s32 s18, $0x1  }
.Ltmp3:
0x45: {  	_ = 	snop;
	(pc) =	sbr.rel @p1 .LBB2_6-.Ltmp3, $4  }
0x46: {  	_ = 	snop  }
0x47: {  	s16 =	sshll.u32 s12, $0xE;
	_ =	swait.ge [sflag:s4], s14  }
0x48: {  	s16 =	sand.u32 $0x4000, s16;
	s17 =	ssub.s32 $0x0, s14;
	[sflag:s4] =	ssyncset.done $0x0  }
0x49: {  	s15 =	sor.u32 $0x8000, s16;
	[sflag:s4] =	ssyncadd.s32 s17  }
0x4a: {  	v0 =	vmov s16;
	_ =	sdelay $0x2  }
0x4b: {  	s31 =	simm.s32 $0x0;
	p1 =	sne.s32 s18, $0x1  }
.Ltmp4:
0x4c: {  	s16 =	sand.u32 $0x3FE0, s31;
	(pc) =	sbr.rel @!p1 .LBB2_5-.Ltmp4, $3  }
0x4d: {  	v1 =	vmov s15;
	s17 =	sor.u32 $0x10, s16;
	v2 =	vld.idx.msk [tilespmem:v0+s16+$0x0 ss:$0x1], $0xffff  }
0x4e: {  	v3 =	vld.idx.msk [tilespmem:v0+s17+$0x0 ss:$0x1], $0xffff;
	_ =	sdelay $0x1  }
0x4f: {  	s18 =	sadd.s32 $0xFFFFFFFF, s18;
	s19 =	simm.s32 $0x20  }
.LBB2_4:
0x50: {  	s20 =	sand.u32 $0x3FE0, s19;
	p1 =	sne.s32 s18, $0x1;
	s18 =	sadd.s32 $0xFFFFFFFF, s18  }
.Ltmp5:
0x51: {  	s21 =	sor.u32 $0x10, s20;
	[tilespmem:v1+s16+$0x0 ss:$0x1] =	vst.idx.msk $0xffff, v2;
	v2 =	vld.idx.msk [tilespmem:v0+s20+$0x0 ss:$0x1], $0xffff;
	s16 =	smov.u32 s20;
	(pc) =	sbr.rel @p1 .LBB2_4-.Ltmp5, $2  }
0x52: {  	[tilespmem:v1+s17+$0x0 ss:$0x1] =	vst.idx.msk $0xffff, v3;
	v3 =	vld.idx.msk [tilespmem:v0+s21+$0x0 ss:$0x1], $0xffff;
	s17 =	smov.u32 s21;
	_ =	sdelay $0x2  }
0x53: {  	s19 =	sadd.s32 $0x20, s19  }
.Ltmp6:
0x54: {  	_ = 	snop;
	(pc) =	sbr.rel .LBB2_5-.Ltmp6, $1  }
0x55: {  	_ =	sdelay $0x3  }
.LBB2_8:
0x56: {  	_ =	sfence.sel $0x180000  }
0x57: {  	s2 =	simm.s32 $0x1;
	[bflag:$0x0] =	sbarrier.arrive $0xFFFF  }
0x58: {  	s31 =	simm.s32 $0x2;
	[sflag:s2] =	ssyncpa.u1 $0x1  }
0x59: {  	[sflag:s31] =	ssyncpa.u1 $0x1  }
0x5a: {  	_ =	strace $0x90000056  }
0x5b: {  	s0 =	sadd.s32 @!p0 $0x100000, s0;
	[bflag:$0x2] =	sbarrier.arrive $0xFFFF  }
0x5c: {  	[sflag:s0] =	ssyncadd.tile.s32 @!p0 $0x1;
	s0 =	simm.s32 @!p0 $0x3F  }
0x5d: {  	_ =	swait.ge @!p0 [sflag:s0], s1  }
0x5e: {  	s1 =	ssub.s32 @!p0 $0x0, s1;
	[sflag:s0] =	ssyncset.done @!p0 $0x0  }
0x5f: {  	[sflag:s0] =	ssyncadd.s32 @!p0 s1  }
0x60: {  	[bflag:$0x3] =	sbarrier.arrive $0xFFFF  }
0x61: {  	_ =	shalt  }
.Lfunc_end2:
execute1_lowered:
.L_overlay_start_2:
0x62: {  	(tag) =	ssettag $0x2  }
0x63: {  	s7 =	rddreg [dreg:$0x0]  }
0x64: {  	s2 =	rddreg [dreg:$0x1];
	_ =	strace $0x80000059;
	s3 =	simm.s32 $0x1  }
0x65: {  	v0 =	vimm.s32 $0x0;
	[sflag:s3] =	ssyncpa.u1 $0x0  }
0x66: {  	[tilespmem:$0x48] =	vst v0  }
0x67: {  	[tilespmem:$0x58] =	vst v0  }
0x68: {  	[tilespmem:$0x68] =	vst v0  }
0x69: {  	[tilespmem:$0x78] =	vst v0  }
0x6a: {  	[tilespmem:$0x88] =	vst v0  }
0x6b: {  	[tilespmem:$0x98] =	vst v0  }
0x6c: {  	[tilespmem:$0xA8] =	vst v0  }
0x6d: {  	[tilespmem:$0xB8] =	vst v0  }
0x6e: {  	[tilespmem:$0xC8] =	vst v0  }
0x6f: {  	[tilespmem:$0xD8] =	vst v0  }
0x70: {  	[tilespmem:$0xE8] =	vst v0  }
0x71: {  	[tilespmem:$0xF8] =	vst v0  }
0x72: {  	[tilespmem:$0x108] =	vst v0  }
0x73: {  	[tilespmem:$0x118] =	vst v0  }
0x74: {  	[tilespmem:$0x128] =	vst v0  }
0x75: {  	[tilespmem:$0x138] =	vst v0  }
0x76: {  	[tilespmem:$0x148] =	vst v0  }
0x77: {  	[tilespmem:$0x158] =	vst v0  }
0x78: {  	[tilespmem:$0x168] =	vst v0  }
0x79: {  	[tilespmem:$0x178] =	vst v0  }
0x7a: {  	[tilespmem:$0x188] =	vst v0  }
0x7b: {  	[tilespmem:$0x198] =	vst v0  }
0x7c: {  	[tilespmem:$0x1A8] =	vst v0  }
0x7d: {  	[tilespmem:$0x1B8] =	vst v0  }
0x7e: {  	[tilespmem:$0x1C8] =	vst v0  }
0x7f: {  	[tilespmem:$0x1D8] =	vst v0  }
0x80: {  	[tilespmem:$0x1E8] =	vst v0  }
0x81: {  	[tilespmem:$0x1F8] =	vst v0  }
0x82: {  	[tilespmem:$0x208] =	vst v0  }
0x83: {  	[tilespmem:$0x218] =	vst v0  }
0x84: {  	[tilespmem:$0x228] =	vst v0  }
0x85: {  	[tilespmem:$0x238] =	vst v0  }
0x86: {  	[tilespmem:$0x248] =	vst v0  }
0x87: {  	[tilespmem:$0x258] =	vst v0  }
0x88: {  	[tilespmem:$0x268] =	vst v0  }
0x89: {  	[tilespmem:$0x278] =	vst v0  }
0x8a: {  	[tilespmem:$0x288] =	vst v0  }
0x8b: {  	[tilespmem:$0x298] =	vst v0  }
0x8c: {  	[tilespmem:$0x2A8] =	vst v0  }
0x8d: {  	[tilespmem:$0x2B8] =	vst v0  }
0x8e: {  	[tilespmem:$0x2C8] =	vst v0  }
0x8f: {  	[tilespmem:$0x2D8] =	vst v0  }
0x90: {  	[tilespmem:$0x2E8] =	vst v0  }
0x91: {  	[tilespmem:$0x2F8] =	vst v0  }
0x92: {  	[tilespmem:$0x308] =	vst v0  }
0x93: {  	[tilespmem:$0x318] =	vst v0  }
0x94: {  	[tilespmem:$0x328] =	vst v0  }
0x95: {  	[tilespmem:$0x338] =	vst v0  }
0x96: {  	[tilespmem:$0x348] =	vst v0  }
0x97: {  	[tilespmem:$0x358] =	vst v0  }
0x98: {  	[tilespmem:$0x368] =	vst v0  }
0x99: {  	[tilespmem:$0x378] =	vst v0  }
0x9a: {  	[tilespmem:$0x388] =	vst v0  }
0x9b: {  	[tilespmem:$0x398] =	vst v0  }
0x9c: {  	[tilespmem:$0x3A8] =	vst v0  }
0x9d: {  	[tilespmem:$0x3B8] =	vst v0  }
0x9e: {  	[tilespmem:$0x3C8] =	vst v0  }
0x9f: {  	[tilespmem:$0x3D8] =	vst v0  }
0xa0: {  	[tilespmem:$0x3E8] =	vst v0  }
0xa1: {  	[tilespmem:$0x3F8] =	vst v0  }
0xa2: {  	[tilespmem:$0x408] =	vst v0  }
0xa3: {  	[tilespmem:$0x418] =	vst v0  }
0xa4: {  	[tilespmem:$0x428] =	vst v0  }
0xa5: {  	[tilespmem:$0x438] =	vst v0  }
0xa6: {  	[tilespmem:$0x448] =	vst v0  }
0xa7: {  	[tilespmem:$0x458] =	vst v0  }
0xa8: {  	[tilespmem:$0x468] =	vst v0  }
0xa9: {  	[tilespmem:$0x478] =	vst v0  }
0xaa: {  	[tilespmem:$0x488] =	vst v0  }
0xab: {  	[tilespmem:$0x498] =	vst v0  }
0xac: {  	[tilespmem:$0x4A8] =	vst v0  }
0xad: {  	[tilespmem:$0x4B8] =	vst v0  }
0xae: {  	[tilespmem:$0x4C8] =	vst v0  }
0xaf: {  	[tilespmem:$0x4D8] =	vst v0  }
0xb0: {  	[tilespmem:$0x4E8] =	vst v0  }
0xb1: {  	[tilespmem:$0x4F8] =	vst v0  }
0xb2: {  	[tilespmem:$0x508] =	vst v0  }
0xb3: {  	[tilespmem:$0x518] =	vst v0  }
0xb4: {  	[tilespmem:$0x528] =	vst v0  }
0xb5: {  	[tilespmem:$0x538] =	vst v0  }
0xb6: {  	[tilespmem:$0x548] =	vst v0  }
0xb7: {  	[tilespmem:$0x558] =	vst v0  }
0xb8: {  	[tilespmem:$0x568] =	vst v0  }
0xb9: {  	[tilespmem:$0x578] =	vst v0  }
0xba: {  	[tilespmem:$0x588] =	vst v0  }
0xbb: {  	[tilespmem:$0x598] =	vst v0  }
0xbc: {  	[tilespmem:$0x5A8] =	vst v0  }
0xbd: {  	[tilespmem:$0x5B8] =	vst v0  }
0xbe: {  	[tilespmem:$0x5C8] =	vst v0  }
0xbf: {  	[tilespmem:$0x5D8] =	vst v0  }
0xc0: {  	[tilespmem:$0x5E8] =	vst v0  }
0xc1: {  	[tilespmem:$0x5F8] =	vst v0  }
0xc2: {  	[tilespmem:$0x608] =	vst v0  }
0xc3: {  	[tilespmem:$0x618] =	vst v0  }
0xc4: {  	[tilespmem:$0x628] =	vst v0  }
0xc5: {  	[tilespmem:$0x638] =	vst v0  }
0xc6: {  	[tilespmem:$0x648] =	vst v0  }
0xc7: {  	[tilespmem:$0x658] =	vst v0  }
0xc8: {  	[tilespmem:$0x668] =	vst v0  }
0xc9: {  	[tilespmem:$0x678] =	vst v0  }
0xca: {  	[tilespmem:$0x688] =	vst v0  }
0xcb: {  	[tilespmem:$0x698] =	vst v0  }
0xcc: {  	[tilespmem:$0x6A8] =	vst v0  }
0xcd: {  	[tilespmem:$0x6B8] =	vst v0  }
0xce: {  	[tilespmem:$0x6C8] =	vst v0  }
0xcf: {  	[tilespmem:$0x6D8] =	vst v0  }
0xd0: {  	[tilespmem:$0x6E8] =	vst v0  }
0xd1: {  	[tilespmem:$0x6F8] =	vst v0  }
0xd2: {  	[tilespmem:$0x708] =	vst v0  }
0xd3: {  	[tilespmem:$0x718] =	vst v0  }
0xd4: {  	[tilespmem:$0x728] =	vst v0  }
0xd5: {  	[tilespmem:$0x738] =	vst v0  }
0xd6: {  	[tilespmem:$0x748] =	vst v0  }
0xd7: {  	[tilespmem:$0x758] =	vst v0  }
0xd8: {  	[tilespmem:$0x768] =	vst v0  }
0xd9: {  	[tilespmem:$0x778] =	vst v0  }
0xda: {  	[tilespmem:$0x788] =	vst v0  }
0xdb: {  	[tilespmem:$0x798] =	vst v0  }
0xdc: {  	[tilespmem:$0x7A8] =	vst v0  }
0xdd: {  	[tilespmem:$0x7B8] =	vst v0  }
0xde: {  	[tilespmem:$0x7C8] =	vst v0  }
0xdf: {  	[tilespmem:$0x7D8] =	vst v0  }
0xe0: {  	[tilespmem:$0x7E8] =	vst v0  }
0xe1: {  	[tilespmem:$0x7F8] =	vst v0  }
0xe2: {  	[tilespmem:$0x808] =	vst v0  }
0xe3: {  	[tilespmem:$0x818] =	vst v0  }
0xe4: {  	[tilespmem:$0x828] =	vst v0  }
0xe5: {  	[tilespmem:$0x838] =	vst v0  }
0xe6: {  	[tilespmem:$0x848] =	vst v0  }
0xe7: {  	[tilespmem:$0x858] =	vst v0  }
0xe8: {  	[tilespmem:$0x868] =	vst v0  }
0xe9: {  	[tilespmem:$0x878] =	vst v0  }
0xea: {  	[tilespmem:$0x888] =	vst v0  }
0xeb: {  	[tilespmem:$0x898] =	vst v0  }
0xec: {  	[tilespmem:$0x8A8] =	vst v0  }
0xed: {  	[tilespmem:$0x8B8] =	vst v0  }
0xee: {  	[tilespmem:$0x8C8] =	vst v0  }
0xef: {  	[tilespmem:$0x8D8] =	vst v0  }
0xf0: {  	[tilespmem:$0x8E8] =	vst v0  }
0xf1: {  	[tilespmem:$0x8F8] =	vst v0  }
0xf2: {  	[tilespmem:$0x908] =	vst v0  }
0xf3: {  	[tilespmem:$0x918] =	vst v0  }
0xf4: {  	[tilespmem:$0x928] =	vst v0  }
0xf5: {  	[tilespmem:$0x938] =	vst v0  }
0xf6: {  	[tilespmem:$0x948] =	vst v0  }
0xf7: {  	[tilespmem:$0x958] =	vst v0  }
0xf8: {  	[tilespmem:$0x968] =	vst v0  }
0xf9: {  	[tilespmem:$0x978] =	vst v0  }
0xfa: {  	[tilespmem:$0x988] =	vst v0  }
0xfb: {  	[tilespmem:$0x998] =	vst v0  }
0xfc: {  	[tilespmem:$0x9A8] =	vst v0  }
0xfd: {  	[tilespmem:$0x9B8] =	vst v0  }
0xfe: {  	[tilespmem:$0x9C8] =	vst v0  }
0xff: {  	[tilespmem:$0x9D8] =	vst v0  }
0x100: {  	[tilespmem:$0x9E8] =	vst v0  }
0x101: {  	[tilespmem:$0x9F8] =	vst v0  }
0x102: {  	[tilespmem:$0xA08] =	vst v0  }
0x103: {  	[tilespmem:$0xA18] =	vst v0  }
0x104: {  	[tilespmem:$0xA28] =	vst v0  }
0x105: {  	[tilespmem:$0xA38] =	vst v0  }
0x106: {  	[tilespmem:$0xA48] =	vst v0  }
0x107: {  	[tilespmem:$0xA58] =	vst v0  }
0x108: {  	[tilespmem:$0xA68] =	vst v0  }
0x109: {  	[tilespmem:$0xA78] =	vst v0  }
0x10a: {  	[tilespmem:$0xA88] =	vst v0  }
0x10b: {  	[tilespmem:$0xA98] =	vst v0  }
0x10c: {  	[tilespmem:$0xAA8] =	vst v0  }
0x10d: {  	[tilespmem:$0xAB8] =	vst v0  }
0x10e: {  	[tilespmem:$0xAC8] =	vst v0  }
0x10f: {  	[tilespmem:$0xAD8] =	vst v0  }
0x110: {  	[tilespmem:$0xAE8] =	vst v0  }
0x111: {  	[tilespmem:$0xAF8] =	vst v0  }
0x112: {  	[tilespmem:$0xB08] =	vst v0  }
0x113: {  	[tilespmem:$0xB18] =	vst v0  }
0x114: {  	[tilespmem:$0xB28] =	vst v0  }
0x115: {  	[tilespmem:$0xB38] =	vst v0  }
0x116: {  	[tilespmem:$0xB48] =	vst v0  }
0x117: {  	[tilespmem:$0xB58] =	vst v0  }
0x118: {  	[tilespmem:$0xB68] =	vst v0  }
0x119: {  	[tilespmem:$0xB78] =	vst v0  }
0x11a: {  	[tilespmem:$0xB88] =	vst v0  }
0x11b: {  	[tilespmem:$0xB98] =	vst v0  }
0x11c: {  	[tilespmem:$0xBA8] =	vst v0  }
0x11d: {  	[tilespmem:$0xBB8] =	vst v0  }
0x11e: {  	[tilespmem:$0xBC8] =	vst v0  }
0x11f: {  	[tilespmem:$0xBD8] =	vst v0  }
0x120: {  	[tilespmem:$0xBE8] =	vst v0  }
0x121: {  	[tilespmem:$0xBF8] =	vst v0  }
0x122: {  	[tilespmem:$0xC08] =	vst v0  }
0x123: {  	[tilespmem:$0xC18] =	vst v0  }
0x124: {  	[tilespmem:$0xC28] =	vst v0  }
0x125: {  	[tilespmem:$0xC38] =	vst v0  }
0x126: {  	[tilespmem:$0xC48] =	vst v0  }
0x127: {  	[tilespmem:$0xC58] =	vst v0  }
0x128: {  	[tilespmem:$0xC68] =	vst v0  }
0x129: {  	[tilespmem:$0xC78] =	vst v0  }
0x12a: {  	[tilespmem:$0xC88] =	vst v0  }
0x12b: {  	[tilespmem:$0xC98] =	vst v0  }
0x12c: {  	[tilespmem:$0xCA8] =	vst v0  }
0x12d: {  	[tilespmem:$0xCB8] =	vst v0  }
0x12e: {  	[tilespmem:$0xCC8] =	vst v0  }
0x12f: {  	[tilespmem:$0xCD8] =	vst v0  }
0x130: {  	[tilespmem:$0xCE8] =	vst v0  }
0x131: {  	[tilespmem:$0xCF8] =	vst v0  }
0x132: {  	[tilespmem:$0xD08] =	vst v0  }
0x133: {  	[tilespmem:$0xD18] =	vst v0  }
0x134: {  	[tilespmem:$0xD28] =	vst v0  }
0x135: {  	[tilespmem:$0xD38] =	vst v0  }
0x136: {  	[tilespmem:$0xD48] =	vst v0  }
0x137: {  	[tilespmem:$0xD58] =	vst v0  }
0x138: {  	[tilespmem:$0xD68] =	vst v0  }
0x139: {  	[tilespmem:$0xD78] =	vst v0  }
0x13a: {  	[tilespmem:$0xD88] =	vst v0  }
0x13b: {  	[tilespmem:$0xD98] =	vst v0  }
0x13c: {  	[tilespmem:$0xDA8] =	vst v0  }
0x13d: {  	[tilespmem:$0xDB8] =	vst v0  }
0x13e: {  	[tilespmem:$0xDC8] =	vst v0  }
0x13f: {  	[tilespmem:$0xDD8] =	vst v0  }
0x140: {  	[tilespmem:$0xDE8] =	vst v0  }
0x141: {  	[tilespmem:$0xDF8] =	vst v0  }
0x142: {  	[tilespmem:$0xE08] =	vst v0  }
0x143: {  	[tilespmem:$0xE18] =	vst v0  }
0x144: {  	[tilespmem:$0xE28] =	vst v0  }
0x145: {  	[tilespmem:$0xE38] =	vst v0  }
0x146: {  	[tilespmem:$0xE48] =	vst v0  }
0x147: {  	[tilespmem:$0xE58] =	vst v0  }
0x148: {  	[tilespmem:$0xE68] =	vst v0  }
0x149: {  	[tilespmem:$0xE78] =	vst v0  }
0x14a: {  	[tilespmem:$0xE88] =	vst v0  }
0x14b: {  	[tilespmem:$0xE98] =	vst v0  }
0x14c: {  	[tilespmem:$0xEA8] =	vst v0  }
0x14d: {  	[tilespmem:$0xEB8] =	vst v0  }
0x14e: {  	[tilespmem:$0xEC8] =	vst v0  }
0x14f: {  	[tilespmem:$0xED8] =	vst v0  }
0x150: {  	[tilespmem:$0xEE8] =	vst v0  }
0x151: {  	[tilespmem:$0xEF8] =	vst v0  }
0x152: {  	[tilespmem:$0xF08] =	vst v0  }
0x153: {  	[tilespmem:$0xF18] =	vst v0  }
0x154: {  	[tilespmem:$0xF28] =	vst v0  }
0x155: {  	[tilespmem:$0xF38] =	vst v0  }
0x156: {  	[tilespmem:$0xF48] =	vst v0  }
0x157: {  	[tilespmem:$0xF58] =	vst v0  }
0x158: {  	[tilespmem:$0xF68] =	vst v0  }
0x159: {  	[tilespmem:$0xF78] =	vst v0  }
0x15a: {  	[tilespmem:$0xF88] =	vst v0  }
0x15b: {  	[tilespmem:$0xF98] =	vst v0  }
0x15c: {  	[tilespmem:$0xFA8] =	vst v0  }
0x15d: {  	[tilespmem:$0xFB8] =	vst v0  }
0x15e: {  	[tilespmem:$0xFC8] =	vst v0  }
0x15f: {  	[tilespmem:$0xFD8] =	vst v0  }
0x160: {  	[tilespmem:$0xFE8] =	vst v0  }
0x161: {  	[tilespmem:$0xFF8] =	vst v0  }
0x162: {  	[tilespmem:$0x1008] =	vst v0  }
0x163: {  	[tilespmem:$0x1018] =	vst v0  }
0x164: {  	[tilespmem:$0x1028] =	vst v0  }
0x165: {  	[tilespmem:$0x1168] =	vst v0  }
0x166: {  	[tilespmem:$0x1038] =	vst v0  }
0x167: {  	[tilespmem:$0x1048] =	vst v0  }
0x168: {  	[tilespmem:$0x1058] =	vst v0  }
0x169: {  	[tilespmem:$0x1068] =	vst v0  }
0x16a: {  	[tilespmem:$0x1078] =	vst v0  }
0x16b: {  	[tilespmem:$0x1088] =	vst v0  }
0x16c: {  	[tilespmem:$0x1098] =	vst v0  }
0x16d: {  	[tilespmem:$0x10A8] =	vst v0  }
0x16e: {  	[tilespmem:$0x10B8] =	vst v0  }
0x16f: {  	[tilespmem:$0x10C8] =	vst v0  }
0x170: {  	[tilespmem:$0x10D8] =	vst v0  }
0x171: {  	[tilespmem:$0x10E8] =	vst v0  }
0x172: {  	[tilespmem:$0x10F8] =	vst v0  }
0x173: {  	[tilespmem:$0x1108] =	vst v0  }
0x174: {  	[tilespmem:$0x1118] =	vst v0  }
0x175: {  	[tilespmem:$0x1128] =	vst v0  }
0x176: {  	[tilespmem:$0x1138] =	vst v0  }
0x177: {  	[tilespmem:$0x1148] =	vst v0  }
0x178: {  	[tilespmem:$0x1158] =	vst v0  }
0x179: {  	[tilespmem:$0x1178] =	vst v0  }
0x17a: {  	[tilespmem:$0x1188] =	vst v0  }
0x17b: {  	[tilespmem:$0x1198] =	vst v0  }
0x17c: {  	[tilespmem:$0x11A8] =	vst v0  }
0x17d: {  	[tilespmem:$0x11B8] =	vst v0  }
0x17e: {  	[tilespmem:$0x11C8] =	vst v0  }
0x17f: {  	[tilespmem:$0x11D8] =	vst v0  }
0x180: {  	[tilespmem:$0x11E8] =	vst v0  }
0x181: {  	[tilespmem:$0x11F8] =	vst v0  }
0x182: {  	[tilespmem:$0x1208] =	vst v0  }
0x183: {  	[tilespmem:$0x1218] =	vst v0  }
0x184: {  	[tilespmem:$0x1228] =	vst v0  }
0x185: {  	[tilespmem:$0x1238] =	vst v0  }
0x186: {  	[tilespmem:$0x1248] =	vst v0  }
0x187: {  	[tilespmem:$0x1258] =	vst v0  }
0x188: {  	[tilespmem:$0x1268] =	vst v0  }
0x189: {  	[tilespmem:$0x1278] =	vst v0  }
0x18a: {  	[tilespmem:$0x1288] =	vst v0  }
0x18b: {  	[tilespmem:$0x1298] =	vst v0  }
0x18c: {  	[tilespmem:$0x12A8] =	vst v0  }
0x18d: {  	[tilespmem:$0x12B8] =	vst v0  }
0x18e: {  	[tilespmem:$0x12C8] =	vst v0  }
0x18f: {  	[tilespmem:$0x12D8] =	vst v0  }
0x190: {  	[tilespmem:$0x12E8] =	vst v0  }
0x191: {  	[tilespmem:$0x12F8] =	vst v0  }
0x192: {  	[tilespmem:$0x1308] =	vst v0  }
0x193: {  	[tilespmem:$0x1318] =	vst v0  }
0x194: {  	[tilespmem:$0x1328] =	vst v0  }
0x195: {  	[tilespmem:$0x1338] =	vst v0  }
0x196: {  	[tilespmem:$0x1348] =	vst v0  }
0x197: {  	[tilespmem:$0x1358] =	vst v0  }
0x198: {  	[tilespmem:$0x1368] =	vst v0  }
0x199: {  	[tilespmem:$0x1378] =	vst v0  }
0x19a: {  	[tilespmem:$0x1388] =	vst v0  }
0x19b: {  	[tilespmem:$0x1398] =	vst v0  }
0x19c: {  	[tilespmem:$0x13A8] =	vst v0  }
0x19d: {  	[tilespmem:$0x13B8] =	vst v0  }
0x19e: {  	[tilespmem:$0x13C8] =	vst v0  }
0x19f: {  	[tilespmem:$0x13D8] =	vst v0  }
0x1a0: {  	[tilespmem:$0x13E8] =	vst v0  }
0x1a1: {  	[tilespmem:$0x13F8] =	vst v0  }
0x1a2: {  	[tilespmem:$0x1408] =	vst v0  }
0x1a3: {  	[tilespmem:$0x1418] =	vst v0  }
0x1a4: {  	[tilespmem:$0x1428] =	vst v0  }
0x1a5: {  	[tilespmem:$0x1438] =	vst v0  }
0x1a6: {  	[tilespmem:$0x1448] =	vst v0  }
0x1a7: {  	[tilespmem:$0x1458] =	vst v0  }
0x1a8: {  	[tilespmem:$0x1468] =	vst v0  }
0x1a9: {  	[tilespmem:$0x1478] =	vst v0  }
0x1aa: {  	[tilespmem:$0x1488] =	vst v0  }
0x1ab: {  	[tilespmem:$0x1498] =	vst v0  }
0x1ac: {  	[tilespmem:$0x14A8] =	vst v0  }
0x1ad: {  	[tilespmem:$0x14B8] =	vst v0  }
0x1ae: {  	[tilespmem:$0x14C8] =	vst v0  }
0x1af: {  	[tilespmem:$0x14D8] =	vst v0  }
0x1b0: {  	[tilespmem:$0x14E8] =	vst v0  }
0x1b1: {  	[tilespmem:$0x14F8] =	vst v0  }
0x1b2: {  	[tilespmem:$0x1508] =	vst v0  }
0x1b3: {  	[tilespmem:$0x1518] =	vst v0  }
0x1b4: {  	[tilespmem:$0x1528] =	vst v0  }
0x1b5: {  	[tilespmem:$0x1538] =	vst v0  }
0x1b6: {  	[tilespmem:$0x1548] =	vst v0  }
0x1b7: {  	[tilespmem:$0x1558] =	vst v0  }
0x1b8: {  	[tilespmem:$0x1568] =	vst v0  }
0x1b9: {  	[tilespmem:$0x1578] =	vst v0  }
0x1ba: {  	[tilespmem:$0x1588] =	vst v0  }
0x1bb: {  	[tilespmem:$0x1598] =	vst v0  }
0x1bc: {  	[tilespmem:$0x15A8] =	vst v0  }
0x1bd: {  	[tilespmem:$0x15B8] =	vst v0  }
0x1be: {  	[tilespmem:$0x15C8] =	vst v0  }
0x1bf: {  	[tilespmem:$0x15D8] =	vst v0  }
0x1c0: {  	[tilespmem:$0x15E8] =	vst v0  }
0x1c1: {  	[tilespmem:$0x15F8] =	vst v0  }
0x1c2: {  	[tilespmem:$0x1608] =	vst v0  }
0x1c3: {  	[tilespmem:$0x1618] =	vst v0  }
0x1c4: {  	[tilespmem:$0x1628] =	vst v0  }
0x1c5: {  	[tilespmem:$0x1638] =	vst v0  }
0x1c6: {  	[tilespmem:$0x1648] =	vst v0  }
0x1c7: {  	[tilespmem:$0x1658] =	vst v0  }
0x1c8: {  	[tilespmem:$0x1668] =	vst v0  }
0x1c9: {  	[tilespmem:$0x1678] =	vst v0  }
0x1ca: {  	[tilespmem:$0x1688] =	vst v0  }
0x1cb: {  	[tilespmem:$0x1698] =	vst v0  }
0x1cc: {  	[tilespmem:$0x16A8] =	vst v0  }
0x1cd: {  	[tilespmem:$0x16B8] =	vst v0  }
0x1ce: {  	[tilespmem:$0x16C8] =	vst v0  }
0x1cf: {  	[tilespmem:$0x16D8] =	vst v0  }
0x1d0: {  	[tilespmem:$0x16E8] =	vst v0  }
0x1d1: {  	[tilespmem:$0x16F8] =	vst v0  }
0x1d2: {  	[tilespmem:$0x1708] =	vst v0  }
0x1d3: {  	[tilespmem:$0x1718] =	vst v0  }
0x1d4: {  	[tilespmem:$0x1728] =	vst v0  }
0x1d5: {  	[tilespmem:$0x1738] =	vst v0  }
0x1d6: {  	[tilespmem:$0x1748] =	vst v0  }
0x1d7: {  	[tilespmem:$0x1758] =	vst v0  }
0x1d8: {  	[tilespmem:$0x1768] =	vst v0  }
0x1d9: {  	[tilespmem:$0x1778] =	vst v0  }
0x1da: {  	[tilespmem:$0x1788] =	vst v0  }
0x1db: {  	[tilespmem:$0x1798] =	vst v0  }
0x1dc: {  	[tilespmem:$0x17A8] =	vst v0  }
0x1dd: {  	[tilespmem:$0x17B8] =	vst v0  }
0x1de: {  	[tilespmem:$0x17C8] =	vst v0  }
0x1df: {  	[tilespmem:$0x17D8] =	vst v0  }
0x1e0: {  	[tilespmem:$0x17E8] =	vst v0  }
0x1e1: {  	[tilespmem:$0x17F8] =	vst v0  }
0x1e2: {  	[tilespmem:$0x1808] =	vst v0  }
0x1e3: {  	[tilespmem:$0x1818] =	vst v0  }
0x1e4: {  	[tilespmem:$0x1828] =	vst v0  }
0x1e5: {  	[tilespmem:$0x1838] =	vst v0  }
0x1e6: {  	[tilespmem:$0x1848] =	vst v0  }
0x1e7: {  	[tilespmem:$0x1858] =	vst v0  }
0x1e8: {  	[tilespmem:$0x1868] =	vst v0  }
0x1e9: {  	[tilespmem:$0x1878] =	vst v0  }
0x1ea: {  	[tilespmem:$0x1888] =	vst v0  }
0x1eb: {  	[tilespmem:$0x1898] =	vst v0  }
0x1ec: {  	[tilespmem:$0x18A8] =	vst v0  }
0x1ed: {  	[tilespmem:$0x18B8] =	vst v0  }
0x1ee: {  	[tilespmem:$0x18C8] =	vst v0  }
0x1ef: {  	[tilespmem:$0x18D8] =	vst v0  }
0x1f0: {  	[tilespmem:$0x18E8] =	vst v0  }
0x1f1: {  	[tilespmem:$0x18F8] =	vst v0  }
0x1f2: {  	[tilespmem:$0x1908] =	vst v0  }
0x1f3: {  	[tilespmem:$0x1918] =	vst v0  }
0x1f4: {  	[tilespmem:$0x1928] =	vst v0  }
0x1f5: {  	[tilespmem:$0x1938] =	vst v0  }
0x1f6: {  	[tilespmem:$0x1948] =	vst v0  }
0x1f7: {  	[tilespmem:$0x1958] =	vst v0  }
0x1f8: {  	[tilespmem:$0x1968] =	vst v0  }
0x1f9: {  	[tilespmem:$0x1978] =	vst v0  }
0x1fa: {  	[tilespmem:$0x1988] =	vst v0  }
0x1fb: {  	[tilespmem:$0x1998] =	vst v0  }
0x1fc: {  	[tilespmem:$0x19A8] =	vst v0  }
0x1fd: {  	[tilespmem:$0x19B8] =	vst v0  }
0x1fe: {  	[tilespmem:$0x19C8] =	vst v0  }
0x1ff: {  	[tilespmem:$0x19D8] =	vst v0  }
0x200: {  	[tilespmem:$0x19E8] =	vst v0  }
0x201: {  	[tilespmem:$0x19F8] =	vst v0  }
0x202: {  	[tilespmem:$0x1A08] =	vst v0  }
0x203: {  	[tilespmem:$0x1A18] =	vst v0  }
0x204: {  	[tilespmem:$0x1A28] =	vst v0  }
0x205: {  	[tilespmem:$0x1A38] =	vst v0  }
0x206: {  	[tilespmem:$0x1A48] =	vst v0  }
0x207: {  	[tilespmem:$0x1A58] =	vst v0  }
0x208: {  	[tilespmem:$0x1A68] =	vst v0  }
0x209: {  	[tilespmem:$0x1A78] =	vst v0  }
0x20a: {  	[tilespmem:$0x1A88] =	vst v0  }
0x20b: {  	[tilespmem:$0x1A98] =	vst v0  }
0x20c: {  	[tilespmem:$0x1AA8] =	vst v0  }
0x20d: {  	[tilespmem:$0x1AB8] =	vst v0  }
0x20e: {  	[tilespmem:$0x1AC8] =	vst v0  }
0x20f: {  	[tilespmem:$0x1AD8] =	vst v0  }
0x210: {  	[tilespmem:$0x1AE8] =	vst v0  }
0x211: {  	[tilespmem:$0x1AF8] =	vst v0  }
0x212: {  	[tilespmem:$0x1B08] =	vst v0  }
0x213: {  	[tilespmem:$0x1B18] =	vst v0  }
0x214: {  	[tilespmem:$0x1B28] =	vst v0  }
0x215: {  	[tilespmem:$0x1B38] =	vst v0  }
0x216: {  	[tilespmem:$0x1B48] =	vst v0  }
0x217: {  	[tilespmem:$0x1B58] =	vst v0  }
0x218: {  	[tilespmem:$0x1B68] =	vst v0  }
0x219: {  	[tilespmem:$0x1B78] =	vst v0  }
0x21a: {  	[tilespmem:$0x1B88] =	vst v0  }
0x21b: {  	[tilespmem:$0x1B98] =	vst v0  }
0x21c: {  	[tilespmem:$0x1BA8] =	vst v0  }
0x21d: {  	[tilespmem:$0x1BB8] =	vst v0  }
0x21e: {  	[tilespmem:$0x1BC8] =	vst v0  }
0x21f: {  	[tilespmem:$0x1BD8] =	vst v0  }
0x220: {  	[tilespmem:$0x1BE8] =	vst v0  }
0x221: {  	[tilespmem:$0x1BF8] =	vst v0  }
0x222: {  	[tilespmem:$0x1C08] =	vst v0  }
0x223: {  	[tilespmem:$0x1C18] =	vst v0  }
0x224: {  	[tilespmem:$0x1C28] =	vst v0  }
0x225: {  	[tilespmem:$0x1C38] =	vst v0  }
0x226: {  	[tilespmem:$0x1C48] =	vst v0  }
0x227: {  	[tilespmem:$0x1C58] =	vst v0  }
0x228: {  	[tilespmem:$0x1C68] =	vst v0  }
0x229: {  	[tilespmem:$0x1C78] =	vst v0  }
0x22a: {  	[tilespmem:$0x1C88] =	vst v0  }
0x22b: {  	[tilespmem:$0x1C98] =	vst v0  }
0x22c: {  	[tilespmem:$0x1CA8] =	vst v0  }
0x22d: {  	[tilespmem:$0x1CB8] =	vst v0  }
0x22e: {  	[tilespmem:$0x1CC8] =	vst v0  }
0x22f: {  	[tilespmem:$0x1CD8] =	vst v0  }
0x230: {  	[tilespmem:$0x1CE8] =	vst v0  }
0x231: {  	[tilespmem:$0x1CF8] =	vst v0  }
0x232: {  	[tilespmem:$0x1D08] =	vst v0  }
0x233: {  	[tilespmem:$0x1D18] =	vst v0  }
0x234: {  	[tilespmem:$0x1D28] =	vst v0  }
0x235: {  	[tilespmem:$0x1D38] =	vst v0  }
0x236: {  	[tilespmem:$0x1D48] =	vst v0  }
0x237: {  	[tilespmem:$0x1D58] =	vst v0  }
0x238: {  	[tilespmem:$0x1D68] =	vst v0  }
0x239: {  	[tilespmem:$0x1D78] =	vst v0  }
0x23a: {  	[tilespmem:$0x1D88] =	vst v0  }
0x23b: {  	[tilespmem:$0x1D98] =	vst v0  }
0x23c: {  	[tilespmem:$0x1DA8] =	vst v0  }
0x23d: {  	[tilespmem:$0x1DB8] =	vst v0  }
0x23e: {  	[tilespmem:$0x1DC8] =	vst v0  }
0x23f: {  	[tilespmem:$0x1DD8] =	vst v0  }
0x240: {  	[tilespmem:$0x1DE8] =	vst v0  }
0x241: {  	[tilespmem:$0x1DF8] =	vst v0  }
0x242: {  	[tilespmem:$0x1E08] =	vst v0  }
0x243: {  	[tilespmem:$0x1E18] =	vst v0  }
0x244: {  	[tilespmem:$0x1E28] =	vst v0  }
0x245: {  	[tilespmem:$0x1E38] =	vst v0  }
0x246: {  	[tilespmem:$0x1E48] =	vst v0  }
0x247: {  	[tilespmem:$0x1E58] =	vst v0  }
0x248: {  	[tilespmem:$0x1E68] =	vst v0  }
0x249: {  	[tilespmem:$0x1E78] =	vst v0  }
0x24a: {  	[tilespmem:$0x1E88] =	vst v0  }
0x24b: {  	[tilespmem:$0x1E98] =	vst v0  }
0x24c: {  	[tilespmem:$0x1EA8] =	vst v0  }
0x24d: {  	[tilespmem:$0x1EB8] =	vst v0  }
0x24e: {  	[tilespmem:$0x1EC8] =	vst v0  }
0x24f: {  	[tilespmem:$0x1ED8] =	vst v0  }
0x250: {  	[tilespmem:$0x1EE8] =	vst v0  }
0x251: {  	[tilespmem:$0x1EF8] =	vst v0  }
0x252: {  	[tilespmem:$0x1F08] =	vst v0  }
0x253: {  	[tilespmem:$0x1F18] =	vst v0  }
0x254: {  	[tilespmem:$0x1F28] =	vst v0  }
0x255: {  	[tilespmem:$0x1F38] =	vst v0  }
0x256: {  	[tilespmem:$0x1F48] =	vst v0  }
0x257: {  	[tilespmem:$0x1F58] =	vst v0  }
0x258: {  	[tilespmem:$0x1F68] =	vst v0  }
0x259: {  	[tilespmem:$0x1F78] =	vst v0  }
0x25a: {  	[tilespmem:$0x1F88] =	vst v0  }
0x25b: {  	[tilespmem:$0x1F98] =	vst v0  }
0x25c: {  	[tilespmem:$0x1FA8] =	vst v0  }
0x25d: {  	[tilespmem:$0x1FB8] =	vst v0  }
0x25e: {  	[tilespmem:$0x1FC8] =	vst v0  }
0x25f: {  	[tilespmem:$0x1FD8] =	vst v0  }
0x260: {  	[tilespmem:$0x1FE8] =	vst v0  }
0x261: {  	[tilespmem:$0x1FF8] =	vst v0  }
0x262: {  	[tilespmem:$0x2008] =	vst v0  }
0x263: {  	[tilespmem:$0x2018] =	vst v0  }
0x264: {  	[tilespmem:$0x2028] =	vst v0  }
0x265: {  	[tilespmem:$0x2038] =	vst v0  }
0x266: {  	[tilespmem:$0x2048] =	vst v0  }
0x267: {  	[tilespmem:$0x2058] =	vst v0  }
0x268: {  	[tilespmem:$0x2068] =	vst v0  }
0x269: {  	[tilespmem:$0x2078] =	vst v0  }
0x26a: {  	[tilespmem:$0x2088] =	vst v0  }
0x26b: {  	[tilespmem:$0x2098] =	vst v0  }
0x26c: {  	[tilespmem:$0x20A8] =	vst v0  }
0x26d: {  	[tilespmem:$0x20B8] =	vst v0  }
0x26e: {  	[tilespmem:$0x20C8] =	vst v0  }
0x26f: {  	[tilespmem:$0x20D8] =	vst v0  }
0x270: {  	[tilespmem:$0x20E8] =	vst v0  }
0x271: {  	[tilespmem:$0x20F8] =	vst v0  }
0x272: {  	[tilespmem:$0x2108] =	vst v0  }
0x273: {  	[tilespmem:$0x2118] =	vst v0  }
0x274: {  	[tilespmem:$0x2128] =	vst v0  }
0x275: {  	[tilespmem:$0x2138] =	vst v0  }
0x276: {  	[tilespmem:$0x2148] =	vst v0  }
0x277: {  	[tilespmem:$0x2158] =	vst v0  }
0x278: {  	[tilespmem:$0x2168] =	vst v0  }
0x279: {  	[tilespmem:$0x2218] =	vst v0  }
0x27a: {  	[tilespmem:$0x3058] =	vst v0  }
0x27b: {  	[tilespmem:$0x3048] =	vst v0  }
0x27c: {  	[tilespmem:$0x3038] =	vst v0  }
0x27d: {  	[tilespmem:$0x3028] =	vst v0  }
0x27e: {  	[tilespmem:$0x3018] =	vst v0  }
0x27f: {  	[tilespmem:$0x3008] =	vst v0  }
0x280: {  	[tilespmem:$0x2FF8] =	vst v0  }
0x281: {  	[tilespmem:$0x2FE8] =	vst v0  }
0x282: {  	[tilespmem:$0x2FD8] =	vst v0  }
0x283: {  	[tilespmem:$0x2FC8] =	vst v0  }
0x284: {  	[tilespmem:$0x2FB8] =	vst v0  }
0x285: {  	[tilespmem:$0x2FA8] =	vst v0  }
0x286: {  	[tilespmem:$0x2F98] =	vst v0  }
0x287: {  	[tilespmem:$0x2F88] =	vst v0  }
0x288: {  	[tilespmem:$0x2F78] =	vst v0  }
0x289: {  	[tilespmem:$0x2F68] =	vst v0  }
0x28a: {  	[tilespmem:$0x2F58] =	vst v0  }
0x28b: {  	[tilespmem:$0x2F48] =	vst v0  }
0x28c: {  	[tilespmem:$0x2F38] =	vst v0  }
0x28d: {  	[tilespmem:$0x2F28] =	vst v0  }
0x28e: {  	[tilespmem:$0x2F18] =	vst v0  }
0x28f: {  	[tilespmem:$0x2F08] =	vst v0  }
0x290: {  	[tilespmem:$0x2EF8] =	vst v0  }
0x291: {  	[tilespmem:$0x2EE8] =	vst v0  }
0x292: {  	[tilespmem:$0x2ED8] =	vst v0  }
0x293: {  	[tilespmem:$0x2EC8] =	vst v0  }
0x294: {  	[tilespmem:$0x2EB8] =	vst v0  }
0x295: {  	[tilespmem:$0x2EA8] =	vst v0  }
0x296: {  	[tilespmem:$0x2E98] =	vst v0  }
0x297: {  	[tilespmem:$0x2E88] =	vst v0  }
0x298: {  	[tilespmem:$0x2E78] =	vst v0  }
0x299: {  	[tilespmem:$0x2E68] =	vst v0  }
0x29a: {  	[tilespmem:$0x2E58] =	vst v0  }
0x29b: {  	[tilespmem:$0x2E48] =	vst v0  }
0x29c: {  	[tilespmem:$0x2E38] =	vst v0  }
0x29d: {  	[tilespmem:$0x2E28] =	vst v0  }
0x29e: {  	[tilespmem:$0x2E18] =	vst v0  }
0x29f: {  	[tilespmem:$0x2E08] =	vst v0  }
0x2a0: {  	[tilespmem:$0x2DF8] =	vst v0  }
0x2a1: {  	[tilespmem:$0x2DE8] =	vst v0  }
0x2a2: {  	[tilespmem:$0x2DD8] =	vst v0  }
0x2a3: {  	[tilespmem:$0x2DC8] =	vst v0  }
0x2a4: {  	[tilespmem:$0x2DB8] =	vst v0  }
0x2a5: {  	[tilespmem:$0x2DA8] =	vst v0  }
0x2a6: {  	[tilespmem:$0x2D98] =	vst v0  }
0x2a7: {  	[tilespmem:$0x2D88] =	vst v0  }
0x2a8: {  	[tilespmem:$0x2D78] =	vst v0  }
0x2a9: {  	[tilespmem:$0x2D68] =	vst v0  }
0x2aa: {  	[tilespmem:$0x2D58] =	vst v0  }
0x2ab: {  	[tilespmem:$0x2D48] =	vst v0  }
0x2ac: {  	[tilespmem:$0x2D38] =	vst v0  }
0x2ad: {  	[tilespmem:$0x2D28] =	vst v0  }
0x2ae: {  	[tilespmem:$0x2D18] =	vst v0  }
0x2af: {  	[tilespmem:$0x2D08] =	vst v0  }
0x2b0: {  	[tilespmem:$0x2CF8] =	vst v0  }
0x2b1: {  	[tilespmem:$0x2CE8] =	vst v0  }
0x2b2: {  	[tilespmem:$0x2CD8] =	vst v0  }
0x2b3: {  	[tilespmem:$0x2CC8] =	vst v0  }
0x2b4: {  	[tilespmem:$0x2CB8] =	vst v0  }
0x2b5: {  	[tilespmem:$0x2CA8] =	vst v0  }
0x2b6: {  	[tilespmem:$0x2C98] =	vst v0  }
0x2b7: {  	[tilespmem:$0x2C88] =	vst v0  }
0x2b8: {  	[tilespmem:$0x2C78] =	vst v0  }
0x2b9: {  	[tilespmem:$0x2C68] =	vst v0  }
0x2ba: {  	[tilespmem:$0x2C58] =	vst v0  }
0x2bb: {  	[tilespmem:$0x2C48] =	vst v0  }
0x2bc: {  	[tilespmem:$0x2C38] =	vst v0  }
0x2bd: {  	[tilespmem:$0x2C28] =	vst v0  }
0x2be: {  	[tilespmem:$0x2C18] =	vst v0  }
0x2bf: {  	[tilespmem:$0x2C08] =	vst v0  }
0x2c0: {  	[tilespmem:$0x2BF8] =	vst v0  }
0x2c1: {  	[tilespmem:$0x2BE8] =	vst v0  }
0x2c2: {  	[tilespmem:$0x2BD8] =	vst v0  }
0x2c3: {  	[tilespmem:$0x2BC8] =	vst v0  }
0x2c4: {  	[tilespmem:$0x2BB8] =	vst v0  }
0x2c5: {  	[tilespmem:$0x2BA8] =	vst v0  }
0x2c6: {  	[tilespmem:$0x2B98] =	vst v0  }
0x2c7: {  	[tilespmem:$0x2B88] =	vst v0  }
0x2c8: {  	[tilespmem:$0x2B78] =	vst v0  }
0x2c9: {  	[tilespmem:$0x2B68] =	vst v0  }
0x2ca: {  	[tilespmem:$0x2B58] =	vst v0  }
0x2cb: {  	[tilespmem:$0x2B48] =	vst v0  }
0x2cc: {  	[tilespmem:$0x2B38] =	vst v0  }
0x2cd: {  	[tilespmem:$0x2B28] =	vst v0  }
0x2ce: {  	[tilespmem:$0x2B18] =	vst v0  }
0x2cf: {  	[tilespmem:$0x2B08] =	vst v0  }
0x2d0: {  	[tilespmem:$0x2AF8] =	vst v0  }
0x2d1: {  	[tilespmem:$0x2AE8] =	vst v0  }
0x2d2: {  	[tilespmem:$0x2AD8] =	vst v0  }
0x2d3: {  	[tilespmem:$0x2AC8] =	vst v0  }
0x2d4: {  	[tilespmem:$0x2AB8] =	vst v0  }
0x2d5: {  	[tilespmem:$0x2AA8] =	vst v0  }
0x2d6: {  	[tilespmem:$0x2A98] =	vst v0  }
0x2d7: {  	[tilespmem:$0x2A88] =	vst v0  }
0x2d8: {  	[tilespmem:$0x2A78] =	vst v0  }
0x2d9: {  	[tilespmem:$0x2A68] =	vst v0  }
0x2da: {  	[tilespmem:$0x2A58] =	vst v0  }
0x2db: {  	[tilespmem:$0x2A48] =	vst v0  }
0x2dc: {  	[tilespmem:$0x2A38] =	vst v0  }
0x2dd: {  	[tilespmem:$0x2A28] =	vst v0  }
0x2de: {  	[tilespmem:$0x2A18] =	vst v0  }
0x2df: {  	[tilespmem:$0x2A08] =	vst v0  }
0x2e0: {  	[tilespmem:$0x29F8] =	vst v0  }
0x2e1: {  	[tilespmem:$0x29E8] =	vst v0  }
0x2e2: {  	[tilespmem:$0x29D8] =	vst v0  }
0x2e3: {  	[tilespmem:$0x29C8] =	vst v0  }
0x2e4: {  	[tilespmem:$0x29B8] =	vst v0  }
0x2e5: {  	[tilespmem:$0x29A8] =	vst v0  }
0x2e6: {  	[tilespmem:$0x2998] =	vst v0  }
0x2e7: {  	[tilespmem:$0x2988] =	vst v0  }
0x2e8: {  	[tilespmem:$0x2978] =	vst v0  }
0x2e9: {  	[tilespmem:$0x2968] =	vst v0  }
0x2ea: {  	[tilespmem:$0x2958] =	vst v0  }
0x2eb: {  	[tilespmem:$0x2948] =	vst v0  }
0x2ec: {  	[tilespmem:$0x2938] =	vst v0  }
0x2ed: {  	[tilespmem:$0x2928] =	vst v0  }
0x2ee: {  	[tilespmem:$0x2918] =	vst v0  }
0x2ef: {  	[tilespmem:$0x2908] =	vst v0  }
0x2f0: {  	[tilespmem:$0x28F8] =	vst v0  }
0x2f1: {  	[tilespmem:$0x28E8] =	vst v0  }
0x2f2: {  	[tilespmem:$0x28D8] =	vst v0  }
0x2f3: {  	[tilespmem:$0x28C8] =	vst v0  }
0x2f4: {  	[tilespmem:$0x28B8] =	vst v0  }
0x2f5: {  	[tilespmem:$0x28A8] =	vst v0  }
0x2f6: {  	[tilespmem:$0x2898] =	vst v0  }
0x2f7: {  	[tilespmem:$0x2888] =	vst v0  }
0x2f8: {  	[tilespmem:$0x2878] =	vst v0  }
0x2f9: {  	[tilespmem:$0x2868] =	vst v0  }
0x2fa: {  	[tilespmem:$0x2858] =	vst v0  }
0x2fb: {  	[tilespmem:$0x2848] =	vst v0  }
0x2fc: {  	[tilespmem:$0x2838] =	vst v0  }
0x2fd: {  	[tilespmem:$0x2828] =	vst v0  }
0x2fe: {  	[tilespmem:$0x2818] =	vst v0  }
0x2ff: {  	[tilespmem:$0x2808] =	vst v0  }
0x300: {  	[tilespmem:$0x27F8] =	vst v0  }
0x301: {  	[tilespmem:$0x27E8] =	vst v0  }
0x302: {  	[tilespmem:$0x27D8] =	vst v0  }
0x303: {  	[tilespmem:$0x27C8] =	vst v0  }
0x304: {  	[tilespmem:$0x27B8] =	vst v0  }
0x305: {  	[tilespmem:$0x27A8] =	vst v0  }
0x306: {  	[tilespmem:$0x2798] =	vst v0  }
0x307: {  	[tilespmem:$0x2788] =	vst v0  }
0x308: {  	[tilespmem:$0x2778] =	vst v0  }
0x309: {  	[tilespmem:$0x2768] =	vst v0  }
0x30a: {  	[tilespmem:$0x2758] =	vst v0  }
0x30b: {  	[tilespmem:$0x2748] =	vst v0  }
0x30c: {  	[tilespmem:$0x2738] =	vst v0  }
0x30d: {  	[tilespmem:$0x2728] =	vst v0  }
0x30e: {  	[tilespmem:$0x2718] =	vst v0  }
0x30f: {  	[tilespmem:$0x2708] =	vst v0  }
0x310: {  	[tilespmem:$0x26F8] =	vst v0  }
0x311: {  	[tilespmem:$0x26E8] =	vst v0  }
0x312: {  	[tilespmem:$0x26D8] =	vst v0  }
0x313: {  	[tilespmem:$0x26C8] =	vst v0  }
0x314: {  	[tilespmem:$0x26B8] =	vst v0  }
0x315: {  	[tilespmem:$0x26A8] =	vst v0  }
0x316: {  	[tilespmem:$0x2698] =	vst v0  }
0x317: {  	[tilespmem:$0x2688] =	vst v0  }
0x318: {  	[tilespmem:$0x2678] =	vst v0  }
0x319: {  	[tilespmem:$0x2668] =	vst v0  }
0x31a: {  	[tilespmem:$0x2658] =	vst v0  }
0x31b: {  	[tilespmem:$0x2648] =	vst v0  }
0x31c: {  	[tilespmem:$0x2638] =	vst v0  }
0x31d: {  	[tilespmem:$0x2628] =	vst v0  }
0x31e: {  	[tilespmem:$0x2618] =	vst v0  }
0x31f: {  	[tilespmem:$0x2608] =	vst v0  }
0x320: {  	[tilespmem:$0x25F8] =	vst v0  }
0x321: {  	[tilespmem:$0x25E8] =	vst v0  }
0x322: {  	[tilespmem:$0x25D8] =	vst v0  }
0x323: {  	[tilespmem:$0x25C8] =	vst v0  }
0x324: {  	[tilespmem:$0x25B8] =	vst v0  }
0x325: {  	[tilespmem:$0x25A8] =	vst v0  }
0x326: {  	[tilespmem:$0x2598] =	vst v0  }
0x327: {  	[tilespmem:$0x2588] =	vst v0  }
0x328: {  	[tilespmem:$0x2578] =	vst v0  }
0x329: {  	[tilespmem:$0x2568] =	vst v0  }
0x32a: {  	[tilespmem:$0x2558] =	vst v0  }
0x32b: {  	[tilespmem:$0x2548] =	vst v0  }
0x32c: {  	[tilespmem:$0x2538] =	vst v0  }
0x32d: {  	[tilespmem:$0x2528] =	vst v0  }
0x32e: {  	[tilespmem:$0x2518] =	vst v0  }
0x32f: {  	[tilespmem:$0x2508] =	vst v0  }
0x330: {  	[tilespmem:$0x24F8] =	vst v0  }
0x331: {  	[tilespmem:$0x24E8] =	vst v0  }
0x332: {  	[tilespmem:$0x24D8] =	vst v0  }
0x333: {  	[tilespmem:$0x24C8] =	vst v0  }
0x334: {  	[tilespmem:$0x24B8] =	vst v0  }
0x335: {  	[tilespmem:$0x24A8] =	vst v0  }
0x336: {  	[tilespmem:$0x2498] =	vst v0  }
0x337: {  	[tilespmem:$0x2488] =	vst v0  }
0x338: {  	[tilespmem:$0x2478] =	vst v0  }
0x339: {  	[tilespmem:$0x2468] =	vst v0  }
0x33a: {  	[tilespmem:$0x2458] =	vst v0  }
0x33b: {  	[tilespmem:$0x2448] =	vst v0  }
0x33c: {  	[tilespmem:$0x2438] =	vst v0  }
0x33d: {  	[tilespmem:$0x2428] =	vst v0  }
0x33e: {  	[tilespmem:$0x2418] =	vst v0  }
0x33f: {  	[tilespmem:$0x2408] =	vst v0  }
0x340: {  	[tilespmem:$0x23F8] =	vst v0  }
0x341: {  	[tilespmem:$0x23E8] =	vst v0  }
0x342: {  	[tilespmem:$0x23D8] =	vst v0  }
0x343: {  	[tilespmem:$0x23C8] =	vst v0  }
0x344: {  	[tilespmem:$0x23B8] =	vst v0  }
0x345: {  	[tilespmem:$0x23A8] =	vst v0  }
0x346: {  	[tilespmem:$0x2398] =	vst v0  }
0x347: {  	[tilespmem:$0x2388] =	vst v0  }
0x348: {  	[tilespmem:$0x2378] =	vst v0  }
0x349: {  	[tilespmem:$0x2368] =	vst v0  }
0x34a: {  	[tilespmem:$0x2358] =	vst v0  }
0x34b: {  	[tilespmem:$0x2348] =	vst v0  }
0x34c: {  	[tilespmem:$0x2338] =	vst v0  }
0x34d: {  	[tilespmem:$0x2328] =	vst v0  }
0x34e: {  	[tilespmem:$0x2318] =	vst v0  }
0x34f: {  	[tilespmem:$0x2308] =	vst v0  }
0x350: {  	[tilespmem:$0x22F8] =	vst v0  }
0x351: {  	[tilespmem:$0x22E8] =	vst v0  }
0x352: {  	[tilespmem:$0x22D8] =	vst v0  }
0x353: {  	[tilespmem:$0x22C8] =	vst v0  }
0x354: {  	[tilespmem:$0x22B8] =	vst v0  }
0x355: {  	[tilespmem:$0x22A8] =	vst v0  }
0x356: {  	[tilespmem:$0x2298] =	vst v0  }
0x357: {  	[tilespmem:$0x2288] =	vst v0  }
0x358: {  	[tilespmem:$0x2278] =	vst v0  }
0x359: {  	s10 =	stileid.u32;
	[tilespmem:$0x2268] =	vst v0  }
0x35a: {  	s0 =	simm.s32 $0x1;
	p0 =	sne.s32 s10, $0x0;
	s1 =	smul.u32 $0x1A, s10;
	[tilespmem:$0x2258] =	vst v0  }
0x35b: {  	s0 =	simm.s32 @!p0 $0x0;
	[tilespmem:$0x2248] =	vst v0  }
0x35c: {  	[tilespmem:$0x2238] =	vst v0;
	s0 =	sor.u32 s0, s1  }
0x35d: {  	p1 =	seq.s32 s10, $0x0;
	[tilespmem:$0x2228] =	vst v0;
	s1 =	simm.s32 $0x2880;
	s8 =	smul.u32 $0x180, s0  }
0x35e: {  	s1 =	simm.s32 @!p1 $0x2700;
	[tilespmem:$0x21F8] =	vst v0  }
0x35f: {  	[tilespmem:$0x2208] =	vst v0;
	s0 =	sadd.s32 s1, s8  }
0x360: {  	s4 =	simm.s32 $0x2;
	[tilespmem:$0x21E8] =	vst v0;
	s9 =	smin.u32 s0, $0x27100  }
0x361: {  	s31 =	simm.s32 $0x9;
	s5 =	simm.s32 $0xA;
	[tilespmem:$0x2188] =	vst v0;
	s0 =	ssub.s32 s9, s8  }
0x362: {  	s12 =	simm.s32 $0xB;
	s18 =	simm.s32 $0x0;
	[tilespmem:$0x21D8] =	vst v0;
	p1 =	sgt.s32 s0, $0x0  }
0x363: {  	p2 =	por $0x0, $0x0;
	s19 =	simm.s32 $0xC;
	[tilespmem:$0x21C8] =	vst v0;
	s0 =	simm.s32 @!p1 $0x0  }
0x364: {  	s23 =	simm.s32 $0x0;
	s20 =	simm.s32 $0x0;
	[tilespmem:$0x21B8] =	vst v0;
	s30 =	smulhi.u32 $0x2AAAAAAB, s0  }
0x365: {  	s22 =	simm.s32 $0x0;
	s2 =	sand.u32 $0x1, s2;
	s16 =	sshll.u32 s10, $0x6;
	[tilespmem:$0x21A8] =	vst v0  }
0x366: {  	s1 =	sshrl.u32 s30, $0x6;
	[tilespmem:$0x2198] =	vst v0;
	[dreg:$0x4] =	wrdreg s2;
	s2 =	smul.u32 $0x4E20, s2  }
0x367: {  	[tilespmem:$0x2178] =	vst v0;
	[sflag:s4] =	ssyncpa.u1 $0x0;
	v0 =	vimm.s32 $0xFFFFFFFF;
	s4 =	sadd.s32 $0x14600, s7;
	s6 =	smul.u32 $0x180, s1  }
.Ltmp7:
0x368: {  	[tilespmem:$0x6088] =	vst v0;
	[sflag:s31] =	ssyncpa.u1 $0x0;
	s2 =	sadd.s32 s2, s7;
	(pc) =	sbr.rel .LBB3_1-.Ltmp7, $4  }
0x369: {  	[sflag:s5] =	ssyncpa.u1 $0x0;
	p1 =	sne.s32 s0, s6;
	s0 =	simm.s32 $0x1  }
0x36a: {  	s7 =	sadd.s32 $0x983C00, s7;
	[sflag:s12] =	ssyncpa.u1 $0x0;
	s0 =	simm.s32 @!p1 $0x0  }
0x36b: {  	s14 =	sadd.s32 $0xA800, s2;
	s15 =	sadd.s32 $0xA00, s2;
	s13 =	sadd.s32 s0, s1  }
0x36c: {  	v0 =	vlaneseq.u32;
	s21 =	smov.u32 s8;
	p1 =	por $0x1, $0x1;
	s17 =	sadd.s32 $0x1, s13  }
.LBB3_22:
0x36d: {  	s0 =	sshrl.u32 s0, $0x2  }
.LBB3_24:
0x36e: {  	_ =	swait.ge [sflag:s19], s0  }
0x36f: {  	s30 =	ssub.s32 $0x0, s0;
	v1 =	vmov s25;
	vm0 =	veq.s32 v0, $0x0;
	[sflag:s19] =	ssyncset.done $0x0  }
0x370: {  	vm15 =	veq.s32 v0, $0x2;
	v1 =	vsel vm0, s31, v1;
	[sflag:s19] =	ssyncadd.s32 s30  }
0x371: {  	v1 =	vsel vm15, s23, v1;
	[sflag:s19] =	ssyncpa.u1 $0x1  }
0x372: {  	[tilespmem:$0x6088] =	vst v1  }
.LBB3_25:
0x373: {  	s0 =	sadd.s32 $0x180, s21  }
0x374: {  	s1 =	smov.u32 s8;
	p3 =	slt.s32 s0, s9  }
0x375: {  	s1 =	smov.u32 @p3 s0;
	p3 =	sne.s32 s22, s17  }
.Ltmp8:
0x376: {  	_ = 	snop;
	(pc) =	sbr.rel @!p3 .LBB3_26-.Ltmp8, $4  }
0x377: {  	_ = 	snop  }
0x378: {  	s23 =	smov.u32 s20  }
0x379: {  	s31 =	sadd.s32 $0x1, s22;
	s20 =	smov.u32 s21;
	p1 =	por !p1, !p1  }
0x37a: {  	p2 =	por !p2, !p2;
	s22 =	smov.u32 s31;
	s21 =	smov.u32 s1  }
.LBB3_1:
0x37b: {  	p3 =	sge.u32 s22, s13  }
0x37c: {  	s0 =	smulhi.u32 @!p3 $0xAAAAAAAB, s22  }
0x37d: {  	s1 =	smov.u32 s21;
	p4 =	sgt.s32 @!p3 s21, $0x26F80  }
0x37e: {  	s2 =	sshra.s32 @!p3 s21, $0x1F;
	p4 =	por !p4, p3;
	s0 =	sshrl.u32 @!p3 s0, $0x1  }
0x37f: {  	s2 =	sand.u32 @!p3 s2, s21;
	s1 =	simm.s32 @p4 $0x26F80;
	s0 =	smul.u32 @!p3 $0x3, s0  }
0x380: {  	s1 =	ssub.s32 @!p3 s1, s2  }
0x381: {  	s1 =	sadd.s32 @!p3 $0xFFFD9080, s1;
	s0 =	ssub.s32 @!p3 s22, s0  }
0x382: {  	s2 =	sshll.u32 @!p3 s1, $0x2;
	p4 =	sgt.s32 @!p3 s1, $0x17F;
	s0 =	smul.u32 @!p3 $0x600, s0  }
0x383: {  	s5 =	sand.u32 @!p3 $0x7, s21;
	s1 =	ssub.s32 @!p3 $0x600, s2;
	p4 =	por !p4, p3  }
0x384: {  	s2 =	sshrl.u32 @!p3 s21, $0x3;
	s1 =	sshrl.u32 @!p3 s1, $0x2;
	s0 =	sshrl.u32 @!p3 s0, $0x2  }
0x385: {  	s2 =	sadd.s32 @!p3 s2, s14;
	s1 =	simm.s32 @!p4 $0x0;
	s0 =	sadd.s32 @!p3 $0x64C8, s0  }
0x386: {  	[tilespmem:s0], [sflag:$0xA] =	stream.linear.gather @!p3 [hbm4b:s2+s5], s1, $0x38;
	[tilespmem:$0x1EC48] =	vst v63  }
0x387: {  	s1 =	sadd.s32 $0xFFFFFFFF, s22  }
0x388: {  	p3 =	sge.u32 s1, s13  }
0x389: {  	p4 =	sgt.s32 @!p3 s20, $0x26F80  }
0x38a: {  	s0 =	smov.u32 s20;
	s2 =	sshra.s32 @!p3 s20, $0x1F;
	p4 =	por !p4, p3  }
0x38b: {  	s2 =	sand.u32 @!p3 s2, s20;
	s0 =	simm.s32 @p4 $0x26F80  }
0x38c: {  	s0 =	ssub.s32 @!p3 s0, s2  }
0x38d: {  	s0 =	sadd.s32 @!p3 $0xFFFD9080, s0  }
0x38e: {  	s2 =	sshll.u32 @!p3 s0, $0x2  }
0x38f: {  	p4 =	sgt.s32 @!p3 s0, $0x17F;
	s0 =	ssub.s32 @!p3 $0x600, s2  }
0x390: {  	p4 =	por !p4, p3;
	s0 =	sshrl.u32 @!p3 s0, $0x2  }
0x391: {  	s5 =	simm.s32 @!p3 $0xA;
	s2 =	sand.u32 @!p3 $0x1, s1;
	s0 =	simm.s32 @!p4 $0x0  }
0x392: {  	s2 =	smul.u32 @!p3 $0x600, s2;
	_ =	swait.ge @!p3 [sflag:s5], s0  }
0x393: {  	s6 =	ssub.s32 @!p3 $0x0, s0;
	[sflag:s5] =	ssyncset.done @!p3 $0x0  }
0x394: {  	s2 =	sshrl.u32 @!p3 s2, $0x2;
	[sflag:s5] =	ssyncadd.s32 @!p3 s6;
	s5 =	sshrl.u32 @!p3 s20, $0x3  }
0x395: {  	s2 =	sadd.s32 @!p3 $0x6948, s2;
	s6 =	sand.u32 @!p3 $0x7, s20;
	s5 =	sadd.s32 @!p3 s5, s15  }
0x396: {  	[tilespmem:s2], [sflag:$0xB] =	stream.linear.gather @!p3 [hbm4b:s5+s6], s0, $0x38;
	[tilespmem:$0x1EC48] =	vst v63  }
0x397: {  	s0 =	ssub.s32 @!p3 $0x27100, s20  }
0x398: {  	p4 =	slt.s32 @!p3 s0, $0x1  }
0x399: {  	p4 =	por p3, p4  }
.Ltmp9:
0x39a: {  	_ = 	snop;
	(pc) =	sbr.rel @p4 .LBB3_7-.Ltmp9, $1  }
0x39b: {  	_ =	sdelay $0x3  }
0x39c: {  	s2 =	smulhi.u32 $0xAAAAAAAB, s1;
	_ =	sdelay $0x1  }
0x39d: {  	s2 =	sshrl.u32 s2, $0x1  }
0x39e: {  	s2 =	smul.u32 $0x3, s2;
	_ =	sdelay $0x1  }
0x39f: {  	s29 =	ssub.s32 s1, s2  }
0x3a0: {  	s5 =	simm.s32 $0x1;
	s1 =	smul.u32 $0x600, s29  }
.Ltmp10:
0x3a1: {  	s5 =	simm.s32 @!p1 $0x0;
	(pc) =	sbr.rel .LBB3_4-.Ltmp10, $4  }
0x3a2: {  	s30 =	smul.u32 $0x30000, s5  }
0x3a3: {  	p4 =	slt.s32 @!p3 s0, $0x180;
	s1 =	sshrl.u32 s1, $0x2  }
0x3a4: {  	p3 =	por !p4, p3;
	s2 =	sshrl.u32 s30, $0x2;
	s31 =	sadd.s32 $0x64C8, s1  }
0x3a5: {  	s24 =	simm.s32 $0x0;
	s0 =	simm.s32 @p3 $0x180;
	s1 =	sadd.s32 $0x6C48, s2;
	v1 =	vmov s31  }
.LBB3_3:
0x3a6: {  	p3 =	sge.s32 s24, s0  }
.Ltmp11:
0x3a7: {  	_ = 	snop;
	(pc) =	sbr.rel @p3 .LBB3_7-.Ltmp11, $2  }
0x3a8: {  	_ =	sdelay $0x2  }
0x3a9: {  	s1 =	sadd.s32 $0x800, s1  }
.LBB3_4:
0x3aa: {  	p3 =	sle.s32 s0, s24  }
.Ltmp12:
0x3ab: {  	_ = 	snop;
	(pc) =	sbr.rel @p3 .LBB3_3-.Ltmp12, $2  }
0x3ac: {  	_ =	sdelay $0x2  }
0x3ad: {  	s2 =	smov.u32 s24;
	s24 =	sadd.s32 $0x10, s24  }
0x3ae: {  	s5 =	ssub.s32 s0, s2  }
0x3af: {  	p3 =	slt.s32 s5, $0x10  }
0x3b0: {  	s5 =	simm.s32 @!p3 $0x10  }
0x3b1: {  	v2 =	vmov s5  }
0x3b2: {  	vm0 =	vgt.s32 v2, v0;
	_ =	sdelay $0x5  }
0x3b3: {  	v2 =	vld.idx.msk [tilespmem:v1+s2+$0x0 ss:$0x1], vm0;
	_ =	sdelay $0x2  }
0x3b4: {  	s6 =	smov.u32 s0;
	p3 =	slt.s32 s24, s0  }
0x3b5: {  	s25 =	simm.s32 $0x0;
	s6 =	smov.u32 @p3 s24;
	s5 =	smov.u32 s1  }
.LBB3_6:
0x3b6: {  	(v2sf) =	vpush v2, s25;
	_ =	sdelay $0xc  }
0x3b7: {  	s25 =	sadd.s32 $0x1, s25  }
0x3b8: {  	s31 =	sadd.s32 s25, s2  }
0x3b9: {  	p3 =	slt.s32 s31, s6;
	s10 =	spop (v2sf)  }
.Ltmp13:
0x3ba: {  	s10 =	sshll.u32 s10, $0x4;
	(pc) =	sbr.rel @p3 .LBB3_6-.Ltmp13, $4  }
0x3bb: {  	s10 =	sand.u32 $0x1FFFFFF0, s10  }
0x3bc: {  	s10 =	sadd.s32 s7, s10  }
0x3bd: {  	[tilespmem:s5], [sflag:$0x9] =	stream.linear.gather [hbm4b:s10+s18], $0x20, $0x38;
	[tilespmem:$0x1EC48] =	vst v63  }
0x3be: {  	s5 =	sadd.s32 $0x80, s5  }
.Ltmp14:
0x3bf: {  	_ = 	snop;
	(pc) =	sbr.rel .LBB3_3-.Ltmp14, $1  }
0x3c0: {  	_ =	sdelay $0x3  }
.LBB3_7:
0x3c1: {  	p3 =	slt.u32 s22, $0x2  }
.Ltmp15:
0x3c2: {  	_ = 	snop;
	(pc) =	sbr.rel @p3 .LBB3_25-.Ltmp15, $1  }
0x3c3: {  	_ =	sdelay $0x3  }
0x3c4: {  	p3 =	sgt.s32 s23, $0x26F80  }
0x3c5: {  	s0 =	smov.u32 s23;
	s1 =	sshra.s32 s23, $0x1F;
	s2 =	ssub.s32 $0x27100, s23  }
0x3c6: {  	s0 =	simm.s32 @!p3 $0x26F80;
	s1 =	sand.u32 s1, s23;
	p3 =	slt.s32 s2, $0x180  }
0x3c7: {  	s0 =	ssub.s32 s0, s1;
	s2 =	simm.s32 @!p3 $0x180  }
0x3c8: {  	s0 =	sadd.s32 $0xFFFD9080, s0;
	s11 =	sshll.u32 s2, $0x5  }
0x3c9: {  	s26 =	simm.s32 $0x9;
	s24 =	sshll.u32 s0, $0x2;
	s1 =	sand.u32 $0x3FFFFFE0, s11  }
0x3ca: {  	p3 =	sgt.s32 s0, $0x17F;
	s25 =	ssub.s32 $0x600, s24;
	_ =	swait.ge [sflag:s26], s1  }
0x3cb: {  	s1 =	ssub.s32 $0x0, s1;
	[sflag:s26] =	ssyncset.done $0x0;
	s0 =	sshrl.u32 s25, $0x2  }
0x3cc: {  	[sflag:s26] =	ssyncadd.s32 s1;
	s0 =	simm.s32 @p3 $0x0  }
0x3cd: {  	_ =	swait.ge [sflag:s12], s0  }
0x3ce: {  	s0 =	ssub.s32 $0x0, s0;
	[sflag:s12] =	ssyncset.done $0x0  }
0x3cf: {  	[sflag:s12] =	ssyncadd.s32 s0  }
0x3d0: {  	v1 =	vld [tilespmem:$0x6088];
	_ =	sdelay $0x4  }
0x3d1: {  	(v2sf) =	vpush v1, $0x0  }
0x3d2: {  	(v2sf) =	vpush v1, $0x1  }
0x3d3: {  	(v2sf) =	vpush v1, $0x2;
	_ =	sdelay $0x3  }
0x3d4: {  	s0 =	sadd.s32 $0x180, s23  }
0x3d5: {  	s1 =	ssub.s32 $0x4E200, s23;
	p3 =	slt.s32 s9, s0  }
0x3d6: {  	s0 =	smov.u32 @p3 s9;
	p3 =	sgt.s32 s1, $0x0  }
0x3d7: {  	s28 =	ssub.s32 s0, s23;
	s1 =	simm.s32 @!p3 $0x0  }
0x3d8: {  	p3 =	slt.s32 s1, s28  }
0x3d9: {  	s28 =	smov.u32 @p3 s1  }
0x3da: {  	s26 =	simm.s32 $0x1;
	p3 =	slt.s32 s28, $0x1  }
.Ltmp16:
0x3db: {  	s26 =	simm.s32 @!p2 $0x0;
	(pc) =	sbr.rel @p3 .LBB3_12-.Ltmp16, $4  }
0x3dc: {  	s30 =	smul.u32 $0x600, s26  }
0x3dd: {  	s0 =	spop (v2sf)  }
0x3de: {  	s31 =	sshrl.u32 s30, $0x2;
	s29 =	spop (v2sf)  }
0x3df: {  	s24 =	sadd.s32 $0x6948, s31;
	s23 =	spop (v2sf)  }
0x3e0: {  	s1 =	smin.u32 s28, $0x10  }
0x3e1: {  	v1 =	vmov s1  }
0x3e2: {  	p4 =	sgt.s32 s28, $0x10;
	vm1 =	vgt.u32 v1, v0  }
.Ltmp17:
0x3e3: {  	_ = 	snop;
	(pc) =	sbr.rel @!p4 .LBB3_11-.Ltmp17, $2  }
0x3e4: {  	_ =	sdelay $0x2  }
0x3e5: {  	s2 =	simm.s32 $0x10;
	s25 =	sadd.s32 $0xFFFFFFF0, s28;
	s1 =	smov.u32 s24;
	vm0 =	vmmov vm1  }
.LBB3_10:
0x3e6: {  	s5 =	smin.u32 s25, $0x10;
	s2 =	sadd.s32 $0x10, s2;
	v1 =	vld.msk [tilespmem:s1+$0x0 ss:$0x1], vm1  }
0x3e7: {  	v2 =	vmov s5;
	p4 =	slt.s32 s2, s28  }
0x3e8: {  	vm1 =	vgt.u32 v2, v0  }
.Ltmp18:
0x3e9: {  	(pc) =	sbr.rel @p4 .LBB3_10-.Ltmp18, $3  }
0x3ea: {  	_ =	sdelay $0x1  }
0x3eb: {  	v1 =	vshll.u32 v1, $0x4  }
0x3ec: {  	s25 =	sadd.s32 $0xFFFFFFF0, s25;
	[tilespmem:s1+$0x0] =	vst.msk vm0, v1;
	s1 =	sadd.s32 $0x10, s1;
	vm0 =	vmmov vm1  }
.LBB3_11:
0x3ed: {  	_ =	sdelay $0x4  }
0x3ee: {  	v1 =	vld.msk [tilespmem:s1+$0x0 ss:$0x1], vm1;
	_ =	sdelay $0x4  }
0x3ef: {  	v1 =	vshll.u32 v1, $0x4  }
0x3f0: {  	[tilespmem:s1+$0x0] =	vst.msk vm0, v1  }
.LBB3_12:
0x3f1: {  	s1 =	sand.u32 $0x1, s22  }
0x3f2: {  	s1 =	smul.u32 $0x180, s1  }
0x3f3: {  	p4 =	sne.s32 s29, $0xFFFFFFFF  }
0x3f4: {  	v1 =	vld.msk @!p4 [tilespmem:s1+$0x6948], $0x1;
	_ =	sdelay $0x4  }
0x3f5: {  	(v2sf) =	vpush @!p4 v1, $0x0;
	_ =	sdelay $0xc  }
.Ltmp19:
0x3f6: {  	_ = 	snop;
	(pc) =	sbr.rel @p3 .LBB3_23-.Ltmp19, $4  }
0x3f7: {  	_ = 	snop  }
0x3f8: {  	s30 =	spop @!p4 (v2sf)  }
0x3f9: {  	s23 =	simm.s32 @!p4 $0x0;
	s25 =	smov.u32 s30  }
0x3fa: {  	[sflag:s19] =	ssyncpa.u1 $0x0;
	s30 =	smov.u32 @p4 s0;
	s25 =	smov.u32 @p4 s29  }
0x3fb: {  	v1 =	vld.msk [tilespmem:s24+$0x0], $0x1;
	_ =	sdelay $0x4  }
0x3fc: {  	(v2sf) =	vpush v1, $0x0;
	_ =	sdelay $0xe  }
0x3fd: {  	s0 =	smul.u32 $0x30000, s26;
	s1 =	spop (v2sf)  }
0x3fe: {  	s28 =	ssub.s32 $0x0, s28;
	p3 =	seq.s32 s30, s1  }
0x3ff: {  	s31 =	sadd.s32 $0x1, s28;
	s0 =	sshrl.u32 s0, $0x2;
	p4 =	sgt.s32 @!p3 s30, $0x0  }
0x400: {  	s26 =	sadd.s32 $0x6C58, s0;
	s0 =	smov.u32 s30;
	p4 =	por !p4, p3  }
0x401: {  	s0 =	simm.s32 @p4 $0x0;
	p4 =	seq.s32 s31, $0x0  }
.Ltmp20:
0x402: {  	_ = 	snop;
	(pc) =	sbr.rel @p4 .LBB3_15-.Ltmp20, $4  }
0x403: {  	_ = 	snop  }
0x404: {  	s29 =	simm.s32 $0x0;
	s2 =	simm.s32 @!p3 $0x1;
	s0 =	smin.u32 @!p3 s0, $0x9C3FC  }
0x405: {  	s6 =	simm.s32 @!p3 $0x3068;
	s2 =	smov.u32 @p3 s29;
	s10 =	sand.u32 @!p3 $0xFFFF8, s0  }
0x406: {  	s5 =	sand.u32 @!p3 $0x7, s0;
	s0 =	sadd.s32 $0x1, s24;
	s10 =	sadd.s32 @!p3 s4, s10  }
.LBB3_14:
0x407: {  	s11 =	smov.u32 s2  }
0x408: {  	[tilespmem:s6], [sflag:$0x2] =	stream.linear.gather @!p3 [hbm4b:s10+s5], $0x20, $0x38;
	[tilespmem:$0x1EC48] =	vst v63  }
0x409: {  	s31 =	sadd.s32 $0x1, s31;
	s5 =	smov.u32 s1;
	v1 =	vld.msk [tilespmem:s0+$0x0], $0x1  }
0x40a: {  	p4 =	seq.s32 s31, $0x0;
	_ =	sdelay $0x3  }
0x40b: {  	(v2sf) =	vpush v1, $0x0;
	_ =	sdelay $0xe  }
0x40c: {  	s1 =	spop (v2sf)  }
0x40d: {  	p3 =	seq.s32 s5, s1  }
0x40e: {  	p5 =	sgt.s32 @!p3 s5, $0x0;
	s6 =	sshll.u32 @!p3 s2, $0x7;
	s2 =	sadd.s32 @!p3 $0x1, s2  }
.Ltmp21:
0x40f: {  	p5 =	por !p5, p3;
	s6 =	sshra.s32 @!p3 s6, $0x2;
	(pc) =	sbr.rel @!p4 .LBB3_14-.Ltmp21, $4  }
0x410: {  	s2 =	smov.u32 @p3 s11;
	s5 =	simm.s32 @p5 $0x0;
	s6 =	sadd.s32 @!p3 $0x3068, s6  }
0x411: {  	s5 =	smin.u32 @!p3 s5, $0x9C3FC  }
0x412: {  	s10 =	sand.u32 @!p3 $0xFFFF8, s5;
	s5 =	sand.u32 @!p3 $0x7, s5  }
0x413: {  	s0 =	sadd.s32 $0x1, s0;
	s10 =	sadd.s32 @!p3 s4, s10  }
.LBB3_15:
0x414: {  	[tilespmem:s6], [sflag:$0x2] =	stream.linear.gather @!p3 [hbm4b:s10+s5], $0x20, $0x38;
	[tilespmem:$0x1EC48] =	vst v63  }
.Ltmp22:
0x415: {  	s0 =	sshll.u32 s2, $0x5;
	(pc) =	sbr.rel .LBB3_16-.Ltmp22, $4  }
0x416: {  	s1 =	simm.s32 $0x2;
	s0 =	sand.u32 $0x3FFFFFE0, s0  }
0x417: {  	_ =	swait.ge [sflag:s1], s0  }
0x418: {  	s0 =	ssub.s32 $0x0, s0;
	[sflag:s1] =	ssyncset.done $0x0  }
0x419: {  	[sflag:s1] =	ssyncadd.s32 s0;
	s0 =	simm.s32 $0x0  }
.LBB3_17:
0x41a: {  	v1 =	vld [tilespmem:s26+$0xFFFFFFF0];
	_ =	sdelay $0x4  }
0x41b: {  	[tilespmem:s1+$0x48] =	vst.add.f32.msk $0xffff, v1  }
0x41c: {  	v1 =	vld [tilespmem:s26+$0x0];
	_ =	sdelay $0x4  }
0x41d: {  	[tilespmem:s1+$0x58] =	vst.add.f32.msk $0xffff, v1  }
.LBB3_21:
0x41e: {  	s28 =	sadd.s32 $0x1, s28  }
0x41f: {  	p3 =	seq.s32 s28, $0x0  }
.Ltmp23:
0x420: {  	_ = 	snop;
	(pc) =	sbr.rel @p3 .LBB3_22-.Ltmp23, $2  }
0x421: {  	_ =	sdelay $0x2  }
0x422: {  	s26 =	sadd.s32 $0x80, s26;
	s24 =	sadd.s32 $0x1, s24;
	s30 =	smov.u32 s31  }
.LBB3_16:
0x423: {  	v1 =	vld.msk [tilespmem:s24+$0x0], $0x1;
	_ =	sdelay $0x4  }
0x424: {  	(v2sf) =	vpush v1, $0x0;
	_ =	sdelay $0xe  }
0x425: {  	s31 =	spop (v2sf)  }
0x426: {  	p3 =	sne.s32 s30, s31  }
.Ltmp24:
0x427: {  	_ = 	snop;
	(pc) =	sbr.rel @!p3 .LBB3_17-.Ltmp24, $3  }
0x428: {  	_ =	sdelay $0x1  }
0x429: {  	s1 =	sshll.u32 s23, $0x7  }
0x42a: {  	s1 =	sshra.s32 s1, $0x2  }
0x42b: {  	p3 =	seq.s32 s30, s25  }
.Ltmp25:
0x42c: {  	_ = 	snop;
	(pc) =	sbr.rel @!p3 .LBB3_19-.Ltmp25, $1  }
0x42d: {  	_ =	sdelay $0x3  }
.Ltmp26:
0x42e: {  	s1 =	sadd.s32 $0x48, s1;
	(pc) =	sbr.rel .LBB3_20-.Ltmp26, $4  }
0x42f: {  	[spmem:s16] =	stream.linear.scatter [tilespmem:s1], [sflag:$0x1], $0x20, $0x38;
	[tilespmem:$0x1EC48] =	vst v63  }
0x430: {  	_ =	swait.ge [sflag:s3], $0x20  }
0x431: {  	[sflag:s3] =	ssyncset.done $0x0  }
0x432: {  	[sflag:s3] =	ssyncadd.s32 $0xFFFFFFE0  }
.LBB3_19:
0x433: {  	s2 =	sshll.u32 s29, $0x7  }
0x434: {  	s2 =	sshra.s32 s2, $0x2  }
0x435: {  	v1 =	vld [tilespmem:s2+$0x3068];
	_ =	sdelay $0x4  }
0x436: {  	[tilespmem:s1+$0x48] =	vst.add.f32.msk $0xffff, v1  }
0x437: {  	v1 =	vld [tilespmem:s2+$0x3078];
	_ =	sdelay $0x2  }
0x438: {  	p3 =	sgt.u32 s30, $0x9C3FC  }
0x439: {  	s2 =	sand.u32 @!p3 $0xFFFF8, s30  }
0x43a: {  	s5 =	sadd.s32 $0x48, s1;
	[tilespmem:s1+$0x58] =	vst.add.f32.msk $0xffff, v1;
	s1 =	sadd.s32 @!p3 s4, s2;
	s2 =	sand.u32 @!p3 $0x7, s30  }
0x43b: {  	[hbm4b:s1+s2] =	stream.linear.scatter @!p3 [tilespmem:s5], [sflag:$0xC], $0x20, $0x38;
	[tilespmem:$0x1EC48] =	vst v63  }
0x43c: {  	s1 =	simm.s32 $0x0  }
0x43d: {  	s1 =	simm.s32 @!p3 $0x80  }
0x43e: {  	s0 =	sadd.s32 s1, s0  }
.LBB3_20:
0x43f: {  	s1 =	sadd.s32 $0x1, s23  }
0x440: {  	s2 =	smulhi.u32 $0xAAAAAAAB, s1;
	_ =	sdelay $0x1  }
0x441: {  	v1 =	vld [tilespmem:s26+$0xFFFFFFF0];
	s2 =	sshrl.u32 s2, $0x8  }
0x442: {  	s2 =	smul.u32 $0x180, s2;
	_ =	sdelay $0x1  }
0x443: {  	s23 =	ssub.s32 s1, s2  }
0x444: {  	s1 =	sshll.u32 s23, $0x5  }
0x445: {  	[tilespmem:s1+$0x48] =	vst v1  }
0x446: {  	v1 =	vld [tilespmem:s26+$0x0]  }
.Ltmp27:
0x447: {  	_ = 	snop;
	(pc) =	sbr.rel .LBB3_21-.Ltmp27, $2  }
0x448: {  	_ =	sdelay $0x2  }
0x449: {  	s29 =	sadd.s32 $0x1, s29;
	[tilespmem:s1+$0x58] =	vst v1  }
.LBB3_23:
.Ltmp28:
0x44a: {  	(pc) =	sbr.rel .LBB3_24-.Ltmp28, $4  }
0x44b: {  	_ = 	snop  }
0x44c: {  	s0 =	simm.s32 $0x2  }
0x44d: {  	_ =	swait.ge [sflag:s0], $0x0  }
0x44e: {  	s31 =	smov.u32 s30;
	[sflag:s0] =	ssyncset.done $0x0;
	s0 =	simm.s32 $0x0  }
.LBB3_26:
0x44f: {  	_ =	sfence.sel $0x180000  }
0x450: {  	s0 =	simm.s32 $0x9;
	[bflag:$0x0] =	sbarrier.arrive $0xFFFF  }
0x451: {  	s24 =	simm.s32 $0xA;
	[sflag:s0] =	ssyncpa.u1 $0x1  }
0x452: {  	s25 =	simm.s32 $0xB;
	[sflag:s24] =	ssyncpa.u1 $0x1  }
0x453: {  	s26 =	simm.s32 $0x2;
	[sflag:s25] =	ssyncpa.u1 $0x1  }
0x454: {  	[sflag:s26] =	ssyncpa.u1 $0x1  }
0x455: {  	v0 =	vld [tilespmem:$0x6088];
	_ =	sdelay $0x4  }
0x456: {  	(v2sf) =	vpush v0, $0x0  }
0x457: {  	(v2sf) =	vpush v0, $0x1;
	_ =	sdelay $0x1  }
0x458: {  	(v2sf) =	vpush v0, $0x2;
	_ =	sdelay $0xb  }
0x459: {  	s0 =	spop (v2sf)  }
0x45a: {  	s1 =	spop (v2sf)  }
0x45b: {  	s2 =	smov.u32 s0;
	p1 =	sne.s32 s0, s1  }
0x45c: {  	s3 =	spop (v2sf);
	s2 =	simm.s32 @!p1 $0xFFFFFFFF  }
0x45d: {  	v2 =	vimm.s32 $0x1;
	v3 =	vlaneseq.u32;
	p1 =	seq.s32 s3, $0xFFFFFFFF;
	v1 =	vmov s2  }
0x45e: {  	s14 =	stileid.u32;
	v0 =	vperm.xlane v0, v2;
	p2 =	sne.s32 @!p1 s0, s1;
	v1 =	vperm.xlane v1, v3  }
0x45f: {  	vm0 =	vcmask $0x3F04;
	s6 =	simm.s32 $0x6088;
	s0 =	simm.s32 @!p1 $0x1;
	p2 =	por !p2, p1  }
0x460: {  	s2 =	sshll.u32 s14, $0x1;
	s1 =	sshll.u32 @!p1 s3, $0x7;
	s0 =	simm.s32 @p2 $0x0;
	v0 =	vsel vm0, v1, v0  }
0x461: {  	s5 =	sor.u32 $0x400, s2;
	s1 =	sshra.s32 @!p1 s1, $0x2;
	s0 =	sor.u32 @!p1 s0, s2;
	[tilespmem:$0x6088] =	vst v0  }
0x462: {  	[spmem:s5] =	stream.linear.scatter [tilespmem:s6], [sflag:$0x1], $0x2, $0x38;
	[tilespmem:$0x1EC48] =	vst v63  }
0x463: {  	s1 =	sadd.s32 @!p1 $0x48, s1;
	s0 =	sshll.u32 @!p1 s0, $0x5  }
0x464: {  	[spmem:s0] =	stream.linear.scatter @!p1 [tilespmem:s1], [sflag:$0x1], $0x20, $0x38;
	[tilespmem:$0x1EC48] =	vst v63  }
0x465: {  	s0 =	simm.s32 @!p1 $0x22  }
0x466: {  	s28 =	simm.s32 $0x1;
	s0 =	simm.s32 @p1 $0x2  }
0x467: {  	_ =	swait.ge [sflag:s28], s0  }
0x468: {  	s0 =	ssub.s32 $0x0, s0;
	[sflag:s28] =	ssyncset.done $0x0  }
0x469: {  	[sflag:s28] =	ssyncadd.s32 s0  }
.Ltmp29:
0x46a: {  	_ =	sfence.stream.spmem;
	(pc) =	sbr.rel @p0 .LBB3_43-.Ltmp29, $4  }
0x46b: {  	s29 =	simm.s32 $0x3;
	[bflag:$0x0] =	sbarrier.arrive $0xFFFF  }
0x46c: {  	s30 =	simm.s32 $0x4;
	[sflag:s29] =	ssyncpa.u1 $0x1  }
0x46d: {  	s31 =	simm.s32 $0x3C;
	[sflag:s30] =	ssyncpa.u1 $0x1  }
0x46e: {  	s15 =	rddreg [dreg:$0x4];
	[sflag:s31] =	ssyncpa.u1 $0x1  }
0x46f: {  	_ =	sfence.stream.spmem;
	s0 =	simm.s32 $0x5  }
0x470: {  	s1 =	simm.s32 $0x400;
	s2 =	simm.s32 $0x6098;
	[sflag:s0] =	ssyncpa.u1 $0x0  }
0x471: {  	[tilespmem:s2], [sflag:$0x5] =	stream.linear.gather [spmem:s1], $0x20, $0x38;
	[tilespmem:$0x1EC48] =	vst v63  }
0x472: {  	s26 =	simm.s32 $0x0;
	s28 =	simm.s32 $0x60B8  }
0x473: {  	[tilespmem:s28], [sflag:$0x5] =	stream.linear.gather [spmem:s26], $0x400, $0x38;
	[tilespmem:$0x1EC48] =	vst v63  }
0x474: {  	_ =	swait.ge [sflag:s0], $0x420  }
0x475: {  	[sflag:s0] =	ssyncset.done $0x0  }
0x476: {  	s29 =	simm.s32 $0x0;
	[sflag:s0] =	ssyncadd.s32 $0xFFFFFBE0  }
0x477: {  	v0 =	vld.msk [tilespmem:s29+$0x6098], $0x1;
	_ =	sdelay $0x1  }
0x478: {  	s30 =	simm.s32 $0x1  }
0x479: {  	v1 =	vld.msk [tilespmem:s30+$0x6098], $0x1;
	_ =	sdelay $0x1  }
0x47a: {  	(v2sf) =	vpush v0, $0x0;
	_ =	sdelay $0x2  }
0x47b: {  	(v2sf) =	vpush v1, $0x0;
	_ =	sdelay $0x2  }
0x47c: {  	s31 =	simm.s32 $0x2  }
0x47d: {  	v0 =	vld.msk [tilespmem:s31+$0x6098], $0x1;
	_ =	sdelay $0x2  }
0x47e: {  	s1 =	simm.s32 $0xFFFFFFFF;
	s2 =	simm.s32 $0xFFFFFFFF;
	s0 =	simm.s32 $0xC  }
.LBB3_28:
0x47f: {  	s3 =	smov.u32 s2;
	s5 =	smov.u32 s1  }
0x480: {  	s1 =	sshra.s32 s0, $0x2;
	p1 =	sne.s32 s0, $0x7C;
	s0 =	sadd.s32 $0x4, s0;
	(v2sf) =	vpush v0, $0x0  }
0x481: {  	v0 =	vld.msk [tilespmem:s1+$0x6098], $0x1  }
.Ltmp30:
0x482: {  	(pc) =	sbr.rel @p1 .LBB3_28-.Ltmp30, $4  }
0x483: {  	s2 =	spop (v2sf)  }
0x484: {  	p2 =	sne.s32 s5, $0xFFFFFFFF;
	s1 =	smov.u32 s2  }
0x485: {  	p3 =	seq.s32 s2, $0xFFFFFFFF;
	s1 =	smov.u32 @p2 s5  }
0x486: {  	s2 =	smov.u32 @p3 s3;
	s1 =	smov.u32 @p3 s5  }
0x487: {  	(v2sf) =	vpush v0, $0x0;
	_ =	sdelay $0x8  }
0x488: {  	s0 =	spop (v2sf)  }
0x489: {  	p1 =	sne.s32 s1, $0xFFFFFFFF;
	s3 =	smov.u32 s0  }
0x48a: {  	s9 =	simm.s32 $0x6;
	p2 =	seq.s32 s0, $0xFFFFFFFF;
	s3 =	smov.u32 @p1 s1  }
0x48b: {  	s10 =	simm.s32 $0x6068;
	s3 =	smov.u32 @p2 s1;
	s1 =	spop (v2sf)  }
0x48c: {  	s0 =	smov.u32 @p2 s2;
	p1 =	sne.s32 s3, $0xFFFFFFFF;
	s5 =	smov.u32 s1  }
.Ltmp31:
0x48d: {  	p2 =	seq.s32 s1, $0xFFFFFFFF;
	s5 =	smov.u32 @p1 s3;
	(pc) =	sbr.rel .LBB3_30-.Ltmp31, $4  }
0x48e: {  	s11 =	simm.s32 $0x0;
	s5 =	smov.u32 @p2 s3;
	s7 =	spop (v2sf)  }
0x48f: {  	[sflag:s9] =	ssyncpa.u1 $0x0;
	p1 =	sne.s32 s5, $0xFFFFFFFF;
	s8 =	smov.u32 s7  }
0x490: {  	s1 =	smov.u32 @p2 s0;
	p2 =	seq.s32 s7, $0xFFFFFFFF;
	s8 =	smov.u32 @p1 s5  }
0x491: {  	s3 =	simm.s32 $0x0;
	s7 =	smov.u32 @p2 s1;
	s8 =	smov.u32 @p2 s5  }
.LBB3_36:
0x492: {  	p1 =	sgt.u32 s12, $0x9C3FC  }
0x493: {  	p2 =	seq.s32 @!p1 s12, s8  }
0x494: {  	p1 =	por p1, p2  }
0x495: {  	p2 =	sne.s32 @!p1 s12, s7  }
0x496: {  	p1 =	por p1, !p2  }
0x497: {  	s0 =	sshll.u32 @p1 s11, $0x7  }
0x498: {  	s0 =	sand.u32 @!p1 $0xFFFF8, s12  }
0x499: {  	s1 =	sand.u32 @!p1 $0x7, s12;
	s0 =	sadd.s32 @!p1 s4, s0  }
0x49a: {  	[tilespmem:s10], [sflag:$0x6] =	stream.linear.gather @!p1 [hbm4b:s0+s1], $0x20, $0x38;
	[tilespmem:$0x1EC48] =	vst v63  }
0x49b: {  	_ =	swait.ge @!p1 [sflag:s9], $0x20  }
0x49c: {  	[sflag:s9] =	ssyncset.done @!p1 $0x0  }
0x49d: {  	[sflag:s9] =	ssyncadd.s32 @!p1 $0xFFFFFFE0  }
0x49e: {  	v1 =	vld @!p1 [tilespmem:$0x6068];
	_ =	sdelay $0x2  }
0x49f: {  	s0 =	sshll.u32 @!p1 s11, $0x7  }
0x4a0: {  	s1 =	sshrl.u32 @!p1 s0, $0x2  }
0x4a1: {  	[tilespmem:s1+$0x60B8] =	vst.add.f32.msk @!p1 $0xffff, v1  }
0x4a2: {  	v1 =	vld @!p1 [tilespmem:$0x6078];
	_ =	sdelay $0x4  }
0x4a3: {  	[tilespmem:s1+$0x60C8] =	vst.add.f32.msk @!p1 $0xffff, v1  }
0x4a4: {  	s0 =	sshrl.u32 s0, $0x2;
	[tilespmem:s3+$0x6098] =	vst.msk $0x1, v0  }
0x4a5: {  	v0 =	vld [tilespmem:s0+$0x60B8];
	_ =	sdelay $0x2  }
0x4a6: {  	s31 =	sshll.u32 s3, $0x7  }
0x4a7: {  	s1 =	sshra.s32 s31, $0x2  }
0x4a8: {  	[tilespmem:s1+$0x60B8] =	vst v0  }
0x4a9: {  	v0 =	vld [tilespmem:s0+$0x60C8];
	_ =	sdelay $0x4  }
0x4aa: {  	s3 =	sadd.s32 $0x1, s3;
	[tilespmem:s1+$0x60C8] =	vst v0  }
.LBB3_37:
0x4ab: {  	s11 =	sadd.s32 $0x1, s11  }
0x4ac: {  	p1 =	sne.s32 s11, $0x20  }
.Ltmp32:
0x4ad: {  	_ = 	snop;
	(pc) =	sbr.rel @!p1 .LBB3_38-.Ltmp32, $1  }
0x4ae: {  	_ =	sdelay $0x3  }
.LBB3_30:
0x4af: {  	v0 =	vld.msk [tilespmem:s11+$0x6098], $0x1;
	_ =	sdelay $0x4  }
0x4b0: {  	(v2sf) =	vpush v0, $0x0;
	_ =	sdelay $0xe  }
0x4b1: {  	s12 =	spop (v2sf)  }
0x4b2: {  	p1 =	seq.s32 s12, $0xFFFFFFFF  }
.Ltmp33:
0x4b3: {  	_ = 	snop;
	(pc) =	sbr.rel @p1 .LBB3_37-.Ltmp33, $1  }
0x4b4: {  	_ =	sdelay $0x3  }
0x4b5: {  	p1 =	slt.s32 s3, $0x1  }
.Ltmp34:
0x4b6: {  	_ = 	snop;
	(pc) =	sbr.rel @p1 .LBB3_36-.Ltmp34, $1  }
0x4b7: {  	_ =	sdelay $0x3  }
0x4b8: {  	s0 =	simm.s32 $0x6098;
	p1 =	por $0x0, $0x0  }
0x4b9: {  	v1 =	vld.msk @!p1 [tilespmem:s0+$0x0], $0x1;
	_ =	sdelay $0x4  }
0x4ba: {  	(v2sf) =	vpush @!p1 v1, $0x0;
	_ =	sdelay $0xd  }
0x4bb: {  	p3 =	sne.s32 s3, $0x1  }
.Ltmp35:
0x4bc: {  	s1 =	spop @!p1 (v2sf);
	(pc) =	sbr.rel @!p3 .LBB3_34-.Ltmp35, $4  }
0x4bd: {  	p2 =	seq.s32 @!p1 s12, s1  }
0x4be: {  	s13 =	simm.s32 $0x0;
	p2 =	por !p2, p1  }
0x4bf: {  	s2 =	simm.s32 $0xFFFFFFFF;
	s13 =	simm.s32 @p2 $0xFFFFFFFF  }
0x4c0: {  	s1 =	simm.s32 $0x1;
	s13 =	smov.u32 @p1 s2  }
.LBB3_33:
0x4c1: {  	s2 =	smov.u32 s13;
	p1 =	sne.s32 s13, $0xFFFFFFFF  }
0x4c2: {  	s0 =	sadd.s32 $0x1, s0;
	s13 =	smov.u32 s1;
	s1 =	sadd.s32 $0x1, s1  }
0x4c3: {  	p2 =	sne.s32 s3, s1;
	v1 =	vld.msk @!p1 [tilespmem:s0+$0x0], $0x1;
	_ =	sdelay $0x4  }
0x4c4: {  	(v2sf) =	vpush @!p1 v1, $0x0;
	_ =	sdelay $0xe  }
.Ltmp36:
0x4c5: {  	s5 =	spop @!p1 (v2sf);
	(pc) =	sbr.rel @p2 .LBB3_33-.Ltmp36, $4  }
0x4c6: {  	p3 =	seq.s32 @!p1 s12, s5  }
0x4c7: {  	p3 =	por !p3, p1  }
0x4c8: {  	s13 =	simm.s32 @p3 $0xFFFFFFFF  }
0x4c9: {  	s13 =	smov.u32 @p1 s2  }
.LBB3_34:
0x4ca: {  	p1 =	seq.s32 s13, $0xFFFFFFFF  }
.Ltmp37:
0x4cb: {  	_ = 	snop;
	(pc) =	sbr.rel @p1 .LBB3_36-.Ltmp37, $1  }
0x4cc: {  	_ =	sdelay $0x3  }
0x4cd: {  	s0 =	sshll.u32 s11, $0x5  }
0x4ce: {  	s0 =	sand.u32 $0x3FFFFFE0, s0  }
0x4cf: {  	v0 =	vld [tilespmem:s0+$0x60B8];
	_ =	sdelay $0x2  }
0x4d0: {  	s1 =	sshll.u32 s13, $0x7  }
0x4d1: {  	s1 =	sshra.s32 s1, $0x2  }
0x4d2: {  	[tilespmem:s1+$0x60B8] =	vst.add.f32.msk $0xffff, v0  }
0x4d3: {  	v0 =	vld [tilespmem:s0+$0x60C8]  }
.Ltmp38:
0x4d4: {  	_ = 	snop;
	(pc) =	sbr.rel .LBB3_37-.Ltmp38, $2  }
0x4d5: {  	_ =	sdelay $0x2  }
0x4d6: {  	[tilespmem:s1+$0x60C8] =	vst.add.f32.msk $0xffff, v0  }
.LBB3_38:
0x4d7: {  	s0 =	simm.s32 $0x6;
	p1 =	seq.s32 s3, $0x0  }
0x4d8: {  	[sflag:s0] =	ssyncpa.u1 $0x1;
	v0 =	vimm.s32 @p1 $0xFFFFFFFF  }
0x4d9: {  	s9 =	sadd.s32 $0xFFFFFFFF, s3;
	[tilespmem:$0x64B8] =	vst @p1 v0  }
0x4da: {  	v0 =	vld.msk @!p1 [tilespmem:s9+$0x6098], $0x1;
	_ =	sdelay $0x1  }
0x4db: {  	v1 =	vld.msk @!p1 [tilespmem:$0x6098], $0x1;
	_ =	sdelay $0x2  }
0x4dc: {  	p2 =	seq.s32 @!p1 s9, $0x0;
	v0 =	vbroadcast @!p1 v0, $0x0  }
0x4dd: {  	vm0 =	vmmov @!p1 $0x1;
	p2 =	por !p2, p1  }
0x4de: {  	v1 =	vnsel @!p1 vm0, $0xFFFFFFFF, v1;
	vm0 =	vcmask @!p1 $0x308;
	v0 =	vpsel !p2, $0xFFFFFFFF, v0  }
0x4df: {  	p2 =	sne.s32 @!p1 s8, s7;
	v0 =	vsel @!p1 vm0, v1, v0  }
0x4e0: {  	s0 =	simm.s32 @!p1 $0x60B8;
	s1 =	simm.s32 @!p1 $0x0;
	p3 =	por !p2, p1;
	[tilespmem:$0x64B8] =	vst @!p1 v0  }
0x4e1: {  	[spmem:s1] =	stream.linear.scatter @!p1 [tilespmem:s0], [sflag:$0x1], $0x20, $0x38;
	[tilespmem:$0x1EC48] =	vst v63  }
0x4e2: {  	s0 =	sshll.u32 @!p3 s9, $0x7  }
0x4e3: {  	s0 =	sshra.s32 @!p3 s0, $0x2  }
0x4e4: {  	s1 =	simm.s32 @!p3 $0x20;
	s0 =	sadd.s32 @!p3 $0x60B8, s0  }
0x4e5: {  	[spmem:s1] =	stream.linear.scatter @!p3 [tilespmem:s0], [sflag:$0x1], $0x20, $0x38;
	[tilespmem:$0x1EC48] =	vst v63  }
0x4e6: {  	s0 =	simm.s32 @!p3 $0x1  }
0x4e7: {  	_ =	swait.ge @!p3 [sflag:s0], $0x40  }
0x4e8: {  	p1 =	por p2, p1;
	[sflag:s0] =	ssyncset.done @!p3 $0x0  }
0x4e9: {  	[sflag:s0] =	ssyncadd.s32 @!p3 $0xFFFFFFC0;
	s0 =	simm.s32 @!p1 $0x1  }
0x4ea: {  	_ =	swait.ge @!p1 [sflag:s0], $0x20  }
0x4eb: {  	s29 =	simm.s32 $0x64B8;
	[sflag:s0] =	ssyncset.done @!p1 $0x0  }
0x4ec: {  	s30 =	simm.s32 $0x400;
	s31 =	simm.s32 $0x1;
	[sflag:s0] =	ssyncadd.s32 @!p1 $0xFFFFFFE0  }
0x4ed: {  	[spmem:s30] =	stream.linear.scatter [tilespmem:s29], [sflag:$0x1], $0x10, $0x38;
	[tilespmem:$0x1EC48] =	vst v63  }
0x4ee: {  	_ =	swait.ge [sflag:s31], $0x10  }
0x4ef: {  	[sflag:s31] =	ssyncset.done $0x0  }
0x4f0: {  	p1 =	seq.s32 s15, $0x0;
	s8 =	rddreg [dreg:$0x1];
	[sflag:s31] =	ssyncadd.s32 $0xFFFFFFF0  }
0x4f1: {  	s1 =	sshll.u32 @p1 s8, $0xE;
	s7 =	rddreg [dreg:$0x2]  }
0x4f2: {  	s0 =	sadd.s32 @p1 $0x15C3C, s1;
	s1 =	sshll.u32 @p1 s7, $0x11  }
0x4f3: {  	_ =	sfence.stream.spmem;
	s0 =	sor.u32 @p1 s1, s0  }
0x4f4: {  	[sflag:s0] =	ssyncadd.remote.s32 @p1 $0x1;
	s0 =	simm.s32 @p1 $0x4  }
0x4f5: {  	s2 =	simm.s32 @!p1 $0x3C;
	s1 =	sand.u32 $0xFFFFFFFE, s8;
	_ =	swait.ge @p1 [sflag:s0], $0xA  }
0x4f6: {  	s5 =	simm.s32 @!p1 $0x0;
	s1 =	sadd.s32 @!p1 $0x4, s1;
	[sflag:s0] =	ssyncset.done @p1 $0x0  }
0x4f7: {  	s6 =	simm.s32 @!p1 $0x40;
	[sflag:s0] =	ssyncadd.s32 @p1 $0xFFFFFFF6;
	s0 =	sshll.u32 @!p1 s1, $0x1A  }
0x4f8: {  	s1 =	sshll.u32 @!p1 s1, $0xD;
	s0 =	sor.u32 @!p1 s0, s7;
	_ =	swait.eq @!p1 [sflag:s2], $0x1  }
0x4f9: {  	s1 =	sor.u32 @!p1 $0x1C04, s1;
	s2 =	simm.s32 @!p1 $0x1C03;
	s0 =	sor.u32 @!p1 $0x80004000, s0  }
0x4fa: {  	[spmem:s6], [sflag:s1] =	dma.general @!p1 [spmem:s5], [sflag:s2], length:$0x8, [dreg:$0x0], stride_count:$0x0, ici_dest:s0, dma_misc:DstOpCode:WRITE  }
0x4fb: {  	p2 =	slt.s32 s9, $0x2;
	s5 =	simm.s32 @!p1 $0x80;
	s6 =	simm.s32 @!p1 $0x82  }
0x4fc: {  	[spmem:s6], [sflag:s1] =	dma.general @!p1 [spmem:s5], [sflag:s2], length:$0x2, [dreg:$0x0], stride_count:$0x0, ici_dest:s0, dma_misc:DstOpCode:WRITE  }
.Ltmp39:
0x4fd: {  	s0 =	simm.s32 @!p1 $0x3;
	(pc) =	sbr.rel @p2 .LBB3_42-.Ltmp39, $4  }
0x4fe: {  	s1 =	sshll.u32 @!p1 s8, $0xE;
	_ =	swait.ge @!p1 [sflag:s0], $0xA  }
0x4ff: {  	s2 =	sshll.u32 @!p1 s7, $0x11;
	s1 =	sadd.s32 @!p1 $0x11C3C, s1;
	[sflag:s0] =	ssyncset.done @!p1 $0x0  }
0x500: {  	[sflag:s0] =	ssyncadd.s32 @!p1 $0xFFFFFFF6;
	s0 =	sor.u32 @!p1 s2, s1  }
0x501: {  	[sflag:s0] =	ssyncadd.remote.s32 @!p1 $0xFFFFFFFF;
	s0 =	simm.s32 $0x0  }
0x502: {  	s0 =	simm.s32 $0x6099  }
0x503: {  	v0 =	vld.msk [tilespmem:s0+$0x0], $0x1;
	_ =	sdelay $0x4  }
0x504: {  	(v2sf) =	vpush v0, $0x0;
	_ =	sdelay $0xc  }
0x505: {  	s1 =	sadd.s32 $0xFFFFFFFE, s3  }
0x506: {  	s1 =	sadd.s32 $0xFFFFFFFF, s1  }
0x507: {  	p2 =	sne.s32 s1, $0x0;
	s2 =	spop (v2sf)  }
.Ltmp40:
0x508: {  	p1 =	sgt.u32 s2, $0x9C3FC;
	(pc) =	sbr.rel @!p2 .LBB3_41-.Ltmp40, $4  }
0x509: {  	s6 =	simm.s32 $0x0;
	s3 =	sand.u32 @!p1 $0xFFFF8, s2  }
0x50a: {  	s0 =	simm.s32 $0x60D8;
	s2 =	sand.u32 @!p1 $0x7, s2;
	s3 =	sadd.s32 @!p1 s4, s3  }
0x50b: {  	[hbm4b:s3+s2] =	stream.linear.scatter @!p1 [tilespmem:s0], [sflag:$0x5], $0x20, $0x38;
	[tilespmem:$0x1EC48] =	vst v63  }
0x50c: {  	s6 =	simm.s32 @!p1 $0x80;
	s2 =	simm.s32 $0x0;
	s3 =	simm.s32 $0x609A  }
.LBB3_40:
0x50d: {  	v0 =	vld.msk [tilespmem:s3+$0x0], $0x1;
	s1 =	sadd.s32 $0xFFFFFFFF, s1;
	s2 =	sadd.s32 s2, s6  }
0x50e: {  	p1 =	sne.s32 s1, $0x0;
	_ =	sdelay $0x3  }
0x50f: {  	(v2sf) =	vpush v0, $0x0;
	_ =	sdelay $0xe  }
.Ltmp41:
0x510: {  	s5 =	spop (v2sf);
	(pc) =	sbr.rel @p1 .LBB3_40-.Ltmp41, $4  }
0x511: {  	s6 =	simm.s32 $0x0;
	p2 =	sgt.u32 s5, $0x9C3FC  }
0x512: {  	s0 =	sadd.s32 $0x20, s0;
	s6 =	simm.s32 @!p2 $0x80;
	s7 =	sand.u32 @!p2 $0xFFFF8, s5  }
0x513: {  	s3 =	sadd.s32 $0x1, s3;
	s5 =	sand.u32 @!p2 $0x7, s5;
	s7 =	sadd.s32 @!p2 s4, s7  }
0x514: {  	[hbm4b:s7+s5] =	stream.linear.scatter @!p2 [tilespmem:s0], [sflag:$0x5], $0x20, $0x38;
	[tilespmem:$0x1EC48] =	vst v63  }
.LBB3_41:
0x515: {  	s0 =	sadd.s32 s2, s6  }
0x516: {  	s0 =	sshrl.u32 s0, $0x2  }
.LBB3_42:
0x517: {  	s1 =	simm.s32 $0x5  }
0x518: {  	_ =	swait.ge [sflag:s1], s0  }
0x519: {  	s31 =	ssub.s32 $0x0, s0;
	[sflag:s1] =	ssyncset.done $0x0  }
0x51a: {  	[sflag:s1] =	ssyncadd.s32 s31  }
0x51b: {  	[sflag:s1] =	ssyncpa.u1 $0x1  }
.LBB3_43:
0x51c: {  	s0 =	sor.u32 s15, s14  }
0x51d: {  	p1 =	sne.s32 s0, $0x0  }
.Ltmp42:
0x51e: {  	_ = 	snop;
	(pc) =	sbr.rel @p1 .LBB3_58-.Ltmp42, $3  }
0x51f: {  	_ =	sdelay $0x1  }
0x520: {  	[bflag:$0x0] =	sbarrier.arrive $0xFFFF  }
0x521: {  	_ =	sfence  }
0x522: {  	s0 =	simm.s32 $0x7  }
0x523: {  	s1 =	simm.s32 $0x400;
	s2 =	simm.s32 $0x6098;
	[sflag:s0] =	ssyncpa.u1 $0x0  }
0x524: {  	[tilespmem:s2], [sflag:$0x7] =	stream.linear.gather [spmem:s1], $0x20, $0x38;
	[tilespmem:$0x1EC48] =	vst v63  }
0x525: {  	s30 =	simm.s32 $0x60B8;
	s1 =	simm.s32 $0x0  }
0x526: {  	[tilespmem:s30], [sflag:$0x7] =	stream.linear.gather [spmem:s1], $0x400, $0x38;
	[tilespmem:$0x1EC48] =	vst v63  }
.Ltmp43:
0x527: {  	_ = 	snop;
	(pc) =	sbr.rel .LBB3_45-.Ltmp43, $4  }
0x528: {  	_ =	swait.ge [sflag:s0], $0x420  }
0x529: {  	[sflag:s0] =	ssyncset.done $0x0  }
0x52a: {  	s31 =	simm.s32 $0x8;
	[sflag:s0] =	ssyncadd.s32 $0xFFFFFBE0  }
0x52b: {  	s2 =	simm.s32 $0x0;
	[sflag:s31] =	ssyncpa.u1 $0x0  }
.LBB3_51:
0x52c: {  	p1 =	slt.u32 s3, $0x9C3FD  }
0x52d: {  	s0 =	sand.u32 @p1 $0xFFFF8, s3  }
0x52e: {  	s3 =	sand.u32 @p1 $0x7, s3;
	s5 =	simm.s32 @p1 $0x6068;
	s0 =	sadd.s32 @p1 s4, s0  }
0x52f: {  	[tilespmem:s5], [sflag:$0x8] =	stream.linear.gather @p1 [hbm4b:s0+s3], $0x20, $0x38;
	[tilespmem:$0x1EC48] =	vst v63  }
0x530: {  	s0 =	simm.s32 @p1 $0x8  }
0x531: {  	_ =	swait.ge @p1 [sflag:s0], $0x20  }
0x532: {  	[sflag:s0] =	ssyncset.done @p1 $0x0  }
0x533: {  	[sflag:s0] =	ssyncadd.s32 @p1 $0xFFFFFFE0  }
0x534: {  	v1 =	vld @p1 [tilespmem:$0x6068];
	_ =	sdelay $0x2  }
0x535: {  	s0 =	sshll.u32 @p1 s2, $0x7  }
0x536: {  	s3 =	sshrl.u32 @p1 s0, $0x2  }
0x537: {  	[tilespmem:s3+$0x60B8] =	vst.add.f32.msk @p1 $0xffff, v1  }
0x538: {  	v1 =	vld @p1 [tilespmem:$0x6078];
	_ =	sdelay $0x3  }
0x539: {  	s5 =	sshll.u32 @!p1 s2, $0x7  }
0x53a: {  	s5 =	smov.u32 @p1 s0;
	[tilespmem:s3+$0x60C8] =	vst.add.f32.msk @p1 $0xffff, v1  }
0x53b: {  	s0 =	sshrl.u32 s5, $0x2;
	[tilespmem:s1+$0x6098] =	vst.msk $0x1, v0  }
0x53c: {  	v0 =	vld [tilespmem:s0+$0x60B8];
	_ =	sdelay $0x2  }
0x53d: {  	s31 =	sshll.u32 s1, $0x7  }
0x53e: {  	s3 =	sshra.s32 s31, $0x2  }
0x53f: {  	[tilespmem:s3+$0x60B8] =	vst v0  }
0x540: {  	v0 =	vld [tilespmem:s0+$0x60C8];
	_ =	sdelay $0x4  }
0x541: {  	s1 =	sadd.s32 $0x1, s1;
	[tilespmem:s3+$0x60C8] =	vst v0  }
.LBB3_52:
0x542: {  	s2 =	sadd.s32 $0x1, s2  }
0x543: {  	p1 =	sne.s32 s2, $0x20  }
.Ltmp44:
0x544: {  	_ = 	snop;
	(pc) =	sbr.rel @!p1 .LBB3_53-.Ltmp44, $1  }
0x545: {  	_ =	sdelay $0x3  }
.LBB3_45:
0x546: {  	v0 =	vld.msk [tilespmem:s2+$0x6098], $0x1;
	_ =	sdelay $0x4  }
0x547: {  	(v2sf) =	vpush v0, $0x0;
	_ =	sdelay $0xe  }
0x548: {  	s3 =	spop (v2sf)  }
0x549: {  	p1 =	seq.s32 s3, $0xFFFFFFFF  }
.Ltmp45:
0x54a: {  	_ = 	snop;
	(pc) =	sbr.rel @p1 .LBB3_52-.Ltmp45, $1  }
0x54b: {  	_ =	sdelay $0x3  }
0x54c: {  	p1 =	slt.s32 s1, $0x1  }
.Ltmp46:
0x54d: {  	_ = 	snop;
	(pc) =	sbr.rel @p1 .LBB3_51-.Ltmp46, $1  }
0x54e: {  	_ =	sdelay $0x3  }
0x54f: {  	s0 =	simm.s32 $0x6098;
	p1 =	por $0x0, $0x0  }
0x550: {  	v1 =	vld.msk @!p1 [tilespmem:s0+$0x0], $0x1;
	_ =	sdelay $0x4  }
0x551: {  	(v2sf) =	vpush @!p1 v1, $0x0;
	_ =	sdelay $0xd  }
0x552: {  	p3 =	sne.s32 s1, $0x1  }
.Ltmp47:
0x553: {  	s5 =	spop @!p1 (v2sf);
	(pc) =	sbr.rel @!p3 .LBB3_49-.Ltmp47, $4  }
0x554: {  	p2 =	seq.s32 @!p1 s3, s5  }
0x555: {  	s5 =	simm.s32 $0x0;
	p2 =	por !p2, p1  }
0x556: {  	s7 =	simm.s32 $0xFFFFFFFF;
	s5 =	simm.s32 @p2 $0xFFFFFFFF  }
0x557: {  	s6 =	simm.s32 $0x1;
	s5 =	smov.u32 @p1 s7  }
.LBB3_48:
0x558: {  	s7 =	smov.u32 s5;
	p1 =	sne.s32 s5, $0xFFFFFFFF  }
0x559: {  	s0 =	sadd.s32 $0x1, s0;
	s5 =	smov.u32 s6;
	s6 =	sadd.s32 $0x1, s6  }
0x55a: {  	p2 =	sne.s32 s1, s6;
	v1 =	vld.msk @!p1 [tilespmem:s0+$0x0], $0x1;
	_ =	sdelay $0x4  }
0x55b: {  	(v2sf) =	vpush @!p1 v1, $0x0;
	_ =	sdelay $0xe  }
.Ltmp48:
0x55c: {  	s8 =	spop @!p1 (v2sf);
	(pc) =	sbr.rel @p2 .LBB3_48-.Ltmp48, $4  }
0x55d: {  	p3 =	seq.s32 @!p1 s3, s8  }
0x55e: {  	p3 =	por !p3, p1  }
0x55f: {  	s5 =	simm.s32 @p3 $0xFFFFFFFF  }
0x560: {  	s5 =	smov.u32 @p1 s7  }
.LBB3_49:
0x561: {  	p1 =	seq.s32 s5, $0xFFFFFFFF  }
.Ltmp49:
0x562: {  	_ = 	snop;
	(pc) =	sbr.rel @p1 .LBB3_51-.Ltmp49, $1  }
0x563: {  	_ =	sdelay $0x3  }
0x564: {  	s0 =	sshll.u32 s2, $0x5  }
0x565: {  	s0 =	sand.u32 $0x3FFFFFE0, s0  }
0x566: {  	v0 =	vld [tilespmem:s0+$0x60B8];
	_ =	sdelay $0x2  }
0x567: {  	s3 =	sshll.u32 s5, $0x7  }
0x568: {  	s3 =	sshra.s32 s3, $0x2  }
0x569: {  	[tilespmem:s3+$0x60B8] =	vst.add.f32.msk $0xffff, v0  }
0x56a: {  	v0 =	vld [tilespmem:s0+$0x60C8]  }
.Ltmp50:
0x56b: {  	_ = 	snop;
	(pc) =	sbr.rel .LBB3_52-.Ltmp50, $2  }
0x56c: {  	_ =	sdelay $0x2  }
0x56d: {  	[tilespmem:s3+$0x60C8] =	vst.add.f32.msk $0xffff, v0  }
.LBB3_53:
0x56e: {  	p1 =	slt.s32 s1, $0x1  }
.Ltmp51:
0x56f: {  	_ = 	snop;
	(pc) =	sbr.rel @p1 .LBB3_57-.Ltmp51, $3  }
0x570: {  	_ =	sdelay $0x1  }
0x571: {  	s0 =	simm.s32 $0x8  }
0x572: {  	s2 =	simm.s32 $0x0;
	[sflag:s0] =	ssyncpa.u1 $0x1  }
0x573: {  	s0 =	simm.s32 $0x6098  }
0x574: {  	v0 =	vld.msk [tilespmem:s0+$0x0], $0x1;
	_ =	sdelay $0x4  }
0x575: {  	(v2sf) =	vpush v0, $0x0;
	_ =	sdelay $0xe  }
0x576: {  	s1 =	sadd.s32 $0xFFFFFFFF, s1;
	s3 =	spop (v2sf)  }
0x577: {  	p2 =	sne.s32 s1, $0x0;
	p1 =	sgt.u32 s3, $0x9C3FC  }
.Ltmp52:
0x578: {  	s5 =	sand.u32 @!p1 $0xFFFF8, s3;
	(pc) =	sbr.rel @!p2 .LBB3_56-.Ltmp52, $4  }
0x579: {  	s0 =	simm.s32 $0x60B8;
	s3 =	sand.u32 @!p1 $0x7, s3;
	s5 =	sadd.s32 @!p1 s4, s5  }
0x57a: {  	[hbm4b:s5+s3] =	stream.linear.scatter @!p1 [tilespmem:s0], [sflag:$0x7], $0x20, $0x38;
	[tilespmem:$0x1EC48] =	vst v63  }
0x57b: {  	s5 =	simm.s32 $0x0  }
0x57c: {  	s3 =	simm.s32 $0x6099;
	s5 =	simm.s32 @!p1 $0x80  }
.LBB3_55:
0x57d: {  	v0 =	vld.msk [tilespmem:s3+$0x0], $0x1;
	s1 =	sadd.s32 $0xFFFFFFFF, s1;
	s2 =	sadd.s32 s2, s5  }
0x57e: {  	p1 =	sne.s32 s1, $0x0;
	_ =	sdelay $0x3  }
0x57f: {  	(v2sf) =	vpush v0, $0x0;
	_ =	sdelay $0xe  }
.Ltmp53:
0x580: {  	s6 =	spop (v2sf);
	(pc) =	sbr.rel @p1 .LBB3_55-.Ltmp53, $4  }
0x581: {  	s5 =	simm.s32 $0x0;
	p2 =	sgt.u32 s6, $0x9C3FC  }
0x582: {  	s0 =	sadd.s32 $0x20, s0;
	s5 =	simm.s32 @!p2 $0x80;
	s7 =	sand.u32 @!p2 $0xFFFF8, s6  }
0x583: {  	s3 =	sadd.s32 $0x1, s3;
	s6 =	sand.u32 @!p2 $0x7, s6;
	s7 =	sadd.s32 @!p2 s4, s7  }
0x584: {  	[hbm4b:s7+s6] =	stream.linear.scatter @!p2 [tilespmem:s0], [sflag:$0x7], $0x20, $0x38;
	[tilespmem:$0x1EC48] =	vst v63  }
.LBB3_56:
0x585: {  	s0 =	sadd.s32 s2, s5  }
0x586: {  	s2 =	sshrl.u32 s0, $0x2  }
.LBB3_57:
0x587: {  	s0 =	simm.s32 $0x7  }
0x588: {  	_ =	swait.ge [sflag:s0], s2  }
0x589: {  	s1 =	ssub.s32 $0x0, s2;
	[sflag:s0] =	ssyncset.done $0x0  }
0x58a: {  	[sflag:s0] =	ssyncadd.s32 s1  }
0x58b: {  	[sflag:s0] =	ssyncpa.u1 $0x1  }
.LBB3_58:
0x58c: {  	_ =	sfence;
	s0 =	simm.s32 $0x1  }
0x58d: {  	[sflag:s0] =	ssyncpa.u1 $0x1  }
0x58e: {  	_ =	strace $0x90000059  }
0x58f: {  	[bflag:$0x2] =	sbarrier.arrive $0xFFFF  }
0x590: {  	s0 =	rddreg [dreg:$0x3]  }
0x591: {  	s0 =	sadd.s32 @!p0 $0x100000, s0  }
0x592: {  	[sflag:s0] =	ssyncadd.tile.s32 @!p0 $0x1;
	_ =	shalt  }
.Lfunc_end3:
_tile_overlayer_lowered:
.L_overlay_start_3:
0x593: {  	(tag) =	ssettag $0x3  }
0x594: {  	s0 =	rddreg [dreg:$0x0];
	s2 =	stileid.u32  }
0x595: {  	s1 =	rddreg [dreg:$0x1];
	p0 =	sne.s32 s2, $0x0  }
0x596: {  	s3 =	rddreg [dreg:$0x2];
	[bflag:$0x3] =	sbarrier.arrive $0xFFFF;
	s2 =	simm.s32 @!p0 $0x1C01  }
0x597: {  	[timem:s3], [sflag:s2] =	dma.local @!p0 [hbm:s0], s1  }
0x598: {  	s0 =	simm.s32 @!p0 $0x1  }
0x599: {  	_ =	swait.ge @!p0 [sflag:s0], s1  }
0x59a: {  	s1 =	ssub.s32 @!p0 $0x0, s1;
	[sflag:s0] =	ssyncset.done @!p0 $0x0  }
0x59b: {  	[sflag:s0] =	ssyncadd.s32 @!p0 s1  }
0x59c: {  	[bflag:$0x3] =	sbarrier.arrive $0xFFFF  }
0x59d: {  	_ =	shalt  }

// kernel: sparse-core-data-format-call.1.cloned.1.call-start
scs
called_computation.3_lowered:
.L_overlay_start_0:
0x0: {  	s2 =	sld [smem:$0x3FD9]  }
0x1: {  	s3 =	sld [smem:$0x3FFE];
	_ =	sdelay $0x1  }
0x2: {  	s1 =	srdreg.scid  }
0x3: {  	s0 =	sand.u32 $0x1, s1  }
0x4: {  	s18 =	sshll.u32 s0, $0xA;
	s2 =	sadd.s32 s3, s2  }
0x5: {  	s2 =	sadd.s32 s2, s18  }
0x6: {  	[smem:$0x3FBD] =	sst s2  }
0x7: {  	_ = 	snop  }
0x8: {  	(tm) =	ssettm $0x1  }
0x9: {  	s19 =	sld [smem:$0x3FFB];
	_ =	sdelay $0x3  }
0xa: {  	_ =	strace s19  }
0xb: {  	s2 =	sld [smem:$0x3FFC];
	_ =	sdelay $0x3  }
0xc: {  	_ =	strace s2  }
0xd: {  	s2 =	sld [smem:$0x3FFD];
	_ =	sdelay $0x3  }
0xe: {  	_ =	strace s2  }
0xf: {  	_ =	strace $0x8FFFFFFF  }
0x10: {  	s20 =	sld [smem:$0x3FDB];
	_ =	sdelay $0x1  }
0x11: {  	s21 =	simm.s32 $_scs_section_size  }
0x12: {  	s4 =	simm.s32 $_size__tile_overlayer_lowered;
	s5 =	simm.s32 $_tile_overlayer_lowered  }
0x13: {  	s6 =	simm.s32 $0x1BFF;
	s22 =	sshll.u32 s5, $0x1;
	s3 =	sadd.s32 s21, s20  }
0x14: {  	s23 =	simm.s32 $0x0;
	s4 =	sshll.u32 s4, $0x1;
	s5 =	sadd.s32 s22, s3  }
0x15: {  	[timem:s23], [sflag:s6] =	dma.local [hbm:s5], s4  }
0x16: {  	_ =	swait.ge [sflag:s6], s4  }
0x17: {  	s4 =	ssub.s32 $0x0, s4;
	[sflag:s6] =	ssyncset.done $0x0  }
0x18: {  	[sflag:s6] =	ssyncadd.s32 s4;
	_ =	sdelay $0x1  }
0x19: {  	s24 =	simm.s32 $0x1B8B  }
0x1a: {  	_ =	swait.ge [sflag:s24], $0x1  }
0x1b: {  	[sflag:s24] =	ssyncset.done $0x0  }
0x1c: {  	[sflag:s24] =	ssyncadd.s32 $0xFFFFFFFF  }
0x1d: {  	s4 =	sld [smem:$0x0]  }
0x1e: {  	s5 =	sand.u32 $0xFFFFFFFE, s1  }
0x1f: {  	p0 =	sne.s32 s1, s5  }
0x20: {  	s5 =	sshll.u32 @p0 s5, $0xE  }
0x21: {  	s5 =	sadd.s32 @p0 $0x11B8D, s5;
	s6 =	sshll.u32 @p0 s4, $0x11  }
0x22: {  	s5 =	sor.u32 @p0 s6, s5  }
0x23: {  	[sflag:s5] =	ssyncadd.remote.s32 @p0 $0x1;
	_ =	sdelay $0x1  }
0x24: {  	s5 =	simm.s32 @p0 $0x1B8D  }
0x25: {  	_ =	swait.eq @p0 [sflag:s5], $0x1  }
0x26: {  	[sflag:s5] =	ssyncadd.s32 @p0 $0xFFFFFFFF  }
0x27: {  	s6 =	sshll.u32 @!p0 s1, $0xE  }
0x28: {  	s6 =	sor.u32 @!p0 $0x4000, s6;
	s5 =	simm.s32 @!p0 $0x1B8D  }
0x29: {  	s4 =	sshll.u32 @!p0 s4, $0x11;
	s6 =	sadd.s32 @!p0 $0x11B8D, s6;
	_ =	swait.eq @!p0 [sflag:s5], $0x1  }
0x2a: {  	s4 =	sor.u32 @!p0 s4, s6;
	[sflag:s5] =	ssyncadd.s32 @!p0 $0xFFFFFFFF  }
0x2b: {  	s26 =	simm.s32 $0x1B8E;
	s25 =	sld [smem:$0x3FFE];
	[sflag:s4] =	ssyncadd.remote.s32 @!p0 $0x1  }
0x2c: {  	s27 =	simm.s32 $execute0_lowered;
	[smem:$0x3FD2] =	sst s26  }
0x2d: {  	s5 =	sshll.u32 s27, $0x1;
	_ =	strace $0x8000004C;
	[dreg:$0x1] =	wrdreg $0xFFFFFFFF  }
0x2e: {  	s28 =	simm.s32 $_size_execute0_lowered;
	s3 =	sadd.s32 s3, s5;
	[dreg:$0x0] =	wrdreg $0x0  }
0x2f: {  	s5 =	sshll.u32 s28, $0x1;
	[dreg:$0x2] =	wrdreg s3  }
0x30: {  	[dreg:$0x3] =	wrdreg s5  }
0x31: {  	[dreg:$0x4] =	wrdreg $0xC0  }
0x32: {  	_ =	task [dreg:s23], $0x5FFFF  }
0x33: {  	[dreg:$0x1] =	wrdreg $0xFFFFFFFF  }
0x34: {  	[dreg:$0x0] =	wrdreg $0x60  }
0x35: {  	[dreg:$0x2] =	wrdreg s25  }
0x36: {  	[dreg:$0x3] =	wrdreg $0xB  }
0x37: {  	_ =	task.clear_ibuf [dreg:s23], $0x4FFFF;
	_ =	strace $0x9000004C  }
0x38: {  	s29 =	simm.s32 $0xB;
	_ =	strace $0x8000004E  }
0x39: {  	_ =	swait.ge [sflag:s29], $0x1  }
0x3a: {  	[sflag:s29] =	ssyncadd.s32 $0xFFFFFFFF  }
0x3b: {  	_ =	strace $0x9000004E  }
0x3c: {  	_ =	sfence  }
0x3d: {  	s30 =	sld [smem:$0x0];
	_ =	sdelay $0x2  }
0x3e: {  	s31 =	sshll.u32 s1, $0xD;
	s1 =	sshrl.u32 s1, $0x2  }
0x3f: {  	s4 =	sand.u32 $0x4000, s31;
	s1 =	sadd.s32 s1, s30  }
0x40: {  	s0 =	sor.u32 s4, s0;
	s1 =	sshll.u32 s1, $0x11  }
0x41: {  	s0 =	sor.u32 s1, s0  }
0x42: {  	s0 =	sadd.s32 $0x8F2B, s0  }
0x43: {  	[sflag:s0] =	ssyncadd.remote.s32 $0x1  }
0x44: {  	_ =	sfence.sel $0xFFFF  }
0x45: {  	[dreg:$0x0] =	wrdreg $0xFFFFFFFF;
	(pc) =	sbr.abs _section_cstart, $3  }
0x46: {  	[dreg:$0x1] =	wrdreg $0xFFFFFFFF  }
0x47: {  	_ =	task.clear_ibuf [dreg:s23], $0x2FFFF;
	_ =	strace $0x9FFFFFFF  }
0x48: {  	(tm) =	ssettm $0x7FFFFFFF  }
0x49: {  	_ =	shalt  }
tec
execute0_lowered:
.L_overlay_start_1:
0x0: {  	(tag) =	ssettag $0x1  }
0x1: {  	s0 =	srdreg.scid  }
0x2: {  	s6 =	rddreg [dreg:$0x0];
	s7 =	simm.s32 $0x1;
	s1 =	sshll.u32 s0, $0x4  }
0x3: {  	s8 =	simm.s32 $0x2;
	s0 =	stileid.u32;
	s1 =	sand.u32 $0x10, s1  }
0x4: {  	s13 =	simm.s32 $0x0;
	s12 =	simm.s32 $0x0;
	s1 =	sor.u32 s0, s1  }
0x5: {  	s10 =	simm.s32 $0x0;
	s11 =	simm.s32 $0x0;
	s2 =	sshll.u32 s1, $0x9  }
0x6: {  	s3 =	sadd.s32 $0x49400, s6;
	s6 =	sadd.s32 $0x983C00, s6;
	s5 =	ssub.s32 $0x4E200, s2  }
.Ltmp0:
0x7: {  	s1 =	rddreg [dreg:$0x1];
	s4 =	sand.u32 $0x3E00, s5;
	(pc) =	sbr.rel .LBB1_1-.Ltmp0, $4  }
0x8: {  	_ =	strace $0x8000004D;
	s9 =	smov.u32 s2;
	p0 =	sne.s32 s4, $0x0  }
0x9: {  	s5 =	sshrl.u32 s5, $0xE;
	s4 =	simm.s32 $0x1;
	s7 =	simm.s32 @!p0 $0x0  }
0xa: {  	[sflag:s4] =	ssyncpa.u1 $0x0;
	p0 =	por $0x0, $0x0;
	s5 =	sadd.s32 s7, s5  }
0xb: {  	[sflag:s8] =	ssyncpa.u1 $0x0;
	s8 =	simm.s32 $0x80;
	s7 =	sadd.s32 $0x1, s5  }
.LBB1_4:
0xc: {  	_ = 	snop  }
0xd: {  	[tilespmem:s18+$0x2D60 ss:$0x21] =	vst.msk $0xffff, v7  }
0xe: {  	[tilespmem:s18+$0x2F70 ss:$0x21] =	vst.msk $0xffff, v6  }
0xf: {  	[tilespmem:s18+$0x3390 ss:$0x21] =	vst.msk $0xffff, v3  }
0x10: {  	s21 =	sor.u32 s24, s23;
	v31 =	vld.idx.msk [tilespmem:v0+s16+$0xC70 ss:$0x1], $0xffff;
	[tilespmem:s18+$0x35A0 ss:$0x21] =	vst.msk $0xffff, v1  }
0x11: {  	[tilespmem:s18+$0x37B0 ss:$0x21] =	vst.msk $0xffff, v2;
	v43 =	vld.idx.msk [tilespmem:v0+s21+$0x410 ss:$0x1], $0xffff  }
0x12: {  	[tilespmem:s18+$0x39C0 ss:$0x21] =	vst.msk $0xffff, v4;
	v44 =	vld.idx.msk [tilespmem:v0+s21+$0x420 ss:$0x1], $0xffff  }
0x13: {  	[tilespmem:s18+$0x3BD0 ss:$0x21] =	vst.msk $0xffff, v5;
	s22 =	sand.u32 $0x3200, s21;
	v45 =	vld.idx.msk [tilespmem:v0+s21+$0x430 ss:$0x1], $0xffff  }
0x14: {  	s20 =	sand.u32 $0x180, s20;
	s25 =	sshra.s32 s19, $0x2;
	[tilespmem:s18+$0x3DE0 ss:$0x21] =	vst.msk $0xffff, v8;
	v46 =	vld.idx.msk [tilespmem:v0+s21+$0x440 ss:$0x1], $0xffff;
	s15 =	sadd.s32 s22, s15  }
0x15: {  	v47 =	vld.idx.msk [tilespmem:v0+s21+$0x450 ss:$0x1], $0xffff;
	s24 =	sadd.s32 s20, s15;
	s15 =	sadd.s32 s25, s17;
	[tilespmem:s18+$0x3FF0 ss:$0x21] =	vst.msk $0xffff, v31  }
0x16: {  	v48 =	vld.idx.msk [tilespmem:v0+s21+$0x460 ss:$0x1], $0xffff;
	[tilespmem:s15+$0x1290 ss:$0x21] =	vst.msk $0xffff, v43  }
0x17: {  	v49 =	vld.idx.msk [tilespmem:v0+s21+$0x470 ss:$0x1], $0xffff;
	[tilespmem:s15+$0x14A0 ss:$0x21] =	vst.msk $0xffff, v44  }
0x18: {  	v50 =	vld.idx.msk [tilespmem:v0+s21+$0x810 ss:$0x1], $0xffff;
	[tilespmem:s15+$0x16B0 ss:$0x21] =	vst.msk $0xffff, v45  }
0x19: {  	v51 =	vld.idx.msk [tilespmem:v0+s21+$0x820 ss:$0x1], $0xffff;
	[tilespmem:s15+$0x18C0 ss:$0x21] =	vst.msk $0xffff, v46  }
0x1a: {  	v52 =	vld.idx.msk [tilespmem:v0+s21+$0x830 ss:$0x1], $0xffff;
	[tilespmem:s15+$0x1AD0 ss:$0x21] =	vst.msk $0xffff, v47  }
0x1b: {  	v53 =	vld.idx.msk [tilespmem:v0+s21+$0x840 ss:$0x1], $0xffff;
	[tilespmem:s15+$0x1CE0 ss:$0x21] =	vst.msk $0xffff, v48  }
0x1c: {  	v54 =	vld.idx.msk [tilespmem:v0+s21+$0x850 ss:$0x1], $0xffff;
	[tilespmem:s15+$0x1EF0 ss:$0x21] =	vst.msk $0xffff, v49  }
0x1d: {  	v55 =	vld.idx.msk [tilespmem:v0+s21+$0x860 ss:$0x1], $0xffff;
	[tilespmem:s15+$0x2310 ss:$0x21] =	vst.msk $0xffff, v50  }
0x1e: {  	v56 =	vld.idx.msk [tilespmem:v0+s21+$0x870 ss:$0x1], $0xffff;
	[tilespmem:s15+$0x2520 ss:$0x21] =	vst.msk $0xffff, v51  }
0x1f: {  	v57 =	vld.idx.msk [tilespmem:v0+s21+$0xC10 ss:$0x1], $0xffff;
	[tilespmem:s15+$0x2730 ss:$0x21] =	vst.msk $0xffff, v52  }
0x20: {  	v58 =	vld.idx.msk [tilespmem:v0+s21+$0xC20 ss:$0x1], $0xffff;
	[tilespmem:s15+$0x2940 ss:$0x21] =	vst.msk $0xffff, v53  }
0x21: {  	v59 =	vld.idx.msk [tilespmem:v0+s21+$0xC30 ss:$0x1], $0xffff;
	[tilespmem:s15+$0x2B50 ss:$0x21] =	vst.msk $0xffff, v54  }
0x22: {  	v60 =	vld.idx.msk [tilespmem:v0+s21+$0xC40 ss:$0x1], $0xffff;
	[tilespmem:s15+$0x2D60 ss:$0x21] =	vst.msk $0xffff, v55  }
0x23: {  	v61 =	vld.idx.msk [tilespmem:v0+s21+$0xC50 ss:$0x1], $0xffff;
	[tilespmem:s15+$0x2F70 ss:$0x21] =	vst.msk $0xffff, v56  }
0x24: {  	v62 =	vld.idx.msk [tilespmem:v0+s21+$0xC60 ss:$0x1], $0xffff;
	[tilespmem:s15+$0x3390 ss:$0x21] =	vst.msk $0xffff, v57  }
0x25: {  	v63 =	vld.idx.msk [tilespmem:v0+s21+$0xC70 ss:$0x1], $0xffff;
	[tilespmem:s15+$0x35A0 ss:$0x21] =	vst.msk $0xffff, v58  }
0x26: {  	v32 =	vld [tilespmem:s24+$0xC00];
	[tilespmem:s15+$0x37B0 ss:$0x21] =	vst.msk $0xffff, v59  }
0x27: {  	v33 =	vld [tilespmem:s24+$0x0];
	[tilespmem:s15+$0x39C0 ss:$0x21] =	vst.msk $0xffff, v60  }
0x28: {  	v34 =	vld [tilespmem:s24+$0x10];
	[tilespmem:s15+$0x3BD0 ss:$0x21] =	vst.msk $0xffff, v61  }
0x29: {  	s13 =	sshll.u32 s13, $0x7;
	s26 =	sshll.u32 s12, $0x3;
	v35 =	vld [tilespmem:s24+$0x20];
	[tilespmem:s15+$0x3DE0 ss:$0x21] =	vst.msk $0xffff, v62  }
0x2a: {  	s27 =	sand.u32 $0xFFFFFC00, s13;
	s16 =	sand.u32 $0xFFFFFC00, s26;
	v36 =	vld [tilespmem:s24+$0x30];
	[tilespmem:s15+$0x3FF0 ss:$0x21] =	vst.msk $0xffff, v63  }
0x2b: {  	s13 =	sand.u32 $0x380, s13;
	s16 =	sadd.s32 s16, s27;
	v37 =	vld [tilespmem:s24+$0x40];
	[tilespmem:s15+$0x3180 ss:$0x21] =	vst.msk $0xffff, v32  }
0x2c: {  	s13 =	sor.u32 s13, s16;
	v38 =	vld [tilespmem:s24+$0x50];
	[tilespmem:s15+$0x0 ss:$0x21] =	vst.msk $0xffff, v33  }
0x2d: {  	v39 =	vld [tilespmem:s24+$0x60];
	s13 =	sshrl.u32 s13, $0x7;
	[tilespmem:s15+$0x210 ss:$0x21] =	vst.msk $0xffff, v34  }
0x2e: {  	v40 =	vld [tilespmem:s24+$0x70];
	s28 =	smulhi.u32 $0x1A36E2F, s13;
	[tilespmem:s15+$0x420 ss:$0x21] =	vst.msk $0xffff, v35  }
0x2f: {  	v41 =	vld [tilespmem:s24+$0x400];
	[tilespmem:s15+$0x630 ss:$0x21] =	vst.msk $0xffff, v36  }
0x30: {  	v42 =	vld [tilespmem:s24+$0x800];
	s16 =	sshrl.u32 s28, $0xB;
	[tilespmem:s15+$0x840 ss:$0x21] =	vst.msk $0xffff, v37  }
0x31: {  	s16 =	smul.u32 $0x4E200, s16;
	[tilespmem:s15+$0xA50 ss:$0x21] =	vst.msk $0xffff, v38  }
0x32: {  	s29 =	sshrl.u32 s12, $0x3;
	[tilespmem:s15+$0xC60 ss:$0x21] =	vst.msk $0xffff, v39  }
0x33: {  	s31 =	sand.u32 $0x7, s12;
	s30 =	sand.u32 $0xF, s29;
	[tilespmem:s15+$0xE70 ss:$0x21] =	vst.msk $0xffff, v40;
	s13 =	ssub.s32 s13, s16  }
0x34: {  	s12 =	sshll.u32 s31, $0x12;
	[tilespmem:s15+$0x1080 ss:$0x21] =	vst.msk $0xffff, v41;
	s16 =	sadd.s32 s6, s30;
	s13 =	sshll.u32 s13, $0x4  }
0x35: {  	s12 =	sor.u32 $0x20, s12;
	[tilespmem:s15+$0x2100 ss:$0x21] =	vst.msk $0xffff, v42;
	s13 =	sadd.s32 s13, s16  }
0x36: {  	[hbm4b:s13+s12] =	stream.strided.scatter [tilespmem:s14], [sflag:$0x2], $0x4000, s8, s12, $0x10;
	[tilespmem:$0x10400] =	vst v63  }
.LBB1_5:
0x37: {  	s14 =	sadd.s32 $0x4000, s9  }
0x38: {  	s12 =	sadd.s32 $0x20, s10;
	s16 =	smov.u32 s10;
	p2 =	sgt.s32 s14, $0x4E1FF  }
0x39: {  	s16 =	smov.u32 @p2 s12  }
0x3a: {  	s14 =	smov.u32 @p2 s2;
	p2 =	sgt.s32 s16, $0x1F  }
0x3b: {  	s16 =	simm.s32 @p2 $0x0;
	p2 =	sne.s32 s11, s7  }
.Ltmp1:
0x3c: {  	p1 =	slt.u32 s11, $0x2;
	(pc) =	sbr.rel @!p2 .LBB1_6-.Ltmp1, $4  }
0x3d: {  	s15 =	simm.s32 @!p1 $0x2  }
0x3e: {  	s13 =	smov.u32 s9;
	p0 =	por !p0, !p0;
	_ =	swait.ge @!p1 [sflag:s15], $0x4000  }
0x3f: {  	s12 =	smov.u32 s10;
	[sflag:s15] =	ssyncset.done @!p1 $0x0;
	s9 =	smov.u32 s14  }
0x40: {  	s11 =	sadd.s32 $0x1, s11;
	[sflag:s15] =	ssyncadd.s32 @!p1 $0xFFFFC000;
	s10 =	smov.u32 s16  }
.LBB1_1:
0x41: {  	p1 =	sge.u32 s11, s5  }
0x42: {  	s14 =	sshrl.u32 @!p1 s10, $0x3  }
0x43: {  	s15 =	sshll.u32 @!p1 s9, $0x3;
	s14 =	smul.u32 @!p1 $0x271000, s14  }
0x44: {  	s16 =	sshll.u32 @!p1 s10, $0x7;
	s15 =	sand.u32 @!p1 $0xFFFFFC00, s15  }
0x45: {  	s14 =	sadd.s32 @!p1 s14, s15;
	s15 =	sand.u32 @!p1 $0x380, s16  }
0x46: {  	s16 =	sand.u32 @!p1 $0x7F, s9;
	s14 =	sor.u32 @!p1 s15, s14  }
0x47: {  	s15 =	sor.u32 @!p1 s16, s14  }
0x48: {  	s16 =	smulhi.u32 @!p1 $0xD1B71759, s15;
	_ =	sdelay $0x1  }
0x49: {  	s14 =	smulhi.u32 @!p1 $0xD1B71759, s14;
	s16 =	sshrl.u32 @!p1 s16, $0x12  }
0x4a: {  	s16 =	smul.u32 @!p1 $0x4E200, s16  }
0x4b: {  	s31 =	sadd.s32 $0xFFFFFFFF, s11;
	s17 =	sxor.u32 @!p1 $0xFFFFFFFF, s11;
	s14 =	sshrl.u32 @!p1 s14, $0x12  }
0x4c: {  	s17 =	sshll.u32 @!p1 s17, $0xE;
	s14 =	sand.u32 @!p1 $0x1F, s14;
	s15 =	ssub.s32 @!p1 s15, s16  }
0x4d: {  	s14 =	smul.u32 @!p1 $0x9C40, s14;
	s16 =	sshrl.u32 @!p1 s15, $0x3;
	s15 =	sand.u32 @!p1 $0x7, s15  }
0x4e: {  	s17 =	sand.u32 @!p1 $0x4000, s17;
	s16 =	sadd.s32 @!p1 s3, s16;
	s15 =	sshll.u32 @!p1 s15, $0x12  }
0x4f: {  	s14 =	sadd.s32 @!p1 s14, s16;
	s15 =	sor.u32 @!p1 $0x1000, s15;
	s16 =	simm.s32 @!p1 $0x271000  }
0x50: {  	[tilespmem:s17], [sflag:$0x1] =	stream.strided.gather @!p1 [hbm4b:s14+s15], $0x4000, s16, s15, $0x38;
	[tilespmem:$0x10400] =	vst v63  }
0x51: {  	p1 =	sge.u32 s31, s5  }
.Ltmp2:
0x52: {  	_ = 	snop;
	(pc) =	sbr.rel @p1 .LBB1_5-.Ltmp2, $1  }
0x53: {  	_ =	sdelay $0x3  }
0x54: {  	s17 =	simm.s32 $0x0  }
0x55: {  	s16 =	sand.u32 $0x3000, s17;
	s18 =	sand.u32 $0x380, s17  }
0x56: {  	s14 =	sand.u32 $0x1, s11;
	s16 =	sor.u32 s18, s16  }
0x57: {  	_ =	swait.ge [sflag:s4], $0x4000;
	s15 =	sshll.u32 s14, $0xE;
	s18 =	sand.u32 $0x3200, s16  }
0x58: {  	[sflag:s4] =	ssyncset.done $0x0;
	s17 =	sand.u32 $0x180, s17;
	s18 =	sadd.s32 s18, s15  }
0x59: {  	[sflag:s4] =	ssyncadd.s32 $0xFFFFC000;
	s20 =	sadd.s32 s17, s18  }
0x5a: {  	v4 =	vld [tilespmem:s20+$0xC00]  }
0x5b: {  	s19 =	simm.s32 $0x1;
	v0 =	vmov s15;
	v5 =	vld [tilespmem:s20+$0x0]  }
0x5c: {  	s19 =	simm.s32 @!p0 $0x0;
	v6 =	vld [tilespmem:s20+$0x10]  }
0x5d: {  	s31 =	smul.u32 $0x10800, s19;
	v7 =	vld [tilespmem:s20+$0x20]  }
0x5e: {  	v8 =	vld [tilespmem:s20+$0x30]  }
0x5f: {  	s17 =	sshrl.u32 s31, $0x2;
	v9 =	vld [tilespmem:s20+$0x40]  }
0x60: {  	s17 =	sor.u32 $0x8000, s17;
	v1 =	vld.idx.msk [tilespmem:v0+s16+$0x410 ss:$0x1], $0xffff  }
0x61: {  	v2 =	vld.idx.msk [tilespmem:v0+s16+$0x420 ss:$0x1], $0xffff;
	s18 =	sadd.s32 $0x0, s17  }
0x62: {  	v3 =	vld.idx.msk [tilespmem:v0+s16+$0x430 ss:$0x1], $0xffff;
	[tilespmem:s18+$0x3180 ss:$0x21] =	vst.msk $0xffff, v4  }
0x63: {  	v10 =	vld.idx.msk [tilespmem:v0+s16+$0x820 ss:$0x1], $0xffff;
	[tilespmem:s18+$0x0 ss:$0x21] =	vst.msk $0xffff, v5  }
0x64: {  	v11 =	vld.idx.msk [tilespmem:v0+s16+$0x830 ss:$0x1], $0xffff;
	[tilespmem:s18+$0x210 ss:$0x21] =	vst.msk $0xffff, v6  }
0x65: {  	v12 =	vld.idx.msk [tilespmem:v0+s16+$0x840 ss:$0x1], $0xffff;
	[tilespmem:s18+$0x420 ss:$0x21] =	vst.msk $0xffff, v7  }
0x66: {  	v13 =	vld.idx.msk [tilespmem:v0+s16+$0x850 ss:$0x1], $0xffff;
	[tilespmem:s18+$0x630 ss:$0x21] =	vst.msk $0xffff, v8  }
0x67: {  	v4 =	vld [tilespmem:s20+$0x50];
	[tilespmem:s18+$0x840 ss:$0x21] =	vst.msk $0xffff, v9  }
0x68: {  	v5 =	vld [tilespmem:s20+$0x60];
	[tilespmem:s18+$0x1290 ss:$0x21] =	vst.msk $0xffff, v1  }
0x69: {  	v6 =	vld [tilespmem:s20+$0x70];
	[tilespmem:s18+$0x14A0 ss:$0x21] =	vst.msk $0xffff, v2  }
0x6a: {  	v7 =	vld [tilespmem:s20+$0x400];
	[tilespmem:s18+$0x16B0 ss:$0x21] =	vst.msk $0xffff, v3  }
0x6b: {  	v8 =	vld [tilespmem:s20+$0x800];
	[tilespmem:s18+$0x2520 ss:$0x21] =	vst.msk $0xffff, v10  }
0x6c: {  	v9 =	vld.idx.msk [tilespmem:v0+s16+$0x470 ss:$0x1], $0xffff;
	[tilespmem:s18+$0x2730 ss:$0x21] =	vst.msk $0xffff, v11  }
0x6d: {  	v3 =	vld.idx.msk [tilespmem:v0+s16+$0xC10 ss:$0x1], $0xffff;
	[tilespmem:s18+$0x2940 ss:$0x21] =	vst.msk $0xffff, v12  }
0x6e: {  	v1 =	vld.idx.msk [tilespmem:v0+s16+$0xC20 ss:$0x1], $0xffff;
	[tilespmem:s18+$0x2B50 ss:$0x21] =	vst.msk $0xffff, v13  }
0x6f: {  	v2 =	vld.idx.msk [tilespmem:v0+s16+$0xC30 ss:$0x1], $0xffff;
	[tilespmem:s18+$0xA50 ss:$0x21] =	vst.msk $0xffff, v4  }
0x70: {  	[tilespmem:s18+$0xE70 ss:$0x21] =	vst.msk $0xffff, v6;
	v6 =	vld.idx.msk [tilespmem:v0+s16+$0x460 ss:$0x1], $0xffff  }
0x71: {  	v4 =	vld.idx.msk [tilespmem:v0+s16+$0x440 ss:$0x1], $0xffff;
	[tilespmem:s18+$0xC60 ss:$0x21] =	vst.msk $0xffff, v5  }
0x72: {  	v5 =	vld.idx.msk [tilespmem:v0+s16+$0x450 ss:$0x1], $0xffff;
	[tilespmem:s18+$0x1080 ss:$0x21] =	vst.msk $0xffff, v7  }
0x73: {  	[tilespmem:s18+$0x2100 ss:$0x21] =	vst.msk $0xffff, v8;
	v8 =	vld.idx.msk [tilespmem:v0+s16+$0x810 ss:$0x1], $0xffff  }
0x74: {  	v7 =	vld.idx.msk [tilespmem:v0+s16+$0x860 ss:$0x1], $0xffff;
	[tilespmem:s18+$0x1EF0 ss:$0x21] =	vst.msk $0xffff, v9  }
0x75: {  	s14 =	smul.u32 $0x10800, s14;
	[tilespmem:s18+$0x1CE0 ss:$0x21] =	vst.msk $0xffff, v6;
	v6 =	vld.idx.msk [tilespmem:v0+s16+$0x870 ss:$0x1], $0xffff  }
0x76: {  	s21 =	simm.s32 $0x200;
	s22 =	simm.s32 $0x8;
	[tilespmem:s18+$0x18C0 ss:$0x21] =	vst.msk $0xffff, v4;
	v4 =	vld.idx.msk [tilespmem:v0+s16+$0xC40 ss:$0x1], $0xffff  }
0x77: {  	s23 =	sand.u32 $0x3000, s21;
	s14 =	sshrl.u32 s14, $0x2;
	s20 =	simm.s32 $0x80;
	[tilespmem:s18+$0x1AD0 ss:$0x21] =	vst.msk $0xffff, v5;
	v5 =	vld.idx.msk [tilespmem:v0+s16+$0xC50 ss:$0x1], $0xffff  }
0x78: {  	s19 =	simm.s32 $0x4;
	s14 =	sor.u32 $0x8000, s14;
	s24 =	sand.u32 $0x380, s20;
	[tilespmem:s18+$0x2310 ss:$0x21] =	vst.msk $0xffff, v8;
	v8 =	vld.idx.msk [tilespmem:v0+s16+$0xC60 ss:$0x1], $0xffff  }
.LBB1_3:
0x79: {  	p1 =	sne.s32 s22, $0x7C;
	[tilespmem:s18+$0x2D60 ss:$0x21] =	vst.msk $0xffff, v7;
	v7 =	vld.idx.msk [tilespmem:v0+s16+$0xC70 ss:$0x1], $0xffff;
	s16 =	sor.u32 s24, s23  }
0x7a: {  	s23 =	sand.u32 $0x3200, s16;
	v9 =	vld.idx.msk [tilespmem:v0+s16+$0x410 ss:$0x1], $0xffff;
	[tilespmem:s18+$0x2F70 ss:$0x21] =	vst.msk $0xffff, v6  }
0x7b: {  	s24 =	sand.u32 $0x180, s20;
	s23 =	sadd.s32 s23, s15;
	v6 =	vld.idx.msk [tilespmem:v0+s16+$0x420 ss:$0x1], $0xffff;
	[tilespmem:s18+$0x3390 ss:$0x21] =	vst.msk $0xffff, v3  }
0x7c: {  	s23 =	sadd.s32 s24, s23;
	v3 =	vld.idx.msk [tilespmem:v0+s16+$0x430 ss:$0x1], $0xffff;
	[tilespmem:s18+$0x35A0 ss:$0x21] =	vst.msk $0xffff, v1  }
0x7d: {  	v1 =	vld [tilespmem:s23+$0xC00];
	[tilespmem:s18+$0x37B0 ss:$0x21] =	vst.msk $0xffff, v2  }
0x7e: {  	v2 =	vld [tilespmem:s23+$0x0];
	[tilespmem:s18+$0x39C0 ss:$0x21] =	vst.msk $0xffff, v4  }
0x7f: {  	v4 =	vld [tilespmem:s23+$0x10];
	[tilespmem:s18+$0x3BD0 ss:$0x21] =	vst.msk $0xffff, v5  }
0x80: {  	s24 =	sshra.s32 s19, $0x2;
	s19 =	smov.u32 s22;
	v5 =	vld [tilespmem:s23+$0x20];
	[tilespmem:s18+$0x3DE0 ss:$0x21] =	vst.msk $0xffff, v8  }
0x81: {  	v8 =	vld [tilespmem:s23+$0x30];
	[tilespmem:s18+$0x3FF0 ss:$0x21] =	vst.msk $0xffff, v7;
	s18 =	sadd.s32 s24, s17  }
0x82: {  	v7 =	vld [tilespmem:s23+$0x40];
	[tilespmem:s18+$0x3180 ss:$0x21] =	vst.msk $0xffff, v1  }
0x83: {  	[tilespmem:s18+$0x0 ss:$0x21] =	vst.msk $0xffff, v2;
	v1 =	vld [tilespmem:s23+$0x50]  }
0x84: {  	[tilespmem:s18+$0x210 ss:$0x21] =	vst.msk $0xffff, v4;
	v2 =	vld [tilespmem:s23+$0x60]  }
0x85: {  	[tilespmem:s18+$0x420 ss:$0x21] =	vst.msk $0xffff, v5;
	v4 =	vld [tilespmem:s23+$0x70]  }
0x86: {  	[tilespmem:s18+$0x630 ss:$0x21] =	vst.msk $0xffff, v8;
	v5 =	vld [tilespmem:s23+$0x400]  }
0x87: {  	[tilespmem:s18+$0x840 ss:$0x21] =	vst.msk $0xffff, v7;
	v7 =	vld [tilespmem:s23+$0x800]  }
0x88: {  	[tilespmem:s18+$0xA50 ss:$0x21] =	vst.msk $0xffff, v1;
	v1 =	vld.idx.msk [tilespmem:v0+s16+$0x440 ss:$0x1], $0xffff  }
0x89: {  	[tilespmem:s18+$0xC60 ss:$0x21] =	vst.msk $0xffff, v2;
	v2 =	vld.idx.msk [tilespmem:v0+s16+$0x450 ss:$0x1], $0xffff  }
0x8a: {  	[tilespmem:s18+$0xE70 ss:$0x21] =	vst.msk $0xffff, v4;
	v4 =	vld.idx.msk [tilespmem:v0+s16+$0x460 ss:$0x1], $0xffff  }
0x8b: {  	[tilespmem:s18+$0x1080 ss:$0x21] =	vst.msk $0xffff, v5;
	v5 =	vld.idx.msk [tilespmem:v0+s16+$0x470 ss:$0x1], $0xffff  }
0x8c: {  	[tilespmem:s18+$0x2100 ss:$0x21] =	vst.msk $0xffff, v7;
	v8 =	vld.idx.msk [tilespmem:v0+s16+$0x810 ss:$0x1], $0xffff  }
0x8d: {  	[tilespmem:s18+$0x1290 ss:$0x21] =	vst.msk $0xffff, v9;
	v9 =	vld.idx.msk [tilespmem:v0+s16+$0x820 ss:$0x1], $0xffff  }
0x8e: {  	[tilespmem:s18+$0x14A0 ss:$0x21] =	vst.msk $0xffff, v6;
	v10 =	vld.idx.msk [tilespmem:v0+s16+$0x830 ss:$0x1], $0xffff  }
0x8f: {  	[tilespmem:s18+$0x16B0 ss:$0x21] =	vst.msk $0xffff, v3;
	v11 =	vld.idx.msk [tilespmem:v0+s16+$0x840 ss:$0x1], $0xffff  }
0x90: {  	[tilespmem:s18+$0x18C0 ss:$0x21] =	vst.msk $0xffff, v1;
	v12 =	vld.idx.msk [tilespmem:v0+s16+$0x850 ss:$0x1], $0xffff  }
0x91: {  	[tilespmem:s18+$0x1AD0 ss:$0x21] =	vst.msk $0xffff, v2;
	v7 =	vld.idx.msk [tilespmem:v0+s16+$0x860 ss:$0x1], $0xffff  }
0x92: {  	[tilespmem:s18+$0x1CE0 ss:$0x21] =	vst.msk $0xffff, v4;
	v6 =	vld.idx.msk [tilespmem:v0+s16+$0x870 ss:$0x1], $0xffff  }
0x93: {  	[tilespmem:s18+$0x1EF0 ss:$0x21] =	vst.msk $0xffff, v5;
	v3 =	vld.idx.msk [tilespmem:v0+s16+$0xC10 ss:$0x1], $0xffff  }
.Ltmp3:
0x94: {  	[tilespmem:s18+$0x2310 ss:$0x21] =	vst.msk $0xffff, v8;
	v1 =	vld.idx.msk [tilespmem:v0+s16+$0xC20 ss:$0x1], $0xffff;
	(pc) =	sbr.rel @p1 .LBB1_3-.Ltmp3, $4  }
0x95: {  	[tilespmem:s18+$0x2520 ss:$0x21] =	vst.msk $0xffff, v9;
	v2 =	vld.idx.msk [tilespmem:v0+s16+$0xC30 ss:$0x1], $0xffff  }
0x96: {  	[tilespmem:s18+$0x2730 ss:$0x21] =	vst.msk $0xffff, v10;
	v4 =	vld.idx.msk [tilespmem:v0+s16+$0xC40 ss:$0x1], $0xffff  }
0x97: {  	s20 =	sadd.s32 $0x80, s20;
	s21 =	sadd.s32 $0x200, s21;
	[tilespmem:s18+$0x2940 ss:$0x21] =	vst.msk $0xffff, v11;
	v5 =	vld.idx.msk [tilespmem:v0+s16+$0xC50 ss:$0x1], $0xffff  }
0x98: {  	s22 =	sadd.s32 $0x4, s22;
	s24 =	sand.u32 $0x380, s20;
	s23 =	sand.u32 $0x3000, s21;
	[tilespmem:s18+$0x2B50 ss:$0x21] =	vst.msk $0xffff, v12;
	v8 =	vld.idx.msk [tilespmem:v0+s16+$0xC60 ss:$0x1], $0xffff  }
.Ltmp4:
0x99: {  	_ = 	snop;
	(pc) =	sbr.rel .LBB1_4-.Ltmp4, $1  }
0x9a: {  	_ =	sdelay $0x3  }
.LBB1_6:
0x9b: {  	_ =	sfence.sel $0x180000  }
0x9c: {  	s2 =	simm.s32 $0x1;
	[bflag:$0x0] =	sbarrier.arrive $0xFFFF  }
0x9d: {  	s31 =	simm.s32 $0x2;
	[sflag:s2] =	ssyncpa.u1 $0x1  }
0x9e: {  	[sflag:s31] =	ssyncpa.u1 $0x1  }
0x9f: {  	p0 =	sne.s32 s0, $0x0;
	_ =	strace $0x9000004D  }
0xa0: {  	s0 =	sadd.s32 @!p0 $0x100000, s1;
	[bflag:$0x2] =	sbarrier.arrive $0xFFFF  }
0xa1: {  	[sflag:s0] =	ssyncadd.tile.s32 @!p0 $0x1;
	_ =	shalt  }
.Lfunc_end1:
_tile_overlayer_lowered:
.L_overlay_start_2:
0xa2: {  	(tag) =	ssettag $0x2  }
0xa3: {  	s0 =	rddreg [dreg:$0x0];
	s2 =	stileid.u32  }
0xa4: {  	s1 =	rddreg [dreg:$0x1];
	p0 =	sne.s32 s2, $0x0  }
0xa5: {  	s3 =	rddreg [dreg:$0x2];
	[bflag:$0x3] =	sbarrier.arrive $0xFFFF;
	s2 =	simm.s32 @!p0 $0x1C01  }
0xa6: {  	[timem:s3], [sflag:s2] =	dma.local @!p0 [hbm:s0], s1  }
0xa7: {  	s0 =	simm.s32 @!p0 $0x1  }
0xa8: {  	_ =	swait.ge @!p0 [sflag:s0], s1  }
0xa9: {  	s1 =	ssub.s32 @!p0 $0x0, s1;
	[sflag:s0] =	ssyncset.done @!p0 $0x0  }
0xaa: {  	[sflag:s0] =	ssyncadd.s32 @!p0 s1  }
0xab: {  	[bflag:$0x3] =	sbarrier.arrive $0xFFFF  }
0xac: {  	_ =	shalt  }

// kernel: sparse-core-data-format-call.cloned.1.call-start
scs
called_computation.2_lowered:
.L_overlay_start_0:
0x0: {  	s1 =	sld [smem:$0x3FD9]  }
0x1: {  	s2 =	sld [smem:$0x3FFE];
	_ =	sdelay $0x1  }
0x2: {  	s3 =	srdreg.scid  }
0x3: {  	s0 =	sand.u32 $0x1, s3  }
0x4: {  	s17 =	sshll.u32 s0, $0xA;
	s1 =	sadd.s32 s2, s1  }
0x5: {  	s1 =	sadd.s32 s1, s17  }
0x6: {  	[smem:$0x3FBD] =	sst s1  }
0x7: {  	_ = 	snop  }
0x8: {  	(tm) =	ssettm $0x1  }
0x9: {  	s18 =	sld [smem:$0x3FFB];
	_ =	sdelay $0x3  }
0xa: {  	_ =	strace s18  }
0xb: {  	s1 =	sld [smem:$0x3FFC];
	_ =	sdelay $0x3  }
0xc: {  	_ =	strace s1  }
0xd: {  	s1 =	sld [smem:$0x3FFD];
	_ =	sdelay $0x3  }
0xe: {  	_ =	strace s1  }
0xf: {  	_ =	strace $0x8FFFFFFF  }
0x10: {  	s19 =	sld [smem:$0x3FDB];
	_ =	sdelay $0x1  }
0x11: {  	s20 =	simm.s32 $_scs_section_size  }
0x12: {  	s4 =	simm.s32 $_size__tile_overlayer_lowered;
	s5 =	simm.s32 $_tile_overlayer_lowered  }
0x13: {  	s23 =	simm.s32 $0x1BFF;
	s22 =	sshll.u32 s5, $0x1;
	s1 =	sadd.s32 s20, s19  }
0x14: {  	s6 =	simm.s32 $0x0;
	s21 =	sshll.u32 s4, $0x1;
	s4 =	sadd.s32 s22, s1  }
0x15: {  	[timem:s6], [sflag:s23] =	dma.local [hbm:s4], s21  }
0x16: {  	_ =	swait.ge [sflag:s23], s21  }
0x17: {  	s2 =	ssub.s32 $0x0, s21;
	[sflag:s23] =	ssyncset.done $0x0  }
0x18: {  	[sflag:s23] =	ssyncadd.s32 s2;
	_ =	sdelay $0x1  }
0x19: {  	s24 =	simm.s32 $0x1B8B  }
0x1a: {  	_ =	swait.ge [sflag:s24], $0x1  }
0x1b: {  	[sflag:s24] =	ssyncset.done $0x0  }
0x1c: {  	s26 =	simm.s32 $0x1B8E;
	s25 =	sld [smem:$0x3FFE];
	[sflag:s24] =	ssyncadd.s32 $0xFFFFFFFF  }
0x1d: {  	s27 =	simm.s32 $execute0_lowered;
	[smem:$0x3FD2] =	sst s26  }
0x1e: {  	s4 =	sshll.u32 s27, $0x1;
	_ =	strace $0x80000049;
	[dreg:$0x1] =	wrdreg $0xFFFFFFFF  }
0x1f: {  	s28 =	simm.s32 $_size_execute0_lowered;
	s1 =	sadd.s32 s1, s4;
	[dreg:$0x0] =	wrdreg $0x0  }
0x20: {  	s4 =	sshll.u32 s28, $0x1;
	[dreg:$0x2] =	wrdreg s1  }
0x21: {  	[dreg:$0x3] =	wrdreg s4  }
0x22: {  	[dreg:$0x4] =	wrdreg $0xC0  }
0x23: {  	_ =	task [dreg:s6], $0x5FFFF  }
0x24: {  	[dreg:$0x1] =	wrdreg $0xFFFFFFFF  }
0x25: {  	[dreg:$0x0] =	wrdreg $0x60  }
0x26: {  	[dreg:$0x2] =	wrdreg s25  }
0x27: {  	[dreg:$0x3] =	wrdreg $0x9  }
0x28: {  	_ =	task.clear_ibuf [dreg:s6], $0x4FFFF;
	_ =	strace $0x90000049  }
0x29: {  	s29 =	simm.s32 $0x9;
	_ =	strace $0x8000004B  }
0x2a: {  	_ =	swait.ge [sflag:s29], $0x1  }
0x2b: {  	[sflag:s29] =	ssyncadd.s32 $0xFFFFFFFF  }
0x2c: {  	_ =	strace $0x9000004B  }
0x2d: {  	_ =	sfence  }
0x2e: {  	s30 =	sld [smem:$0x0];
	_ =	sdelay $0x2  }
0x2f: {  	s31 =	sshll.u32 s3, $0xD;
	s3 =	sshrl.u32 s3, $0x2  }
0x30: {  	s2 =	sand.u32 $0x4000, s31;
	s1 =	sadd.s32 s3, s30  }
0x31: {  	s0 =	sor.u32 s2, s0;
	s1 =	sshll.u32 s1, $0x11  }
0x32: {  	s0 =	sor.u32 s1, s0  }
0x33: {  	s0 =	sadd.s32 $0x8F2B, s0  }
0x34: {  	[sflag:s0] =	ssyncadd.remote.s32 $0x1  }
0x35: {  	_ =	sfence.sel $0xFFFF  }
0x36: {  	[dreg:$0x0] =	wrdreg $0xFFFFFFFF;
	(pc) =	sbr.abs _section_cstart, $3  }
0x37: {  	[dreg:$0x1] =	wrdreg $0xFFFFFFFF  }
0x38: {  	_ =	task.clear_ibuf [dreg:s6], $0x2FFFF;
	_ =	strace $0x9FFFFFFF  }
0x39: {  	(tm) =	ssettm $0x7FFFFFFF  }
tec
execute0_lowered:
.L_overlay_start_1:
0x0: {  	(tag) =	ssettag $0x1  }
0x1: {  	s0 =	srdreg.scid  }
0x2: {  	s6 =	rddreg [dreg:$0x0];
	s7 =	simm.s32 $0x1;
	s1 =	sshll.u32 s0, $0x4  }
0x3: {  	s8 =	simm.s32 $0x2;
	s0 =	stileid.u32;
	s1 =	sand.u32 $0x10, s1  }
0x4: {  	s13 =	simm.s32 $0x0;
	s12 =	simm.s32 $0x0;
	s1 =	sor.u32 s0, s1  }
0x5: {  	s10 =	simm.s32 $0x0;
	s3 =	sadd.s32 $0x369400, s6;
	s2 =	sshll.u32 s1, $0x9  }
0x6: {  	s11 =	simm.s32 $0x0;
	s6 =	sadd.s32 $0x4A1C00, s6;
	s5 =	ssub.s32 $0x4E200, s2  }
.Ltmp0:
0x7: {  	s1 =	rddreg [dreg:$0x1];
	s4 =	sand.u32 $0x3E00, s5;
	(pc) =	sbr.rel .LBB1_1-.Ltmp0, $4  }
0x8: {  	_ =	strace $0x8000004A;
	s9 =	smov.u32 s2;
	p0 =	sne.s32 s4, $0x0  }
0x9: {  	s5 =	sshrl.u32 s5, $0xE;
	s4 =	simm.s32 $0x1;
	s7 =	simm.s32 @!p0 $0x0  }
0xa: {  	[sflag:s4] =	ssyncpa.u1 $0x0;
	p0 =	por $0x0, $0x0;
	s5 =	sadd.s32 s7, s5  }
0xb: {  	[sflag:s8] =	ssyncpa.u1 $0x0;
	s8 =	simm.s32 $0x80;
	s7 =	sadd.s32 $0x1, s5  }
.LBB1_4:
0xc: {  	_ = 	snop  }
0xd: {  	[tilespmem:s18+$0x2D60 ss:$0x21] =	vst.msk $0xffff, v7  }
0xe: {  	[tilespmem:s18+$0x2F70 ss:$0x21] =	vst.msk $0xffff, v6  }
0xf: {  	[tilespmem:s18+$0x3390 ss:$0x21] =	vst.msk $0xffff, v3  }
0x10: {  	s21 =	sor.u32 s24, s23;
	v31 =	vld.idx.msk [tilespmem:v0+s16+$0xC70 ss:$0x1], $0xffff;
	[tilespmem:s18+$0x35A0 ss:$0x21] =	vst.msk $0xffff, v1  }
0x11: {  	[tilespmem:s18+$0x37B0 ss:$0x21] =	vst.msk $0xffff, v2;
	v43 =	vld.idx.msk [tilespmem:v0+s21+$0x410 ss:$0x1], $0xffff  }
0x12: {  	[tilespmem:s18+$0x39C0 ss:$0x21] =	vst.msk $0xffff, v4;
	v44 =	vld.idx.msk [tilespmem:v0+s21+$0x420 ss:$0x1], $0xffff  }
0x13: {  	[tilespmem:s18+$0x3BD0 ss:$0x21] =	vst.msk $0xffff, v5;
	s22 =	sand.u32 $0x3200, s21;
	v45 =	vld.idx.msk [tilespmem:v0+s21+$0x430 ss:$0x1], $0xffff  }
0x14: {  	s20 =	sand.u32 $0x180, s20;
	s25 =	sshra.s32 s19, $0x2;
	[tilespmem:s18+$0x3DE0 ss:$0x21] =	vst.msk $0xffff, v8;
	v46 =	vld.idx.msk [tilespmem:v0+s21+$0x440 ss:$0x1], $0xffff;
	s15 =	sadd.s32 s22, s15  }
0x15: {  	v47 =	vld.idx.msk [tilespmem:v0+s21+$0x450 ss:$0x1], $0xffff;
	s24 =	sadd.s32 s20, s15;
	s15 =	sadd.s32 s25, s17;
	[tilespmem:s18+$0x3FF0 ss:$0x21] =	vst.msk $0xffff, v31  }
0x16: {  	v48 =	vld.idx.msk [tilespmem:v0+s21+$0x460 ss:$0x1], $0xffff;
	[tilespmem:s15+$0x1290 ss:$0x21] =	vst.msk $0xffff, v43  }
0x17: {  	v49 =	vld.idx.msk [tilespmem:v0+s21+$0x470 ss:$0x1], $0xffff;
	[tilespmem:s15+$0x14A0 ss:$0x21] =	vst.msk $0xffff, v44  }
0x18: {  	v50 =	vld.idx.msk [tilespmem:v0+s21+$0x810 ss:$0x1], $0xffff;
	[tilespmem:s15+$0x16B0 ss:$0x21] =	vst.msk $0xffff, v45  }
0x19: {  	v51 =	vld.idx.msk [tilespmem:v0+s21+$0x820 ss:$0x1], $0xffff;
	[tilespmem:s15+$0x18C0 ss:$0x21] =	vst.msk $0xffff, v46  }
0x1a: {  	v52 =	vld.idx.msk [tilespmem:v0+s21+$0x830 ss:$0x1], $0xffff;
	[tilespmem:s15+$0x1AD0 ss:$0x21] =	vst.msk $0xffff, v47  }
0x1b: {  	v53 =	vld.idx.msk [tilespmem:v0+s21+$0x840 ss:$0x1], $0xffff;
	[tilespmem:s15+$0x1CE0 ss:$0x21] =	vst.msk $0xffff, v48  }
0x1c: {  	v54 =	vld.idx.msk [tilespmem:v0+s21+$0x850 ss:$0x1], $0xffff;
	[tilespmem:s15+$0x1EF0 ss:$0x21] =	vst.msk $0xffff, v49  }
0x1d: {  	v55 =	vld.idx.msk [tilespmem:v0+s21+$0x860 ss:$0x1], $0xffff;
	[tilespmem:s15+$0x2310 ss:$0x21] =	vst.msk $0xffff, v50  }
0x1e: {  	v56 =	vld.idx.msk [tilespmem:v0+s21+$0x870 ss:$0x1], $0xffff;
	[tilespmem:s15+$0x2520 ss:$0x21] =	vst.msk $0xffff, v51  }
0x1f: {  	v57 =	vld.idx.msk [tilespmem:v0+s21+$0xC10 ss:$0x1], $0xffff;
	[tilespmem:s15+$0x2730 ss:$0x21] =	vst.msk $0xffff, v52  }
0x20: {  	v58 =	vld.idx.msk [tilespmem:v0+s21+$0xC20 ss:$0x1], $0xffff;
	[tilespmem:s15+$0x2940 ss:$0x21] =	vst.msk $0xffff, v53  }
0x21: {  	v59 =	vld.idx.msk [tilespmem:v0+s21+$0xC30 ss:$0x1], $0xffff;
	[tilespmem:s15+$0x2B50 ss:$0x21] =	vst.msk $0xffff, v54  }
0x22: {  	v60 =	vld.idx.msk [tilespmem:v0+s21+$0xC40 ss:$0x1], $0xffff;
	[tilespmem:s15+$0x2D60 ss:$0x21] =	vst.msk $0xffff, v55  }
0x23: {  	v61 =	vld.idx.msk [tilespmem:v0+s21+$0xC50 ss:$0x1], $0xffff;
	[tilespmem:s15+$0x2F70 ss:$0x21] =	vst.msk $0xffff, v56  }
0x24: {  	v62 =	vld.idx.msk [tilespmem:v0+s21+$0xC60 ss:$0x1], $0xffff;
	[tilespmem:s15+$0x3390 ss:$0x21] =	vst.msk $0xffff, v57  }
0x25: {  	v63 =	vld.idx.msk [tilespmem:v0+s21+$0xC70 ss:$0x1], $0xffff;
	[tilespmem:s15+$0x35A0 ss:$0x21] =	vst.msk $0xffff, v58  }
0x26: {  	v32 =	vld [tilespmem:s24+$0xC00];
	[tilespmem:s15+$0x37B0 ss:$0x21] =	vst.msk $0xffff, v59  }
0x27: {  	v33 =	vld [tilespmem:s24+$0x0];
	[tilespmem:s15+$0x39C0 ss:$0x21] =	vst.msk $0xffff, v60  }
0x28: {  	v34 =	vld [tilespmem:s24+$0x10];
	[tilespmem:s15+$0x3BD0 ss:$0x21] =	vst.msk $0xffff, v61  }
0x29: {  	s13 =	sshll.u32 s13, $0x7;
	s26 =	sshll.u32 s12, $0x3;
	v35 =	vld [tilespmem:s24+$0x20];
	[tilespmem:s15+$0x3DE0 ss:$0x21] =	vst.msk $0xffff, v62  }
0x2a: {  	s27 =	sand.u32 $0xFFFFFC00, s13;
	s16 =	sand.u32 $0xFFFFFC00, s26;
	v36 =	vld [tilespmem:s24+$0x30];
	[tilespmem:s15+$0x3FF0 ss:$0x21] =	vst.msk $0xffff, v63  }
0x2b: {  	s13 =	sand.u32 $0x380, s13;
	s16 =	sadd.s32 s16, s27;
	v37 =	vld [tilespmem:s24+$0x40];
	[tilespmem:s15+$0x3180 ss:$0x21] =	vst.msk $0xffff, v32  }
0x2c: {  	s13 =	sor.u32 s13, s16;
	v38 =	vld [tilespmem:s24+$0x50];
	[tilespmem:s15+$0x0 ss:$0x21] =	vst.msk $0xffff, v33  }
0x2d: {  	v39 =	vld [tilespmem:s24+$0x60];
	s13 =	sshrl.u32 s13, $0x7;
	[tilespmem:s15+$0x210 ss:$0x21] =	vst.msk $0xffff, v34  }
0x2e: {  	v40 =	vld [tilespmem:s24+$0x70];
	s28 =	smulhi.u32 $0x1A36E2F, s13;
	[tilespmem:s15+$0x420 ss:$0x21] =	vst.msk $0xffff, v35  }
0x2f: {  	v41 =	vld [tilespmem:s24+$0x400];
	[tilespmem:s15+$0x630 ss:$0x21] =	vst.msk $0xffff, v36  }
0x30: {  	v42 =	vld [tilespmem:s24+$0x800];
	s16 =	sshrl.u32 s28, $0xB;
	[tilespmem:s15+$0x840 ss:$0x21] =	vst.msk $0xffff, v37  }
0x31: {  	s16 =	smul.u32 $0x4E200, s16;
	[tilespmem:s15+$0xA50 ss:$0x21] =	vst.msk $0xffff, v38  }
0x32: {  	s29 =	sshrl.u32 s12, $0x3;
	[tilespmem:s15+$0xC60 ss:$0x21] =	vst.msk $0xffff, v39  }
0x33: {  	s31 =	sand.u32 $0x7, s12;
	s30 =	sand.u32 $0xF, s29;
	[tilespmem:s15+$0xE70 ss:$0x21] =	vst.msk $0xffff, v40;
	s13 =	ssub.s32 s13, s16  }
0x34: {  	s12 =	sshll.u32 s31, $0x12;
	[tilespmem:s15+$0x1080 ss:$0x21] =	vst.msk $0xffff, v41;
	s16 =	sadd.s32 s6, s30;
	s13 =	sshll.u32 s13, $0x4  }
0x35: {  	s12 =	sor.u32 $0x20, s12;
	[tilespmem:s15+$0x2100 ss:$0x21] =	vst.msk $0xffff, v42;
	s13 =	sadd.s32 s13, s16  }
0x36: {  	[hbm4b:s13+s12] =	stream.strided.scatter [tilespmem:s14], [sflag:$0x2], $0x4000, s8, s12, $0x10;
	[tilespmem:$0x10400] =	vst v63  }
.LBB1_5:
0x37: {  	s14 =	sadd.s32 $0x4000, s9  }
0x38: {  	s12 =	sadd.s32 $0x20, s10;
	s16 =	smov.u32 s10;
	p2 =	sgt.s32 s14, $0x4E1FF  }
0x39: {  	s16 =	smov.u32 @p2 s12  }
0x3a: {  	s14 =	smov.u32 @p2 s2;
	p2 =	sgt.s32 s16, $0x1F  }
0x3b: {  	s16 =	simm.s32 @p2 $0x0;
	p2 =	sne.s32 s11, s7  }
.Ltmp1:
0x3c: {  	p1 =	slt.u32 s11, $0x2;
	(pc) =	sbr.rel @!p2 .LBB1_6-.Ltmp1, $4  }
0x3d: {  	s15 =	simm.s32 @!p1 $0x2  }
0x3e: {  	s13 =	smov.u32 s9;
	p0 =	por !p0, !p0;
	_ =	swait.ge @!p1 [sflag:s15], $0x4000  }
0x3f: {  	s12 =	smov.u32 s10;
	[sflag:s15] =	ssyncset.done @!p1 $0x0;
	s9 =	smov.u32 s14  }
0x40: {  	s11 =	sadd.s32 $0x1, s11;
	[sflag:s15] =	ssyncadd.s32 @!p1 $0xFFFFC000;
	s10 =	smov.u32 s16  }
.LBB1_1:
0x41: {  	p1 =	sge.u32 s11, s5  }
0x42: {  	s14 =	sshrl.u32 @!p1 s10, $0x3  }
0x43: {  	s15 =	sshll.u32 @!p1 s9, $0x3;
	s14 =	smul.u32 @!p1 $0x271000, s14  }
0x44: {  	s16 =	sshll.u32 @!p1 s10, $0x7;
	s15 =	sand.u32 @!p1 $0xFFFFFC00, s15  }
0x45: {  	s14 =	sadd.s32 @!p1 s14, s15;
	s15 =	sand.u32 @!p1 $0x380, s16  }
0x46: {  	s16 =	sand.u32 @!p1 $0x7F, s9;
	s14 =	sor.u32 @!p1 s15, s14  }
0x47: {  	s15 =	sor.u32 @!p1 s16, s14  }
0x48: {  	s16 =	smulhi.u32 @!p1 $0xD1B71759, s15;
	_ =	sdelay $0x1  }
0x49: {  	s14 =	smulhi.u32 @!p1 $0xD1B71759, s14;
	s16 =	sshrl.u32 @!p1 s16, $0x12  }
0x4a: {  	s16 =	smul.u32 @!p1 $0x4E200, s16  }
0x4b: {  	s31 =	sadd.s32 $0xFFFFFFFF, s11;
	s17 =	sxor.u32 @!p1 $0xFFFFFFFF, s11;
	s14 =	sshrl.u32 @!p1 s14, $0x12  }
0x4c: {  	s17 =	sshll.u32 @!p1 s17, $0xE;
	s14 =	sand.u32 @!p1 $0x1F, s14;
	s15 =	ssub.s32 @!p1 s15, s16  }
0x4d: {  	s14 =	smul.u32 @!p1 $0x9C40, s14;
	s16 =	sshrl.u32 @!p1 s15, $0x3;
	s15 =	sand.u32 @!p1 $0x7, s15  }
0x4e: {  	s17 =	sand.u32 @!p1 $0x4000, s17;
	s16 =	sadd.s32 @!p1 s3, s16;
	s15 =	sshll.u32 @!p1 s15, $0x12  }
0x4f: {  	s14 =	sadd.s32 @!p1 s14, s16;
	s15 =	sor.u32 @!p1 $0x1000, s15;
	s16 =	simm.s32 @!p1 $0x271000  }
0x50: {  	[tilespmem:s17], [sflag:$0x1] =	stream.strided.gather @!p1 [hbm4b:s14+s15], $0x4000, s16, s15, $0x38;
	[tilespmem:$0x10400] =	vst v63  }
0x51: {  	p1 =	sge.u32 s31, s5  }
.Ltmp2:
0x52: {  	_ = 	snop;
	(pc) =	sbr.rel @p1 .LBB1_5-.Ltmp2, $1  }
0x53: {  	_ =	sdelay $0x3  }
0x54: {  	s17 =	simm.s32 $0x0  }
0x55: {  	s16 =	sand.u32 $0x3000, s17;
	s18 =	sand.u32 $0x380, s17  }
0x56: {  	s14 =	sand.u32 $0x1, s11;
	s16 =	sor.u32 s18, s16  }
0x57: {  	_ =	swait.ge [sflag:s4], $0x4000;
	s15 =	sshll.u32 s14, $0xE;
	s18 =	sand.u32 $0x3200, s16  }
0x58: {  	[sflag:s4] =	ssyncset.done $0x0;
	s17 =	sand.u32 $0x180, s17;
	s18 =	sadd.s32 s18, s15  }
0x59: {  	[sflag:s4] =	ssyncadd.s32 $0xFFFFC000;
	s20 =	sadd.s32 s17, s18  }
0x5a: {  	v4 =	vld [tilespmem:s20+$0xC00]  }
0x5b: {  	s19 =	simm.s32 $0x1;
	v0 =	vmov s15;
	v5 =	vld [tilespmem:s20+$0x0]  }
0x5c: {  	s19 =	simm.s32 @!p0 $0x0;
	v6 =	vld [tilespmem:s20+$0x10]  }
0x5d: {  	s31 =	smul.u32 $0x10800, s19;
	v7 =	vld [tilespmem:s20+$0x20]  }
0x5e: {  	v8 =	vld [tilespmem:s20+$0x30]  }
0x5f: {  	s17 =	sshrl.u32 s31, $0x2;
	v9 =	vld [tilespmem:s20+$0x40]  }
0x60: {  	s17 =	sor.u32 $0x8000, s17;
	v1 =	vld.idx.msk [tilespmem:v0+s16+$0x410 ss:$0x1], $0xffff  }
0x61: {  	v2 =	vld.idx.msk [tilespmem:v0+s16+$0x420 ss:$0x1], $0xffff;
	s18 =	sadd.s32 $0x0, s17  }
0x62: {  	v3 =	vld.idx.msk [tilespmem:v0+s16+$0x430 ss:$0x1], $0xffff;
	[tilespmem:s18+$0x3180 ss:$0x21] =	vst.msk $0xffff, v4  }
0x63: {  	v10 =	vld.idx.msk [tilespmem:v0+s16+$0x820 ss:$0x1], $0xffff;
	[tilespmem:s18+$0x0 ss:$0x21] =	vst.msk $0xffff, v5  }
0x64: {  	v11 =	vld.idx.msk [tilespmem:v0+s16+$0x830 ss:$0x1], $0xffff;
	[tilespmem:s18+$0x210 ss:$0x21] =	vst.msk $0xffff, v6  }
0x65: {  	v12 =	vld.idx.msk [tilespmem:v0+s16+$0x840 ss:$0x1], $0xffff;
	[tilespmem:s18+$0x420 ss:$0x21] =	vst.msk $0xffff, v7  }
0x66: {  	v13 =	vld.idx.msk [tilespmem:v0+s16+$0x850 ss:$0x1], $0xffff;
	[tilespmem:s18+$0x630 ss:$0x21] =	vst.msk $0xffff, v8  }
0x67: {  	v4 =	vld [tilespmem:s20+$0x50];
	[tilespmem:s18+$0x840 ss:$0x21] =	vst.msk $0xffff, v9  }
0x68: {  	v5 =	vld [tilespmem:s20+$0x60];
	[tilespmem:s18+$0x1290 ss:$0x21] =	vst.msk $0xffff, v1  }
0x69: {  	v6 =	vld [tilespmem:s20+$0x70];
	[tilespmem:s18+$0x14A0 ss:$0x21] =	vst.msk $0xffff, v2  }
0x6a: {  	v7 =	vld [tilespmem:s20+$0x400];
	[tilespmem:s18+$0x16B0 ss:$0x21] =	vst.msk $0xffff, v3  }
0x6b: {  	v8 =	vld [tilespmem:s20+$0x800];
	[tilespmem:s18+$0x2520 ss:$0x21] =	vst.msk $0xffff, v10  }
0x6c: {  	v9 =	vld.idx.msk [tilespmem:v0+s16+$0x470 ss:$0x1], $0xffff;
	[tilespmem:s18+$0x2730 ss:$0x21] =	vst.msk $0xffff, v11  }
0x6d: {  	v3 =	vld.idx.msk [tilespmem:v0+s16+$0xC10 ss:$0x1], $0xffff;
	[tilespmem:s18+$0x2940 ss:$0x21] =	vst.msk $0xffff, v12  }
0x6e: {  	v1 =	vld.idx.msk [tilespmem:v0+s16+$0xC20 ss:$0x1], $0xffff;
	[tilespmem:s18+$0x2B50 ss:$0x21] =	vst.msk $0xffff, v13  }
0x6f: {  	v2 =	vld.idx.msk [tilespmem:v0+s16+$0xC30 ss:$0x1], $0xffff;
	[tilespmem:s18+$0xA50 ss:$0x21] =	vst.msk $0xffff, v4  }
0x70: {  	[tilespmem:s18+$0xE70 ss:$0x21] =	vst.msk $0xffff, v6;
	v6 =	vld.idx.msk [tilespmem:v0+s16+$0x460 ss:$0x1], $0xffff  }
0x71: {  	v4 =	vld.idx.msk [tilespmem:v0+s16+$0x440 ss:$0x1], $0xffff;
	[tilespmem:s18+$0xC60 ss:$0x21] =	vst.msk $0xffff, v5  }
0x72: {  	v5 =	vld.idx.msk [tilespmem:v0+s16+$0x450 ss:$0x1], $0xffff;
	[tilespmem:s18+$0x1080 ss:$0x21] =	vst.msk $0xffff, v7  }
0x73: {  	[tilespmem:s18+$0x2100 ss:$0x21] =	vst.msk $0xffff, v8;
	v8 =	vld.idx.msk [tilespmem:v0+s16+$0x810 ss:$0x1], $0xffff  }
0x74: {  	v7 =	vld.idx.msk [tilespmem:v0+s16+$0x860 ss:$0x1], $0xffff;
	[tilespmem:s18+$0x1EF0 ss:$0x21] =	vst.msk $0xffff, v9  }
0x75: {  	s14 =	smul.u32 $0x10800, s14;
	[tilespmem:s18+$0x1CE0 ss:$0x21] =	vst.msk $0xffff, v6;
	v6 =	vld.idx.msk [tilespmem:v0+s16+$0x870 ss:$0x1], $0xffff  }
0x76: {  	s21 =	simm.s32 $0x200;
	s22 =	simm.s32 $0x8;
	[tilespmem:s18+$0x18C0 ss:$0x21] =	vst.msk $0xffff, v4;
	v4 =	vld.idx.msk [tilespmem:v0+s16+$0xC40 ss:$0x1], $0xffff  }
0x77: {  	s23 =	sand.u32 $0x3000, s21;
	s14 =	sshrl.u32 s14, $0x2;
	s20 =	simm.s32 $0x80;
	[tilespmem:s18+$0x1AD0 ss:$0x21] =	vst.msk $0xffff, v5;
	v5 =	vld.idx.msk [tilespmem:v0+s16+$0xC50 ss:$0x1], $0xffff  }
0x78: {  	s19 =	simm.s32 $0x4;
	s14 =	sor.u32 $0x8000, s14;
	s24 =	sand.u32 $0x380, s20;
	[tilespmem:s18+$0x2310 ss:$0x21] =	vst.msk $0xffff, v8;
	v8 =	vld.idx.msk [tilespmem:v0+s16+$0xC60 ss:$0x1], $0xffff  }
.LBB1_3:
0x79: {  	p1 =	sne.s32 s22, $0x7C;
	[tilespmem:s18+$0x2D60 ss:$0x21] =	vst.msk $0xffff, v7;
	v7 =	vld.idx.msk [tilespmem:v0+s16+$0xC70 ss:$0x1], $0xffff;
	s16 =	sor.u32 s24, s23  }
0x7a: {  	s23 =	sand.u32 $0x3200, s16;
	v9 =	vld.idx.msk [tilespmem:v0+s16+$0x410 ss:$0x1], $0xffff;
	[tilespmem:s18+$0x2F70 ss:$0x21] =	vst.msk $0xffff, v6  }
0x7b: {  	s24 =	sand.u32 $0x180, s20;
	s23 =	sadd.s32 s23, s15;
	v6 =	vld.idx.msk [tilespmem:v0+s16+$0x420 ss:$0x1], $0xffff;
	[tilespmem:s18+$0x3390 ss:$0x21] =	vst.msk $0xffff, v3  }
0x7c: {  	s23 =	sadd.s32 s24, s23;
	v3 =	vld.idx.msk [tilespmem:v0+s16+$0x430 ss:$0x1], $0xffff;
	[tilespmem:s18+$0x35A0 ss:$0x21] =	vst.msk $0xffff, v1  }
0x7d: {  	v1 =	vld [tilespmem:s23+$0xC00];
	[tilespmem:s18+$0x37B0 ss:$0x21] =	vst.msk $0xffff, v2  }
0x7e: {  	v2 =	vld [tilespmem:s23+$0x0];
	[tilespmem:s18+$0x39C0 ss:$0x21] =	vst.msk $0xffff, v4  }
0x7f: {  	v4 =	vld [tilespmem:s23+$0x10];
	[tilespmem:s18+$0x3BD0 ss:$0x21] =	vst.msk $0xffff, v5  }
0x80: {  	s24 =	sshra.s32 s19, $0x2;
	s19 =	smov.u32 s22;
	v5 =	vld [tilespmem:s23+$0x20];
	[tilespmem:s18+$0x3DE0 ss:$0x21] =	vst.msk $0xffff, v8  }
0x81: {  	v8 =	vld [tilespmem:s23+$0x30];
	[tilespmem:s18+$0x3FF0 ss:$0x21] =	vst.msk $0xffff, v7;
	s18 =	sadd.s32 s24, s17  }
0x82: {  	v7 =	vld [tilespmem:s23+$0x40];
	[tilespmem:s18+$0x3180 ss:$0x21] =	vst.msk $0xffff, v1  }
0x83: {  	[tilespmem:s18+$0x0 ss:$0x21] =	vst.msk $0xffff, v2;
	v1 =	vld [tilespmem:s23+$0x50]  }
0x84: {  	[tilespmem:s18+$0x210 ss:$0x21] =	vst.msk $0xffff, v4;
	v2 =	vld [tilespmem:s23+$0x60]  }
0x85: {  	[tilespmem:s18+$0x420 ss:$0x21] =	vst.msk $0xffff, v5;
	v4 =	vld [tilespmem:s23+$0x70]  }
0x86: {  	[tilespmem:s18+$0x630 ss:$0x21] =	vst.msk $0xffff, v8;
	v5 =	vld [tilespmem:s23+$0x400]  }
0x87: {  	[tilespmem:s18+$0x840 ss:$0x21] =	vst.msk $0xffff, v7;
	v7 =	vld [tilespmem:s23+$0x800]  }
0x88: {  	[tilespmem:s18+$0xA50 ss:$0x21] =	vst.msk $0xffff, v1;
	v1 =	vld.idx.msk [tilespmem:v0+s16+$0x440 ss:$0x1], $0xffff  }
0x89: {  	[tilespmem:s18+$0xC60 ss:$0x21] =	vst.msk $0xffff, v2;
	v2 =	vld.idx.msk [tilespmem:v0+s16+$0x450 ss:$0x1], $0xffff  }
0x8a: {  	[tilespmem:s18+$0xE70 ss:$0x21] =	vst.msk $0xffff, v4;
	v4 =	vld.idx.msk [tilespmem:v0+s16+$0x460 ss:$0x1], $0xffff  }
0x8b: {  	[tilespmem:s18+$0x1080 ss:$0x21] =	vst.msk $0xffff, v5;
	v5 =	vld.idx.msk [tilespmem:v0+s16+$0x470 ss:$0x1], $0xffff  }
0x8c: {  	[tilespmem:s18+$0x2100 ss:$0x21] =	vst.msk $0xffff, v7;
	v8 =	vld.idx.msk [tilespmem:v0+s16+$0x810 ss:$0x1], $0xffff  }
0x8d: {  	[tilespmem:s18+$0x1290 ss:$0x21] =	vst.msk $0xffff, v9;
	v9 =	vld.idx.msk [tilespmem:v0+s16+$0x820 ss:$0x1], $0xffff  }
0x8e: {  	[tilespmem:s18+$0x14A0 ss:$0x21] =	vst.msk $0xffff, v6;
	v10 =	vld.idx.msk [tilespmem:v0+s16+$0x830 ss:$0x1], $0xffff  }
0x8f: {  	[tilespmem:s18+$0x16B0 ss:$0x21] =	vst.msk $0xffff, v3;
	v11 =	vld.idx.msk [tilespmem:v0+s16+$0x840 ss:$0x1], $0xffff  }
0x90: {  	[tilespmem:s18+$0x18C0 ss:$0x21] =	vst.msk $0xffff, v1;
	v12 =	vld.idx.msk [tilespmem:v0+s16+$0x850 ss:$0x1], $0xffff  }
0x91: {  	[tilespmem:s18+$0x1AD0 ss:$0x21] =	vst.msk $0xffff, v2;
	v7 =	vld.idx.msk [tilespmem:v0+s16+$0x860 ss:$0x1], $0xffff  }
0x92: {  	[tilespmem:s18+$0x1CE0 ss:$0x21] =	vst.msk $0xffff, v4;
	v6 =	vld.idx.msk [tilespmem:v0+s16+$0x870 ss:$0x1], $0xffff  }
0x93: {  	[tilespmem:s18+$0x1EF0 ss:$0x21] =	vst.msk $0xffff, v5;
	v3 =	vld.idx.msk [tilespmem:v0+s16+$0xC10 ss:$0x1], $0xffff  }
.Ltmp3:
0x94: {  	[tilespmem:s18+$0x2310 ss:$0x21] =	vst.msk $0xffff, v8;
	v1 =	vld.idx.msk [tilespmem:v0+s16+$0xC20 ss:$0x1], $0xffff;
	(pc) =	sbr.rel @p1 .LBB1_3-.Ltmp3, $4  }
0x95: {  	[tilespmem:s18+$0x2520 ss:$0x21] =	vst.msk $0xffff, v9;
	v2 =	vld.idx.msk [tilespmem:v0+s16+$0xC30 ss:$0x1], $0xffff  }
0x96: {  	[tilespmem:s18+$0x2730 ss:$0x21] =	vst.msk $0xffff, v10;
	v4 =	vld.idx.msk [tilespmem:v0+s16+$0xC40 ss:$0x1], $0xffff  }
0x97: {  	s20 =	sadd.s32 $0x80, s20;
	s21 =	sadd.s32 $0x200, s21;
	[tilespmem:s18+$0x2940 ss:$0x21] =	vst.msk $0xffff, v11;
	v5 =	vld.idx.msk [tilespmem:v0+s16+$0xC50 ss:$0x1], $0xffff  }
0x98: {  	s22 =	sadd.s32 $0x4, s22;
	s24 =	sand.u32 $0x380, s20;
	s23 =	sand.u32 $0x3000, s21;
	[tilespmem:s18+$0x2B50 ss:$0x21] =	vst.msk $0xffff, v12;
	v8 =	vld.idx.msk [tilespmem:v0+s16+$0xC60 ss:$0x1], $0xffff  }
.Ltmp4:
0x99: {  	_ = 	snop;
	(pc) =	sbr.rel .LBB1_4-.Ltmp4, $1  }
0x9a: {  	_ =	sdelay $0x3  }
.LBB1_6:
0x9b: {  	_ =	sfence.sel $0x180000  }
0x9c: {  	s2 =	simm.s32 $0x1;
	[bflag:$0x0] =	sbarrier.arrive $0xFFFF  }
0x9d: {  	s31 =	simm.s32 $0x2;
	[sflag:s2] =	ssyncpa.u1 $0x1  }
0x9e: {  	[sflag:s31] =	ssyncpa.u1 $0x1  }
0x9f: {  	p0 =	sne.s32 s0, $0x0;
	_ =	strace $0x9000004A  }
0xa0: {  	s0 =	sadd.s32 @!p0 $0x100000, s1;
	[bflag:$0x2] =	sbarrier.arrive $0xFFFF  }
0xa1: {  	[sflag:s0] =	ssyncadd.tile.s32 @!p0 $0x1;
	_ =	shalt  }
.Lfunc_end1:
_tile_overlayer_lowered:
.L_overlay_start_2:
0xa2: {  	(tag) =	ssettag $0x2  }
0xa3: {  	s0 =	rddreg [dreg:$0x0];
	s2 =	stileid.u32  }
0xa4: {  	s1 =	rddreg [dreg:$0x1];
	p0 =	sne.s32 s2, $0x0  }
0xa5: {  	s3 =	rddreg [dreg:$0x2];
	[bflag:$0x3] =	sbarrier.arrive $0xFFFF;
	s2 =	simm.s32 @!p0 $0x1C01  }
0xa6: {  	[timem:s3], [sflag:s2] =	dma.local @!p0 [hbm:s0], s1  }
0xa7: {  	s0 =	simm.s32 @!p0 $0x1  }
0xa8: {  	_ =	swait.ge @!p0 [sflag:s0], s1  }
0xa9: {  	s1 =	ssub.s32 @!p0 $0x0, s1;
	[sflag:s0] =	ssyncset.done @!p0 $0x0  }
0xaa: {  	[sflag:s0] =	ssyncadd.s32 @!p0 s1  }
0xab: {  	[bflag:$0x3] =	sbarrier.arrive $0xFFFF  }
0xac: {  	_ =	shalt  }

</sc_bundles>
